<compile_context>
chip_gen: v7x
topology: tpu7x:2x2x1
jax: 0.10.2.dev20260603
libtpu: 0.0.44.dev20260713+nightly
codegen_flags: <defaults>
</compile_context>

<pallas_src>
import functools
import numpy as np
import jax
import jax.numpy as jnp
from jax import lax
from jax.experimental import pallas as pl
from jax.experimental.pallas import tpu as pltpu
from jax.experimental.pallas import tpu_sc as plsc

_F = 26
_NUM_TOKENS = 8
_VOCAB = 100000
_EMB = 16
_NT = 2
_DM = 128
_B = 4096

_PERM = np.random.default_rng(0).permutation(_F).tolist()
_GROUPS = [
    _PERM[_F * i // _NUM_TOKENS: _F * (i + 1) // _NUM_TOKENS]
    for i in range(_NUM_TOKENS)
]
_GSIZES = [len(g) for g in _GROUPS]
_GCUM = np.cumsum([0] + _GSIZES).tolist()
_J = _F

_NC = 2
_NS = 16
_NW = _NC * _NS
_RW = _B // _NW
_CB = 32
_NCHUNK = _RW // _CB


def _sc_gather_pool(idx_flat, table2d, interpret=False):
    mesh = plsc.VectorSubcoreMesh(core_axis_name="c", subcore_axis_name="s")

    @functools.partial(
        pl.kernel,
        out_type=jax.ShapeDtypeStruct((_B, 16 * _NUM_TOKENS), jnp.float32),
        mesh=mesh,
        scratch_types=[
            pltpu.VMEM((_CB * _J,), jnp.int32),
            pltpu.VMEM((_CB * _J, _EMB), jnp.float32),
            pltpu.VMEM((_CB, 16 * _NUM_TOKENS), jnp.float32),
            pltpu.SemaphoreType.DMA,
        ],
        compiler_params=pltpu.CompilerParams(use_tc_tiling_on_sc=False),
        interpret=interpret,
    )
    def sc_kernel(idx_hbm, tab_hbm, out_hbm, idx_v, rows_v, pooled_v, sem):
        wid = lax.axis_index("s") * _NC + lax.axis_index("c")
        for c in range(_NCHUNK):
            base_row = wid * _RW + c * _CB
            pltpu.sync_copy(
                idx_hbm.at[pl.ds(base_row * _J, _CB * _J)], idx_v)
            pltpu.async_copy(tab_hbm.at[idx_v], rows_v, sem).wait()

            def pool_body(r, carry):
                w0 = r * _J
                for k in range(_NUM_TOKENS):
                    g = _GROUPS[k]
                    acc = rows_v[w0 + g[0]]
                    for f in g[1:]:
                        acc = acc + rows_v[w0 + f]
                    pooled_v[r, pl.ds(k * 16, 16)] = acc * (1.0 / len(g))
                return carry

            lax.fori_loop(0, _CB, pool_body, 0)
            pltpu.sync_copy(pooled_v, out_hbm.at[pl.ds(base_row, _CB)])

    return sc_kernel(idx_flat, table2d)


_BW = 12544


def _tr_body(in_ref, out_ref):
    x = in_ref[0]
    chunks = [x[:, k * _BW:(k + 1) * _BW] for k in range(7)]
    tail = x[:, 7 * _BW:_VOCAB]
    pad = jnp.zeros((_EMB, 8 * _BW - _VOCAB), jnp.float32)
    chunks.append(jnp.concatenate([tail, pad], axis=1))
    x8 = jnp.concatenate(chunks, axis=0)
    out_ref[0] = jnp.transpose(x8, (1, 0))


def _relayout_table(tv, t):
    return pl.pallas_call(
        _tr_body,
        grid=(_F,),
        in_specs=[pl.BlockSpec((1, _EMB, _VOCAB),
                               lambda s, _t=t: (s + _t * _F, 0, 0))],
        out_specs=pl.BlockSpec((1, _BW, 128), lambda s: (s, 0, 0)),
        out_shape=jax.ShapeDtypeStruct((_F, _BW, 128), jnp.float32),
    )(tv)


_TB = 2048


def _tc_body(p0_ref, p1_ref, mask_ref, emat_ref, w_ref, b_ref, g_ref, bb_ref,
             out_ref):
    mc = jnp.dot(mask_ref[:], emat_ref[:], preferred_element_type=jnp.float32)
    p0 = p0_ref[:]
    p1 = p1_ref[:]
    w = w_ref[:]
    b = b_ref[:]
    gam = g_ref[:]
    bet = bb_ref[:]
    for k in range(_NUM_TOKENS):
        xk = jnp.concatenate(
            [p0[:, k * 16:(k + 1) * 16], p1[:, k * 16:(k + 1) * 16]],
            axis=1) + mc[:, k * 32:(k + 1) * 32]
        yk = jnp.dot(xk, w, preferred_element_type=jnp.float32) + b
        yk = yk * jax.nn.sigmoid(yk)
        mu = jnp.mean(yk, axis=1, keepdims=True)
        d = yk - mu
        var = jnp.mean(d * d, axis=1, keepdims=True)
        out_ref[:, k, :] = d * lax.rsqrt(var + 1e-5) * gam + bet


def _tc_tail(p0, p1, missing_mask, emat, w_t, b2, g2, bb2, interpret=False):
    grid = (_B // _TB,)
    return pl.pallas_call(
        _tc_body,
        grid=grid,
        in_specs=[
            pl.BlockSpec((_TB, 16 * _NUM_TOKENS), lambda i: (i, 0)),
            pl.BlockSpec((_TB, 16 * _NUM_TOKENS), lambda i: (i, 0)),
            pl.BlockSpec((_TB, _F), lambda i: (i, 0)),
            pl.BlockSpec((_F, 16 * _NT * _NUM_TOKENS), lambda i: (0, 0)),
            pl.BlockSpec((2 * _EMB, _DM), lambda i: (0, 0)),
            pl.BlockSpec((1, _DM), lambda i: (0, 0)),
            pl.BlockSpec((1, _DM), lambda i: (0, 0)),
            pl.BlockSpec((1, _DM), lambda i: (0, 0)),
        ],
        out_specs=pl.BlockSpec((_TB, _NUM_TOKENS, _DM), lambda i: (i, 0, 0)),
        out_shape=jax.ShapeDtypeStruct((_B, _NUM_TOKENS, _DM), jnp.float32),
        interpret=interpret,
    )(p0, p1, missing_mask, emat, w_t, b2, g2, bb2)


def _build_emat(missing_emb):
    h = np.zeros((_F, _NUM_TOKENS), dtype=np.float32)
    for k, g in enumerate(_GROUPS):
        for f in g:
            h[f, k] = 1.0 / _GSIZES[k]
    me_f = jnp.transpose(missing_emb, (1, 0, 2))
    emat = h[:, :, None, None] * me_f[:, None, :, :]
    return emat.reshape(_F, _NUM_TOKENS * _NT * _EMB)


def kernel(int_feats, missing_mask, tables, missing_emb, W_proj, b_proj,
           ln_gamma, ln_beta):
    fbase = (np.arange(_F, dtype=np.int32) * (8 * _BW)).astype(np.int32)
    idx0 = (int_feats % _BW) * 8 + int_feats // _BW + fbase[None, :]
    idx_flat = idx0.reshape(_B * _J)
    tv = jnp.transpose(tables, (0, 1, 3, 2)).reshape(
        _NT * _F, _EMB, _VOCAB)
    p = []
    for t in range(_NT):
        tab2d = _relayout_table(tv, t).reshape(_F * _BW * 8, _EMB)
        p.append(_sc_gather_pool(idx_flat, tab2d))
    emat = _build_emat(missing_emb)
    return _tc_tail(p[0], p[1], missing_mask, emat, W_proj.T,
                    b_proj.reshape(1, _DM), ln_gamma.reshape(1, _DM),
                    ln_beta.reshape(1, _DM))

# --- scband reference (transcript-rebuilt; emitter-appended) ---
"""Pipeline reference for scband-random-permutation-sparse-tokenizer-72103910965632 (READ-ONLY COPY).

The authoritative reference and input builder live on the scoring server;
editing this copy changes nothing except your own understanding.
"""

import jax, jax.numpy as jnp
import numpy as np

SEED = 0
F = 26
NUM_TOKENS = 8
VOCAB = 100000
EMB_DIM = 16
NUM_TABLES = 2
D_MODEL = 128
BATCH = 4096

def _make_token_groups():
    perm = np.random.default_rng(SEED).permutation(F).tolist()
    groups = []
    for i in range(NUM_TOKENS):
        s = F * i // NUM_TOKENS
        e = F * (i + 1) // NUM_TOKENS
        groups.append(perm[s:e])
    return groups

TOKEN_GROUPS = _make_token_groups()

def setup_inputs(seed: int = 0) -> dict:
    key = jax.random.key(seed)
    ks = jax.random.split(key, 8)
    int_feats = jax.random.randint(ks[0], (BATCH, F), 0, VOCAB, dtype=jnp.int32)
    missing_mask = jax.random.uniform(ks[1], (BATCH, F), dtype=jnp.float32)
    tables = jax.random.normal(ks[2], (NUM_TABLES, F, VOCAB, EMB_DIM), dtype=jnp.float32) * 0.02
    missing_emb = jax.random.normal(ks[3], (NUM_TABLES, F, EMB_DIM), dtype=jnp.float32) * 0.02
    W_proj = jax.random.normal(ks[4], (D_MODEL, EMB_DIM * NUM_TABLES), dtype=jnp.float32) * (1.0 / np.sqrt(EMB_DIM * NUM_TABLES))
    b_proj = jnp.zeros((D_MODEL,), dtype=jnp.float32)
    ln_gamma = jnp.ones((D_MODEL,), dtype=jnp.float32)
    ln_beta = jnp.zeros((D_MODEL,), dtype=jnp.float32)
    return {"int_feats": int_feats, "missing_mask": missing_mask, "tables": tables, "missing_emb": missing_emb, "W_proj": W_proj, "b_proj": b_proj, "ln_gamma": ln_gamma, "ln_beta": ln_beta}

def reference(int_feats, missing_mask, tables, missing_emb, W_proj, b_proj, ln_gamma, ln_beta):
    feat_idx = jnp.arange(F)[None, :]
    table_feats = []
    for t in range(NUM_TABLES):
        # per-feature embedding gather: [B, F, EMB_DIM]
        feats = tables[t][feat_idx, int_feats]
        feats = feats + missing_mask[..., None] * missing_emb[t][None, :, :]
        table_feats.append(feats)
    pieces = []
    for group in TOKEN_GROUPS:
        g = jnp.array(group, dtype=jnp.int32)
        views = [jnp.take(f, g, axis=1).mean(axis=1) for f in table_feats]
        x = jnp.concatenate(views, axis=-1)
        y = x @ W_proj.T + b_proj
        y = jax.nn.silu(y)
        mu = jnp.mean(y, axis=-1, keepdims=True)
        var = jnp.var(y, axis=-1, keepdims=True)
        y = (y - mu) / jnp.sqrt(var + 1e-5) * ln_gamma + ln_beta
        pieces.append(y)
    return jnp.stack(pieces, axis=1)

if __name__ == "__main__":
    import jax
    _d = setup_inputs()
    print(jax.jit(kernel)(*tuple(_d.values())))

</pallas_src>

<mosaic_0001>
#map = affine_map<(d0, d1) -> (0)>
#map1 = affine_map<(d0, d1) -> (0, 0)>
module attributes {stable_mosaic.version = 14 : i64} {
  func.func @sc_kernel(%arg0: i32, %arg1: i32, %arg2: memref<106496xi32, #tpu.memory_space<hbm>>, %arg3: memref<2609152x16xf32, #tpu.memory_space<hbm>>, %arg4: memref<4096x128xf32, #tpu.memory_space<hbm>>, %arg5: memref<832xi32, #tpu.memory_space<vmem>>, %arg6: memref<832x16xf32, #tpu.memory_space<vmem>>, %arg7: memref<32x128xf32, #tpu.memory_space<vmem>>, %arg8: memref<!tpu.dma_semaphore, #tpu.memory_space<semaphore_mem>>) attributes {dimension_semantics = [#tpu.dimension_semantics<core_parallel>, #tpu.dimension_semantics<subcore_parallel>], iteration_bounds = array<i64: 2, 16>, scalar_prefetch = 0 : i64, scratch_operands = 4 : i64, tpu.core_type = #tpu.core_type<sc_vector_subcore>, window_params = [{transform_indices = #map}, {transform_indices = #map1}, {transform_indices = #map1}]} {
    %mul3A = arith.constant 2 : i32
    %mul3A_0 = arith.muli %arg1, %mul3A : i32
    %add3A = arith.addi %mul3A_0, %arg0 : i32
    %mul3A_1 = arith.constant 128 : i32
    %mul3A_2 = arith.muli %add3A, %mul3A_1 : i32
    %add3A_3 = arith.constant 0 : i32
    %add3A_4 = arith.addi %mul3A_2, %add3A_3 : i32
    %mul3A_5 = arith.constant 26 : i32
    %mul3A_6 = arith.muli %add3A_4, %mul3A_5 : i32
    "tpu.region"() ({
      %run_scoped3A = tpu.sem_alloc : memref<!tpu.dma_semaphore, #tpu.memory_space<semaphore_mem>>
      %dma_start3A_70 = tpu.memref_slice %arg2[%mul3A_6] : memref<106496xi32, #tpu.memory_space<hbm>> -> memref<832xi32, #tpu.memory_space<hbm>>
      %dma_start3A_71 = tpu.memref_slice %arg2[%mul3A_6] : memref<106496xi32, #tpu.memory_space<hbm>> -> memref<832xi32, #tpu.memory_space<hbm>>
      tpu.enqueue_dma source(%dma_start3A_71 : memref<832xi32, #tpu.memory_space<hbm>>) target(%arg5 : memref<832xi32, #tpu.memory_space<vmem>>) target_semaphore(%run_scoped3A : memref<!tpu.dma_semaphore, #tpu.memory_space<semaphore_mem>>)
      %dma_wait3A_72 = tpu.memref_slice %arg2[%mul3A_6] : memref<106496xi32, #tpu.memory_space<hbm>> -> memref<832xi32, #tpu.memory_space<hbm>>
      %dma_wait3A_73 = tpu.memref_slice %arg2[%mul3A_6] : memref<106496xi32, #tpu.memory_space<hbm>> -> memref<832xi32, #tpu.memory_space<hbm>>
      tpu.wait_dma2 semaphore(%run_scoped3A : memref<!tpu.dma_semaphore, #tpu.memory_space<semaphore_mem>>) src(%dma_wait3A_73 : memref<832xi32, #tpu.memory_space<hbm>>) dst(%arg5 : memref<832xi32, #tpu.memory_space<vmem>>)
      tpu.yield
    }) : () -> ()
    %dma_start3A = arith.constant 0 : i32
    %dma_start3A_7 = arith.constant 0 : i32
    %dma_start3A_8 = tpu.memref_slice %arg3[%dma_start3A, %dma_start3A_7] : memref<2609152x16xf32, #tpu.memory_space<hbm>> -> memref<2609152x16xf32, #tpu.memory_space<hbm>>
    tpu.enqueue_indirect_dma source(%dma_start3A_8 : memref<2609152x16xf32, #tpu.memory_space<hbm>>) target(%arg6 : memref<832x16xf32, #tpu.memory_space<vmem>>) offsets(%arg5 : memref<832xi32, #tpu.memory_space<vmem>>) semaphore(%arg8 : memref<!tpu.dma_semaphore, #tpu.memory_space<semaphore_mem>>)
    %dma_wait3A = arith.constant 0 : i32
    %dma_wait3A_9 = arith.constant 0 : i32
    %dma_wait3A_10 = tpu.memref_slice %arg3[%dma_wait3A, %dma_wait3A_9] : memref<2609152x16xf32, #tpu.memory_space<hbm>> -> memref<2609152x16xf32, #tpu.memory_space<hbm>>
    tpu.wait_indirect_dma semaphore(%arg8 : memref<!tpu.dma_semaphore, #tpu.memory_space<semaphore_mem>>) src(%dma_wait3A_10 : memref<2609152x16xf32, #tpu.memory_space<hbm>>) dst(%arg6 : memref<832x16xf32, #tpu.memory_space<vmem>>)
    %scan3A = arith.constant 0 : i32
    %scan3A_11 = arith.constant 0 : i32
    %scan3A_12 = arith.constant 32 : i32
    %scan3A_13 = arith.addi %scan3A_11, %scan3A_12 : i32
    %scan3A_14 = arith.constant 1 : i32
    scf.for %scan3A_70 = %scan3A_11 to %scan3A_13 step %scan3A_14  : i32 {
      %mul3A_71 = arith.constant 26 : i32
      %mul3A_72 = arith.muli %scan3A_70, %mul3A_71 : i32
      %add3A_73 = arith.constant 19 : i32
      %add3A_74 = arith.addi %mul3A_72, %add3A_73 : i32
      %get3A = arith.index_cast %add3A_74 : i32 to index
      %get3A_75 = arith.constant 0 : index
      %get3A_76 = tpu.vector_load %arg6[%get3A, %get3A_75] {strides = array<i32>} : memref<832x16xf32, #tpu.memory_space<vmem>>, vector<1x16xf32>,
      %get3A_77 = vector.shape_cast %get3A_76 : vector<1x16xf32> to vector<16xf32>
      %add3A_78 = arith.constant 4 : i32
      %add3A_79 = arith.addi %mul3A_72, %add3A_78 : i32
      %get3A_80 = arith.index_cast %add3A_79 : i32 to index
      %get3A_81 = arith.constant 0 : index
      %get3A_82 = tpu.vector_load %arg6[%get3A_80, %get3A_81] {strides = array<i32>} : memref<832x16xf32, #tpu.memory_space<vmem>>, vector<1x16xf32>,
      %get3A_83 = vector.shape_cast %get3A_82 : vector<1x16xf32> to vector<16xf32>
      %add3A_84 = arith.addf %get3A_77, %get3A_83 : vector<16xf32>
      %add3A_85 = arith.constant 10 : i32
      %add3A_86 = arith.addi %mul3A_72, %add3A_85 : i32
      %get3A_87 = arith.index_cast %add3A_86 : i32 to index
      %get3A_88 = arith.constant 0 : index
      %get3A_89 = tpu.vector_load %arg6[%get3A_87, %get3A_88] {strides = array<i32>} : memref<832x16xf32, #tpu.memory_space<vmem>>, vector<1x16xf32>,
      %get3A_90 = vector.shape_cast %get3A_89 : vector<1x16xf32> to vector<16xf32>
      %add3A_91 = arith.addf %add3A_84, %get3A_90 : vector<16xf32>
      %mul3A_92 = arith.constant 0.333333343 : f32
      %mul3A_93 = vector.broadcast %mul3A_92 : f32 to vector<16xf32>
      %mul3A_94 = arith.mulf %add3A_91, %mul3A_93 : vector<16xf32>
      %swap3A = arith.index_cast %scan3A_70 : i32 to index
      %swap3A_95 = arith.constant 0 : index
      %swap3A_96 = tpu.vector_load %arg7[%swap3A, %swap3A_95] {strides = array<i32>} : memref<32x128xf32, #tpu.memory_space<vmem>>, vector<1x16xf32>,
      %swap3A_97 = vector.shape_cast %swap3A_96 : vector<1x16xf32> to vector<16xf32>
      %swap3A_98 = vector.shape_cast %mul3A_94 : vector<16xf32> to vector<1x16xf32>
      tpu.vector_store %arg7[%swap3A, %swap3A_95], %swap3A_98 {strides = array<i32>} : memref<32x128xf32, #tpu.memory_space<vmem>>, vector<1x16xf32>,
      %add3A_99 = arith.constant 11 : i32
      %add3A_100 = arith.addi %mul3A_72, %add3A_99 : i32
      %get3A_101 = arith.index_cast %add3A_100 : i32 to index
      %get3A_102 = arith.constant 0 : index
      %get3A_103 = tpu.vector_load %arg6[%get3A_101, %get3A_102] {strides = array<i32>} : memref<832x16xf32, #tpu.memory_space<vmem>>, vector<1x16xf32>,
      %get3A_104 = vector.shape_cast %get3A_103 : vector<1x16xf32> to vector<16xf32>
      %add3A_105 = arith.constant 25 : i32
      %add3A_106 = arith.addi %mul3A_72, %add3A_105 : i32
      %get3A_107 = arith.index_cast %add3A_106 : i32 to index
      %get3A_108 = arith.constant 0 : index
      %get3A_109 = tpu.vector_load %arg6[%get3A_107, %get3A_108] {strides = array<i32>} : memref<832x16xf32, #tpu.memory_space<vmem>>, vector<1x16xf32>,
      %get3A_110 = vector.shape_cast %get3A_109 : vector<1x16xf32> to vector<16xf32>
      %add3A_111 = arith.addf %get3A_104, %get3A_110 : vector<16xf32>
      %add3A_112 = arith.constant 2 : i32
      %add3A_113 = arith.addi %mul3A_72, %add3A_112 : i32
      %get3A_114 = arith.index_cast %add3A_113 : i32 to index
      %get3A_115 = arith.constant 0 : index
      %get3A_116 = tpu.vector_load %arg6[%get3A_114, %get3A_115] {strides = array<i32>} : memref<832x16xf32, #tpu.memory_space<vmem>>, vector<1x16xf32>,
      %get3A_117 = vector.shape_cast %get3A_116 : vector<1x16xf32> to vector<16xf32>
      %add3A_118 = arith.addf %add3A_111, %get3A_117 : vector<16xf32>
      %mul3A_119 = arith.constant 0.333333343 : f32
      %mul3A_120 = vector.broadcast %mul3A_119 : f32 to vector<16xf32>
      %mul3A_121 = arith.mulf %add3A_118, %mul3A_120 : vector<16xf32>
      %swap3A_122 = arith.index_cast %scan3A_70 : i32 to index
      %swap3A_123 = arith.constant 16 : index
      %swap3A_124 = tpu.vector_load %arg7[%swap3A_122, %swap3A_123] {strides = array<i32>} : memref<32x128xf32, #tpu.memory_space<vmem>>, vector<1x16xf32>,
      %swap3A_125 = vector.shape_cast %swap3A_124 : vector<1x16xf32> to vector<16xf32>
      %swap3A_126 = vector.shape_cast %mul3A_121 : vector<16xf32> to vector<1x16xf32>
      tpu.vector_store %arg7[%swap3A_122, %swap3A_123], %swap3A_126 {strides = array<i32>} : memref<32x128xf32, #tpu.memory_space<vmem>>, vector<1x16xf32>,
      %add3A_127 = arith.constant 24 : i32
      %add3A_128 = arith.addi %mul3A_72, %add3A_127 : i32
      %get3A_129 = arith.index_cast %add3A_128 : i32 to index
      %get3A_130 = arith.constant 0 : index
      %get3A_131 = tpu.vector_load %arg6[%get3A_129, %get3A_130] {strides = array<i32>} : memref<832x16xf32, #tpu.memory_space<vmem>>, vector<1x16xf32>,
      %get3A_132 = vector.shape_cast %get3A_131 : vector<1x16xf32> to vector<16xf32>
      %add3A_133 = arith.constant 6 : i32
      %add3A_134 = arith.addi %mul3A_72, %add3A_133 : i32
      %get3A_135 = arith.index_cast %add3A_134 : i32 to index
      %get3A_136 = arith.constant 0 : index
      %get3A_137 = tpu.vector_load %arg6[%get3A_135, %get3A_136] {strides = array<i32>} : memref<832x16xf32, #tpu.memory_space<vmem>>, vector<1x16xf32>,
      %get3A_138 = vector.shape_cast %get3A_137 : vector<1x16xf32> to vector<16xf32>
      %add3A_139 = arith.addf %get3A_132, %get3A_138 : vector<16xf32>
      %add3A_140 = arith.constant 16 : i32
      %add3A_141 = arith.addi %mul3A_72, %add3A_140 : i32
      %get3A_142 = arith.index_cast %add3A_141 : i32 to index
      %get3A_143 = arith.constant 0 : index
      %get3A_144 = tpu.vector_load %arg6[%get3A_142, %get3A_143] {strides = array<i32>} : memref<832x16xf32, #tpu.memory_space<vmem>>, vector<1x16xf32>,
      %get3A_145 = vector.shape_cast %get3A_144 : vector<1x16xf32> to vector<16xf32>
      %add3A_146 = arith.addf %add3A_139, %get3A_145 : vector<16xf32>
      %mul3A_147 = arith.constant 0.333333343 : f32
      %mul3A_148 = vector.broadcast %mul3A_147 : f32 to vector<16xf32>
      %mul3A_149 = arith.mulf %add3A_146, %mul3A_148 : vector<16xf32>
      %swap3A_150 = arith.index_cast %scan3A_70 : i32 to index
      %swap3A_151 = arith.constant 32 : index
      %swap3A_152 = tpu.vector_load %arg7[%swap3A_150, %swap3A_151] {strides = array<i32>} : memref<32x128xf32, #tpu.memory_space<vmem>>, vector<1x16xf32>,
      %swap3A_153 = vector.shape_cast %swap3A_152 : vector<1x16xf32> to vector<16xf32>
      %swap3A_154 = vector.shape_cast %mul3A_149 : vector<16xf32> to vector<1x16xf32>
      tpu.vector_store %arg7[%swap3A_150, %swap3A_151], %swap3A_154 {strides = array<i32>} : memref<32x128xf32, #tpu.memory_space<vmem>>, vector<1x16xf32>,
      %add3A_155 = arith.constant 23 : i32
      %add3A_156 = arith.addi %mul3A_72, %add3A_155 : i32
      %get3A_157 = arith.index_cast %add3A_156 : i32 to index
      %get3A_158 = arith.constant 0 : index
      %get3A_159 = tpu.vector_load %arg6[%get3A_157, %get3A_158] {strides = array<i32>} : memref<832x16xf32, #tpu.memory_space<vmem>>, vector<1x16xf32>,
      %get3A_160 = vector.shape_cast %get3A_159 : vector<1x16xf32> to vector<16xf32>
      %add3A_161 = arith.constant 3 : i32
      %add3A_162 = arith.addi %mul3A_72, %add3A_161 : i32
      %get3A_163 = arith.index_cast %add3A_162 : i32 to index
      %get3A_164 = arith.constant 0 : index
      %get3A_165 = tpu.vector_load %arg6[%get3A_163, %get3A_164] {strides = array<i32>} : memref<832x16xf32, #tpu.memory_space<vmem>>, vector<1x16xf32>,
      %get3A_166 = vector.shape_cast %get3A_165 : vector<1x16xf32> to vector<16xf32>
      %add3A_167 = arith.addf %get3A_160, %get3A_166 : vector<16xf32>
      %add3A_168 = arith.constant 21 : i32
      %add3A_169 = arith.addi %mul3A_72, %add3A_168 : i32
      %get3A_170 = arith.index_cast %add3A_169 : i32 to index
      %get3A_171 = arith.constant 0 : index
      %get3A_172 = tpu.vector_load %arg6[%get3A_170, %get3A_171] {strides = array<i32>} : memref<832x16xf32, #tpu.memory_space<vmem>>, vector<1x16xf32>,
      %get3A_173 = vector.shape_cast %get3A_172 : vector<1x16xf32> to vector<16xf32>
      %add3A_174 = arith.addf %add3A_167, %get3A_173 : vector<16xf32>
      %add3A_175 = arith.constant 8 : i32
      %add3A_176 = arith.addi %mul3A_72, %add3A_175 : i32
      %get3A_177 = arith.index_cast %add3A_176 : i32 to index
      %get3A_178 = arith.constant 0 : index
      %get3A_179 = tpu.vector_load %arg6[%get3A_177, %get3A_178] {strides = array<i32>} : memref<832x16xf32, #tpu.memory_space<vmem>>, vector<1x16xf32>,
      %get3A_180 = vector.shape_cast %get3A_179 : vector<1x16xf32> to vector<16xf32>
      %add3A_181 = arith.addf %add3A_174, %get3A_180 : vector<16xf32>
      %mul3A_182 = arith.constant 2.500000e-01 : f32
      %mul3A_183 = vector.broadcast %mul3A_182 : f32 to vector<16xf32>
      %mul3A_184 = arith.mulf %add3A_181, %mul3A_183 : vector<16xf32>
      %swap3A_185 = arith.index_cast %scan3A_70 : i32 to index
      %swap3A_186 = arith.constant 48 : index
      %swap3A_187 = tpu.vector_load %arg7[%swap3A_185, %swap3A_186] {strides = array<i32>} : memref<32x128xf32, #tpu.memory_space<vmem>>, vector<1x16xf32>,
      %swap3A_188 = vector.shape_cast %swap3A_187 : vector<1x16xf32> to vector<16xf32>
      %swap3A_189 = vector.shape_cast %mul3A_184 : vector<16xf32> to vector<1x16xf32>
      tpu.vector_store %arg7[%swap3A_185, %swap3A_186], %swap3A_189 {strides = array<i32>} : memref<32x128xf32, #tpu.memory_space<vmem>>, vector<1x16xf32>,
      %add3A_190 = arith.constant 0 : i32
      %add3A_191 = arith.addi %mul3A_72, %add3A_190 : i32
      %get3A_192 = arith.index_cast %add3A_191 : i32 to index
      %get3A_193 = arith.constant 0 : index
      %get3A_194 = tpu.vector_load %arg6[%get3A_192, %get3A_193] {strides = array<i32>} : memref<832x16xf32, #tpu.memory_space<vmem>>, vector<1x16xf32>,
      %get3A_195 = vector.shape_cast %get3A_194 : vector<1x16xf32> to vector<16xf32>
      %add3A_196 = arith.constant 20 : i32
      %add3A_197 = arith.addi %mul3A_72, %add3A_196 : i32
      %get3A_198 = arith.index_cast %add3A_197 : i32 to index
      %get3A_199 = arith.constant 0 : index
      %get3A_200 = tpu.vector_load %arg6[%get3A_198, %get3A_199] {strides = array<i32>} : memref<832x16xf32, #tpu.memory_space<vmem>>, vector<1x16xf32>,
      %get3A_201 = vector.shape_cast %get3A_200 : vector<1x16xf32> to vector<16xf32>
      %add3A_202 = arith.addf %get3A_195, %get3A_201 : vector<16xf32>
      %add3A_203 = arith.constant 12 : i32
      %add3A_204 = arith.addi %mul3A_72, %add3A_203 : i32
      %get3A_205 = arith.index_cast %add3A_204 : i32 to index
      %get3A_206 = arith.constant 0 : index
      %get3A_207 = tpu.vector_load %arg6[%get3A_205, %get3A_206] {strides = array<i32>} : memref<832x16xf32, #tpu.memory_space<vmem>>, vector<1x16xf32>,
      %get3A_208 = vector.shape_cast %get3A_207 : vector<1x16xf32> to vector<16xf32>
      %add3A_209 = arith.addf %add3A_202, %get3A_208 : vector<16xf32>
      %mul3A_210 = arith.constant 0.333333343 : f32
      %mul3A_211 = vector.broadcast %mul3A_210 : f32 to vector<16xf32>
      %mul3A_212 = arith.mulf %add3A_209, %mul3A_211 : vector<16xf32>
      %swap3A_213 = arith.index_cast %scan3A_70 : i32 to index
      %swap3A_214 = arith.constant 64 : index
      %swap3A_215 = tpu.vector_load %arg7[%swap3A_213, %swap3A_214] {strides = array<i32>} : memref<32x128xf32, #tpu.memory_space<vmem>>, vector<1x16xf32>,
      %swap3A_216 = vector.shape_cast %swap3A_215 : vector<1x16xf32> to vector<16xf32>
      %swap3A_217 = vector.shape_cast %mul3A_212 : vector<16xf32> to vector<1x16xf32>
      tpu.vector_store %arg7[%swap3A_213, %swap3A_214], %swap3A_217 {strides = array<i32>} : memref<32x128xf32, #tpu.memory_space<vmem>>, vector<1x16xf32>,
      %add3A_218 = arith.constant 18 : i32
      %add3A_219 = arith.addi %mul3A_72, %add3A_218 : i32
      %get3A_220 = arith.index_cast %add3A_219 : i32 to index
      %get3A_221 = arith.constant 0 : index
      %get3A_222 = tpu.vector_load %arg6[%get3A_220, %get3A_221] {strides = array<i32>} : memref<832x16xf32, #tpu.memory_space<vmem>>, vector<1x16xf32>,
      %get3A_223 = vector.shape_cast %get3A_222 : vector<1x16xf32> to vector<16xf32>
      %add3A_224 = arith.constant 13 : i32
      %add3A_225 = arith.addi %mul3A_72, %add3A_224 : i32
      %get3A_226 = arith.index_cast %add3A_225 : i32 to index
      %get3A_227 = arith.constant 0 : index
      %get3A_228 = tpu.vector_load %arg6[%get3A_226, %get3A_227] {strides = array<i32>} : memref<832x16xf32, #tpu.memory_space<vmem>>, vector<1x16xf32>,
      %get3A_229 = vector.shape_cast %get3A_228 : vector<1x16xf32> to vector<16xf32>
      %add3A_230 = arith.addf %get3A_223, %get3A_229 : vector<16xf32>
      %add3A_231 = arith.constant 7 : i32
      %add3A_232 = arith.addi %mul3A_72, %add3A_231 : i32
      %get3A_233 = arith.index_cast %add3A_232 : i32 to index
      %get3A_234 = arith.constant 0 : index
      %get3A_235 = tpu.vector_load %arg6[%get3A_233, %get3A_234] {strides = array<i32>} : memref<832x16xf32, #tpu.memory_space<vmem>>, vector<1x16xf32>,
      %get3A_236 = vector.shape_cast %get3A_235 : vector<1x16xf32> to vector<16xf32>
      %add3A_237 = arith.addf %add3A_230, %get3A_236 : vector<16xf32>
      %mul3A_238 = arith.constant 0.333333343 : f32
      %mul3A_239 = vector.broadcast %mul3A_238 : f32 to vector<16xf32>
      %mul3A_240 = arith.mulf %add3A_237, %mul3A_239 : vector<16xf32>
      %swap3A_241 = arith.index_cast %scan3A_70 : i32 to index
      %swap3A_242 = arith.constant 80 : index
      %swap3A_243 = tpu.vector_load %arg7[%swap3A_241, %swap3A_242] {strides = array<i32>} : memref<32x128xf32, #tpu.memory_space<vmem>>, vector<1x16xf32>,
      %swap3A_244 = vector.shape_cast %swap3A_243 : vector<1x16xf32> to vector<16xf32>
      %swap3A_245 = vector.shape_cast %mul3A_240 : vector<16xf32> to vector<1x16xf32>
      tpu.vector_store %arg7[%swap3A_241, %swap3A_242], %swap3A_245 {strides = array<i32>} : memref<32x128xf32, #tpu.memory_space<vmem>>, vector<1x16xf32>,
      %add3A_246 = arith.constant 5 : i32
      %add3A_247 = arith.addi %mul3A_72, %add3A_246 : i32
      %get3A_248 = arith.index_cast %add3A_247 : i32 to index
      %get3A_249 = arith.constant 0 : index
      %get3A_250 = tpu.vector_load %arg6[%get3A_248, %get3A_249] {strides = array<i32>} : memref<832x16xf32, #tpu.memory_space<vmem>>, vector<1x16xf32>,
      %get3A_251 = vector.shape_cast %get3A_250 : vector<1x16xf32> to vector<16xf32>
      %add3A_252 = arith.constant 17 : i32
      %add3A_253 = arith.addi %mul3A_72, %add3A_252 : i32
      %get3A_254 = arith.index_cast %add3A_253 : i32 to index
      %get3A_255 = arith.constant 0 : index
      %get3A_256 = tpu.vector_load %arg6[%get3A_254, %get3A_255] {strides = array<i32>} : memref<832x16xf32, #tpu.memory_space<vmem>>, vector<1x16xf32>,
      %get3A_257 = vector.shape_cast %get3A_256 : vector<1x16xf32> to vector<16xf32>
      %add3A_258 = arith.addf %get3A_251, %get3A_257 : vector<16xf32>
      %add3A_259 = arith.constant 14 : i32
      %add3A_260 = arith.addi %mul3A_72, %add3A_259 : i32
      %get3A_261 = arith.index_cast %add3A_260 : i32 to index
      %get3A_262 = arith.constant 0 : index
      %get3A_263 = tpu.vector_load %arg6[%get3A_261, %get3A_262] {strides = array<i32>} : memref<832x16xf32, #tpu.memory_space<vmem>>, vector<1x16xf32>,
      %get3A_264 = vector.shape_cast %get3A_263 : vector<1x16xf32> to vector<16xf32>
      %add3A_265 = arith.addf %add3A_258, %get3A_264 : vector<16xf32>
      %mul3A_266 = arith.constant 0.333333343 : f32
      %mul3A_267 = vector.broadcast %mul3A_266 : f32 to vector<16xf32>
      %mul3A_268 = arith.mulf %add3A_265, %mul3A_267 : vector<16xf32>
      %swap3A_269 = arith.index_cast %scan3A_70 : i32 to index
      %swap3A_270 = arith.constant 96 : index
      %swap3A_271 = tpu.vector_load %arg7[%swap3A_269, %swap3A_270] {strides = array<i32>} : memref<32x128xf32, #tpu.memory_space<vmem>>, vector<1x16xf32>,
      %swap3A_272 = vector.shape_cast %swap3A_271 : vector<1x16xf32> to vector<16xf32>
      %swap3A_273 = vector.shape_cast %mul3A_268 : vector<16xf32> to vector<1x16xf32>
      tpu.vector_store %arg7[%swap3A_269, %swap3A_270], %swap3A_273 {strides = array<i32>} : memref<32x128xf32, #tpu.memory_space<vmem>>, vector<1x16xf32>,
      %add3A_274 = arith.constant 22 : i32
      %add3A_275 = arith.addi %mul3A_72, %add3A_274 : i32
      %get3A_276 = arith.index_cast %add3A_275 : i32 to index
      %get3A_277 = arith.constant 0 : index
      %get3A_278 = tpu.vector_load %arg6[%get3A_276, %get3A_277] {strides = array<i32>} : memref<832x16xf32, #tpu.memory_space<vmem>>, vector<1x16xf32>,
      %get3A_279 = vector.shape_cast %get3A_278 : vector<1x16xf32> to vector<16xf32>
      %add3A_280 = arith.constant 9 : i32
      %add3A_281 = arith.addi %mul3A_72, %add3A_280 : i32
      %get3A_282 = arith.index_cast %add3A_281 : i32 to index
      %get3A_283 = arith.constant 0 : index
      %get3A_284 = tpu.vector_load %arg6[%get3A_282, %get3A_283] {strides = array<i32>} : memref<832x16xf32, #tpu.memory_space<vmem>>, vector<1x16xf32>,
      %get3A_285 = vector.shape_cast %get3A_284 : vector<1x16xf32> to vector<16xf32>
      %add3A_286 = arith.addf %get3A_279, %get3A_285 : vector<16xf32>
      %add3A_287 = arith.constant 1 : i32
      %add3A_288 = arith.addi %mul3A_72, %add3A_287 : i32
      %get3A_289 = arith.index_cast %add3A_288 : i32 to index
      %get3A_290 = arith.constant 0 : index
      %get3A_291 = tpu.vector_load %arg6[%get3A_289, %get3A_290] {strides = array<i32>} : memref<832x16xf32, #tpu.memory_space<vmem>>, vector<1x16xf32>,
      %get3A_292 = vector.shape_cast %get3A_291 : vector<1x16xf32> to vector<16xf32>
      %add3A_293 = arith.addf %add3A_286, %get3A_292 : vector<16xf32>
      %add3A_294 = arith.constant 15 : i32
      %add3A_295 = arith.addi %mul3A_72, %add3A_294 : i32
      %get3A_296 = arith.index_cast %add3A_295 : i32 to index
      %get3A_297 = arith.constant 0 : index
      %get3A_298 = tpu.vector_load %arg6[%get3A_296, %get3A_297] {strides = array<i32>} : memref<832x16xf32, #tpu.memory_space<vmem>>, vector<1x16xf32>,
      %get3A_299 = vector.shape_cast %get3A_298 : vector<1x16xf32> to vector<16xf32>
      %add3A_300 = arith.addf %add3A_293, %get3A_299 : vector<16xf32>
      %mul3A_301 = arith.constant 2.500000e-01 : f32
      %mul3A_302 = vector.broadcast %mul3A_301 : f32 to vector<16xf32>
      %mul3A_303 = arith.mulf %add3A_300, %mul3A_302 : vector<16xf32>
      %swap3A_304 = arith.index_cast %scan3A_70 : i32 to index
      %swap3A_305 = arith.constant 112 : index
      %swap3A_306 = tpu.vector_load %arg7[%swap3A_304, %swap3A_305] {strides = array<i32>} : memref<32x128xf32, #tpu.memory_space<vmem>>, vector<1x16xf32>,
      %swap3A_307 = vector.shape_cast %swap3A_306 : vector<1x16xf32> to vector<16xf32>
      %swap3A_308 = vector.shape_cast %mul3A_303 : vector<16xf32> to vector<1x16xf32>
      tpu.vector_store %arg7[%swap3A_304, %swap3A_305], %swap3A_308 {strides = array<i32>} : memref<32x128xf32, #tpu.memory_space<vmem>>, vector<1x16xf32>,
    }
    %scan3A_15 = arith.constant 32 : i32
    "tpu.region"() ({
      %run_scoped3A = tpu.sem_alloc : memref<!tpu.dma_semaphore, #tpu.memory_space<semaphore_mem>>
      %dma_start3A_70 = arith.constant 0 : i32
      %dma_start3A_71 = tpu.memref_slice %arg4[%add3A_4, %dma_start3A_70] : memref<4096x128xf32, #tpu.memory_space<hbm>> -> memref<32x128xf32, #tpu.memory_space<hbm>>
      %dma_start3A_72 = arith.constant 0 : i32
      %dma_start3A_73 = tpu.memref_slice %arg4[%add3A_4, %dma_start3A_72] : memref<4096x128xf32, #tpu.memory_space<hbm>> -> memref<32x128xf32, #tpu.memory_space<hbm>>
      tpu.enqueue_dma source(%arg7 : memref<32x128xf32, #tpu.memory_space<vmem>>) target(%dma_start3A_73 : memref<32x128xf32, #tpu.memory_space<hbm>>) target_semaphore(%run_scoped3A : memref<!tpu.dma_semaphore, #tpu.memory_space<semaphore_mem>>)
      %dma_wait3A_74 = arith.constant 0 : i32
      %dma_wait3A_75 = tpu.memref_slice %arg4[%add3A_4, %dma_wait3A_74] : memref<4096x128xf32, #tpu.memory_space<hbm>> -> memref<32x128xf32, #tpu.memory_space<hbm>>
      %dma_wait3A_76 = arith.constant 0 : i32
      %dma_wait3A_77 = tpu.memref_slice %arg4[%add3A_4, %dma_wait3A_76] : memref<4096x128xf32, #tpu.memory_space<hbm>> -> memref<32x128xf32, #tpu.memory_space<hbm>>
      tpu.wait_dma2 semaphore(%run_scoped3A : memref<!tpu.dma_semaphore, #tpu.memory_space<semaphore_mem>>) src(%arg7 : memref<32x128xf32, #tpu.memory_space<vmem>>) dst(%dma_wait3A_77 : memref<32x128xf32, #tpu.memory_space<hbm>>)
      tpu.yield
    }) : () -> ()
    %mul3A_16 = arith.constant 128 : i32
    %mul3A_17 = arith.muli %add3A, %mul3A_16 : i32
    %add3A_18 = arith.constant 32 : i32
    %add3A_19 = arith.addi %mul3A_17, %add3A_18 : i32
    %mul3A_20 = arith.constant 26 : i32
    %mul3A_21 = arith.muli %add3A_19, %mul3A_20 : i32
    "tpu.region"() ({
      %run_scoped3A = tpu.sem_alloc : memref<!tpu.dma_semaphore, #tpu.memory_space<semaphore_mem>>
      %dma_start3A_70 = tpu.memref_slice %arg2[%mul3A_21] : memref<106496xi32, #tpu.memory_space<hbm>> -> memref<832xi32, #tpu.memory_space<hbm>>
      %dma_start3A_71 = tpu.memref_slice %arg2[%mul3A_21] : memref<106496xi32, #tpu.memory_space<hbm>> -> memref<832xi32, #tpu.memory_space<hbm>>
      tpu.enqueue_dma source(%dma_start3A_71 : memref<832xi32, #tpu.memory_space<hbm>>) target(%arg5 : memref<832xi32, #tpu.memory_space<vmem>>) target_semaphore(%run_scoped3A : memref<!tpu.dma_semaphore, #tpu.memory_space<semaphore_mem>>)
      %dma_wait3A_72 = tpu.memref_slice %arg2[%mul3A_21] : memref<106496xi32, #tpu.memory_space<hbm>> -> memref<832xi32, #tpu.memory_space<hbm>>
      %dma_wait3A_73 = tpu.memref_slice %arg2[%mul3A_21] : memref<106496xi32, #tpu.memory_space<hbm>> -> memref<832xi32, #tpu.memory_space<hbm>>
      tpu.wait_dma2 semaphore(%run_scoped3A : memref<!tpu.dma_semaphore, #tpu.memory_space<semaphore_mem>>) src(%dma_wait3A_73 : memref<832xi32, #tpu.memory_space<hbm>>) dst(%arg5 : memref<832xi32, #tpu.memory_space<vmem>>)
      tpu.yield
    }) : () -> ()
    %dma_start3A_22 = arith.constant 0 : i32
    %dma_start3A_23 = arith.constant 0 : i32
    %dma_start3A_24 = tpu.memref_slice %arg3[%dma_start3A_22, %dma_start3A_23] : memref<2609152x16xf32, #tpu.memory_space<hbm>> -> memref<2609152x16xf32, #tpu.memory_space<hbm>>
    tpu.enqueue_indirect_dma source(%dma_start3A_24 : memref<2609152x16xf32, #tpu.memory_space<hbm>>) target(%arg6 : memref<832x16xf32, #tpu.memory_space<vmem>>) offsets(%arg5 : memref<832xi32, #tpu.memory_space<vmem>>) semaphore(%arg8 : memref<!tpu.dma_semaphore, #tpu.memory_space<semaphore_mem>>)
    %dma_wait3A_25 = arith.constant 0 : i32
    %dma_wait3A_26 = arith.constant 0 : i32
    %dma_wait3A_27 = tpu.memref_slice %arg3[%dma_wait3A_25, %dma_wait3A_26] : memref<2609152x16xf32, #tpu.memory_space<hbm>> -> memref<2609152x16xf32, #tpu.memory_space<hbm>>
    tpu.wait_indirect_dma semaphore(%arg8 : memref<!tpu.dma_semaphore, #tpu.memory_space<semaphore_mem>>) src(%dma_wait3A_27 : memref<2609152x16xf32, #tpu.memory_space<hbm>>) dst(%arg6 : memref<832x16xf32, #tpu.memory_space<vmem>>)
    %scan3A_28 = arith.constant 0 : i32
    %scan3A_29 = arith.constant 0 : i32
    %scan3A_30 = arith.constant 32 : i32
    %scan3A_31 = arith.addi %scan3A_29, %scan3A_30 : i32
    %scan3A_32 = arith.constant 1 : i32
    scf.for %scan3A_70 = %scan3A_29 to %scan3A_31 step %scan3A_32  : i32 {
      %mul3A_71 = arith.constant 26 : i32
      %mul3A_72 = arith.muli %scan3A_70, %mul3A_71 : i32
      %add3A_73 = arith.constant 19 : i32
      %add3A_74 = arith.addi %mul3A_72, %add3A_73 : i32
      %get3A = arith.index_cast %add3A_74 : i32 to index
      %get3A_75 = arith.constant 0 : index
      %get3A_76 = tpu.vector_load %arg6[%get3A, %get3A_75] {strides = array<i32>} : memref<832x16xf32, #tpu.memory_space<vmem>>, vector<1x16xf32>,
      %get3A_77 = vector.shape_cast %get3A_76 : vector<1x16xf32> to vector<16xf32>
      %add3A_78 = arith.constant 4 : i32
      %add3A_79 = arith.addi %mul3A_72, %add3A_78 : i32
      %get3A_80 = arith.index_cast %add3A_79 : i32 to index
      %get3A_81 = arith.constant 0 : index
      %get3A_82 = tpu.vector_load %arg6[%get3A_80, %get3A_81] {strides = array<i32>} : memref<832x16xf32, #tpu.memory_space<vmem>>, vector<1x16xf32>,
      %get3A_83 = vector.shape_cast %get3A_82 : vector<1x16xf32> to vector<16xf32>
      %add3A_84 = arith.addf %get3A_77, %get3A_83 : vector<16xf32>
      %add3A_85 = arith.constant 10 : i32
      %add3A_86 = arith.addi %mul3A_72, %add3A_85 : i32
      %get3A_87 = arith.index_cast %add3A_86 : i32 to index
      %get3A_88 = arith.constant 0 : index
      %get3A_89 = tpu.vector_load %arg6[%get3A_87, %get3A_88] {strides = array<i32>} : memref<832x16xf32, #tpu.memory_space<vmem>>, vector<1x16xf32>,
      %get3A_90 = vector.shape_cast %get3A_89 : vector<1x16xf32> to vector<16xf32>
      %add3A_91 = arith.addf %add3A_84, %get3A_90 : vector<16xf32>
      %mul3A_92 = arith.constant 0.333333343 : f32
      %mul3A_93 = vector.broadcast %mul3A_92 : f32 to vector<16xf32>
      %mul3A_94 = arith.mulf %add3A_91, %mul3A_93 : vector<16xf32>
      %swap3A = arith.index_cast %scan3A_70 : i32 to index
      %swap3A_95 = arith.constant 0 : index
      %swap3A_96 = tpu.vector_load %arg7[%swap3A, %swap3A_95] {strides = array<i32>} : memref<32x128xf32, #tpu.memory_space<vmem>>, vector<1x16xf32>,
      %swap3A_97 = vector.shape_cast %swap3A_96 : vector<1x16xf32> to vector<16xf32>
      %swap3A_98 = vector.shape_cast %mul3A_94 : vector<16xf32> to vector<1x16xf32>
      tpu.vector_store %arg7[%swap3A, %swap3A_95], %swap3A_98 {strides = array<i32>} : memref<32x128xf32, #tpu.memory_space<vmem>>, vector<1x16xf32>,
      %add3A_99 = arith.constant 11 : i32
      %add3A_100 = arith.addi %mul3A_72, %add3A_99 : i32
      %get3A_101 = arith.index_cast %add3A_100 : i32 to index
      %get3A_102 = arith.constant 0 : index
      %get3A_103 = tpu.vector_load %arg6[%get3A_101, %get3A_102] {strides = array<i32>} : memref<832x16xf32, #tpu.memory_space<vmem>>, vector<1x16xf32>,
      %get3A_104 = vector.shape_cast %get3A_103 : vector<1x16xf32> to vector<16xf32>
      %add3A_105 = arith.constant 25 : i32
      %add3A_106 = arith.addi %mul3A_72, %add3A_105 : i32
      %get3A_107 = arith.index_cast %add3A_106 : i32 to index
      %get3A_108 = arith.constant 0 : index
      %get3A_109 = tpu.vector_load %arg6[%get3A_107, %get3A_108] {strides = array<i32>} : memref<832x16xf32, #tpu.memory_space<vmem>>, vector<1x16xf32>,
      %get3A_110 = vector.shape_cast %get3A_109 : vector<1x16xf32> to vector<16xf32>
      %add3A_111 = arith.addf %get3A_104, %get3A_110 : vector<16xf32>
      %add3A_112 = arith.constant 2 : i32
      %add3A_113 = arith.addi %mul3A_72, %add3A_112 : i32
      %get3A_114 = arith.index_cast %add3A_113 : i32 to index
      %get3A_115 = arith.constant 0 : index
      %get3A_116 = tpu.vector_load %arg6[%get3A_114, %get3A_115] {strides = array<i32>} : memref<832x16xf32, #tpu.memory_space<vmem>>, vector<1x16xf32>,
      %get3A_117 = vector.shape_cast %get3A_116 : vector<1x16xf32> to vector<16xf32>
      %add3A_118 = arith.addf %add3A_111, %get3A_117 : vector<16xf32>
      %mul3A_119 = arith.constant 0.333333343 : f32
      %mul3A_120 = vector.broadcast %mul3A_119 : f32 to vector<16xf32>
      %mul3A_121 = arith.mulf %add3A_118, %mul3A_120 : vector<16xf32>
      %swap3A_122 = arith.index_cast %scan3A_70 : i32 to index
      %swap3A_123 = arith.constant 16 : index
      %swap3A_124 = tpu.vector_load %arg7[%swap3A_122, %swap3A_123] {strides = array<i32>} : memref<32x128xf32, #tpu.memory_space<vmem>>, vector<1x16xf32>,
      %swap3A_125 = vector.shape_cast %swap3A_124 : vector<1x16xf32> to vector<16xf32>
      %swap3A_126 = vector.shape_cast %mul3A_121 : vector<16xf32> to vector<1x16xf32>
      tpu.vector_store %arg7[%swap3A_122, %swap3A_123], %swap3A_126 {strides = array<i32>} : memref<32x128xf32, #tpu.memory_space<vmem>>, vector<1x16xf32>,
      %add3A_127 = arith.constant 24 : i32
      %add3A_128 = arith.addi %mul3A_72, %add3A_127 : i32
      %get3A_129 = arith.index_cast %add3A_128 : i32 to index
      %get3A_130 = arith.constant 0 : index
      %get3A_131 = tpu.vector_load %arg6[%get3A_129, %get3A_130] {strides = array<i32>} : memref<832x16xf32, #tpu.memory_space<vmem>>, vector<1x16xf32>,
      %get3A_132 = vector.shape_cast %get3A_131 : vector<1x16xf32> to vector<16xf32>
      %add3A_133 = arith.constant 6 : i32
      %add3A_134 = arith.addi %mul3A_72, %add3A_133 : i32
      %get3A_135 = arith.index_cast %add3A_134 : i32 to index
      %get3A_136 = arith.constant 0 : index
      %get3A_137 = tpu.vector_load %arg6[%get3A_135, %get3A_136] {strides = array<i32>} : memref<832x16xf32, #tpu.memory_space<vmem>>, vector<1x16xf32>,
      %get3A_138 = vector.shape_cast %get3A_137 : vector<1x16xf32> to vector<16xf32>
      %add3A_139 = arith.addf %get3A_132, %get3A_138 : vector<16xf32>
      %add3A_140 = arith.constant 16 : i32
      %add3A_141 = arith.addi %mul3A_72, %add3A_140 : i32
      %get3A_142 = arith.index_cast %add3A_141 : i32 to index
      %get3A_143 = arith.constant 0 : index
      %get3A_144 = tpu.vector_load %arg6[%get3A_142, %get3A_143] {strides = array<i32>} : memref<832x16xf32, #tpu.memory_space<vmem>>, vector<1x16xf32>,
      %get3A_145 = vector.shape_cast %get3A_144 : vector<1x16xf32> to vector<16xf32>
      %add3A_146 = arith.addf %add3A_139, %get3A_145 : vector<16xf32>
      %mul3A_147 = arith.constant 0.333333343 : f32
      %mul3A_148 = vector.broadcast %mul3A_147 : f32 to vector<16xf32>
      %mul3A_149 = arith.mulf %add3A_146, %mul3A_148 : vector<16xf32>
      %swap3A_150 = arith.index_cast %scan3A_70 : i32 to index
      %swap3A_151 = arith.constant 32 : index
      %swap3A_152 = tpu.vector_load %arg7[%swap3A_150, %swap3A_151] {strides = array<i32>} : memref<32x128xf32, #tpu.memory_space<vmem>>, vector<1x16xf32>,
      %swap3A_153 = vector.shape_cast %swap3A_152 : vector<1x16xf32> to vector<16xf32>
      %swap3A_154 = vector.shape_cast %mul3A_149 : vector<16xf32> to vector<1x16xf32>
      tpu.vector_store %arg7[%swap3A_150, %swap3A_151], %swap3A_154 {strides = array<i32>} : memref<32x128xf32, #tpu.memory_space<vmem>>, vector<1x16xf32>,
      %add3A_155 = arith.constant 23 : i32
      %add3A_156 = arith.addi %mul3A_72, %add3A_155 : i32
      %get3A_157 = arith.index_cast %add3A_156 : i32 to index
      %get3A_158 = arith.constant 0 : index
      %get3A_159 = tpu.vector_load %arg6[%get3A_157, %get3A_158] {strides = array<i32>} : memref<832x16xf32, #tpu.memory_space<vmem>>, vector<1x16xf32>,
      %get3A_160 = vector.shape_cast %get3A_159 : vector<1x16xf32> to vector<16xf32>
      %add3A_161 = arith.constant 3 : i32
      %add3A_162 = arith.addi %mul3A_72, %add3A_161 : i32
      %get3A_163 = arith.index_cast %add3A_162 : i32 to index
      %get3A_164 = arith.constant 0 : index
      %get3A_165 = tpu.vector_load %arg6[%get3A_163, %get3A_164] {strides = array<i32>} : memref<832x16xf32, #tpu.memory_space<vmem>>, vector<1x16xf32>,
      %get3A_166 = vector.shape_cast %get3A_165 : vector<1x16xf32> to vector<16xf32>
      %add3A_167 = arith.addf %get3A_160, %get3A_166 : vector<16xf32>
      %add3A_168 = arith.constant 21 : i32
      %add3A_169 = arith.addi %mul3A_72, %add3A_168 : i32
      %get3A_170 = arith.index_cast %add3A_169 : i32 to index
      %get3A_171 = arith.constant 0 : index
      %get3A_172 = tpu.vector_load %arg6[%get3A_170, %get3A_171] {strides = array<i32>} : memref<832x16xf32, #tpu.memory_space<vmem>>, vector<1x16xf32>,
      %get3A_173 = vector.shape_cast %get3A_172 : vector<1x16xf32> to vector<16xf32>
      %add3A_174 = arith.addf %add3A_167, %get3A_173 : vector<16xf32>
      %add3A_175 = arith.constant 8 : i32
      %add3A_176 = arith.addi %mul3A_72, %add3A_175 : i32
      %get3A_177 = arith.index_cast %add3A_176 : i32 to index
      %get3A_178 = arith.constant 0 : index
      %get3A_179 = tpu.vector_load %arg6[%get3A_177, %get3A_178] {strides = array<i32>} : memref<832x16xf32, #tpu.memory_space<vmem>>, vector<1x16xf32>,
      %get3A_180 = vector.shape_cast %get3A_179 : vector<1x16xf32> to vector<16xf32>
      %add3A_181 = arith.addf %add3A_174, %get3A_180 : vector<16xf32>
      %mul3A_182 = arith.constant 2.500000e-01 : f32
      %mul3A_183 = vector.broadcast %mul3A_182 : f32 to vector<16xf32>
      %mul3A_184 = arith.mulf %add3A_181, %mul3A_183 : vector<16xf32>
      %swap3A_185 = arith.index_cast %scan3A_70 : i32 to index
      %swap3A_186 = arith.constant 48 : index
      %swap3A_187 = tpu.vector_load %arg7[%swap3A_185, %swap3A_186] {strides = array<i32>} : memref<32x128xf32, #tpu.memory_space<vmem>>, vector<1x16xf32>,
      %swap3A_188 = vector.shape_cast %swap3A_187 : vector<1x16xf32> to vector<16xf32>
      %swap3A_189 = vector.shape_cast %mul3A_184 : vector<16xf32> to vector<1x16xf32>
      tpu.vector_store %arg7[%swap3A_185, %swap3A_186], %swap3A_189 {strides = array<i32>} : memref<32x128xf32, #tpu.memory_space<vmem>>, vector<1x16xf32>,
      %add3A_190 = arith.constant 0 : i32
      %add3A_191 = arith.addi %mul3A_72, %add3A_190 : i32
      %get3A_192 = arith.index_cast %add3A_191 : i32 to index
      %get3A_193 = arith.constant 0 : index
      %get3A_194 = tpu.vector_load %arg6[%get3A_192, %get3A_193] {strides = array<i32>} : memref<832x16xf32, #tpu.memory_space<vmem>>, vector<1x16xf32>,
      %get3A_195 = vector.shape_cast %get3A_194 : vector<1x16xf32> to vector<16xf32>
      %add3A_196 = arith.constant 20 : i32
      %add3A_197 = arith.addi %mul3A_72, %add3A_196 : i32
      %get3A_198 = arith.index_cast %add3A_197 : i32 to index
      %get3A_199 = arith.constant 0 : index
      %get3A_200 = tpu.vector_load %arg6[%get3A_198, %get3A_199] {strides = array<i32>} : memref<832x16xf32, #tpu.memory_space<vmem>>, vector<1x16xf32>,
      %get3A_201 = vector.shape_cast %get3A_200 : vector<1x16xf32> to vector<16xf32>
      %add3A_202 = arith.addf %get3A_195, %get3A_201 : vector<16xf32>
      %add3A_203 = arith.constant 12 : i32
      %add3A_204 = arith.addi %mul3A_72, %add3A_203 : i32
      %get3A_205 = arith.index_cast %add3A_204 : i32 to index
      %get3A_206 = arith.constant 0 : index
      %get3A_207 = tpu.vector_load %arg6[%get3A_205, %get3A_206] {strides = array<i32>} : memref<832x16xf32, #tpu.memory_space<vmem>>, vector<1x16xf32>,
      %get3A_208 = vector.shape_cast %get3A_207 : vector<1x16xf32> to vector<16xf32>
      %add3A_209 = arith.addf %add3A_202, %get3A_208 : vector<16xf32>
      %mul3A_210 = arith.constant 0.333333343 : f32
      %mul3A_211 = vector.broadcast %mul3A_210 : f32 to vector<16xf32>
      %mul3A_212 = arith.mulf %add3A_209, %mul3A_211 : vector<16xf32>
      %swap3A_213 = arith.index_cast %scan3A_70 : i32 to index
      %swap3A_214 = arith.constant 64 : index
      %swap3A_215 = tpu.vector_load %arg7[%swap3A_213, %swap3A_214] {strides = array<i32>} : memref<32x128xf32, #tpu.memory_space<vmem>>, vector<1x16xf32>,
      %swap3A_216 = vector.shape_cast %swap3A_215 : vector<1x16xf32> to vector<16xf32>
      %swap3A_217 = vector.shape_cast %mul3A_212 : vector<16xf32> to vector<1x16xf32>
      tpu.vector_store %arg7[%swap3A_213, %swap3A_214], %swap3A_217 {strides = array<i32>} : memref<32x128xf32, #tpu.memory_space<vmem>>, vector<1x16xf32>,
      %add3A_218 = arith.constant 18 : i32
      %add3A_219 = arith.addi %mul3A_72, %add3A_218 : i32
      %get3A_220 = arith.index_cast %add3A_219 : i32 to index
      %get3A_221 = arith.constant 0 : index
      %get3A_222 = tpu.vector_load %arg6[%get3A_220, %get3A_221] {strides = array<i32>} : memref<832x16xf32, #tpu.memory_space<vmem>>, vector<1x16xf32>,
      %get3A_223 = vector.shape_cast %get3A_222 : vector<1x16xf32> to vector<16xf32>
      %add3A_224 = arith.constant 13 : i32
      %add3A_225 = arith.addi %mul3A_72, %add3A_224 : i32
      %get3A_226 = arith.index_cast %add3A_225 : i32 to index
      %get3A_227 = arith.constant 0 : index
      %get3A_228 = tpu.vector_load %arg6[%get3A_226, %get3A_227] {strides = array<i32>} : memref<832x16xf32, #tpu.memory_space<vmem>>, vector<1x16xf32>,
      %get3A_229 = vector.shape_cast %get3A_228 : vector<1x16xf32> to vector<16xf32>
      %add3A_230 = arith.addf %get3A_223, %get3A_229 : vector<16xf32>
      %add3A_231 = arith.constant 7 : i32
      %add3A_232 = arith.addi %mul3A_72, %add3A_231 : i32
      %get3A_233 = arith.index_cast %add3A_232 : i32 to index
      %get3A_234 = arith.constant 0 : index
      %get3A_235 = tpu.vector_load %arg6[%get3A_233, %get3A_234] {strides = array<i32>} : memref<832x16xf32, #tpu.memory_space<vmem>>, vector<1x16xf32>,
      %get3A_236 = vector.shape_cast %get3A_235 : vector<1x16xf32> to vector<16xf32>
      %add3A_237 = arith.addf %add3A_230, %get3A_236 : vector<16xf32>
      %mul3A_238 = arith.constant 0.333333343 : f32
      %mul3A_239 = vector.broadcast %mul3A_238 : f32 to vector<16xf32>
      %mul3A_240 = arith.mulf %add3A_237, %mul3A_239 : vector<16xf32>
      %swap3A_241 = arith.index_cast %scan3A_70 : i32 to index
      %swap3A_242 = arith.constant 80 : index
      %swap3A_243 = tpu.vector_load %arg7[%swap3A_241, %swap3A_242] {strides = array<i32>} : memref<32x128xf32, #tpu.memory_space<vmem>>, vector<1x16xf32>,
      %swap3A_244 = vector.shape_cast %swap3A_243 : vector<1x16xf32> to vector<16xf32>
      %swap3A_245 = vector.shape_cast %mul3A_240 : vector<16xf32> to vector<1x16xf32>
      tpu.vector_store %arg7[%swap3A_241, %swap3A_242], %swap3A_245 {strides = array<i32>} : memref<32x128xf32, #tpu.memory_space<vmem>>, vector<1x16xf32>,
      %add3A_246 = arith.constant 5 : i32
      %add3A_247 = arith.addi %mul3A_72, %add3A_246 : i32
      %get3A_248 = arith.index_cast %add3A_247 : i32 to index
      %get3A_249 = arith.constant 0 : index
      %get3A_250 = tpu.vector_load %arg6[%get3A_248, %get3A_249] {strides = array<i32>} : memref<832x16xf32, #tpu.memory_space<vmem>>, vector<1x16xf32>,
      %get3A_251 = vector.shape_cast %get3A_250 : vector<1x16xf32> to vector<16xf32>
      %add3A_252 = arith.constant 17 : i32
      %add3A_253 = arith.addi %mul3A_72, %add3A_252 : i32
      %get3A_254 = arith.index_cast %add3A_253 : i32 to index
      %get3A_255 = arith.constant 0 : index
      %get3A_256 = tpu.vector_load %arg6[%get3A_254, %get3A_255] {strides = array<i32>} : memref<832x16xf32, #tpu.memory_space<vmem>>, vector<1x16xf32>,
      %get3A_257 = vector.shape_cast %get3A_256 : vector<1x16xf32> to vector<16xf32>
      %add3A_258 = arith.addf %get3A_251, %get3A_257 : vector<16xf32>
      %add3A_259 = arith.constant 14 : i32
      %add3A_260 = arith.addi %mul3A_72, %add3A_259 : i32
      %get3A_261 = arith.index_cast %add3A_260 : i32 to index
      %get3A_262 = arith.constant 0 : index
      %get3A_263 = tpu.vector_load %arg6[%get3A_261, %get3A_262] {strides = array<i32>} : memref<832x16xf32, #tpu.memory_space<vmem>>, vector<1x16xf32>,
      %get3A_264 = vector.shape_cast %get3A_263 : vector<1x16xf32> to vector<16xf32>
      %add3A_265 = arith.addf %add3A_258, %get3A_264 : vector<16xf32>
      %mul3A_266 = arith.constant 0.333333343 : f32
      %mul3A_267 = vector.broadcast %mul3A_266 : f32 to vector<16xf32>
      %mul3A_268 = arith.mulf %add3A_265, %mul3A_267 : vector<16xf32>
      %swap3A_269 = arith.index_cast %scan3A_70 : i32 to index
      %swap3A_270 = arith.constant 96 : index
      %swap3A_271 = tpu.vector_load %arg7[%swap3A_269, %swap3A_270] {strides = array<i32>} : memref<32x128xf32, #tpu.memory_space<vmem>>, vector<1x16xf32>,
      %swap3A_272 = vector.shape_cast %swap3A_271 : vector<1x16xf32> to vector<16xf32>
      %swap3A_273 = vector.shape_cast %mul3A_268 : vector<16xf32> to vector<1x16xf32>
      tpu.vector_store %arg7[%swap3A_269, %swap3A_270], %swap3A_273 {strides = array<i32>} : memref<32x128xf32, #tpu.memory_space<vmem>>, vector<1x16xf32>,
      %add3A_274 = arith.constant 22 : i32
      %add3A_275 = arith.addi %mul3A_72, %add3A_274 : i32
      %get3A_276 = arith.index_cast %add3A_275 : i32 to index
      %get3A_277 = arith.constant 0 : index
      %get3A_278 = tpu.vector_load %arg6[%get3A_276, %get3A_277] {strides = array<i32>} : memref<832x16xf32, #tpu.memory_space<vmem>>, vector<1x16xf32>,
      %get3A_279 = vector.shape_cast %get3A_278 : vector<1x16xf32> to vector<16xf32>
      %add3A_280 = arith.constant 9 : i32
      %add3A_281 = arith.addi %mul3A_72, %add3A_280 : i32
      %get3A_282 = arith.index_cast %add3A_281 : i32 to index
      %get3A_283 = arith.constant 0 : index
      %get3A_284 = tpu.vector_load %arg6[%get3A_282, %get3A_283] {strides = array<i32>} : memref<832x16xf32, #tpu.memory_space<vmem>>, vector<1x16xf32>,
      %get3A_285 = vector.shape_cast %get3A_284 : vector<1x16xf32> to vector<16xf32>
      %add3A_286 = arith.addf %get3A_279, %get3A_285 : vector<16xf32>
      %add3A_287 = arith.constant 1 : i32
      %add3A_288 = arith.addi %mul3A_72, %add3A_287 : i32
      %get3A_289 = arith.index_cast %add3A_288 : i32 to index
      %get3A_290 = arith.constant 0 : index
      %get3A_291 = tpu.vector_load %arg6[%get3A_289, %get3A_290] {strides = array<i32>} : memref<832x16xf32, #tpu.memory_space<vmem>>, vector<1x16xf32>,
      %get3A_292 = vector.shape_cast %get3A_291 : vector<1x16xf32> to vector<16xf32>
      %add3A_293 = arith.addf %add3A_286, %get3A_292 : vector<16xf32>
      %add3A_294 = arith.constant 15 : i32
      %add3A_295 = arith.addi %mul3A_72, %add3A_294 : i32
      %get3A_296 = arith.index_cast %add3A_295 : i32 to index
      %get3A_297 = arith.constant 0 : index
      %get3A_298 = tpu.vector_load %arg6[%get3A_296, %get3A_297] {strides = array<i32>} : memref<832x16xf32, #tpu.memory_space<vmem>>, vector<1x16xf32>,
      %get3A_299 = vector.shape_cast %get3A_298 : vector<1x16xf32> to vector<16xf32>
      %add3A_300 = arith.addf %add3A_293, %get3A_299 : vector<16xf32>
      %mul3A_301 = arith.constant 2.500000e-01 : f32
      %mul3A_302 = vector.broadcast %mul3A_301 : f32 to vector<16xf32>
      %mul3A_303 = arith.mulf %add3A_300, %mul3A_302 : vector<16xf32>
      %swap3A_304 = arith.index_cast %scan3A_70 : i32 to index
      %swap3A_305 = arith.constant 112 : index
      %swap3A_306 = tpu.vector_load %arg7[%swap3A_304, %swap3A_305] {strides = array<i32>} : memref<32x128xf32, #tpu.memory_space<vmem>>, vector<1x16xf32>,
      %swap3A_307 = vector.shape_cast %swap3A_306 : vector<1x16xf32> to vector<16xf32>
      %swap3A_308 = vector.shape_cast %mul3A_303 : vector<16xf32> to vector<1x16xf32>
      tpu.vector_store %arg7[%swap3A_304, %swap3A_305], %swap3A_308 {strides = array<i32>} : memref<32x128xf32, #tpu.memory_space<vmem>>, vector<1x16xf32>,
    }
    %scan3A_33 = arith.constant 32 : i32
    "tpu.region"() ({
      %run_scoped3A = tpu.sem_alloc : memref<!tpu.dma_semaphore, #tpu.memory_space<semaphore_mem>>
      %dma_start3A_70 = arith.constant 0 : i32
      %dma_start3A_71 = tpu.memref_slice %arg4[%add3A_19, %dma_start3A_70] : memref<4096x128xf32, #tpu.memory_space<hbm>> -> memref<32x128xf32, #tpu.memory_space<hbm>>
      %dma_start3A_72 = arith.constant 0 : i32
      %dma_start3A_73 = tpu.memref_slice %arg4[%add3A_19, %dma_start3A_72] : memref<4096x128xf32, #tpu.memory_space<hbm>> -> memref<32x128xf32, #tpu.memory_space<hbm>>
      tpu.enqueue_dma source(%arg7 : memref<32x128xf32, #tpu.memory_space<vmem>>) target(%dma_start3A_73 : memref<32x128xf32, #tpu.memory_space<hbm>>) target_semaphore(%run_scoped3A : memref<!tpu.dma_semaphore, #tpu.memory_space<semaphore_mem>>)
      %dma_wait3A_74 = arith.constant 0 : i32
      %dma_wait3A_75 = tpu.memref_slice %arg4[%add3A_19, %dma_wait3A_74] : memref<4096x128xf32, #tpu.memory_space<hbm>> -> memref<32x128xf32, #tpu.memory_space<hbm>>
      %dma_wait3A_76 = arith.constant 0 : i32
      %dma_wait3A_77 = tpu.memref_slice %arg4[%add3A_19, %dma_wait3A_76] : memref<4096x128xf32, #tpu.memory_space<hbm>> -> memref<32x128xf32, #tpu.memory_space<hbm>>
      tpu.wait_dma2 semaphore(%run_scoped3A : memref<!tpu.dma_semaphore, #tpu.memory_space<semaphore_mem>>) src(%arg7 : memref<32x128xf32, #tpu.memory_space<vmem>>) dst(%dma_wait3A_77 : memref<32x128xf32, #tpu.memory_space<hbm>>)
      tpu.yield
    }) : () -> ()
    %mul3A_34 = arith.constant 128 : i32
    %mul3A_35 = arith.muli %add3A, %mul3A_34 : i32
    %add3A_36 = arith.constant 64 : i32
    %add3A_37 = arith.addi %mul3A_35, %add3A_36 : i32
    %mul3A_38 = arith.constant 26 : i32
    %mul3A_39 = arith.muli %add3A_37, %mul3A_38 : i32
    "tpu.region"() ({
      %run_scoped3A = tpu.sem_alloc : memref<!tpu.dma_semaphore, #tpu.memory_space<semaphore_mem>>
      %dma_start3A_70 = tpu.memref_slice %arg2[%mul3A_39] : memref<106496xi32, #tpu.memory_space<hbm>> -> memref<832xi32, #tpu.memory_space<hbm>>
      %dma_start3A_71 = tpu.memref_slice %arg2[%mul3A_39] : memref<106496xi32, #tpu.memory_space<hbm>> -> memref<832xi32, #tpu.memory_space<hbm>>
      tpu.enqueue_dma source(%dma_start3A_71 : memref<832xi32, #tpu.memory_space<hbm>>) target(%arg5 : memref<832xi32, #tpu.memory_space<vmem>>) target_semaphore(%run_scoped3A : memref<!tpu.dma_semaphore, #tpu.memory_space<semaphore_mem>>)
      %dma_wait3A_72 = tpu.memref_slice %arg2[%mul3A_39] : memref<106496xi32, #tpu.memory_space<hbm>> -> memref<832xi32, #tpu.memory_space<hbm>>
      %dma_wait3A_73 = tpu.memref_slice %arg2[%mul3A_39] : memref<106496xi32, #tpu.memory_space<hbm>> -> memref<832xi32, #tpu.memory_space<hbm>>
      tpu.wait_dma2 semaphore(%run_scoped3A : memref<!tpu.dma_semaphore, #tpu.memory_space<semaphore_mem>>) src(%dma_wait3A_73 : memref<832xi32, #tpu.memory_space<hbm>>) dst(%arg5 : memref<832xi32, #tpu.memory_space<vmem>>)
      tpu.yield
    }) : () -> ()
    %dma_start3A_40 = arith.constant 0 : i32
    %dma_start3A_41 = arith.constant 0 : i32
    %dma_start3A_42 = tpu.memref_slice %arg3[%dma_start3A_40, %dma_start3A_41] : memref<2609152x16xf32, #tpu.memory_space<hbm>> -> memref<2609152x16xf32, #tpu.memory_space<hbm>>
    tpu.enqueue_indirect_dma source(%dma_start3A_42 : memref<2609152x16xf32, #tpu.memory_space<hbm>>) target(%arg6 : memref<832x16xf32, #tpu.memory_space<vmem>>) offsets(%arg5 : memref<832xi32, #tpu.memory_space<vmem>>) semaphore(%arg8 : memref<!tpu.dma_semaphore, #tpu.memory_space<semaphore_mem>>)
    %dma_wait3A_43 = arith.constant 0 : i32
    %dma_wait3A_44 = arith.constant 0 : i32
    %dma_wait3A_45 = tpu.memref_slice %arg3[%dma_wait3A_43, %dma_wait3A_44] : memref<2609152x16xf32, #tpu.memory_space<hbm>> -> memref<2609152x16xf32, #tpu.memory_space<hbm>>
    tpu.wait_indirect_dma semaphore(%arg8 : memref<!tpu.dma_semaphore, #tpu.memory_space<semaphore_mem>>) src(%dma_wait3A_45 : memref<2609152x16xf32, #tpu.memory_space<hbm>>) dst(%arg6 : memref<832x16xf32, #tpu.memory_space<vmem>>)
    %scan3A_46 = arith.constant 0 : i32
    %scan3A_47 = arith.constant 0 : i32
    %scan3A_48 = arith.constant 32 : i32
    %scan3A_49 = arith.addi %scan3A_47, %scan3A_48 : i32
    %scan3A_50 = arith.constant 1 : i32
    scf.for %scan3A_70 = %scan3A_47 to %scan3A_49 step %scan3A_50  : i32 {
      %mul3A_71 = arith.constant 26 : i32
      %mul3A_72 = arith.muli %scan3A_70, %mul3A_71 : i32
      %add3A_73 = arith.constant 19 : i32
      %add3A_74 = arith.addi %mul3A_72, %add3A_73 : i32
      %get3A = arith.index_cast %add3A_74 : i32 to index
      %get3A_75 = arith.constant 0 : index
      %get3A_76 = tpu.vector_load %arg6[%get3A, %get3A_75] {strides = array<i32>} : memref<832x16xf32, #tpu.memory_space<vmem>>, vector<1x16xf32>,
      %get3A_77 = vector.shape_cast %get3A_76 : vector<1x16xf32> to vector<16xf32>
      %add3A_78 = arith.constant 4 : i32
      %add3A_79 = arith.addi %mul3A_72, %add3A_78 : i32
      %get3A_80 = arith.index_cast %add3A_79 : i32 to index
      %get3A_81 = arith.constant 0 : index
      %get3A_82 = tpu.vector_load %arg6[%get3A_80, %get3A_81] {strides = array<i32>} : memref<832x16xf32, #tpu.memory_space<vmem>>, vector<1x16xf32>,
      %get3A_83 = vector.shape_cast %get3A_82 : vector<1x16xf32> to vector<16xf32>
      %add3A_84 = arith.addf %get3A_77, %get3A_83 : vector<16xf32>
      %add3A_85 = arith.constant 10 : i32
      %add3A_86 = arith.addi %mul3A_72, %add3A_85 : i32
      %get3A_87 = arith.index_cast %add3A_86 : i32 to index
      %get3A_88 = arith.constant 0 : index
      %get3A_89 = tpu.vector_load %arg6[%get3A_87, %get3A_88] {strides = array<i32>} : memref<832x16xf32, #tpu.memory_space<vmem>>, vector<1x16xf32>,
      %get3A_90 = vector.shape_cast %get3A_89 : vector<1x16xf32> to vector<16xf32>
      %add3A_91 = arith.addf %add3A_84, %get3A_90 : vector<16xf32>
      %mul3A_92 = arith.constant 0.333333343 : f32
      %mul3A_93 = vector.broadcast %mul3A_92 : f32 to vector<16xf32>
      %mul3A_94 = arith.mulf %add3A_91, %mul3A_93 : vector<16xf32>
      %swap3A = arith.index_cast %scan3A_70 : i32 to index
      %swap3A_95 = arith.constant 0 : index
      %swap3A_96 = tpu.vector_load %arg7[%swap3A, %swap3A_95] {strides = array<i32>} : memref<32x128xf32, #tpu.memory_space<vmem>>, vector<1x16xf32>,
      %swap3A_97 = vector.shape_cast %swap3A_96 : vector<1x16xf32> to vector<16xf32>
      %swap3A_98 = vector.shape_cast %mul3A_94 : vector<16xf32> to vector<1x16xf32>
      tpu.vector_store %arg7[%swap3A, %swap3A_95], %swap3A_98 {strides = array<i32>} : memref<32x128xf32, #tpu.memory_space<vmem>>, vector<1x16xf32>,
      %add3A_99 = arith.constant 11 : i32
      %add3A_100 = arith.addi %mul3A_72, %add3A_99 : i32
      %get3A_101 = arith.index_cast %add3A_100 : i32 to index
      %get3A_102 = arith.constant 0 : index
      %get3A_103 = tpu.vector_load %arg6[%get3A_101, %get3A_102] {strides = array<i32>} : memref<832x16xf32, #tpu.memory_space<vmem>>, vector<1x16xf32>,
      %get3A_104 = vector.shape_cast %get3A_103 : vector<1x16xf32> to vector<16xf32>
      %add3A_105 = arith.constant 25 : i32
      %add3A_106 = arith.addi %mul3A_72, %add3A_105 : i32
      %get3A_107 = arith.index_cast %add3A_106 : i32 to index
      %get3A_108 = arith.constant 0 : index
      %get3A_109 = tpu.vector_load %arg6[%get3A_107, %get3A_108] {strides = array<i32>} : memref<832x16xf32, #tpu.memory_space<vmem>>, vector<1x16xf32>,
      %get3A_110 = vector.shape_cast %get3A_109 : vector<1x16xf32> to vector<16xf32>
      %add3A_111 = arith.addf %get3A_104, %get3A_110 : vector<16xf32>
      %add3A_112 = arith.constant 2 : i32
      %add3A_113 = arith.addi %mul3A_72, %add3A_112 : i32
      %get3A_114 = arith.index_cast %add3A_113 : i32 to index
      %get3A_115 = arith.constant 0 : index
      %get3A_116 = tpu.vector_load %arg6[%get3A_114, %get3A_115] {strides = array<i32>} : memref<832x16xf32, #tpu.memory_space<vmem>>, vector<1x16xf32>,
      %get3A_117 = vector.shape_cast %get3A_116 : vector<1x16xf32> to vector<16xf32>
      %add3A_118 = arith.addf %add3A_111, %get3A_117 : vector<16xf32>
      %mul3A_119 = arith.constant 0.333333343 : f32
      %mul3A_120 = vector.broadcast %mul3A_119 : f32 to vector<16xf32>
      %mul3A_121 = arith.mulf %add3A_118, %mul3A_120 : vector<16xf32>
      %swap3A_122 = arith.index_cast %scan3A_70 : i32 to index
      %swap3A_123 = arith.constant 16 : index
      %swap3A_124 = tpu.vector_load %arg7[%swap3A_122, %swap3A_123] {strides = array<i32>} : memref<32x128xf32, #tpu.memory_space<vmem>>, vector<1x16xf32>,
      %swap3A_125 = vector.shape_cast %swap3A_124 : vector<1x16xf32> to vector<16xf32>
      %swap3A_126 = vector.shape_cast %mul3A_121 : vector<16xf32> to vector<1x16xf32>
      tpu.vector_store %arg7[%swap3A_122, %swap3A_123], %swap3A_126 {strides = array<i32>} : memref<32x128xf32, #tpu.memory_space<vmem>>, vector<1x16xf32>,
      %add3A_127 = arith.constant 24 : i32
      %add3A_128 = arith.addi %mul3A_72, %add3A_127 : i32
      %get3A_129 = arith.index_cast %add3A_128 : i32 to index
      %get3A_130 = arith.constant 0 : index
      %get3A_131 = tpu.vector_load %arg6[%get3A_129, %get3A_130] {strides = array<i32>} : memref<832x16xf32, #tpu.memory_space<vmem>>, vector<1x16xf32>,
      %get3A_132 = vector.shape_cast %get3A_131 : vector<1x16xf32> to vector<16xf32>
      %add3A_133 = arith.constant 6 : i32
      %add3A_134 = arith.addi %mul3A_72, %add3A_133 : i32
      %get3A_135 = arith.index_cast %add3A_134 : i32 to index
      %get3A_136 = arith.constant 0 : index
      %get3A_137 = tpu.vector_load %arg6[%get3A_135, %get3A_136] {strides = array<i32>} : memref<832x16xf32, #tpu.memory_space<vmem>>, vector<1x16xf32>,
      %get3A_138 = vector.shape_cast %get3A_137 : vector<1x16xf32> to vector<16xf32>
      %add3A_139 = arith.addf %get3A_132, %get3A_138 : vector<16xf32>
      %add3A_140 = arith.constant 16 : i32
      %add3A_141 = arith.addi %mul3A_72, %add3A_140 : i32
      %get3A_142 = arith.index_cast %add3A_141 : i32 to index
      %get3A_143 = arith.constant 0 : index
      %get3A_144 = tpu.vector_load %arg6[%get3A_142, %get3A_143] {strides = array<i32>} : memref<832x16xf32, #tpu.memory_space<vmem>>, vector<1x16xf32>,
      %get3A_145 = vector.shape_cast %get3A_144 : vector<1x16xf32> to vector<16xf32>
      %add3A_146 = arith.addf %add3A_139, %get3A_145 : vector<16xf32>
      %mul3A_147 = arith.constant 0.333333343 : f32
      %mul3A_148 = vector.broadcast %mul3A_147 : f32 to vector<16xf32>
      %mul3A_149 = arith.mulf %add3A_146, %mul3A_148 : vector<16xf32>
      %swap3A_150 = arith.index_cast %scan3A_70 : i32 to index
      %swap3A_151 = arith.constant 32 : index
      %swap3A_152 = tpu.vector_load %arg7[%swap3A_150, %swap3A_151] {strides = array<i32>} : memref<32x128xf32, #tpu.memory_space<vmem>>, vector<1x16xf32>,
      %swap3A_153 = vector.shape_cast %swap3A_152 : vector<1x16xf32> to vector<16xf32>
      %swap3A_154 = vector.shape_cast %mul3A_149 : vector<16xf32> to vector<1x16xf32>
      tpu.vector_store %arg7[%swap3A_150, %swap3A_151], %swap3A_154 {strides = array<i32>} : memref<32x128xf32, #tpu.memory_space<vmem>>, vector<1x16xf32>,
      %add3A_155 = arith.constant 23 : i32
      %add3A_156 = arith.addi %mul3A_72, %add3A_155 : i32
      %get3A_157 = arith.index_cast %add3A_156 : i32 to index
      %get3A_158 = arith.constant 0 : index
      %get3A_159 = tpu.vector_load %arg6[%get3A_157, %get3A_158] {strides = array<i32>} : memref<832x16xf32, #tpu.memory_space<vmem>>, vector<1x16xf32>,
      %get3A_160 = vector.shape_cast %get3A_159 : vector<1x16xf32> to vector<16xf32>
      %add3A_161 = arith.constant 3 : i32
      %add3A_162 = arith.addi %mul3A_72, %add3A_161 : i32
      %get3A_163 = arith.index_cast %add3A_162 : i32 to index
      %get3A_164 = arith.constant 0 : index
      %get3A_165 = tpu.vector_load %arg6[%get3A_163, %get3A_164] {strides = array<i32>} : memref<832x16xf32, #tpu.memory_space<vmem>>, vector<1x16xf32>,
      %get3A_166 = vector.shape_cast %get3A_165 : vector<1x16xf32> to vector<16xf32>
      %add3A_167 = arith.addf %get3A_160, %get3A_166 : vector<16xf32>
      %add3A_168 = arith.constant 21 : i32
      %add3A_169 = arith.addi %mul3A_72, %add3A_168 : i32
      %get3A_170 = arith.index_cast %add3A_169 : i32 to index
      %get3A_171 = arith.constant 0 : index
      %get3A_172 = tpu.vector_load %arg6[%get3A_170, %get3A_171] {strides = array<i32>} : memref<832x16xf32, #tpu.memory_space<vmem>>, vector<1x16xf32>,
      %get3A_173 = vector.shape_cast %get3A_172 : vector<1x16xf32> to vector<16xf32>
      %add3A_174 = arith.addf %add3A_167, %get3A_173 : vector<16xf32>
      %add3A_175 = arith.constant 8 : i32
      %add3A_176 = arith.addi %mul3A_72, %add3A_175 : i32
      %get3A_177 = arith.index_cast %add3A_176 : i32 to index
      %get3A_178 = arith.constant 0 : index
      %get3A_179 = tpu.vector_load %arg6[%get3A_177, %get3A_178] {strides = array<i32>} : memref<832x16xf32, #tpu.memory_space<vmem>>, vector<1x16xf32>,
      %get3A_180 = vector.shape_cast %get3A_179 : vector<1x16xf32> to vector<16xf32>
      %add3A_181 = arith.addf %add3A_174, %get3A_180 : vector<16xf32>
      %mul3A_182 = arith.constant 2.500000e-01 : f32
      %mul3A_183 = vector.broadcast %mul3A_182 : f32 to vector<16xf32>
      %mul3A_184 = arith.mulf %add3A_181, %mul3A_183 : vector<16xf32>
      %swap3A_185 = arith.index_cast %scan3A_70 : i32 to index
      %swap3A_186 = arith.constant 48 : index
      %swap3A_187 = tpu.vector_load %arg7[%swap3A_185, %swap3A_186] {strides = array<i32>} : memref<32x128xf32, #tpu.memory_space<vmem>>, vector<1x16xf32>,
      %swap3A_188 = vector.shape_cast %swap3A_187 : vector<1x16xf32> to vector<16xf32>
      %swap3A_189 = vector.shape_cast %mul3A_184 : vector<16xf32> to vector<1x16xf32>
      tpu.vector_store %arg7[%swap3A_185, %swap3A_186], %swap3A_189 {strides = array<i32>} : memref<32x128xf32, #tpu.memory_space<vmem>>, vector<1x16xf32>,
      %add3A_190 = arith.constant 0 : i32
      %add3A_191 = arith.addi %mul3A_72, %add3A_190 : i32
      %get3A_192 = arith.index_cast %add3A_191 : i32 to index
      %get3A_193 = arith.constant 0 : index
      %get3A_194 = tpu.vector_load %arg6[%get3A_192, %get3A_193] {strides = array<i32>} : memref<832x16xf32, #tpu.memory_space<vmem>>, vector<1x16xf32>,
      %get3A_195 = vector.shape_cast %get3A_194 : vector<1x16xf32> to vector<16xf32>
      %add3A_196 = arith.constant 20 : i32
      %add3A_197 = arith.addi %mul3A_72, %add3A_196 : i32
      %get3A_198 = arith.index_cast %add3A_197 : i32 to index
      %get3A_199 = arith.constant 0 : index
      %get3A_200 = tpu.vector_load %arg6[%get3A_198, %get3A_199] {strides = array<i32>} : memref<832x16xf32, #tpu.memory_space<vmem>>, vector<1x16xf32>,
      %get3A_201 = vector.shape_cast %get3A_200 : vector<1x16xf32> to vector<16xf32>
      %add3A_202 = arith.addf %get3A_195, %get3A_201 : vector<16xf32>
      %add3A_203 = arith.constant 12 : i32
      %add3A_204 = arith.addi %mul3A_72, %add3A_203 : i32
      %get3A_205 = arith.index_cast %add3A_204 : i32 to index
      %get3A_206 = arith.constant 0 : index
      %get3A_207 = tpu.vector_load %arg6[%get3A_205, %get3A_206] {strides = array<i32>} : memref<832x16xf32, #tpu.memory_space<vmem>>, vector<1x16xf32>,
      %get3A_208 = vector.shape_cast %get3A_207 : vector<1x16xf32> to vector<16xf32>
      %add3A_209 = arith.addf %add3A_202, %get3A_208 : vector<16xf32>
      %mul3A_210 = arith.constant 0.333333343 : f32
      %mul3A_211 = vector.broadcast %mul3A_210 : f32 to vector<16xf32>
      %mul3A_212 = arith.mulf %add3A_209, %mul3A_211 : vector<16xf32>
      %swap3A_213 = arith.index_cast %scan3A_70 : i32 to index
      %swap3A_214 = arith.constant 64 : index
      %swap3A_215 = tpu.vector_load %arg7[%swap3A_213, %swap3A_214] {strides = array<i32>} : memref<32x128xf32, #tpu.memory_space<vmem>>, vector<1x16xf32>,
      %swap3A_216 = vector.shape_cast %swap3A_215 : vector<1x16xf32> to vector<16xf32>
      %swap3A_217 = vector.shape_cast %mul3A_212 : vector<16xf32> to vector<1x16xf32>
      tpu.vector_store %arg7[%swap3A_213, %swap3A_214], %swap3A_217 {strides = array<i32>} : memref<32x128xf32, #tpu.memory_space<vmem>>, vector<1x16xf32>,
      %add3A_218 = arith.constant 18 : i32
      %add3A_219 = arith.addi %mul3A_72, %add3A_218 : i32
      %get3A_220 = arith.index_cast %add3A_219 : i32 to index
      %get3A_221 = arith.constant 0 : index
      %get3A_222 = tpu.vector_load %arg6[%get3A_220, %get3A_221] {strides = array<i32>} : memref<832x16xf32, #tpu.memory_space<vmem>>, vector<1x16xf32>,
      %get3A_223 = vector.shape_cast %get3A_222 : vector<1x16xf32> to vector<16xf32>
      %add3A_224 = arith.constant 13 : i32
      %add3A_225 = arith.addi %mul3A_72, %add3A_224 : i32
      %get3A_226 = arith.index_cast %add3A_225 : i32 to index
      %get3A_227 = arith.constant 0 : index
      %get3A_228 = tpu.vector_load %arg6[%get3A_226, %get3A_227] {strides = array<i32>} : memref<832x16xf32, #tpu.memory_space<vmem>>, vector<1x16xf32>,
      %get3A_229 = vector.shape_cast %get3A_228 : vector<1x16xf32> to vector<16xf32>
      %add3A_230 = arith.addf %get3A_223, %get3A_229 : vector<16xf32>
      %add3A_231 = arith.constant 7 : i32
      %add3A_232 = arith.addi %mul3A_72, %add3A_231 : i32
      %get3A_233 = arith.index_cast %add3A_232 : i32 to index
      %get3A_234 = arith.constant 0 : index
      %get3A_235 = tpu.vector_load %arg6[%get3A_233, %get3A_234] {strides = array<i32>} : memref<832x16xf32, #tpu.memory_space<vmem>>, vector<1x16xf32>,
      %get3A_236 = vector.shape_cast %get3A_235 : vector<1x16xf32> to vector<16xf32>
      %add3A_237 = arith.addf %add3A_230, %get3A_236 : vector<16xf32>
      %mul3A_238 = arith.constant 0.333333343 : f32
      %mul3A_239 = vector.broadcast %mul3A_238 : f32 to vector<16xf32>
      %mul3A_240 = arith.mulf %add3A_237, %mul3A_239 : vector<16xf32>
      %swap3A_241 = arith.index_cast %scan3A_70 : i32 to index
      %swap3A_242 = arith.constant 80 : index
      %swap3A_243 = tpu.vector_load %arg7[%swap3A_241, %swap3A_242] {strides = array<i32>} : memref<32x128xf32, #tpu.memory_space<vmem>>, vector<1x16xf32>,
      %swap3A_244 = vector.shape_cast %swap3A_243 : vector<1x16xf32> to vector<16xf32>
      %swap3A_245 = vector.shape_cast %mul3A_240 : vector<16xf32> to vector<1x16xf32>
      tpu.vector_store %arg7[%swap3A_241, %swap3A_242], %swap3A_245 {strides = array<i32>} : memref<32x128xf32, #tpu.memory_space<vmem>>, vector<1x16xf32>,
      %add3A_246 = arith.constant 5 : i32
      %add3A_247 = arith.addi %mul3A_72, %add3A_246 : i32
      %get3A_248 = arith.index_cast %add3A_247 : i32 to index
      %get3A_249 = arith.constant 0 : index
      %get3A_250 = tpu.vector_load %arg6[%get3A_248, %get3A_249] {strides = array<i32>} : memref<832x16xf32, #tpu.memory_space<vmem>>, vector<1x16xf32>,
      %get3A_251 = vector.shape_cast %get3A_250 : vector<1x16xf32> to vector<16xf32>
      %add3A_252 = arith.constant 17 : i32
      %add3A_253 = arith.addi %mul3A_72, %add3A_252 : i32
      %get3A_254 = arith.index_cast %add3A_253 : i32 to index
      %get3A_255 = arith.constant 0 : index
      %get3A_256 = tpu.vector_load %arg6[%get3A_254, %get3A_255] {strides = array<i32>} : memref<832x16xf32, #tpu.memory_space<vmem>>, vector<1x16xf32>,
      %get3A_257 = vector.shape_cast %get3A_256 : vector<1x16xf32> to vector<16xf32>
      %add3A_258 = arith.addf %get3A_251, %get3A_257 : vector<16xf32>
      %add3A_259 = arith.constant 14 : i32
      %add3A_260 = arith.addi %mul3A_72, %add3A_259 : i32
      %get3A_261 = arith.index_cast %add3A_260 : i32 to index
      %get3A_262 = arith.constant 0 : index
      %get3A_263 = tpu.vector_load %arg6[%get3A_261, %get3A_262] {strides = array<i32>} : memref<832x16xf32, #tpu.memory_space<vmem>>, vector<1x16xf32>,
      %get3A_264 = vector.shape_cast %get3A_263 : vector<1x16xf32> to vector<16xf32>
      %add3A_265 = arith.addf %add3A_258, %get3A_264 : vector<16xf32>
      %mul3A_266 = arith.constant 0.333333343 : f32
      %mul3A_267 = vector.broadcast %mul3A_266 : f32 to vector<16xf32>
      %mul3A_268 = arith.mulf %add3A_265, %mul3A_267 : vector<16xf32>
      %swap3A_269 = arith.index_cast %scan3A_70 : i32 to index
      %swap3A_270 = arith.constant 96 : index
      %swap3A_271 = tpu.vector_load %arg7[%swap3A_269, %swap3A_270] {strides = array<i32>} : memref<32x128xf32, #tpu.memory_space<vmem>>, vector<1x16xf32>,
      %swap3A_272 = vector.shape_cast %swap3A_271 : vector<1x16xf32> to vector<16xf32>
      %swap3A_273 = vector.shape_cast %mul3A_268 : vector<16xf32> to vector<1x16xf32>
      tpu.vector_store %arg7[%swap3A_269, %swap3A_270], %swap3A_273 {strides = array<i32>} : memref<32x128xf32, #tpu.memory_space<vmem>>, vector<1x16xf32>,
      %add3A_274 = arith.constant 22 : i32
      %add3A_275 = arith.addi %mul3A_72, %add3A_274 : i32
      %get3A_276 = arith.index_cast %add3A_275 : i32 to index
      %get3A_277 = arith.constant 0 : index
      %get3A_278 = tpu.vector_load %arg6[%get3A_276, %get3A_277] {strides = array<i32>} : memref<832x16xf32, #tpu.memory_space<vmem>>, vector<1x16xf32>,
      %get3A_279 = vector.shape_cast %get3A_278 : vector<1x16xf32> to vector<16xf32>
      %add3A_280 = arith.constant 9 : i32
      %add3A_281 = arith.addi %mul3A_72, %add3A_280 : i32
      %get3A_282 = arith.index_cast %add3A_281 : i32 to index
      %get3A_283 = arith.constant 0 : index
      %get3A_284 = tpu.vector_load %arg6[%get3A_282, %get3A_283] {strides = array<i32>} : memref<832x16xf32, #tpu.memory_space<vmem>>, vector<1x16xf32>,
      %get3A_285 = vector.shape_cast %get3A_284 : vector<1x16xf32> to vector<16xf32>
      %add3A_286 = arith.addf %get3A_279, %get3A_285 : vector<16xf32>
      %add3A_287 = arith.constant 1 : i32
      %add3A_288 = arith.addi %mul3A_72, %add3A_287 : i32
      %get3A_289 = arith.index_cast %add3A_288 : i32 to index
      %get3A_290 = arith.constant 0 : index
      %get3A_291 = tpu.vector_load %arg6[%get3A_289, %get3A_290] {strides = array<i32>} : memref<832x16xf32, #tpu.memory_space<vmem>>, vector<1x16xf32>,
      %get3A_292 = vector.shape_cast %get3A_291 : vector<1x16xf32> to vector<16xf32>
      %add3A_293 = arith.addf %add3A_286, %get3A_292 : vector<16xf32>
      %add3A_294 = arith.constant 15 : i32
      %add3A_295 = arith.addi %mul3A_72, %add3A_294 : i32
      %get3A_296 = arith.index_cast %add3A_295 : i32 to index
      %get3A_297 = arith.constant 0 : index
      %get3A_298 = tpu.vector_load %arg6[%get3A_296, %get3A_297] {strides = array<i32>} : memref<832x16xf32, #tpu.memory_space<vmem>>, vector<1x16xf32>,
      %get3A_299 = vector.shape_cast %get3A_298 : vector<1x16xf32> to vector<16xf32>
      %add3A_300 = arith.addf %add3A_293, %get3A_299 : vector<16xf32>
      %mul3A_301 = arith.constant 2.500000e-01 : f32
      %mul3A_302 = vector.broadcast %mul3A_301 : f32 to vector<16xf32>
      %mul3A_303 = arith.mulf %add3A_300, %mul3A_302 : vector<16xf32>
      %swap3A_304 = arith.index_cast %scan3A_70 : i32 to index
      %swap3A_305 = arith.constant 112 : index
      %swap3A_306 = tpu.vector_load %arg7[%swap3A_304, %swap3A_305] {strides = array<i32>} : memref<32x128xf32, #tpu.memory_space<vmem>>, vector<1x16xf32>,
      %swap3A_307 = vector.shape_cast %swap3A_306 : vector<1x16xf32> to vector<16xf32>
      %swap3A_308 = vector.shape_cast %mul3A_303 : vector<16xf32> to vector<1x16xf32>
      tpu.vector_store %arg7[%swap3A_304, %swap3A_305], %swap3A_308 {strides = array<i32>} : memref<32x128xf32, #tpu.memory_space<vmem>>, vector<1x16xf32>,
    }
    %scan3A_51 = arith.constant 32 : i32
    "tpu.region"() ({
      %run_scoped3A = tpu.sem_alloc : memref<!tpu.dma_semaphore, #tpu.memory_space<semaphore_mem>>
      %dma_start3A_70 = arith.constant 0 : i32
      %dma_start3A_71 = tpu.memref_slice %arg4[%add3A_37, %dma_start3A_70] : memref<4096x128xf32, #tpu.memory_space<hbm>> -> memref<32x128xf32, #tpu.memory_space<hbm>>
      %dma_start3A_72 = arith.constant 0 : i32
      %dma_start3A_73 = tpu.memref_slice %arg4[%add3A_37, %dma_start3A_72] : memref<4096x128xf32, #tpu.memory_space<hbm>> -> memref<32x128xf32, #tpu.memory_space<hbm>>
      tpu.enqueue_dma source(%arg7 : memref<32x128xf32, #tpu.memory_space<vmem>>) target(%dma_start3A_73 : memref<32x128xf32, #tpu.memory_space<hbm>>) target_semaphore(%run_scoped3A : memref<!tpu.dma_semaphore, #tpu.memory_space<semaphore_mem>>)
      %dma_wait3A_74 = arith.constant 0 : i32
      %dma_wait3A_75 = tpu.memref_slice %arg4[%add3A_37, %dma_wait3A_74] : memref<4096x128xf32, #tpu.memory_space<hbm>> -> memref<32x128xf32, #tpu.memory_space<hbm>>
      %dma_wait3A_76 = arith.constant 0 : i32
      %dma_wait3A_77 = tpu.memref_slice %arg4[%add3A_37, %dma_wait3A_76] : memref<4096x128xf32, #tpu.memory_space<hbm>> -> memref<32x128xf32, #tpu.memory_space<hbm>>
      tpu.wait_dma2 semaphore(%run_scoped3A : memref<!tpu.dma_semaphore, #tpu.memory_space<semaphore_mem>>) src(%arg7 : memref<32x128xf32, #tpu.memory_space<vmem>>) dst(%dma_wait3A_77 : memref<32x128xf32, #tpu.memory_space<hbm>>)
      tpu.yield
    }) : () -> ()
    %mul3A_52 = arith.constant 128 : i32
    %mul3A_53 = arith.muli %add3A, %mul3A_52 : i32
    %add3A_54 = arith.constant 96 : i32
    %add3A_55 = arith.addi %mul3A_53, %add3A_54 : i32
    %mul3A_56 = arith.constant 26 : i32
    %mul3A_57 = arith.muli %add3A_55, %mul3A_56 : i32
    "tpu.region"() ({
      %run_scoped3A = tpu.sem_alloc : memref<!tpu.dma_semaphore, #tpu.memory_space<semaphore_mem>>
      %dma_start3A_70 = tpu.memref_slice %arg2[%mul3A_57] : memref<106496xi32, #tpu.memory_space<hbm>> -> memref<832xi32, #tpu.memory_space<hbm>>
      %dma_start3A_71 = tpu.memref_slice %arg2[%mul3A_57] : memref<106496xi32, #tpu.memory_space<hbm>> -> memref<832xi32, #tpu.memory_space<hbm>>
      tpu.enqueue_dma source(%dma_start3A_71 : memref<832xi32, #tpu.memory_space<hbm>>) target(%arg5 : memref<832xi32, #tpu.memory_space<vmem>>) target_semaphore(%run_scoped3A : memref<!tpu.dma_semaphore, #tpu.memory_space<semaphore_mem>>)
      %dma_wait3A_72 = tpu.memref_slice %arg2[%mul3A_57] : memref<106496xi32, #tpu.memory_space<hbm>> -> memref<832xi32, #tpu.memory_space<hbm>>
      %dma_wait3A_73 = tpu.memref_slice %arg2[%mul3A_57] : memref<106496xi32, #tpu.memory_space<hbm>> -> memref<832xi32, #tpu.memory_space<hbm>>
      tpu.wait_dma2 semaphore(%run_scoped3A : memref<!tpu.dma_semaphore, #tpu.memory_space<semaphore_mem>>) src(%dma_wait3A_73 : memref<832xi32, #tpu.memory_space<hbm>>) dst(%arg5 : memref<832xi32, #tpu.memory_space<vmem>>)
      tpu.yield
    }) : () -> ()
    %dma_start3A_58 = arith.constant 0 : i32
    %dma_start3A_59 = arith.constant 0 : i32
    %dma_start3A_60 = tpu.memref_slice %arg3[%dma_start3A_58, %dma_start3A_59] : memref<2609152x16xf32, #tpu.memory_space<hbm>> -> memref<2609152x16xf32, #tpu.memory_space<hbm>>
    tpu.enqueue_indirect_dma source(%dma_start3A_60 : memref<2609152x16xf32, #tpu.memory_space<hbm>>) target(%arg6 : memref<832x16xf32, #tpu.memory_space<vmem>>) offsets(%arg5 : memref<832xi32, #tpu.memory_space<vmem>>) semaphore(%arg8 : memref<!tpu.dma_semaphore, #tpu.memory_space<semaphore_mem>>)
    %dma_wait3A_61 = arith.constant 0 : i32
    %dma_wait3A_62 = arith.constant 0 : i32
    %dma_wait3A_63 = tpu.memref_slice %arg3[%dma_wait3A_61, %dma_wait3A_62] : memref<2609152x16xf32, #tpu.memory_space<hbm>> -> memref<2609152x16xf32, #tpu.memory_space<hbm>>
    tpu.wait_indirect_dma semaphore(%arg8 : memref<!tpu.dma_semaphore, #tpu.memory_space<semaphore_mem>>) src(%dma_wait3A_63 : memref<2609152x16xf32, #tpu.memory_space<hbm>>) dst(%arg6 : memref<832x16xf32, #tpu.memory_space<vmem>>)
    %scan3A_64 = arith.constant 0 : i32
    %scan3A_65 = arith.constant 0 : i32
    %scan3A_66 = arith.constant 32 : i32
    %scan3A_67 = arith.addi %scan3A_65, %scan3A_66 : i32
    %scan3A_68 = arith.constant 1 : i32
    scf.for %scan3A_70 = %scan3A_65 to %scan3A_67 step %scan3A_68  : i32 {
      %mul3A_71 = arith.constant 26 : i32
      %mul3A_72 = arith.muli %scan3A_70, %mul3A_71 : i32
      %add3A_73 = arith.constant 19 : i32
      %add3A_74 = arith.addi %mul3A_72, %add3A_73 : i32
      %get3A = arith.index_cast %add3A_74 : i32 to index
      %get3A_75 = arith.constant 0 : index
      %get3A_76 = tpu.vector_load %arg6[%get3A, %get3A_75] {strides = array<i32>} : memref<832x16xf32, #tpu.memory_space<vmem>>, vector<1x16xf32>,
      %get3A_77 = vector.shape_cast %get3A_76 : vector<1x16xf32> to vector<16xf32>
      %add3A_78 = arith.constant 4 : i32
      %add3A_79 = arith.addi %mul3A_72, %add3A_78 : i32
      %get3A_80 = arith.index_cast %add3A_79 : i32 to index
      %get3A_81 = arith.constant 0 : index
      %get3A_82 = tpu.vector_load %arg6[%get3A_80, %get3A_81] {strides = array<i32>} : memref<832x16xf32, #tpu.memory_space<vmem>>, vector<1x16xf32>,
      %get3A_83 = vector.shape_cast %get3A_82 : vector<1x16xf32> to vector<16xf32>
      %add3A_84 = arith.addf %get3A_77, %get3A_83 : vector<16xf32>
      %add3A_85 = arith.constant 10 : i32
      %add3A_86 = arith.addi %mul3A_72, %add3A_85 : i32
      %get3A_87 = arith.index_cast %add3A_86 : i32 to index
      %get3A_88 = arith.constant 0 : index
      %get3A_89 = tpu.vector_load %arg6[%get3A_87, %get3A_88] {strides = array<i32>} : memref<832x16xf32, #tpu.memory_space<vmem>>, vector<1x16xf32>,
      %get3A_90 = vector.shape_cast %get3A_89 : vector<1x16xf32> to vector<16xf32>
      %add3A_91 = arith.addf %add3A_84, %get3A_90 : vector<16xf32>
      %mul3A_92 = arith.constant 0.333333343 : f32
      %mul3A_93 = vector.broadcast %mul3A_92 : f32 to vector<16xf32>
      %mul3A_94 = arith.mulf %add3A_91, %mul3A_93 : vector<16xf32>
      %swap3A = arith.index_cast %scan3A_70 : i32 to index
      %swap3A_95 = arith.constant 0 : index
      %swap3A_96 = tpu.vector_load %arg7[%swap3A, %swap3A_95] {strides = array<i32>} : memref<32x128xf32, #tpu.memory_space<vmem>>, vector<1x16xf32>,
      %swap3A_97 = vector.shape_cast %swap3A_96 : vector<1x16xf32> to vector<16xf32>
      %swap3A_98 = vector.shape_cast %mul3A_94 : vector<16xf32> to vector<1x16xf32>
      tpu.vector_store %arg7[%swap3A, %swap3A_95], %swap3A_98 {strides = array<i32>} : memref<32x128xf32, #tpu.memory_space<vmem>>, vector<1x16xf32>,
      %add3A_99 = arith.constant 11 : i32
      %add3A_100 = arith.addi %mul3A_72, %add3A_99 : i32
      %get3A_101 = arith.index_cast %add3A_100 : i32 to index
      %get3A_102 = arith.constant 0 : index
      %get3A_103 = tpu.vector_load %arg6[%get3A_101, %get3A_102] {strides = array<i32>} : memref<832x16xf32, #tpu.memory_space<vmem>>, vector<1x16xf32>,
      %get3A_104 = vector.shape_cast %get3A_103 : vector<1x16xf32> to vector<16xf32>
      %add3A_105 = arith.constant 25 : i32
      %add3A_106 = arith.addi %mul3A_72, %add3A_105 : i32
      %get3A_107 = arith.index_cast %add3A_106 : i32 to index
      %get3A_108 = arith.constant 0 : index
      %get3A_109 = tpu.vector_load %arg6[%get3A_107, %get3A_108] {strides = array<i32>} : memref<832x16xf32, #tpu.memory_space<vmem>>, vector<1x16xf32>,
      %get3A_110 = vector.shape_cast %get3A_109 : vector<1x16xf32> to vector<16xf32>
      %add3A_111 = arith.addf %get3A_104, %get3A_110 : vector<16xf32>
      %add3A_112 = arith.constant 2 : i32
      %add3A_113 = arith.addi %mul3A_72, %add3A_112 : i32
      %get3A_114 = arith.index_cast %add3A_113 : i32 to index
      %get3A_115 = arith.constant 0 : index
      %get3A_116 = tpu.vector_load %arg6[%get3A_114, %get3A_115] {strides = array<i32>} : memref<832x16xf32, #tpu.memory_space<vmem>>, vector<1x16xf32>,
      %get3A_117 = vector.shape_cast %get3A_116 : vector<1x16xf32> to vector<16xf32>
      %add3A_118 = arith.addf %add3A_111, %get3A_117 : vector<16xf32>
      %mul3A_119 = arith.constant 0.333333343 : f32
      %mul3A_120 = vector.broadcast %mul3A_119 : f32 to vector<16xf32>
      %mul3A_121 = arith.mulf %add3A_118, %mul3A_120 : vector<16xf32>
      %swap3A_122 = arith.index_cast %scan3A_70 : i32 to index
      %swap3A_123 = arith.constant 16 : index
      %swap3A_124 = tpu.vector_load %arg7[%swap3A_122, %swap3A_123] {strides = array<i32>} : memref<32x128xf32, #tpu.memory_space<vmem>>, vector<1x16xf32>,
      %swap3A_125 = vector.shape_cast %swap3A_124 : vector<1x16xf32> to vector<16xf32>
      %swap3A_126 = vector.shape_cast %mul3A_121 : vector<16xf32> to vector<1x16xf32>
      tpu.vector_store %arg7[%swap3A_122, %swap3A_123], %swap3A_126 {strides = array<i32>} : memref<32x128xf32, #tpu.memory_space<vmem>>, vector<1x16xf32>,
      %add3A_127 = arith.constant 24 : i32
      %add3A_128 = arith.addi %mul3A_72, %add3A_127 : i32
      %get3A_129 = arith.index_cast %add3A_128 : i32 to index
      %get3A_130 = arith.constant 0 : index
      %get3A_131 = tpu.vector_load %arg6[%get3A_129, %get3A_130] {strides = array<i32>} : memref<832x16xf32, #tpu.memory_space<vmem>>, vector<1x16xf32>,
      %get3A_132 = vector.shape_cast %get3A_131 : vector<1x16xf32> to vector<16xf32>
      %add3A_133 = arith.constant 6 : i32
      %add3A_134 = arith.addi %mul3A_72, %add3A_133 : i32
      %get3A_135 = arith.index_cast %add3A_134 : i32 to index
      %get3A_136 = arith.constant 0 : index
      %get3A_137 = tpu.vector_load %arg6[%get3A_135, %get3A_136] {strides = array<i32>} : memref<832x16xf32, #tpu.memory_space<vmem>>, vector<1x16xf32>,
      %get3A_138 = vector.shape_cast %get3A_137 : vector<1x16xf32> to vector<16xf32>
      %add3A_139 = arith.addf %get3A_132, %get3A_138 : vector<16xf32>
      %add3A_140 = arith.constant 16 : i32
      %add3A_141 = arith.addi %mul3A_72, %add3A_140 : i32
      %get3A_142 = arith.index_cast %add3A_141 : i32 to index
      %get3A_143 = arith.constant 0 : index
      %get3A_144 = tpu.vector_load %arg6[%get3A_142, %get3A_143] {strides = array<i32>} : memref<832x16xf32, #tpu.memory_space<vmem>>, vector<1x16xf32>,
      %get3A_145 = vector.shape_cast %get3A_144 : vector<1x16xf32> to vector<16xf32>
      %add3A_146 = arith.addf %add3A_139, %get3A_145 : vector<16xf32>
      %mul3A_147 = arith.constant 0.333333343 : f32
      %mul3A_148 = vector.broadcast %mul3A_147 : f32 to vector<16xf32>
      %mul3A_149 = arith.mulf %add3A_146, %mul3A_148 : vector<16xf32>
      %swap3A_150 = arith.index_cast %scan3A_70 : i32 to index
      %swap3A_151 = arith.constant 32 : index
      %swap3A_152 = tpu.vector_load %arg7[%swap3A_150, %swap3A_151] {strides = array<i32>} : memref<32x128xf32, #tpu.memory_space<vmem>>, vector<1x16xf32>,
      %swap3A_153 = vector.shape_cast %swap3A_152 : vector<1x16xf32> to vector<16xf32>
      %swap3A_154 = vector.shape_cast %mul3A_149 : vector<16xf32> to vector<1x16xf32>
      tpu.vector_store %arg7[%swap3A_150, %swap3A_151], %swap3A_154 {strides = array<i32>} : memref<32x128xf32, #tpu.memory_space<vmem>>, vector<1x16xf32>,
      %add3A_155 = arith.constant 23 : i32
      %add3A_156 = arith.addi %mul3A_72, %add3A_155 : i32
      %get3A_157 = arith.index_cast %add3A_156 : i32 to index
      %get3A_158 = arith.constant 0 : index
      %get3A_159 = tpu.vector_load %arg6[%get3A_157, %get3A_158] {strides = array<i32>} : memref<832x16xf32, #tpu.memory_space<vmem>>, vector<1x16xf32>,
      %get3A_160 = vector.shape_cast %get3A_159 : vector<1x16xf32> to vector<16xf32>
      %add3A_161 = arith.constant 3 : i32
      %add3A_162 = arith.addi %mul3A_72, %add3A_161 : i32
      %get3A_163 = arith.index_cast %add3A_162 : i32 to index
      %get3A_164 = arith.constant 0 : index
      %get3A_165 = tpu.vector_load %arg6[%get3A_163, %get3A_164] {strides = array<i32>} : memref<832x16xf32, #tpu.memory_space<vmem>>, vector<1x16xf32>,
      %get3A_166 = vector.shape_cast %get3A_165 : vector<1x16xf32> to vector<16xf32>
      %add3A_167 = arith.addf %get3A_160, %get3A_166 : vector<16xf32>
      %add3A_168 = arith.constant 21 : i32
      %add3A_169 = arith.addi %mul3A_72, %add3A_168 : i32
      %get3A_170 = arith.index_cast %add3A_169 : i32 to index
      %get3A_171 = arith.constant 0 : index
      %get3A_172 = tpu.vector_load %arg6[%get3A_170, %get3A_171] {strides = array<i32>} : memref<832x16xf32, #tpu.memory_space<vmem>>, vector<1x16xf32>,
      %get3A_173 = vector.shape_cast %get3A_172 : vector<1x16xf32> to vector<16xf32>
      %add3A_174 = arith.addf %add3A_167, %get3A_173 : vector<16xf32>
      %add3A_175 = arith.constant 8 : i32
      %add3A_176 = arith.addi %mul3A_72, %add3A_175 : i32
      %get3A_177 = arith.index_cast %add3A_176 : i32 to index
      %get3A_178 = arith.constant 0 : index
      %get3A_179 = tpu.vector_load %arg6[%get3A_177, %get3A_178] {strides = array<i32>} : memref<832x16xf32, #tpu.memory_space<vmem>>, vector<1x16xf32>,
      %get3A_180 = vector.shape_cast %get3A_179 : vector<1x16xf32> to vector<16xf32>
      %add3A_181 = arith.addf %add3A_174, %get3A_180 : vector<16xf32>
      %mul3A_182 = arith.constant 2.500000e-01 : f32
      %mul3A_183 = vector.broadcast %mul3A_182 : f32 to vector<16xf32>
      %mul3A_184 = arith.mulf %add3A_181, %mul3A_183 : vector<16xf32>
      %swap3A_185 = arith.index_cast %scan3A_70 : i32 to index
      %swap3A_186 = arith.constant 48 : index
      %swap3A_187 = tpu.vector_load %arg7[%swap3A_185, %swap3A_186] {strides = array<i32>} : memref<32x128xf32, #tpu.memory_space<vmem>>, vector<1x16xf32>,
      %swap3A_188 = vector.shape_cast %swap3A_187 : vector<1x16xf32> to vector<16xf32>
      %swap3A_189 = vector.shape_cast %mul3A_184 : vector<16xf32> to vector<1x16xf32>
      tpu.vector_store %arg7[%swap3A_185, %swap3A_186], %swap3A_189 {strides = array<i32>} : memref<32x128xf32, #tpu.memory_space<vmem>>, vector<1x16xf32>,
      %add3A_190 = arith.constant 0 : i32
      %add3A_191 = arith.addi %mul3A_72, %add3A_190 : i32
      %get3A_192 = arith.index_cast %add3A_191 : i32 to index
      %get3A_193 = arith.constant 0 : index
      %get3A_194 = tpu.vector_load %arg6[%get3A_192, %get3A_193] {strides = array<i32>} : memref<832x16xf32, #tpu.memory_space<vmem>>, vector<1x16xf32>,
      %get3A_195 = vector.shape_cast %get3A_194 : vector<1x16xf32> to vector<16xf32>
      %add3A_196 = arith.constant 20 : i32
      %add3A_197 = arith.addi %mul3A_72, %add3A_196 : i32
      %get3A_198 = arith.index_cast %add3A_197 : i32 to index
      %get3A_199 = arith.constant 0 : index
      %get3A_200 = tpu.vector_load %arg6[%get3A_198, %get3A_199] {strides = array<i32>} : memref<832x16xf32, #tpu.memory_space<vmem>>, vector<1x16xf32>,
      %get3A_201 = vector.shape_cast %get3A_200 : vector<1x16xf32> to vector<16xf32>
      %add3A_202 = arith.addf %get3A_195, %get3A_201 : vector<16xf32>
      %add3A_203 = arith.constant 12 : i32
      %add3A_204 = arith.addi %mul3A_72, %add3A_203 : i32
      %get3A_205 = arith.index_cast %add3A_204 : i32 to index
      %get3A_206 = arith.constant 0 : index
      %get3A_207 = tpu.vector_load %arg6[%get3A_205, %get3A_206] {strides = array<i32>} : memref<832x16xf32, #tpu.memory_space<vmem>>, vector<1x16xf32>,
      %get3A_208 = vector.shape_cast %get3A_207 : vector<1x16xf32> to vector<16xf32>
      %add3A_209 = arith.addf %add3A_202, %get3A_208 : vector<16xf32>
      %mul3A_210 = arith.constant 0.333333343 : f32
      %mul3A_211 = vector.broadcast %mul3A_210 : f32 to vector<16xf32>
      %mul3A_212 = arith.mulf %add3A_209, %mul3A_211 : vector<16xf32>
      %swap3A_213 = arith.index_cast %scan3A_70 : i32 to index
      %swap3A_214 = arith.constant 64 : index
      %swap3A_215 = tpu.vector_load %arg7[%swap3A_213, %swap3A_214] {strides = array<i32>} : memref<32x128xf32, #tpu.memory_space<vmem>>, vector<1x16xf32>,
      %swap3A_216 = vector.shape_cast %swap3A_215 : vector<1x16xf32> to vector<16xf32>
      %swap3A_217 = vector.shape_cast %mul3A_212 : vector<16xf32> to vector<1x16xf32>
      tpu.vector_store %arg7[%swap3A_213, %swap3A_214], %swap3A_217 {strides = array<i32>} : memref<32x128xf32, #tpu.memory_space<vmem>>, vector<1x16xf32>,
      %add3A_218 = arith.constant 18 : i32
      %add3A_219 = arith.addi %mul3A_72, %add3A_218 : i32
      %get3A_220 = arith.index_cast %add3A_219 : i32 to index
      %get3A_221 = arith.constant 0 : index
      %get3A_222 = tpu.vector_load %arg6[%get3A_220, %get3A_221] {strides = array<i32>} : memref<832x16xf32, #tpu.memory_space<vmem>>, vector<1x16xf32>,
      %get3A_223 = vector.shape_cast %get3A_222 : vector<1x16xf32> to vector<16xf32>
      %add3A_224 = arith.constant 13 : i32
      %add3A_225 = arith.addi %mul3A_72, %add3A_224 : i32
      %get3A_226 = arith.index_cast %add3A_225 : i32 to index
      %get3A_227 = arith.constant 0 : index
      %get3A_228 = tpu.vector_load %arg6[%get3A_226, %get3A_227] {strides = array<i32>} : memref<832x16xf32, #tpu.memory_space<vmem>>, vector<1x16xf32>,
      %get3A_229 = vector.shape_cast %get3A_228 : vector<1x16xf32> to vector<16xf32>
      %add3A_230 = arith.addf %get3A_223, %get3A_229 : vector<16xf32>
      %add3A_231 = arith.constant 7 : i32
      %add3A_232 = arith.addi %mul3A_72, %add3A_231 : i32
      %get3A_233 = arith.index_cast %add3A_232 : i32 to index
      %get3A_234 = arith.constant 0 : index
      %get3A_235 = tpu.vector_load %arg6[%get3A_233, %get3A_234] {strides = array<i32>} : memref<832x16xf32, #tpu.memory_space<vmem>>, vector<1x16xf32>,
      %get3A_236 = vector.shape_cast %get3A_235 : vector<1x16xf32> to vector<16xf32>
      %add3A_237 = arith.addf %add3A_230, %get3A_236 : vector<16xf32>
      %mul3A_238 = arith.constant 0.333333343 : f32
      %mul3A_239 = vector.broadcast %mul3A_238 : f32 to vector<16xf32>
      %mul3A_240 = arith.mulf %add3A_237, %mul3A_239 : vector<16xf32>
      %swap3A_241 = arith.index_cast %scan3A_70 : i32 to index
      %swap3A_242 = arith.constant 80 : index
      %swap3A_243 = tpu.vector_load %arg7[%swap3A_241, %swap3A_242] {strides = array<i32>} : memref<32x128xf32, #tpu.memory_space<vmem>>, vector<1x16xf32>,
      %swap3A_244 = vector.shape_cast %swap3A_243 : vector<1x16xf32> to vector<16xf32>
      %swap3A_245 = vector.shape_cast %mul3A_240 : vector<16xf32> to vector<1x16xf32>
      tpu.vector_store %arg7[%swap3A_241, %swap3A_242], %swap3A_245 {strides = array<i32>} : memref<32x128xf32, #tpu.memory_space<vmem>>, vector<1x16xf32>,
      %add3A_246 = arith.constant 5 : i32
      %add3A_247 = arith.addi %mul3A_72, %add3A_246 : i32
      %get3A_248 = arith.index_cast %add3A_247 : i32 to index
      %get3A_249 = arith.constant 0 : index
      %get3A_250 = tpu.vector_load %arg6[%get3A_248, %get3A_249] {strides = array<i32>} : memref<832x16xf32, #tpu.memory_space<vmem>>, vector<1x16xf32>,
      %get3A_251 = vector.shape_cast %get3A_250 : vector<1x16xf32> to vector<16xf32>
      %add3A_252 = arith.constant 17 : i32
      %add3A_253 = arith.addi %mul3A_72, %add3A_252 : i32
      %get3A_254 = arith.index_cast %add3A_253 : i32 to index
      %get3A_255 = arith.constant 0 : index
      %get3A_256 = tpu.vector_load %arg6[%get3A_254, %get3A_255] {strides = array<i32>} : memref<832x16xf32, #tpu.memory_space<vmem>>, vector<1x16xf32>,
      %get3A_257 = vector.shape_cast %get3A_256 : vector<1x16xf32> to vector<16xf32>
      %add3A_258 = arith.addf %get3A_251, %get3A_257 : vector<16xf32>
      %add3A_259 = arith.constant 14 : i32
      %add3A_260 = arith.addi %mul3A_72, %add3A_259 : i32
      %get3A_261 = arith.index_cast %add3A_260 : i32 to index
      %get3A_262 = arith.constant 0 : index
      %get3A_263 = tpu.vector_load %arg6[%get3A_261, %get3A_262] {strides = array<i32>} : memref<832x16xf32, #tpu.memory_space<vmem>>, vector<1x16xf32>,
      %get3A_264 = vector.shape_cast %get3A_263 : vector<1x16xf32> to vector<16xf32>
      %add3A_265 = arith.addf %add3A_258, %get3A_264 : vector<16xf32>
      %mul3A_266 = arith.constant 0.333333343 : f32
      %mul3A_267 = vector.broadcast %mul3A_266 : f32 to vector<16xf32>
      %mul3A_268 = arith.mulf %add3A_265, %mul3A_267 : vector<16xf32>
      %swap3A_269 = arith.index_cast %scan3A_70 : i32 to index
      %swap3A_270 = arith.constant 96 : index
      %swap3A_271 = tpu.vector_load %arg7[%swap3A_269, %swap3A_270] {strides = array<i32>} : memref<32x128xf32, #tpu.memory_space<vmem>>, vector<1x16xf32>,
      %swap3A_272 = vector.shape_cast %swap3A_271 : vector<1x16xf32> to vector<16xf32>
      %swap3A_273 = vector.shape_cast %mul3A_268 : vector<16xf32> to vector<1x16xf32>
      tpu.vector_store %arg7[%swap3A_269, %swap3A_270], %swap3A_273 {strides = array<i32>} : memref<32x128xf32, #tpu.memory_space<vmem>>, vector<1x16xf32>,
      %add3A_274 = arith.constant 22 : i32
      %add3A_275 = arith.addi %mul3A_72, %add3A_274 : i32
      %get3A_276 = arith.index_cast %add3A_275 : i32 to index
      %get3A_277 = arith.constant 0 : index
      %get3A_278 = tpu.vector_load %arg6[%get3A_276, %get3A_277] {strides = array<i32>} : memref<832x16xf32, #tpu.memory_space<vmem>>, vector<1x16xf32>,
      %get3A_279 = vector.shape_cast %get3A_278 : vector<1x16xf32> to vector<16xf32>
      %add3A_280 = arith.constant 9 : i32
      %add3A_281 = arith.addi %mul3A_72, %add3A_280 : i32
      %get3A_282 = arith.index_cast %add3A_281 : i32 to index
      %get3A_283 = arith.constant 0 : index
      %get3A_284 = tpu.vector_load %arg6[%get3A_282, %get3A_283] {strides = array<i32>} : memref<832x16xf32, #tpu.memory_space<vmem>>, vector<1x16xf32>,
      %get3A_285 = vector.shape_cast %get3A_284 : vector<1x16xf32> to vector<16xf32>
      %add3A_286 = arith.addf %get3A_279, %get3A_285 : vector<16xf32>
      %add3A_287 = arith.constant 1 : i32
      %add3A_288 = arith.addi %mul3A_72, %add3A_287 : i32
      %get3A_289 = arith.index_cast %add3A_288 : i32 to index
      %get3A_290 = arith.constant 0 : index
      %get3A_291 = tpu.vector_load %arg6[%get3A_289, %get3A_290] {strides = array<i32>} : memref<832x16xf32, #tpu.memory_space<vmem>>, vector<1x16xf32>,
      %get3A_292 = vector.shape_cast %get3A_291 : vector<1x16xf32> to vector<16xf32>
      %add3A_293 = arith.addf %add3A_286, %get3A_292 : vector<16xf32>
      %add3A_294 = arith.constant 15 : i32
      %add3A_295 = arith.addi %mul3A_72, %add3A_294 : i32
      %get3A_296 = arith.index_cast %add3A_295 : i32 to index
      %get3A_297 = arith.constant 0 : index
      %get3A_298 = tpu.vector_load %arg6[%get3A_296, %get3A_297] {strides = array<i32>} : memref<832x16xf32, #tpu.memory_space<vmem>>, vector<1x16xf32>,
      %get3A_299 = vector.shape_cast %get3A_298 : vector<1x16xf32> to vector<16xf32>
      %add3A_300 = arith.addf %add3A_293, %get3A_299 : vector<16xf32>
      %mul3A_301 = arith.constant 2.500000e-01 : f32
      %mul3A_302 = vector.broadcast %mul3A_301 : f32 to vector<16xf32>
      %mul3A_303 = arith.mulf %add3A_300, %mul3A_302 : vector<16xf32>
      %swap3A_304 = arith.index_cast %scan3A_70 : i32 to index
      %swap3A_305 = arith.constant 112 : index
      %swap3A_306 = tpu.vector_load %arg7[%swap3A_304, %swap3A_305] {strides = array<i32>} : memref<32x128xf32, #tpu.memory_space<vmem>>, vector<1x16xf32>,
      %swap3A_307 = vector.shape_cast %swap3A_306 : vector<1x16xf32> to vector<16xf32>
      %swap3A_308 = vector.shape_cast %mul3A_303 : vector<16xf32> to vector<1x16xf32>
      tpu.vector_store %arg7[%swap3A_304, %swap3A_305], %swap3A_308 {strides = array<i32>} : memref<32x128xf32, #tpu.memory_space<vmem>>, vector<1x16xf32>,
    }
    %scan3A_69 = arith.constant 32 : i32
    "tpu.region"() ({
      %run_scoped3A = tpu.sem_alloc : memref<!tpu.dma_semaphore, #tpu.memory_space<semaphore_mem>>
      %dma_start3A_70 = arith.constant 0 : i32
      %dma_start3A_71 = tpu.memref_slice %arg4[%add3A_55, %dma_start3A_70] : memref<4096x128xf32, #tpu.memory_space<hbm>> -> memref<32x128xf32, #tpu.memory_space<hbm>>
      %dma_start3A_72 = arith.constant 0 : i32
      %dma_start3A_73 = tpu.memref_slice %arg4[%add3A_55, %dma_start3A_72] : memref<4096x128xf32, #tpu.memory_space<hbm>> -> memref<32x128xf32, #tpu.memory_space<hbm>>
      tpu.enqueue_dma source(%arg7 : memref<32x128xf32, #tpu.memory_space<vmem>>) target(%dma_start3A_73 : memref<32x128xf32, #tpu.memory_space<hbm>>) target_semaphore(%run_scoped3A : memref<!tpu.dma_semaphore, #tpu.memory_space<semaphore_mem>>)
      %dma_wait3A_74 = arith.constant 0 : i32
      %dma_wait3A_75 = tpu.memref_slice %arg4[%add3A_55, %dma_wait3A_74] : memref<4096x128xf32, #tpu.memory_space<hbm>> -> memref<32x128xf32, #tpu.memory_space<hbm>>
      %dma_wait3A_76 = arith.constant 0 : i32
      %dma_wait3A_77 = tpu.memref_slice %arg4[%add3A_55, %dma_wait3A_76] : memref<4096x128xf32, #tpu.memory_space<hbm>> -> memref<32x128xf32, #tpu.memory_space<hbm>>
      tpu.wait_dma2 semaphore(%run_scoped3A : memref<!tpu.dma_semaphore, #tpu.memory_space<semaphore_mem>>) src(%arg7 : memref<32x128xf32, #tpu.memory_space<vmem>>) dst(%dma_wait3A_77 : memref<32x128xf32, #tpu.memory_space<hbm>>)
      tpu.yield
    }) : () -> ()
    return
  }
}

#map = affine_map<(d0, d1) -> (0)>
#map1 = affine_map<(d0, d1) -> (0, 0)>
module attributes {stable_mosaic.version = 14 : i64} {
  func.func @sc_kernel(%arg0: i32, %arg1: i32, %arg2: memref<106496xi32, #tpu.memory_space<hbm>>, %arg3: memref<2609152x16xf32, #tpu.memory_space<hbm>>, %arg4: memref<4096x128xf32, #tpu.memory_space<hbm>>, %arg5: memref<832xi32, #tpu.memory_space<vmem>>, %arg6: memref<832x16xf32, #tpu.memory_space<vmem>>, %arg7: memref<32x128xf32, #tpu.memory_space<vmem>>, %arg8: memref<!tpu.dma_semaphore, #tpu.memory_space<semaphore_mem>>) attributes {dimension_semantics = [#tpu.dimension_semantics<core_parallel>, #tpu.dimension_semantics<subcore_parallel>], iteration_bounds = array<i64: 2, 16>, scalar_prefetch = 0 : i64, scratch_operands = 4 : i64, tpu.core_type = #tpu.core_type<sc_vector_subcore>, window_params = [{transform_indices = #map}, {transform_indices = #map1}, {transform_indices = #map1}]} {
    %mul3A = arith.constant 2 : i32
    %mul3A_0 = arith.muli %arg1, %mul3A : i32
    %add3A = arith.addi %mul3A_0, %arg0 : i32
    %mul3A_1 = arith.constant 128 : i32
    %mul3A_2 = arith.muli %add3A, %mul3A_1 : i32
    %add3A_3 = arith.constant 0 : i32
    %add3A_4 = arith.addi %mul3A_2, %add3A_3 : i32
    %mul3A_5 = arith.constant 26 : i32
    %mul3A_6 = arith.muli %add3A_4, %mul3A_5 : i32
    "tpu.region"() ({
      %run_scoped3A = tpu.sem_alloc : memref<!tpu.dma_semaphore, #tpu.memory_space<semaphore_mem>>
      %dma_start3A_70 = tpu.memref_slice %arg2[%mul3A_6] : memref<106496xi32, #tpu.memory_space<hbm>> -> memref<832xi32, #tpu.memory_space<hbm>>
      %dma_start3A_71 = tpu.memref_slice %arg2[%mul3A_6] : memref<106496xi32, #tpu.memory_space<hbm>> -> memref<832xi32, #tpu.memory_space<hbm>>
      tpu.enqueue_dma source(%dma_start3A_71 : memref<832xi32, #tpu.memory_space<hbm>>) target(%arg5 : memref<832xi32, #tpu.memory_space<vmem>>) target_semaphore(%run_scoped3A : memref<!tpu.dma_semaphore, #tpu.memory_space<semaphore_mem>>)
      %dma_wait3A_72 = tpu.memref_slice %arg2[%mul3A_6] : memref<106496xi32, #tpu.memory_space<hbm>> -> memref<832xi32, #tpu.memory_space<hbm>>
      %dma_wait3A_73 = tpu.memref_slice %arg2[%mul3A_6] : memref<106496xi32, #tpu.memory_space<hbm>> -> memref<832xi32, #tpu.memory_space<hbm>>
      tpu.wait_dma2 semaphore(%run_scoped3A : memref<!tpu.dma_semaphore, #tpu.memory_space<semaphore_mem>>) src(%dma_wait3A_73 : memref<832xi32, #tpu.memory_space<hbm>>) dst(%arg5 : memref<832xi32, #tpu.memory_space<vmem>>)
      tpu.yield
    }) : () -> ()
    %dma_start3A = arith.constant 0 : i32
    %dma_start3A_7 = arith.constant 0 : i32
    %dma_start3A_8 = tpu.memref_slice %arg3[%dma_start3A, %dma_start3A_7] : memref<2609152x16xf32, #tpu.memory_space<hbm>> -> memref<2609152x16xf32, #tpu.memory_space<hbm>>
    tpu.enqueue_indirect_dma source(%dma_start3A_8 : memref<2609152x16xf32, #tpu.memory_space<hbm>>) target(%arg6 : memref<832x16xf32, #tpu.memory_space<vmem>>) offsets(%arg5 : memref<832xi32, #tpu.memory_space<vmem>>) semaphore(%arg8 : memref<!tpu.dma_semaphore, #tpu.memory_space<semaphore_mem>>)
    %dma_wait3A = arith.constant 0 : i32
    %dma_wait3A_9 = arith.constant 0 : i32
    %dma_wait3A_10 = tpu.memref_slice %arg3[%dma_wait3A, %dma_wait3A_9] : memref<2609152x16xf32, #tpu.memory_space<hbm>> -> memref<2609152x16xf32, #tpu.memory_space<hbm>>
    tpu.wait_indirect_dma semaphore(%arg8 : memref<!tpu.dma_semaphore, #tpu.memory_space<semaphore_mem>>) src(%dma_wait3A_10 : memref<2609152x16xf32, #tpu.memory_space<hbm>>) dst(%arg6 : memref<832x16xf32, #tpu.memory_space<vmem>>)
    %scan3A = arith.constant 0 : i32
    %scan3A_11 = arith.constant 0 : i32
    %scan3A_12 = arith.constant 32 : i32
    %scan3A_13 = arith.addi %scan3A_11, %scan3A_12 : i32
    %scan3A_14 = arith.constant 1 : i32
    scf.for %scan3A_70 = %scan3A_11 to %scan3A_13 step %scan3A_14  : i32 {
      %mul3A_71 = arith.constant 26 : i32
      %mul3A_72 = arith.muli %scan3A_70, %mul3A_71 : i32
      %add3A_73 = arith.constant 19 : i32
      %add3A_74 = arith.addi %mul3A_72, %add3A_73 : i32
      %get3A = arith.index_cast %add3A_74 : i32 to index
      %get3A_75 = arith.constant 0 : index
      %get3A_76 = tpu.vector_load %arg6[%get3A, %get3A_75] {strides = array<i32>} : memref<832x16xf32, #tpu.memory_space<vmem>>, vector<1x16xf32>,
      %get3A_77 = vector.shape_cast %get3A_76 : vector<1x16xf32> to vector<16xf32>
      %add3A_78 = arith.constant 4 : i32
      %add3A_79 = arith.addi %mul3A_72, %add3A_78 : i32
      %get3A_80 = arith.index_cast %add3A_79 : i32 to index
      %get3A_81 = arith.constant 0 : index
      %get3A_82 = tpu.vector_load %arg6[%get3A_80, %get3A_81] {strides = array<i32>} : memref<832x16xf32, #tpu.memory_space<vmem>>, vector<1x16xf32>,
      %get3A_83 = vector.shape_cast %get3A_82 : vector<1x16xf32> to vector<16xf32>
      %add3A_84 = arith.addf %get3A_77, %get3A_83 : vector<16xf32>
      %add3A_85 = arith.constant 10 : i32
      %add3A_86 = arith.addi %mul3A_72, %add3A_85 : i32
      %get3A_87 = arith.index_cast %add3A_86 : i32 to index
      %get3A_88 = arith.constant 0 : index
      %get3A_89 = tpu.vector_load %arg6[%get3A_87, %get3A_88] {strides = array<i32>} : memref<832x16xf32, #tpu.memory_space<vmem>>, vector<1x16xf32>,
      %get3A_90 = vector.shape_cast %get3A_89 : vector<1x16xf32> to vector<16xf32>
      %add3A_91 = arith.addf %add3A_84, %get3A_90 : vector<16xf32>
      %mul3A_92 = arith.constant 0.333333343 : f32
      %mul3A_93 = vector.broadcast %mul3A_92 : f32 to vector<16xf32>
      %mul3A_94 = arith.mulf %add3A_91, %mul3A_93 : vector<16xf32>
      %swap3A = arith.index_cast %scan3A_70 : i32 to index
      %swap3A_95 = arith.constant 0 : index
      %swap3A_96 = tpu.vector_load %arg7[%swap3A, %swap3A_95] {strides = array<i32>} : memref<32x128xf32, #tpu.memory_space<vmem>>, vector<1x16xf32>,
      %swap3A_97 = vector.shape_cast %swap3A_96 : vector<1x16xf32> to vector<16xf32>
      %swap3A_98 = vector.shape_cast %mul3A_94 : vector<16xf32> to vector<1x16xf32>
      tpu.vector_store %arg7[%swap3A, %swap3A_95], %swap3A_98 {strides = array<i32>} : memref<32x128xf32, #tpu.memory_space<vmem>>, vector<1x16xf32>,
      %add3A_99 = arith.constant 11 : i32
      %add3A_100 = arith.addi %mul3A_72, %add3A_99 : i32
      %get3A_101 = arith.index_cast %add3A_100 : i32 to index
      %get3A_102 = arith.constant 0 : index
      %get3A_103 = tpu.vector_load %arg6[%get3A_101, %get3A_102] {strides = array<i32>} : memref<832x16xf32, #tpu.memory_space<vmem>>, vector<1x16xf32>,
      %get3A_104 = vector.shape_cast %get3A_103 : vector<1x16xf32> to vector<16xf32>
      %add3A_105 = arith.constant 25 : i32
      %add3A_106 = arith.addi %mul3A_72, %add3A_105 : i32
      %get3A_107 = arith.index_cast %add3A_106 : i32 to index
      %get3A_108 = arith.constant 0 : index
      %get3A_109 = tpu.vector_load %arg6[%get3A_107, %get3A_108] {strides = array<i32>} : memref<832x16xf32, #tpu.memory_space<vmem>>, vector<1x16xf32>,
      %get3A_110 = vector.shape_cast %get3A_109 : vector<1x16xf32> to vector<16xf32>
      %add3A_111 = arith.addf %get3A_104, %get3A_110 : vector<16xf32>
      %add3A_112 = arith.constant 2 : i32
      %add3A_113 = arith.addi %mul3A_72, %add3A_112 : i32
      %get3A_114 = arith.index_cast %add3A_113 : i32 to index
      %get3A_115 = arith.constant 0 : index
      %get3A_116 = tpu.vector_load %arg6[%get3A_114, %get3A_115] {strides = array<i32>} : memref<832x16xf32, #tpu.memory_space<vmem>>, vector<1x16xf32>,
      %get3A_117 = vector.shape_cast %get3A_116 : vector<1x16xf32> to vector<16xf32>
      %add3A_118 = arith.addf %add3A_111, %get3A_117 : vector<16xf32>
      %mul3A_119 = arith.constant 0.333333343 : f32
      %mul3A_120 = vector.broadcast %mul3A_119 : f32 to vector<16xf32>
      %mul3A_121 = arith.mulf %add3A_118, %mul3A_120 : vector<16xf32>
      %swap3A_122 = arith.index_cast %scan3A_70 : i32 to index
      %swap3A_123 = arith.constant 16 : index
      %swap3A_124 = tpu.vector_load %arg7[%swap3A_122, %swap3A_123] {strides = array<i32>} : memref<32x128xf32, #tpu.memory_space<vmem>>, vector<1x16xf32>,
      %swap3A_125 = vector.shape_cast %swap3A_124 : vector<1x16xf32> to vector<16xf32>
      %swap3A_126 = vector.shape_cast %mul3A_121 : vector<16xf32> to vector<1x16xf32>
      tpu.vector_store %arg7[%swap3A_122, %swap3A_123], %swap3A_126 {strides = array<i32>} : memref<32x128xf32, #tpu.memory_space<vmem>>, vector<1x16xf32>,
      %add3A_127 = arith.constant 24 : i32
      %add3A_128 = arith.addi %mul3A_72, %add3A_127 : i32
      %get3A_129 = arith.index_cast %add3A_128 : i32 to index
      %get3A_130 = arith.constant 0 : index
      %get3A_131 = tpu.vector_load %arg6[%get3A_129, %get3A_130] {strides = array<i32>} : memref<832x16xf32, #tpu.memory_space<vmem>>, vector<1x16xf32>,
      %get3A_132 = vector.shape_cast %get3A_131 : vector<1x16xf32> to vector<16xf32>
      %add3A_133 = arith.constant 6 : i32
      %add3A_134 = arith.addi %mul3A_72, %add3A_133 : i32
      %get3A_135 = arith.index_cast %add3A_134 : i32 to index
      %get3A_136 = arith.constant 0 : index
      %get3A_137 = tpu.vector_load %arg6[%get3A_135, %get3A_136] {strides = array<i32>} : memref<832x16xf32, #tpu.memory_space<vmem>>, vector<1x16xf32>,
      %get3A_138 = vector.shape_cast %get3A_137 : vector<1x16xf32> to vector<16xf32>
      %add3A_139 = arith.addf %get3A_132, %get3A_138 : vector<16xf32>
      %add3A_140 = arith.constant 16 : i32
      %add3A_141 = arith.addi %mul3A_72, %add3A_140 : i32
      %get3A_142 = arith.index_cast %add3A_141 : i32 to index
      %get3A_143 = arith.constant 0 : index
      %get3A_144 = tpu.vector_load %arg6[%get3A_142, %get3A_143] {strides = array<i32>} : memref<832x16xf32, #tpu.memory_space<vmem>>, vector<1x16xf32>,
      %get3A_145 = vector.shape_cast %get3A_144 : vector<1x16xf32> to vector<16xf32>
      %add3A_146 = arith.addf %add3A_139, %get3A_145 : vector<16xf32>
      %mul3A_147 = arith.constant 0.333333343 : f32
      %mul3A_148 = vector.broadcast %mul3A_147 : f32 to vector<16xf32>
      %mul3A_149 = arith.mulf %add3A_146, %mul3A_148 : vector<16xf32>
      %swap3A_150 = arith.index_cast %scan3A_70 : i32 to index
      %swap3A_151 = arith.constant 32 : index
      %swap3A_152 = tpu.vector_load %arg7[%swap3A_150, %swap3A_151] {strides = array<i32>} : memref<32x128xf32, #tpu.memory_space<vmem>>, vector<1x16xf32>,
      %swap3A_153 = vector.shape_cast %swap3A_152 : vector<1x16xf32> to vector<16xf32>
      %swap3A_154 = vector.shape_cast %mul3A_149 : vector<16xf32> to vector<1x16xf32>
      tpu.vector_store %arg7[%swap3A_150, %swap3A_151], %swap3A_154 {strides = array<i32>} : memref<32x128xf32, #tpu.memory_space<vmem>>, vector<1x16xf32>,
      %add3A_155 = arith.constant 23 : i32
      %add3A_156 = arith.addi %mul3A_72, %add3A_155 : i32
      %get3A_157 = arith.index_cast %add3A_156 : i32 to index
      %get3A_158 = arith.constant 0 : index
      %get3A_159 = tpu.vector_load %arg6[%get3A_157, %get3A_158] {strides = array<i32>} : memref<832x16xf32, #tpu.memory_space<vmem>>, vector<1x16xf32>,
      %get3A_160 = vector.shape_cast %get3A_159 : vector<1x16xf32> to vector<16xf32>
      %add3A_161 = arith.constant 3 : i32
      %add3A_162 = arith.addi %mul3A_72, %add3A_161 : i32
      %get3A_163 = arith.index_cast %add3A_162 : i32 to index
      %get3A_164 = arith.constant 0 : index
      %get3A_165 = tpu.vector_load %arg6[%get3A_163, %get3A_164] {strides = array<i32>} : memref<832x16xf32, #tpu.memory_space<vmem>>, vector<1x16xf32>,
      %get3A_166 = vector.shape_cast %get3A_165 : vector<1x16xf32> to vector<16xf32>
      %add3A_167 = arith.addf %get3A_160, %get3A_166 : vector<16xf32>
      %add3A_168 = arith.constant 21 : i32
      %add3A_169 = arith.addi %mul3A_72, %add3A_168 : i32
      %get3A_170 = arith.index_cast %add3A_169 : i32 to index
      %get3A_171 = arith.constant 0 : index
      %get3A_172 = tpu.vector_load %arg6[%get3A_170, %get3A_171] {strides = array<i32>} : memref<832x16xf32, #tpu.memory_space<vmem>>, vector<1x16xf32>,
      %get3A_173 = vector.shape_cast %get3A_172 : vector<1x16xf32> to vector<16xf32>
      %add3A_174 = arith.addf %add3A_167, %get3A_173 : vector<16xf32>
      %add3A_175 = arith.constant 8 : i32
      %add3A_176 = arith.addi %mul3A_72, %add3A_175 : i32
      %get3A_177 = arith.index_cast %add3A_176 : i32 to index
      %get3A_178 = arith.constant 0 : index
      %get3A_179 = tpu.vector_load %arg6[%get3A_177, %get3A_178] {strides = array<i32>} : memref<832x16xf32, #tpu.memory_space<vmem>>, vector<1x16xf32>,
      %get3A_180 = vector.shape_cast %get3A_179 : vector<1x16xf32> to vector<16xf32>
      %add3A_181 = arith.addf %add3A_174, %get3A_180 : vector<16xf32>
      %mul3A_182 = arith.constant 2.500000e-01 : f32
      %mul3A_183 = vector.broadcast %mul3A_182 : f32 to vector<16xf32>
      %mul3A_184 = arith.mulf %add3A_181, %mul3A_183 : vector<16xf32>
      %swap3A_185 = arith.index_cast %scan3A_70 : i32 to index
      %swap3A_186 = arith.constant 48 : index
      %swap3A_187 = tpu.vector_load %arg7[%swap3A_185, %swap3A_186] {strides = array<i32>} : memref<32x128xf32, #tpu.memory_space<vmem>>, vector<1x16xf32>,
      %swap3A_188 = vector.shape_cast %swap3A_187 : vector<1x16xf32> to vector<16xf32>
      %swap3A_189 = vector.shape_cast %mul3A_184 : vector<16xf32> to vector<1x16xf32>
      tpu.vector_store %arg7[%swap3A_185, %swap3A_186], %swap3A_189 {strides = array<i32>} : memref<32x128xf32, #tpu.memory_space<vmem>>, vector<1x16xf32>,
      %add3A_190 = arith.constant 0 : i32
      %add3A_191 = arith.addi %mul3A_72, %add3A_190 : i32
      %get3A_192 = arith.index_cast %add3A_191 : i32 to index
      %get3A_193 = arith.constant 0 : index
      %get3A_194 = tpu.vector_load %arg6[%get3A_192, %get3A_193] {strides = array<i32>} : memref<832x16xf32, #tpu.memory_space<vmem>>, vector<1x16xf32>,
      %get3A_195 = vector.shape_cast %get3A_194 : vector<1x16xf32> to vector<16xf32>
      %add3A_196 = arith.constant 20 : i32
      %add3A_197 = arith.addi %mul3A_72, %add3A_196 : i32
      %get3A_198 = arith.index_cast %add3A_197 : i32 to index
      %get3A_199 = arith.constant 0 : index
      %get3A_200 = tpu.vector_load %arg6[%get3A_198, %get3A_199] {strides = array<i32>} : memref<832x16xf32, #tpu.memory_space<vmem>>, vector<1x16xf32>,
      %get3A_201 = vector.shape_cast %get3A_200 : vector<1x16xf32> to vector<16xf32>
      %add3A_202 = arith.addf %get3A_195, %get3A_201 : vector<16xf32>
      %add3A_203 = arith.constant 12 : i32
      %add3A_204 = arith.addi %mul3A_72, %add3A_203 : i32
      %get3A_205 = arith.index_cast %add3A_204 : i32 to index
      %get3A_206 = arith.constant 0 : index
      %get3A_207 = tpu.vector_load %arg6[%get3A_205, %get3A_206] {strides = array<i32>} : memref<832x16xf32, #tpu.memory_space<vmem>>, vector<1x16xf32>,
      %get3A_208 = vector.shape_cast %get3A_207 : vector<1x16xf32> to vector<16xf32>
      %add3A_209 = arith.addf %add3A_202, %get3A_208 : vector<16xf32>
      %mul3A_210 = arith.constant 0.333333343 : f32
      %mul3A_211 = vector.broadcast %mul3A_210 : f32 to vector<16xf32>
      %mul3A_212 = arith.mulf %add3A_209, %mul3A_211 : vector<16xf32>
      %swap3A_213 = arith.index_cast %scan3A_70 : i32 to index
      %swap3A_214 = arith.constant 64 : index
      %swap3A_215 = tpu.vector_load %arg7[%swap3A_213, %swap3A_214] {strides = array<i32>} : memref<32x128xf32, #tpu.memory_space<vmem>>, vector<1x16xf32>,
      %swap3A_216 = vector.shape_cast %swap3A_215 : vector<1x16xf32> to vector<16xf32>
      %swap3A_217 = vector.shape_cast %mul3A_212 : vector<16xf32> to vector<1x16xf32>
      tpu.vector_store %arg7[%swap3A_213, %swap3A_214], %swap3A_217 {strides = array<i32>} : memref<32x128xf32, #tpu.memory_space<vmem>>, vector<1x16xf32>,
      %add3A_218 = arith.constant 18 : i32
      %add3A_219 = arith.addi %mul3A_72, %add3A_218 : i32
      %get3A_220 = arith.index_cast %add3A_219 : i32 to index
      %get3A_221 = arith.constant 0 : index
      %get3A_222 = tpu.vector_load %arg6[%get3A_220, %get3A_221] {strides = array<i32>} : memref<832x16xf32, #tpu.memory_space<vmem>>, vector<1x16xf32>,
      %get3A_223 = vector.shape_cast %get3A_222 : vector<1x16xf32> to vector<16xf32>
      %add3A_224 = arith.constant 13 : i32
      %add3A_225 = arith.addi %mul3A_72, %add3A_224 : i32
      %get3A_226 = arith.index_cast %add3A_225 : i32 to index
      %get3A_227 = arith.constant 0 : index
      %get3A_228 = tpu.vector_load %arg6[%get3A_226, %get3A_227] {strides = array<i32>} : memref<832x16xf32, #tpu.memory_space<vmem>>, vector<1x16xf32>,
      %get3A_229 = vector.shape_cast %get3A_228 : vector<1x16xf32> to vector<16xf32>
      %add3A_230 = arith.addf %get3A_223, %get3A_229 : vector<16xf32>
      %add3A_231 = arith.constant 7 : i32
      %add3A_232 = arith.addi %mul3A_72, %add3A_231 : i32
      %get3A_233 = arith.index_cast %add3A_232 : i32 to index
      %get3A_234 = arith.constant 0 : index
      %get3A_235 = tpu.vector_load %arg6[%get3A_233, %get3A_234] {strides = array<i32>} : memref<832x16xf32, #tpu.memory_space<vmem>>, vector<1x16xf32>,
      %get3A_236 = vector.shape_cast %get3A_235 : vector<1x16xf32> to vector<16xf32>
      %add3A_237 = arith.addf %add3A_230, %get3A_236 : vector<16xf32>
      %mul3A_238 = arith.constant 0.333333343 : f32
      %mul3A_239 = vector.broadcast %mul3A_238 : f32 to vector<16xf32>
      %mul3A_240 = arith.mulf %add3A_237, %mul3A_239 : vector<16xf32>
      %swap3A_241 = arith.index_cast %scan3A_70 : i32 to index
      %swap3A_242 = arith.constant 80 : index
      %swap3A_243 = tpu.vector_load %arg7[%swap3A_241, %swap3A_242] {strides = array<i32>} : memref<32x128xf32, #tpu.memory_space<vmem>>, vector<1x16xf32>,
      %swap3A_244 = vector.shape_cast %swap3A_243 : vector<1x16xf32> to vector<16xf32>
      %swap3A_245 = vector.shape_cast %mul3A_240 : vector<16xf32> to vector<1x16xf32>
      tpu.vector_store %arg7[%swap3A_241, %swap3A_242], %swap3A_245 {strides = array<i32>} : memref<32x128xf32, #tpu.memory_space<vmem>>, vector<1x16xf32>,
      %add3A_246 = arith.constant 5 : i32
      %add3A_247 = arith.addi %mul3A_72, %add3A_246 : i32
      %get3A_248 = arith.index_cast %add3A_247 : i32 to index
      %get3A_249 = arith.constant 0 : index
      %get3A_250 = tpu.vector_load %arg6[%get3A_248, %get3A_249] {strides = array<i32>} : memref<832x16xf32, #tpu.memory_space<vmem>>, vector<1x16xf32>,
      %get3A_251 = vector.shape_cast %get3A_250 : vector<1x16xf32> to vector<16xf32>
      %add3A_252 = arith.constant 17 : i32
      %add3A_253 = arith.addi %mul3A_72, %add3A_252 : i32
      %get3A_254 = arith.index_cast %add3A_253 : i32 to index
      %get3A_255 = arith.constant 0 : index
      %get3A_256 = tpu.vector_load %arg6[%get3A_254, %get3A_255] {strides = array<i32>} : memref<832x16xf32, #tpu.memory_space<vmem>>, vector<1x16xf32>,
      %get3A_257 = vector.shape_cast %get3A_256 : vector<1x16xf32> to vector<16xf32>
      %add3A_258 = arith.addf %get3A_251, %get3A_257 : vector<16xf32>
      %add3A_259 = arith.constant 14 : i32
      %add3A_260 = arith.addi %mul3A_72, %add3A_259 : i32
      %get3A_261 = arith.index_cast %add3A_260 : i32 to index
      %get3A_262 = arith.constant 0 : index
      %get3A_263 = tpu.vector_load %arg6[%get3A_261, %get3A_262] {strides = array<i32>} : memref<832x16xf32, #tpu.memory_space<vmem>>, vector<1x16xf32>,
      %get3A_264 = vector.shape_cast %get3A_263 : vector<1x16xf32> to vector<16xf32>
      %add3A_265 = arith.addf %add3A_258, %get3A_264 : vector<16xf32>
      %mul3A_266 = arith.constant 0.333333343 : f32
      %mul3A_267 = vector.broadcast %mul3A_266 : f32 to vector<16xf32>
      %mul3A_268 = arith.mulf %add3A_265, %mul3A_267 : vector<16xf32>
      %swap3A_269 = arith.index_cast %scan3A_70 : i32 to index
      %swap3A_270 = arith.constant 96 : index
      %swap3A_271 = tpu.vector_load %arg7[%swap3A_269, %swap3A_270] {strides = array<i32>} : memref<32x128xf32, #tpu.memory_space<vmem>>, vector<1x16xf32>,
      %swap3A_272 = vector.shape_cast %swap3A_271 : vector<1x16xf32> to vector<16xf32>
      %swap3A_273 = vector.shape_cast %mul3A_268 : vector<16xf32> to vector<1x16xf32>
      tpu.vector_store %arg7[%swap3A_269, %swap3A_270], %swap3A_273 {strides = array<i32>} : memref<32x128xf32, #tpu.memory_space<vmem>>, vector<1x16xf32>,
      %add3A_274 = arith.constant 22 : i32
      %add3A_275 = arith.addi %mul3A_72, %add3A_274 : i32
      %get3A_276 = arith.index_cast %add3A_275 : i32 to index
      %get3A_277 = arith.constant 0 : index
      %get3A_278 = tpu.vector_load %arg6[%get3A_276, %get3A_277] {strides = array<i32>} : memref<832x16xf32, #tpu.memory_space<vmem>>, vector<1x16xf32>,
      %get3A_279 = vector.shape_cast %get3A_278 : vector<1x16xf32> to vector<16xf32>
      %add3A_280 = arith.constant 9 : i32
      %add3A_281 = arith.addi %mul3A_72, %add3A_280 : i32
      %get3A_282 = arith.index_cast %add3A_281 : i32 to index
      %get3A_283 = arith.constant 0 : index
      %get3A_284 = tpu.vector_load %arg6[%get3A_282, %get3A_283] {strides = array<i32>} : memref<832x16xf32, #tpu.memory_space<vmem>>, vector<1x16xf32>,
      %get3A_285 = vector.shape_cast %get3A_284 : vector<1x16xf32> to vector<16xf32>
      %add3A_286 = arith.addf %get3A_279, %get3A_285 : vector<16xf32>
      %add3A_287 = arith.constant 1 : i32
      %add3A_288 = arith.addi %mul3A_72, %add3A_287 : i32
      %get3A_289 = arith.index_cast %add3A_288 : i32 to index
      %get3A_290 = arith.constant 0 : index
      %get3A_291 = tpu.vector_load %arg6[%get3A_289, %get3A_290] {strides = array<i32>} : memref<832x16xf32, #tpu.memory_space<vmem>>, vector<1x16xf32>,
      %get3A_292 = vector.shape_cast %get3A_291 : vector<1x16xf32> to vector<16xf32>
      %add3A_293 = arith.addf %add3A_286, %get3A_292 : vector<16xf32>
      %add3A_294 = arith.constant 15 : i32
      %add3A_295 = arith.addi %mul3A_72, %add3A_294 : i32
      %get3A_296 = arith.index_cast %add3A_295 : i32 to index
      %get3A_297 = arith.constant 0 : index
      %get3A_298 = tpu.vector_load %arg6[%get3A_296, %get3A_297] {strides = array<i32>} : memref<832x16xf32, #tpu.memory_space<vmem>>, vector<1x16xf32>,
      %get3A_299 = vector.shape_cast %get3A_298 : vector<1x16xf32> to vector<16xf32>
      %add3A_300 = arith.addf %add3A_293, %get3A_299 : vector<16xf32>
      %mul3A_301 = arith.constant 2.500000e-01 : f32
      %mul3A_302 = vector.broadcast %mul3A_301 : f32 to vector<16xf32>
      %mul3A_303 = arith.mulf %add3A_300, %mul3A_302 : vector<16xf32>
      %swap3A_304 = arith.index_cast %scan3A_70 : i32 to index
      %swap3A_305 = arith.constant 112 : index
      %swap3A_306 = tpu.vector_load %arg7[%swap3A_304, %swap3A_305] {strides = array<i32>} : memref<32x128xf32, #tpu.memory_space<vmem>>, vector<1x16xf32>,
      %swap3A_307 = vector.shape_cast %swap3A_306 : vector<1x16xf32> to vector<16xf32>
      %swap3A_308 = vector.shape_cast %mul3A_303 : vector<16xf32> to vector<1x16xf32>
      tpu.vector_store %arg7[%swap3A_304, %swap3A_305], %swap3A_308 {strides = array<i32>} : memref<32x128xf32, #tpu.memory_space<vmem>>, vector<1x16xf32>,
    }
    %scan3A_15 = arith.constant 32 : i32
    "tpu.region"() ({
      %run_scoped3A = tpu.sem_alloc : memref<!tpu.dma_semaphore, #tpu.memory_space<semaphore_mem>>
      %dma_start3A_70 = arith.constant 0 : i32
      %dma_start3A_71 = tpu.memref_slice %arg4[%add3A_4, %dma_start3A_70] : memref<4096x128xf32, #tpu.memory_space<hbm>> -> memref<32x128xf32, #tpu.memory_space<hbm>>
      %dma_start3A_72 = arith.constant 0 : i32
      %dma_start3A_73 = tpu.memref_slice %arg4[%add3A_4, %dma_start3A_72] : memref<4096x128xf32, #tpu.memory_space<hbm>> -> memref<32x128xf32, #tpu.memory_space<hbm>>
      tpu.enqueue_dma source(%arg7 : memref<32x128xf32, #tpu.memory_space<vmem>>) target(%dma_start3A_73 : memref<32x128xf32, #tpu.memory_space<hbm>>) target_semaphore(%run_scoped3A : memref<!tpu.dma_semaphore, #tpu.memory_space<semaphore_mem>>)
      %dma_wait3A_74 = arith.constant 0 : i32
      %dma_wait3A_75 = tpu.memref_slice %arg4[%add3A_4, %dma_wait3A_74] : memref<4096x128xf32, #tpu.memory_space<hbm>> -> memref<32x128xf32, #tpu.memory_space<hbm>>
      %dma_wait3A_76 = arith.constant 0 : i32
      %dma_wait3A_77 = tpu.memref_slice %arg4[%add3A_4, %dma_wait3A_76] : memref<4096x128xf32, #tpu.memory_space<hbm>> -> memref<32x128xf32, #tpu.memory_space<hbm>>
      tpu.wait_dma2 semaphore(%run_scoped3A : memref<!tpu.dma_semaphore, #tpu.memory_space<semaphore_mem>>) src(%arg7 : memref<32x128xf32, #tpu.memory_space<vmem>>) dst(%dma_wait3A_77 : memref<32x128xf32, #tpu.memory_space<hbm>>)
      tpu.yield
    }) : () -> ()
    %mul3A_16 = arith.constant 128 : i32
    %mul3A_17 = arith.muli %add3A, %mul3A_16 : i32
    %add3A_18 = arith.constant 32 : i32
    %add3A_19 = arith.addi %mul3A_17, %add3A_18 : i32
    %mul3A_20 = arith.constant 26 : i32
    %mul3A_21 = arith.muli %add3A_19, %mul3A_20 : i32
    "tpu.region"() ({
      %run_scoped3A = tpu.sem_alloc : memref<!tpu.dma_semaphore, #tpu.memory_space<semaphore_mem>>
      %dma_start3A_70 = tpu.memref_slice %arg2[%mul3A_21] : memref<106496xi32, #tpu.memory_space<hbm>> -> memref<832xi32, #tpu.memory_space<hbm>>
      %dma_start3A_71 = tpu.memref_slice %arg2[%mul3A_21] : memref<106496xi32, #tpu.memory_space<hbm>> -> memref<832xi32, #tpu.memory_space<hbm>>
      tpu.enqueue_dma source(%dma_start3A_71 : memref<832xi32, #tpu.memory_space<hbm>>) target(%arg5 : memref<832xi32, #tpu.memory_space<vmem>>) target_semaphore(%run_scoped3A : memref<!tpu.dma_semaphore, #tpu.memory_space<semaphore_mem>>)
      %dma_wait3A_72 = tpu.memref_slice %arg2[%mul3A_21] : memref<106496xi32, #tpu.memory_space<hbm>> -> memref<832xi32, #tpu.memory_space<hbm>>
      %dma_wait3A_73 = tpu.memref_slice %arg2[%mul3A_21] : memref<106496xi32, #tpu.memory_space<hbm>> -> memref<832xi32, #tpu.memory_space<hbm>>
      tpu.wait_dma2 semaphore(%run_scoped3A : memref<!tpu.dma_semaphore, #tpu.memory_space<semaphore_mem>>) src(%dma_wait3A_73 : memref<832xi32, #tpu.memory_space<hbm>>) dst(%arg5 : memref<832xi32, #tpu.memory_space<vmem>>)
      tpu.yield
    }) : () -> ()
    %dma_start3A_22 = arith.constant 0 : i32
    %dma_start3A_23 = arith.constant 0 : i32
    %dma_start3A_24 = tpu.memref_slice %arg3[%dma_start3A_22, %dma_start3A_23] : memref<2609152x16xf32, #tpu.memory_space<hbm>> -> memref<2609152x16xf32, #tpu.memory_space<hbm>>
    tpu.enqueue_indirect_dma source(%dma_start3A_24 : memref<2609152x16xf32, #tpu.memory_space<hbm>>) target(%arg6 : memref<832x16xf32, #tpu.memory_space<vmem>>) offsets(%arg5 : memref<832xi32, #tpu.memory_space<vmem>>) semaphore(%arg8 : memref<!tpu.dma_semaphore, #tpu.memory_space<semaphore_mem>>)
    %dma_wait3A_25 = arith.constant 0 : i32
    %dma_wait3A_26 = arith.constant 0 : i32
    %dma_wait3A_27 = tpu.memref_slice %arg3[%dma_wait3A_25, %dma_wait3A_26] : memref<2609152x16xf32, #tpu.memory_space<hbm>> -> memref<2609152x16xf32, #tpu.memory_space<hbm>>
    tpu.wait_indirect_dma semaphore(%arg8 : memref<!tpu.dma_semaphore, #tpu.memory_space<semaphore_mem>>) src(%dma_wait3A_27 : memref<2609152x16xf32, #tpu.memory_space<hbm>>) dst(%arg6 : memref<832x16xf32, #tpu.memory_space<vmem>>)
    %scan3A_28 = arith.constant 0 : i32
    %scan3A_29 = arith.constant 0 : i32
    %scan3A_30 = arith.constant 32 : i32
    %scan3A_31 = arith.addi %scan3A_29, %scan3A_30 : i32
    %scan3A_32 = arith.constant 1 : i32
    scf.for %scan3A_70 = %scan3A_29 to %scan3A_31 step %scan3A_32  : i32 {
      %mul3A_71 = arith.constant 26 : i32
      %mul3A_72 = arith.muli %scan3A_70, %mul3A_71 : i32
      %add3A_73 = arith.constant 19 : i32
      %add3A_74 = arith.addi %mul3A_72, %add3A_73 : i32
      %get3A = arith.index_cast %add3A_74 : i32 to index
      %get3A_75 = arith.constant 0 : index
      %get3A_76 = tpu.vector_load %arg6[%get3A, %get3A_75] {strides = array<i32>} : memref<832x16xf32, #tpu.memory_space<vmem>>, vector<1x16xf32>,
      %get3A_77 = vector.shape_cast %get3A_76 : vector<1x16xf32> to vector<16xf32>
      %add3A_78 = arith.constant 4 : i32
      %add3A_79 = arith.addi %mul3A_72, %add3A_78 : i32
      %get3A_80 = arith.index_cast %add3A_79 : i32 to index
      %get3A_81 = arith.constant 0 : index
      %get3A_82 = tpu.vector_load %arg6[%get3A_80, %get3A_81] {strides = array<i32>} : memref<832x16xf32, #tpu.memory_space<vmem>>, vector<1x16xf32>,
      %get3A_83 = vector.shape_cast %get3A_82 : vector<1x16xf32> to vector<16xf32>
      %add3A_84 = arith.addf %get3A_77, %get3A_83 : vector<16xf32>
      %add3A_85 = arith.constant 10 : i32
      %add3A_86 = arith.addi %mul3A_72, %add3A_85 : i32
      %get3A_87 = arith.index_cast %add3A_86 : i32 to index
      %get3A_88 = arith.constant 0 : index
      %get3A_89 = tpu.vector_load %arg6[%get3A_87, %get3A_88] {strides = array<i32>} : memref<832x16xf32, #tpu.memory_space<vmem>>, vector<1x16xf32>,
      %get3A_90 = vector.shape_cast %get3A_89 : vector<1x16xf32> to vector<16xf32>
      %add3A_91 = arith.addf %add3A_84, %get3A_90 : vector<16xf32>
      %mul3A_92 = arith.constant 0.333333343 : f32
      %mul3A_93 = vector.broadcast %mul3A_92 : f32 to vector<16xf32>
      %mul3A_94 = arith.mulf %add3A_91, %mul3A_93 : vector<16xf32>
      %swap3A = arith.index_cast %scan3A_70 : i32 to index
      %swap3A_95 = arith.constant 0 : index
      %swap3A_96 = tpu.vector_load %arg7[%swap3A, %swap3A_95] {strides = array<i32>} : memref<32x128xf32, #tpu.memory_space<vmem>>, vector<1x16xf32>,
      %swap3A_97 = vector.shape_cast %swap3A_96 : vector<1x16xf32> to vector<16xf32>
      %swap3A_98 = vector.shape_cast %mul3A_94 : vector<16xf32> to vector<1x16xf32>
      tpu.vector_store %arg7[%swap3A, %swap3A_95], %swap3A_98 {strides = array<i32>} : memref<32x128xf32, #tpu.memory_space<vmem>>, vector<1x16xf32>,
      %add3A_99 = arith.constant 11 : i32
      %add3A_100 = arith.addi %mul3A_72, %add3A_99 : i32
      %get3A_101 = arith.index_cast %add3A_100 : i32 to index
      %get3A_102 = arith.constant 0 : index
      %get3A_103 = tpu.vector_load %arg6[%get3A_101, %get3A_102] {strides = array<i32>} : memref<832x16xf32, #tpu.memory_space<vmem>>, vector<1x16xf32>,
      %get3A_104 = vector.shape_cast %get3A_103 : vector<1x16xf32> to vector<16xf32>
      %add3A_105 = arith.constant 25 : i32
      %add3A_106 = arith.addi %mul3A_72, %add3A_105 : i32
      %get3A_107 = arith.index_cast %add3A_106 : i32 to index
      %get3A_108 = arith.constant 0 : index
      %get3A_109 = tpu.vector_load %arg6[%get3A_107, %get3A_108] {strides = array<i32>} : memref<832x16xf32, #tpu.memory_space<vmem>>, vector<1x16xf32>,
      %get3A_110 = vector.shape_cast %get3A_109 : vector<1x16xf32> to vector<16xf32>
      %add3A_111 = arith.addf %get3A_104, %get3A_110 : vector<16xf32>
      %add3A_112 = arith.constant 2 : i32
      %add3A_113 = arith.addi %mul3A_72, %add3A_112 : i32
      %get3A_114 = arith.index_cast %add3A_113 : i32 to index
      %get3A_115 = arith.constant 0 : index
      %get3A_116 = tpu.vector_load %arg6[%get3A_114, %get3A_115] {strides = array<i32>} : memref<832x16xf32, #tpu.memory_space<vmem>>, vector<1x16xf32>,
      %get3A_117 = vector.shape_cast %get3A_116 : vector<1x16xf32> to vector<16xf32>
      %add3A_118 = arith.addf %add3A_111, %get3A_117 : vector<16xf32>
      %mul3A_119 = arith.constant 0.333333343 : f32
      %mul3A_120 = vector.broadcast %mul3A_119 : f32 to vector<16xf32>
      %mul3A_121 = arith.mulf %add3A_118, %mul3A_120 : vector<16xf32>
      %swap3A_122 = arith.index_cast %scan3A_70 : i32 to index
      %swap3A_123 = arith.constant 16 : index
      %swap3A_124 = tpu.vector_load %arg7[%swap3A_122, %swap3A_123] {strides = array<i32>} : memref<32x128xf32, #tpu.memory_space<vmem>>, vector<1x16xf32>,
      %swap3A_125 = vector.shape_cast %swap3A_124 : vector<1x16xf32> to vector<16xf32>
      %swap3A_126 = vector.shape_cast %mul3A_121 : vector<16xf32> to vector<1x16xf32>
      tpu.vector_store %arg7[%swap3A_122, %swap3A_123], %swap3A_126 {strides = array<i32>} : memref<32x128xf32, #tpu.memory_space<vmem>>, vector<1x16xf32>,
      %add3A_127 = arith.constant 24 : i32
      %add3A_128 = arith.addi %mul3A_72, %add3A_127 : i32
      %get3A_129 = arith.index_cast %add3A_128 : i32 to index
      %get3A_130 = arith.constant 0 : index
      %get3A_131 = tpu.vector_load %arg6[%get3A_129, %get3A_130] {strides = array<i32>} : memref<832x16xf32, #tpu.memory_space<vmem>>, vector<1x16xf32>,
      %get3A_132 = vector.shape_cast %get3A_131 : vector<1x16xf32> to vector<16xf32>
      %add3A_133 = arith.constant 6 : i32
      %add3A_134 = arith.addi %mul3A_72, %add3A_133 : i32
      %get3A_135 = arith.index_cast %add3A_134 : i32 to index
      %get3A_136 = arith.constant 0 : index
      %get3A_137 = tpu.vector_load %arg6[%get3A_135, %get3A_136] {strides = array<i32>} : memref<832x16xf32, #tpu.memory_space<vmem>>, vector<1x16xf32>,
      %get3A_138 = vector.shape_cast %get3A_137 : vector<1x16xf32> to vector<16xf32>
      %add3A_139 = arith.addf %get3A_132, %get3A_138 : vector<16xf32>
      %add3A_140 = arith.constant 16 : i32
      %add3A_141 = arith.addi %mul3A_72, %add3A_140 : i32
      %get3A_142 = arith.index_cast %add3A_141 : i32 to index
      %get3A_143 = arith.constant 0 : index
      %get3A_144 = tpu.vector_load %arg6[%get3A_142, %get3A_143] {strides = array<i32>} : memref<832x16xf32, #tpu.memory_space<vmem>>, vector<1x16xf32>,
      %get3A_145 = vector.shape_cast %get3A_144 : vector<1x16xf32> to vector<16xf32>
      %add3A_146 = arith.addf %add3A_139, %get3A_145 : vector<16xf32>
      %mul3A_147 = arith.constant 0.333333343 : f32
      %mul3A_148 = vector.broadcast %mul3A_147 : f32 to vector<16xf32>
      %mul3A_149 = arith.mulf %add3A_146, %mul3A_148 : vector<16xf32>
      %swap3A_150 = arith.index_cast %scan3A_70 : i32 to index
      %swap3A_151 = arith.constant 32 : index
      %swap3A_152 = tpu.vector_load %arg7[%swap3A_150, %swap3A_151] {strides = array<i32>} : memref<32x128xf32, #tpu.memory_space<vmem>>, vector<1x16xf32>,
      %swap3A_153 = vector.shape_cast %swap3A_152 : vector<1x16xf32> to vector<16xf32>
      %swap3A_154 = vector.shape_cast %mul3A_149 : vector<16xf32> to vector<1x16xf32>
      tpu.vector_store %arg7[%swap3A_150, %swap3A_151], %swap3A_154 {strides = array<i32>} : memref<32x128xf32, #tpu.memory_space<vmem>>, vector<1x16xf32>,
      %add3A_155 = arith.constant 23 : i32
      %add3A_156 = arith.addi %mul3A_72, %add3A_155 : i32
      %get3A_157 = arith.index_cast %add3A_156 : i32 to index
      %get3A_158 = arith.constant 0 : index
      %get3A_159 = tpu.vector_load %arg6[%get3A_157, %get3A_158] {strides = array<i32>} : memref<832x16xf32, #tpu.memory_space<vmem>>, vector<1x16xf32>,
      %get3A_160 = vector.shape_cast %get3A_159 : vector<1x16xf32> to vector<16xf32>
      %add3A_161 = arith.constant 3 : i32
      %add3A_162 = arith.addi %mul3A_72, %add3A_161 : i32
      %get3A_163 = arith.index_cast %add3A_162 : i32 to index
      %get3A_164 = arith.constant 0 : index
      %get3A_165 = tpu.vector_load %arg6[%get3A_163, %get3A_164] {strides = array<i32>} : memref<832x16xf32, #tpu.memory_space<vmem>>, vector<1x16xf32>,
      %get3A_166 = vector.shape_cast %get3A_165 : vector<1x16xf32> to vector<16xf32>
      %add3A_167 = arith.addf %get3A_160, %get3A_166 : vector<16xf32>
      %add3A_168 = arith.constant 21 : i32
      %add3A_169 = arith.addi %mul3A_72, %add3A_168 : i32
      %get3A_170 = arith.index_cast %add3A_169 : i32 to index
      %get3A_171 = arith.constant 0 : index
      %get3A_172 = tpu.vector_load %arg6[%get3A_170, %get3A_171] {strides = array<i32>} : memref<832x16xf32, #tpu.memory_space<vmem>>, vector<1x16xf32>,
      %get3A_173 = vector.shape_cast %get3A_172 : vector<1x16xf32> to vector<16xf32>
      %add3A_174 = arith.addf %add3A_167, %get3A_173 : vector<16xf32>
      %add3A_175 = arith.constant 8 : i32
      %add3A_176 = arith.addi %mul3A_72, %add3A_175 : i32
      %get3A_177 = arith.index_cast %add3A_176 : i32 to index
      %get3A_178 = arith.constant 0 : index
      %get3A_179 = tpu.vector_load %arg6[%get3A_177, %get3A_178] {strides = array<i32>} : memref<832x16xf32, #tpu.memory_space<vmem>>, vector<1x16xf32>,
      %get3A_180 = vector.shape_cast %get3A_179 : vector<1x16xf32> to vector<16xf32>
      %add3A_181 = arith.addf %add3A_174, %get3A_180 : vector<16xf32>
      %mul3A_182 = arith.constant 2.500000e-01 : f32
      %mul3A_183 = vector.broadcast %mul3A_182 : f32 to vector<16xf32>
      %mul3A_184 = arith.mulf %add3A_181, %mul3A_183 : vector<16xf32>
      %swap3A_185 = arith.index_cast %scan3A_70 : i32 to index
      %swap3A_186 = arith.constant 48 : index
      %swap3A_187 = tpu.vector_load %arg7[%swap3A_185, %swap3A_186] {strides = array<i32>} : memref<32x128xf32, #tpu.memory_space<vmem>>, vector<1x16xf32>,
      %swap3A_188 = vector.shape_cast %swap3A_187 : vector<1x16xf32> to vector<16xf32>
      %swap3A_189 = vector.shape_cast %mul3A_184 : vector<16xf32> to vector<1x16xf32>
      tpu.vector_store %arg7[%swap3A_185, %swap3A_186], %swap3A_189 {strides = array<i32>} : memref<32x128xf32, #tpu.memory_space<vmem>>, vector<1x16xf32>,
      %add3A_190 = arith.constant 0 : i32
      %add3A_191 = arith.addi %mul3A_72, %add3A_190 : i32
      %get3A_192 = arith.index_cast %add3A_191 : i32 to index
      %get3A_193 = arith.constant 0 : index
      %get3A_194 = tpu.vector_load %arg6[%get3A_192, %get3A_193] {strides = array<i32>} : memref<832x16xf32, #tpu.memory_space<vmem>>, vector<1x16xf32>,
      %get3A_195 = vector.shape_cast %get3A_194 : vector<1x16xf32> to vector<16xf32>
      %add3A_196 = arith.constant 20 : i32
      %add3A_197 = arith.addi %mul3A_72, %add3A_196 : i32
      %get3A_198 = arith.index_cast %add3A_197 : i32 to index
      %get3A_199 = arith.constant 0 : index
      %get3A_200 = tpu.vector_load %arg6[%get3A_198, %get3A_199] {strides = array<i32>} : memref<832x16xf32, #tpu.memory_space<vmem>>, vector<1x16xf32>,
      %get3A_201 = vector.shape_cast %get3A_200 : vector<1x16xf32> to vector<16xf32>
      %add3A_202 = arith.addf %get3A_195, %get3A_201 : vector<16xf32>
      %add3A_203 = arith.constant 12 : i32
      %add3A_204 = arith.addi %mul3A_72, %add3A_203 : i32
      %get3A_205 = arith.index_cast %add3A_204 : i32 to index
      %get3A_206 = arith.constant 0 : index
      %get3A_207 = tpu.vector_load %arg6[%get3A_205, %get3A_206] {strides = array<i32>} : memref<832x16xf32, #tpu.memory_space<vmem>>, vector<1x16xf32>,
      %get3A_208 = vector.shape_cast %get3A_207 : vector<1x16xf32> to vector<16xf32>
      %add3A_209 = arith.addf %add3A_202, %get3A_208 : vector<16xf32>
      %mul3A_210 = arith.constant 0.333333343 : f32
      %mul3A_211 = vector.broadcast %mul3A_210 : f32 to vector<16xf32>
      %mul3A_212 = arith.mulf %add3A_209, %mul3A_211 : vector<16xf32>
      %swap3A_213 = arith.index_cast %scan3A_70 : i32 to index
      %swap3A_214 = arith.constant 64 : index
      %swap3A_215 = tpu.vector_load %arg7[%swap3A_213, %swap3A_214] {strides = array<i32>} : memref<32x128xf32, #tpu.memory_space<vmem>>, vector<1x16xf32>,
      %swap3A_216 = vector.shape_cast %swap3A_215 : vector<1x16xf32> to vector<16xf32>
      %swap3A_217 = vector.shape_cast %mul3A_212 : vector<16xf32> to vector<1x16xf32>
      tpu.vector_store %arg7[%swap3A_213, %swap3A_214], %swap3A_217 {strides = array<i32>} : memref<32x128xf32, #tpu.memory_space<vmem>>, vector<1x16xf32>,
      %add3A_218 = arith.constant 18 : i32
      %add3A_219 = arith.addi %mul3A_72, %add3A_218 : i32
      %get3A_220 = arith.index_cast %add3A_219 : i32 to index
      %get3A_221 = arith.constant 0 : index
      %get3A_222 = tpu.vector_load %arg6[%get3A_220, %get3A_221] {strides = array<i32>} : memref<832x16xf32, #tpu.memory_space<vmem>>, vector<1x16xf32>,
      %get3A_223 = vector.shape_cast %get3A_222 : vector<1x16xf32> to vector<16xf32>
      %add3A_224 = arith.constant 13 : i32
      %add3A_225 = arith.addi %mul3A_72, %add3A_224 : i32
      %get3A_226 = arith.index_cast %add3A_225 : i32 to index
      %get3A_227 = arith.constant 0 : index
      %get3A_228 = tpu.vector_load %arg6[%get3A_226, %get3A_227] {strides = array<i32>} : memref<832x16xf32, #tpu.memory_space<vmem>>, vector<1x16xf32>,
      %get3A_229 = vector.shape_cast %get3A_228 : vector<1x16xf32> to vector<16xf32>
      %add3A_230 = arith.addf %get3A_223, %get3A_229 : vector<16xf32>
      %add3A_231 = arith.constant 7 : i32
      %add3A_232 = arith.addi %mul3A_72, %add3A_231 : i32
      %get3A_233 = arith.index_cast %add3A_232 : i32 to index
      %get3A_234 = arith.constant 0 : index
      %get3A_235 = tpu.vector_load %arg6[%get3A_233, %get3A_234] {strides = array<i32>} : memref<832x16xf32, #tpu.memory_space<vmem>>, vector<1x16xf32>,
      %get3A_236 = vector.shape_cast %get3A_235 : vector<1x16xf32> to vector<16xf32>
      %add3A_237 = arith.addf %add3A_230, %get3A_236 : vector<16xf32>
      %mul3A_238 = arith.constant 0.333333343 : f32
      %mul3A_239 = vector.broadcast %mul3A_238 : f32 to vector<16xf32>
      %mul3A_240 = arith.mulf %add3A_237, %mul3A_239 : vector<16xf32>
      %swap3A_241 = arith.index_cast %scan3A_70 : i32 to index
      %swap3A_242 = arith.constant 80 : index
      %swap3A_243 = tpu.vector_load %arg7[%swap3A_241, %swap3A_242] {strides = array<i32>} : memref<32x128xf32, #tpu.memory_space<vmem>>, vector<1x16xf32>,
      %swap3A_244 = vector.shape_cast %swap3A_243 : vector<1x16xf32> to vector<16xf32>
      %swap3A_245 = vector.shape_cast %mul3A_240 : vector<16xf32> to vector<1x16xf32>
      tpu.vector_store %arg7[%swap3A_241, %swap3A_242], %swap3A_245 {strides = array<i32>} : memref<32x128xf32, #tpu.memory_space<vmem>>, vector<1x16xf32>,
      %add3A_246 = arith.constant 5 : i32
      %add3A_247 = arith.addi %mul3A_72, %add3A_246 : i32
      %get3A_248 = arith.index_cast %add3A_247 : i32 to index
      %get3A_249 = arith.constant 0 : index
      %get3A_250 = tpu.vector_load %arg6[%get3A_248, %get3A_249] {strides = array<i32>} : memref<832x16xf32, #tpu.memory_space<vmem>>, vector<1x16xf32>,
      %get3A_251 = vector.shape_cast %get3A_250 : vector<1x16xf32> to vector<16xf32>
      %add3A_252 = arith.constant 17 : i32
      %add3A_253 = arith.addi %mul3A_72, %add3A_252 : i32
      %get3A_254 = arith.index_cast %add3A_253 : i32 to index
      %get3A_255 = arith.constant 0 : index
      %get3A_256 = tpu.vector_load %arg6[%get3A_254, %get3A_255] {strides = array<i32>} : memref<832x16xf32, #tpu.memory_space<vmem>>, vector<1x16xf32>,
      %get3A_257 = vector.shape_cast %get3A_256 : vector<1x16xf32> to vector<16xf32>
      %add3A_258 = arith.addf %get3A_251, %get3A_257 : vector<16xf32>
      %add3A_259 = arith.constant 14 : i32
      %add3A_260 = arith.addi %mul3A_72, %add3A_259 : i32
      %get3A_261 = arith.index_cast %add3A_260 : i32 to index
      %get3A_262 = arith.constant 0 : index
      %get3A_263 = tpu.vector_load %arg6[%get3A_261, %get3A_262] {strides = array<i32>} : memref<832x16xf32, #tpu.memory_space<vmem>>, vector<1x16xf32>,
      %get3A_264 = vector.shape_cast %get3A_263 : vector<1x16xf32> to vector<16xf32>
      %add3A_265 = arith.addf %add3A_258, %get3A_264 : vector<16xf32>
      %mul3A_266 = arith.constant 0.333333343 : f32
      %mul3A_267 = vector.broadcast %mul3A_266 : f32 to vector<16xf32>
      %mul3A_268 = arith.mulf %add3A_265, %mul3A_267 : vector<16xf32>
      %swap3A_269 = arith.index_cast %scan3A_70 : i32 to index
      %swap3A_270 = arith.constant 96 : index
      %swap3A_271 = tpu.vector_load %arg7[%swap3A_269, %swap3A_270] {strides = array<i32>} : memref<32x128xf32, #tpu.memory_space<vmem>>, vector<1x16xf32>,
      %swap3A_272 = vector.shape_cast %swap3A_271 : vector<1x16xf32> to vector<16xf32>
      %swap3A_273 = vector.shape_cast %mul3A_268 : vector<16xf32> to vector<1x16xf32>
      tpu.vector_store %arg7[%swap3A_269, %swap3A_270], %swap3A_273 {strides = array<i32>} : memref<32x128xf32, #tpu.memory_space<vmem>>, vector<1x16xf32>,
      %add3A_274 = arith.constant 22 : i32
      %add3A_275 = arith.addi %mul3A_72, %add3A_274 : i32
      %get3A_276 = arith.index_cast %add3A_275 : i32 to index
      %get3A_277 = arith.constant 0 : index
      %get3A_278 = tpu.vector_load %arg6[%get3A_276, %get3A_277] {strides = array<i32>} : memref<832x16xf32, #tpu.memory_space<vmem>>, vector<1x16xf32>,
      %get3A_279 = vector.shape_cast %get3A_278 : vector<1x16xf32> to vector<16xf32>
      %add3A_280 = arith.constant 9 : i32
      %add3A_281 = arith.addi %mul3A_72, %add3A_280 : i32
      %get3A_282 = arith.index_cast %add3A_281 : i32 to index
      %get3A_283 = arith.constant 0 : index
      %get3A_284 = tpu.vector_load %arg6[%get3A_282, %get3A_283] {strides = array<i32>} : memref<832x16xf32, #tpu.memory_space<vmem>>, vector<1x16xf32>,
      %get3A_285 = vector.shape_cast %get3A_284 : vector<1x16xf32> to vector<16xf32>
      %add3A_286 = arith.addf %get3A_279, %get3A_285 : vector<16xf32>
      %add3A_287 = arith.constant 1 : i32
      %add3A_288 = arith.addi %mul3A_72, %add3A_287 : i32
      %get3A_289 = arith.index_cast %add3A_288 : i32 to index
      %get3A_290 = arith.constant 0 : index
      %get3A_291 = tpu.vector_load %arg6[%get3A_289, %get3A_290] {strides = array<i32>} : memref<832x16xf32, #tpu.memory_space<vmem>>, vector<1x16xf32>,
      %get3A_292 = vector.shape_cast %get3A_291 : vector<1x16xf32> to vector<16xf32>
      %add3A_293 = arith.addf %add3A_286, %get3A_292 : vector<16xf32>
      %add3A_294 = arith.constant 15 : i32
      %add3A_295 = arith.addi %mul3A_72, %add3A_294 : i32
      %get3A_296 = arith.index_cast %add3A_295 : i32 to index
      %get3A_297 = arith.constant 0 : index
      %get3A_298 = tpu.vector_load %arg6[%get3A_296, %get3A_297] {strides = array<i32>} : memref<832x16xf32, #tpu.memory_space<vmem>>, vector<1x16xf32>,
      %get3A_299 = vector.shape_cast %get3A_298 : vector<1x16xf32> to vector<16xf32>
      %add3A_300 = arith.addf %add3A_293, %get3A_299 : vector<16xf32>
      %mul3A_301 = arith.constant 2.500000e-01 : f32
      %mul3A_302 = vector.broadcast %mul3A_301 : f32 to vector<16xf32>
      %mul3A_303 = arith.mulf %add3A_300, %mul3A_302 : vector<16xf32>
      %swap3A_304 = arith.index_cast %scan3A_70 : i32 to index
      %swap3A_305 = arith.constant 112 : index
      %swap3A_306 = tpu.vector_load %arg7[%swap3A_304, %swap3A_305] {strides = array<i32>} : memref<32x128xf32, #tpu.memory_space<vmem>>, vector<1x16xf32>,
      %swap3A_307 = vector.shape_cast %swap3A_306 : vector<1x16xf32> to vector<16xf32>
      %swap3A_308 = vector.shape_cast %mul3A_303 : vector<16xf32> to vector<1x16xf32>
      tpu.vector_store %arg7[%swap3A_304, %swap3A_305], %swap3A_308 {strides = array<i32>} : memref<32x128xf32, #tpu.memory_space<vmem>>, vector<1x16xf32>,
    }
    %scan3A_33 = arith.constant 32 : i32
    "tpu.region"() ({
      %run_scoped3A = tpu.sem_alloc : memref<!tpu.dma_semaphore, #tpu.memory_space<semaphore_mem>>
      %dma_start3A_70 = arith.constant 0 : i32
      %dma_start3A_71 = tpu.memref_slice %arg4[%add3A_19, %dma_start3A_70] : memref<4096x128xf32, #tpu.memory_space<hbm>> -> memref<32x128xf32, #tpu.memory_space<hbm>>
      %dma_start3A_72 = arith.constant 0 : i32
      %dma_start3A_73 = tpu.memref_slice %arg4[%add3A_19, %dma_start3A_72] : memref<4096x128xf32, #tpu.memory_space<hbm>> -> memref<32x128xf32, #tpu.memory_space<hbm>>
      tpu.enqueue_dma source(%arg7 : memref<32x128xf32, #tpu.memory_space<vmem>>) target(%dma_start3A_73 : memref<32x128xf32, #tpu.memory_space<hbm>>) target_semaphore(%run_scoped3A : memref<!tpu.dma_semaphore, #tpu.memory_space<semaphore_mem>>)
      %dma_wait3A_74 = arith.constant 0 : i32
      %dma_wait3A_75 = tpu.memref_slice %arg4[%add3A_19, %dma_wait3A_74] : memref<4096x128xf32, #tpu.memory_space<hbm>> -> memref<32x128xf32, #tpu.memory_space<hbm>>
      %dma_wait3A_76 = arith.constant 0 : i32
      %dma_wait3A_77 = tpu.memref_slice %arg4[%add3A_19, %dma_wait3A_76] : memref<4096x128xf32, #tpu.memory_space<hbm>> -> memref<32x128xf32, #tpu.memory_space<hbm>>
      tpu.wait_dma2 semaphore(%run_scoped3A : memref<!tpu.dma_semaphore, #tpu.memory_space<semaphore_mem>>) src(%arg7 : memref<32x128xf32, #tpu.memory_space<vmem>>) dst(%dma_wait3A_77 : memref<32x128xf32, #tpu.memory_space<hbm>>)
      tpu.yield
    }) : () -> ()
    %mul3A_34 = arith.constant 128 : i32
    %mul3A_35 = arith.muli %add3A, %mul3A_34 : i32
    %add3A_36 = arith.constant 64 : i32
    %add3A_37 = arith.addi %mul3A_35, %add3A_36 : i32
    %mul3A_38 = arith.constant 26 : i32
    %mul3A_39 = arith.muli %add3A_37, %mul3A_38 : i32
    "tpu.region"() ({
      %run_scoped3A = tpu.sem_alloc : memref<!tpu.dma_semaphore, #tpu.memory_space<semaphore_mem>>
      %dma_start3A_70 = tpu.memref_slice %arg2[%mul3A_39] : memref<106496xi32, #tpu.memory_space<hbm>> -> memref<832xi32, #tpu.memory_space<hbm>>
      %dma_start3A_71 = tpu.memref_slice %arg2[%mul3A_39] : memref<106496xi32, #tpu.memory_space<hbm>> -> memref<832xi32, #tpu.memory_space<hbm>>
      tpu.enqueue_dma source(%dma_start3A_71 : memref<832xi32, #tpu.memory_space<hbm>>) target(%arg5 : memref<832xi32, #tpu.memory_space<vmem>>) target_semaphore(%run_scoped3A : memref<!tpu.dma_semaphore, #tpu.memory_space<semaphore_mem>>)
      %dma_wait3A_72 = tpu.memref_slice %arg2[%mul3A_39] : memref<106496xi32, #tpu.memory_space<hbm>> -> memref<832xi32, #tpu.memory_space<hbm>>
      %dma_wait3A_73 = tpu.memref_slice %arg2[%mul3A_39] : memref<106496xi32, #tpu.memory_space<hbm>> -> memref<832xi32, #tpu.memory_space<hbm>>
      tpu.wait_dma2 semaphore(%run_scoped3A : memref<!tpu.dma_semaphore, #tpu.memory_space<semaphore_mem>>) src(%dma_wait3A_73 : memref<832xi32, #tpu.memory_space<hbm>>) dst(%arg5 : memref<832xi32, #tpu.memory_space<vmem>>)
      tpu.yield
    }) : () -> ()
    %dma_start3A_40 = arith.constant 0 : i32
    %dma_start3A_41 = arith.constant 0 : i32
    %dma_start3A_42 = tpu.memref_slice %arg3[%dma_start3A_40, %dma_start3A_41] : memref<2609152x16xf32, #tpu.memory_space<hbm>> -> memref<2609152x16xf32, #tpu.memory_space<hbm>>
    tpu.enqueue_indirect_dma source(%dma_start3A_42 : memref<2609152x16xf32, #tpu.memory_space<hbm>>) target(%arg6 : memref<832x16xf32, #tpu.memory_space<vmem>>) offsets(%arg5 : memref<832xi32, #tpu.memory_space<vmem>>) semaphore(%arg8 : memref<!tpu.dma_semaphore, #tpu.memory_space<semaphore_mem>>)
    %dma_wait3A_43 = arith.constant 0 : i32
    %dma_wait3A_44 = arith.constant 0 : i32
    %dma_wait3A_45 = tpu.memref_slice %arg3[%dma_wait3A_43, %dma_wait3A_44] : memref<2609152x16xf32, #tpu.memory_space<hbm>> -> memref<2609152x16xf32, #tpu.memory_space<hbm>>
    tpu.wait_indirect_dma semaphore(%arg8 : memref<!tpu.dma_semaphore, #tpu.memory_space<semaphore_mem>>) src(%dma_wait3A_45 : memref<2609152x16xf32, #tpu.memory_space<hbm>>) dst(%arg6 : memref<832x16xf32, #tpu.memory_space<vmem>>)
    %scan3A_46 = arith.constant 0 : i32
    %scan3A_47 = arith.constant 0 : i32
    %scan3A_48 = arith.constant 32 : i32
    %scan3A_49 = arith.addi %scan3A_47, %scan3A_48 : i32
    %scan3A_50 = arith.constant 1 : i32
    scf.for %scan3A_70 = %scan3A_47 to %scan3A_49 step %scan3A_50  : i32 {
      %mul3A_71 = arith.constant 26 : i32
      %mul3A_72 = arith.muli %scan3A_70, %mul3A_71 : i32
      %add3A_73 = arith.constant 19 : i32
      %add3A_74 = arith.addi %mul3A_72, %add3A_73 : i32
      %get3A = arith.index_cast %add3A_74 : i32 to index
      %get3A_75 = arith.constant 0 : index
      %get3A_76 = tpu.vector_load %arg6[%get3A, %get3A_75] {strides = array<i32>} : memref<832x16xf32, #tpu.memory_space<vmem>>, vector<1x16xf32>,
      %get3A_77 = vector.shape_cast %get3A_76 : vector<1x16xf32> to vector<16xf32>
      %add3A_78 = arith.constant 4 : i32
      %add3A_79 = arith.addi %mul3A_72, %add3A_78 : i32
      %get3A_80 = arith.index_cast %add3A_79 : i32 to index
      %get3A_81 = arith.constant 0 : index
      %get3A_82 = tpu.vector_load %arg6[%get3A_80, %get3A_81] {strides = array<i32>} : memref<832x16xf32, #tpu.memory_space<vmem>>, vector<1x16xf32>,
      %get3A_83 = vector.shape_cast %get3A_82 : vector<1x16xf32> to vector<16xf32>
      %add3A_84 = arith.addf %get3A_77, %get3A_83 : vector<16xf32>
      %add3A_85 = arith.constant 10 : i32
      %add3A_86 = arith.addi %mul3A_72, %add3A_85 : i32
      %get3A_87 = arith.index_cast %add3A_86 : i32 to index
      %get3A_88 = arith.constant 0 : index
      %get3A_89 = tpu.vector_load %arg6[%get3A_87, %get3A_88] {strides = array<i32>} : memref<832x16xf32, #tpu.memory_space<vmem>>, vector<1x16xf32>,
      %get3A_90 = vector.shape_cast %get3A_89 : vector<1x16xf32> to vector<16xf32>
      %add3A_91 = arith.addf %add3A_84, %get3A_90 : vector<16xf32>
      %mul3A_92 = arith.constant 0.333333343 : f32
      %mul3A_93 = vector.broadcast %mul3A_92 : f32 to vector<16xf32>
      %mul3A_94 = arith.mulf %add3A_91, %mul3A_93 : vector<16xf32>
      %swap3A = arith.index_cast %scan3A_70 : i32 to index
      %swap3A_95 = arith.constant 0 : index
      %swap3A_96 = tpu.vector_load %arg7[%swap3A, %swap3A_95] {strides = array<i32>} : memref<32x128xf32, #tpu.memory_space<vmem>>, vector<1x16xf32>,
      %swap3A_97 = vector.shape_cast %swap3A_96 : vector<1x16xf32> to vector<16xf32>
      %swap3A_98 = vector.shape_cast %mul3A_94 : vector<16xf32> to vector<1x16xf32>
      tpu.vector_store %arg7[%swap3A, %swap3A_95], %swap3A_98 {strides = array<i32>} : memref<32x128xf32, #tpu.memory_space<vmem>>, vector<1x16xf32>,
      %add3A_99 = arith.constant 11 : i32
      %add3A_100 = arith.addi %mul3A_72, %add3A_99 : i32
      %get3A_101 = arith.index_cast %add3A_100 : i32 to index
      %get3A_102 = arith.constant 0 : index
      %get3A_103 = tpu.vector_load %arg6[%get3A_101, %get3A_102] {strides = array<i32>} : memref<832x16xf32, #tpu.memory_space<vmem>>, vector<1x16xf32>,
      %get3A_104 = vector.shape_cast %get3A_103 : vector<1x16xf32> to vector<16xf32>
      %add3A_105 = arith.constant 25 : i32
      %add3A_106 = arith.addi %mul3A_72, %add3A_105 : i32
      %get3A_107 = arith.index_cast %add3A_106 : i32 to index
      %get3A_108 = arith.constant 0 : index
      %get3A_109 = tpu.vector_load %arg6[%get3A_107, %get3A_108] {strides = array<i32>} : memref<832x16xf32, #tpu.memory_space<vmem>>, vector<1x16xf32>,
      %get3A_110 = vector.shape_cast %get3A_109 : vector<1x16xf32> to vector<16xf32>
      %add3A_111 = arith.addf %get3A_104, %get3A_110 : vector<16xf32>
      %add3A_112 = arith.constant 2 : i32
      %add3A_113 = arith.addi %mul3A_72, %add3A_112 : i32
      %get3A_114 = arith.index_cast %add3A_113 : i32 to index
      %get3A_115 = arith.constant 0 : index
      %get3A_116 = tpu.vector_load %arg6[%get3A_114, %get3A_115] {strides = array<i32>} : memref<832x16xf32, #tpu.memory_space<vmem>>, vector<1x16xf32>,
      %get3A_117 = vector.shape_cast %get3A_116 : vector<1x16xf32> to vector<16xf32>
      %add3A_118 = arith.addf %add3A_111, %get3A_117 : vector<16xf32>
      %mul3A_119 = arith.constant 0.333333343 : f32
      %mul3A_120 = vector.broadcast %mul3A_119 : f32 to vector<16xf32>
      %mul3A_121 = arith.mulf %add3A_118, %mul3A_120 : vector<16xf32>
      %swap3A_122 = arith.index_cast %scan3A_70 : i32 to index
      %swap3A_123 = arith.constant 16 : index
      %swap3A_124 = tpu.vector_load %arg7[%swap3A_122, %swap3A_123] {strides = array<i32>} : memref<32x128xf32, #tpu.memory_space<vmem>>, vector<1x16xf32>,
      %swap3A_125 = vector.shape_cast %swap3A_124 : vector<1x16xf32> to vector<16xf32>
      %swap3A_126 = vector.shape_cast %mul3A_121 : vector<16xf32> to vector<1x16xf32>
      tpu.vector_store %arg7[%swap3A_122, %swap3A_123], %swap3A_126 {strides = array<i32>} : memref<32x128xf32, #tpu.memory_space<vmem>>, vector<1x16xf32>,
      %add3A_127 = arith.constant 24 : i32
      %add3A_128 = arith.addi %mul3A_72, %add3A_127 : i32
      %get3A_129 = arith.index_cast %add3A_128 : i32 to index
      %get3A_130 = arith.constant 0 : index
      %get3A_131 = tpu.vector_load %arg6[%get3A_129, %get3A_130] {strides = array<i32>} : memref<832x16xf32, #tpu.memory_space<vmem>>, vector<1x16xf32>,
      %get3A_132 = vector.shape_cast %get3A_131 : vector<1x16xf32> to vector<16xf32>
      %add3A_133 = arith.constant 6 : i32
      %add3A_134 = arith.addi %mul3A_72, %add3A_133 : i32
      %get3A_135 = arith.index_cast %add3A_134 : i32 to index
      %get3A_136 = arith.constant 0 : index
      %get3A_137 = tpu.vector_load %arg6[%get3A_135, %get3A_136] {strides = array<i32>} : memref<832x16xf32, #tpu.memory_space<vmem>>, vector<1x16xf32>,
      %get3A_138 = vector.shape_cast %get3A_137 : vector<1x16xf32> to vector<16xf32>
      %add3A_139 = arith.addf %get3A_132, %get3A_138 : vector<16xf32>
      %add3A_140 = arith.constant 16 : i32
      %add3A_141 = arith.addi %mul3A_72, %add3A_140 : i32
      %get3A_142 = arith.index_cast %add3A_141 : i32 to index
      %get3A_143 = arith.constant 0 : index
      %get3A_144 = tpu.vector_load %arg6[%get3A_142, %get3A_143] {strides = array<i32>} : memref<832x16xf32, #tpu.memory_space<vmem>>, vector<1x16xf32>,
      %get3A_145 = vector.shape_cast %get3A_144 : vector<1x16xf32> to vector<16xf32>
      %add3A_146 = arith.addf %add3A_139, %get3A_145 : vector<16xf32>
      %mul3A_147 = arith.constant 0.333333343 : f32
      %mul3A_148 = vector.broadcast %mul3A_147 : f32 to vector<16xf32>
      %mul3A_149 = arith.mulf %add3A_146, %mul3A_148 : vector<16xf32>
      %swap3A_150 = arith.index_cast %scan3A_70 : i32 to index
      %swap3A_151 = arith.constant 32 : index
      %swap3A_152 = tpu.vector_load %arg7[%swap3A_150, %swap3A_151] {strides = array<i32>} : memref<32x128xf32, #tpu.memory_space<vmem>>, vector<1x16xf32>,
      %swap3A_153 = vector.shape_cast %swap3A_152 : vector<1x16xf32> to vector<16xf32>
      %swap3A_154 = vector.shape_cast %mul3A_149 : vector<16xf32> to vector<1x16xf32>
      tpu.vector_store %arg7[%swap3A_150, %swap3A_151], %swap3A_154 {strides = array<i32>} : memref<32x128xf32, #tpu.memory_space<vmem>>, vector<1x16xf32>,
      %add3A_155 = arith.constant 23 : i32
      %add3A_156 = arith.addi %mul3A_72, %add3A_155 : i32
      %get3A_157 = arith.index_cast %add3A_156 : i32 to index
      %get3A_158 = arith.constant 0 : index
      %get3A_159 = tpu.vector_load %arg6[%get3A_157, %get3A_158] {strides = array<i32>} : memref<832x16xf32, #tpu.memory_space<vmem>>, vector<1x16xf32>,
      %get3A_160 = vector.shape_cast %get3A_159 : vector<1x16xf32> to vector<16xf32>
      %add3A_161 = arith.constant 3 : i32
      %add3A_162 = arith.addi %mul3A_72, %add3A_161 : i32
      %get3A_163 = arith.index_cast %add3A_162 : i32 to index
      %get3A_164 = arith.constant 0 : index
      %get3A_165 = tpu.vector_load %arg6[%get3A_163, %get3A_164] {strides = array<i32>} : memref<832x16xf32, #tpu.memory_space<vmem>>, vector<1x16xf32>,
      %get3A_166 = vector.shape_cast %get3A_165 : vector<1x16xf32> to vector<16xf32>
      %add3A_167 = arith.addf %get3A_160, %get3A_166 : vector<16xf32>
      %add3A_168 = arith.constant 21 : i32
      %add3A_169 = arith.addi %mul3A_72, %add3A_168 : i32
      %get3A_170 = arith.index_cast %add3A_169 : i32 to index
      %get3A_171 = arith.constant 0 : index
      %get3A_172 = tpu.vector_load %arg6[%get3A_170, %get3A_171] {strides = array<i32>} : memref<832x16xf32, #tpu.memory_space<vmem>>, vector<1x16xf32>,
      %get3A_173 = vector.shape_cast %get3A_172 : vector<1x16xf32> to vector<16xf32>
      %add3A_174 = arith.addf %add3A_167, %get3A_173 : vector<16xf32>
      %add3A_175 = arith.constant 8 : i32
      %add3A_176 = arith.addi %mul3A_72, %add3A_175 : i32
      %get3A_177 = arith.index_cast %add3A_176 : i32 to index
      %get3A_178 = arith.constant 0 : index
      %get3A_179 = tpu.vector_load %arg6[%get3A_177, %get3A_178] {strides = array<i32>} : memref<832x16xf32, #tpu.memory_space<vmem>>, vector<1x16xf32>,
      %get3A_180 = vector.shape_cast %get3A_179 : vector<1x16xf32> to vector<16xf32>
      %add3A_181 = arith.addf %add3A_174, %get3A_180 : vector<16xf32>
      %mul3A_182 = arith.constant 2.500000e-01 : f32
      %mul3A_183 = vector.broadcast %mul3A_182 : f32 to vector<16xf32>
      %mul3A_184 = arith.mulf %add3A_181, %mul3A_183 : vector<16xf32>
      %swap3A_185 = arith.index_cast %scan3A_70 : i32 to index
      %swap3A_186 = arith.constant 48 : index
      %swap3A_187 = tpu.vector_load %arg7[%swap3A_185, %swap3A_186] {strides = array<i32>} : memref<32x128xf32, #tpu.memory_space<vmem>>, vector<1x16xf32>,
      %swap3A_188 = vector.shape_cast %swap3A_187 : vector<1x16xf32> to vector<16xf32>
      %swap3A_189 = vector.shape_cast %mul3A_184 : vector<16xf32> to vector<1x16xf32>
      tpu.vector_store %arg7[%swap3A_185, %swap3A_186], %swap3A_189 {strides = array<i32>} : memref<32x128xf32, #tpu.memory_space<vmem>>, vector<1x16xf32>,
      %add3A_190 = arith.constant 0 : i32
      %add3A_191 = arith.addi %mul3A_72, %add3A_190 : i32
      %get3A_192 = arith.index_cast %add3A_191 : i32 to index
      %get3A_193 = arith.constant 0 : index
      %get3A_194 = tpu.vector_load %arg6[%get3A_192, %get3A_193] {strides = array<i32>} : memref<832x16xf32, #tpu.memory_space<vmem>>, vector<1x16xf32>,
      %get3A_195 = vector.shape_cast %get3A_194 : vector<1x16xf32> to vector<16xf32>
      %add3A_196 = arith.constant 20 : i32
      %add3A_197 = arith.addi %mul3A_72, %add3A_196 : i32
      %get3A_198 = arith.index_cast %add3A_197 : i32 to index
      %get3A_199 = arith.constant 0 : index
      %get3A_200 = tpu.vector_load %arg6[%get3A_198, %get3A_199] {strides = array<i32>} : memref<832x16xf32, #tpu.memory_space<vmem>>, vector<1x16xf32>,
      %get3A_201 = vector.shape_cast %get3A_200 : vector<1x16xf32> to vector<16xf32>
      %add3A_202 = arith.addf %get3A_195, %get3A_201 : vector<16xf32>
      %add3A_203 = arith.constant 12 : i32
      %add3A_204 = arith.addi %mul3A_72, %add3A_203 : i32
      %get3A_205 = arith.index_cast %add3A_204 : i32 to index
      %get3A_206 = arith.constant 0 : index
      %get3A_207 = tpu.vector_load %arg6[%get3A_205, %get3A_206] {strides = array<i32>} : memref<832x16xf32, #tpu.memory_space<vmem>>, vector<1x16xf32>,
      %get3A_208 = vector.shape_cast %get3A_207 : vector<1x16xf32> to vector<16xf32>
      %add3A_209 = arith.addf %add3A_202, %get3A_208 : vector<16xf32>
      %mul3A_210 = arith.constant 0.333333343 : f32
      %mul3A_211 = vector.broadcast %mul3A_210 : f32 to vector<16xf32>
      %mul3A_212 = arith.mulf %add3A_209, %mul3A_211 : vector<16xf32>
      %swap3A_213 = arith.index_cast %scan3A_70 : i32 to index
      %swap3A_214 = arith.constant 64 : index
      %swap3A_215 = tpu.vector_load %arg7[%swap3A_213, %swap3A_214] {strides = array<i32>} : memref<32x128xf32, #tpu.memory_space<vmem>>, vector<1x16xf32>,
      %swap3A_216 = vector.shape_cast %swap3A_215 : vector<1x16xf32> to vector<16xf32>
      %swap3A_217 = vector.shape_cast %mul3A_212 : vector<16xf32> to vector<1x16xf32>
      tpu.vector_store %arg7[%swap3A_213, %swap3A_214], %swap3A_217 {strides = array<i32>} : memref<32x128xf32, #tpu.memory_space<vmem>>, vector<1x16xf32>,
      %add3A_218 = arith.constant 18 : i32
      %add3A_219 = arith.addi %mul3A_72, %add3A_218 : i32
      %get3A_220 = arith.index_cast %add3A_219 : i32 to index
      %get3A_221 = arith.constant 0 : index
      %get3A_222 = tpu.vector_load %arg6[%get3A_220, %get3A_221] {strides = array<i32>} : memref<832x16xf32, #tpu.memory_space<vmem>>, vector<1x16xf32>,
      %get3A_223 = vector.shape_cast %get3A_222 : vector<1x16xf32> to vector<16xf32>
      %add3A_224 = arith.constant 13 : i32
      %add3A_225 = arith.addi %mul3A_72, %add3A_224 : i32
      %get3A_226 = arith.index_cast %add3A_225 : i32 to index
      %get3A_227 = arith.constant 0 : index
      %get3A_228 = tpu.vector_load %arg6[%get3A_226, %get3A_227] {strides = array<i32>} : memref<832x16xf32, #tpu.memory_space<vmem>>, vector<1x16xf32>,
      %get3A_229 = vector.shape_cast %get3A_228 : vector<1x16xf32> to vector<16xf32>
      %add3A_230 = arith.addf %get3A_223, %get3A_229 : vector<16xf32>
      %add3A_231 = arith.constant 7 : i32
      %add3A_232 = arith.addi %mul3A_72, %add3A_231 : i32
      %get3A_233 = arith.index_cast %add3A_232 : i32 to index
      %get3A_234 = arith.constant 0 : index
      %get3A_235 = tpu.vector_load %arg6[%get3A_233, %get3A_234] {strides = array<i32>} : memref<832x16xf32, #tpu.memory_space<vmem>>, vector<1x16xf32>,
      %get3A_236 = vector.shape_cast %get3A_235 : vector<1x16xf32> to vector<16xf32>
      %add3A_237 = arith.addf %add3A_230, %get3A_236 : vector<16xf32>
      %mul3A_238 = arith.constant 0.333333343 : f32
      %mul3A_239 = vector.broadcast %mul3A_238 : f32 to vector<16xf32>
      %mul3A_240 = arith.mulf %add3A_237, %mul3A_239 : vector<16xf32>
      %swap3A_241 = arith.index_cast %scan3A_70 : i32 to index
      %swap3A_242 = arith.constant 80 : index
      %swap3A_243 = tpu.vector_load %arg7[%swap3A_241, %swap3A_242] {strides = array<i32>} : memref<32x128xf32, #tpu.memory_space<vmem>>, vector<1x16xf32>,
      %swap3A_244 = vector.shape_cast %swap3A_243 : vector<1x16xf32> to vector<16xf32>
      %swap3A_245 = vector.shape_cast %mul3A_240 : vector<16xf32> to vector<1x16xf32>
      tpu.vector_store %arg7[%swap3A_241, %swap3A_242], %swap3A_245 {strides = array<i32>} : memref<32x128xf32, #tpu.memory_space<vmem>>, vector<1x16xf32>,
      %add3A_246 = arith.constant 5 : i32
      %add3A_247 = arith.addi %mul3A_72, %add3A_246 : i32
      %get3A_248 = arith.index_cast %add3A_247 : i32 to index
      %get3A_249 = arith.constant 0 : index
      %get3A_250 = tpu.vector_load %arg6[%get3A_248, %get3A_249] {strides = array<i32>} : memref<832x16xf32, #tpu.memory_space<vmem>>, vector<1x16xf32>,
      %get3A_251 = vector.shape_cast %get3A_250 : vector<1x16xf32> to vector<16xf32>
      %add3A_252 = arith.constant 17 : i32
      %add3A_253 = arith.addi %mul3A_72, %add3A_252 : i32
      %get3A_254 = arith.index_cast %add3A_253 : i32 to index
      %get3A_255 = arith.constant 0 : index
      %get3A_256 = tpu.vector_load %arg6[%get3A_254, %get3A_255] {strides = array<i32>} : memref<832x16xf32, #tpu.memory_space<vmem>>, vector<1x16xf32>,
      %get3A_257 = vector.shape_cast %get3A_256 : vector<1x16xf32> to vector<16xf32>
      %add3A_258 = arith.addf %get3A_251, %get3A_257 : vector<16xf32>
      %add3A_259 = arith.constant 14 : i32
      %add3A_260 = arith.addi %mul3A_72, %add3A_259 : i32
      %get3A_261 = arith.index_cast %add3A_260 : i32 to index
      %get3A_262 = arith.constant 0 : index
      %get3A_263 = tpu.vector_load %arg6[%get3A_261, %get3A_262] {strides = array<i32>} : memref<832x16xf32, #tpu.memory_space<vmem>>, vector<1x16xf32>,
      %get3A_264 = vector.shape_cast %get3A_263 : vector<1x16xf32> to vector<16xf32>
      %add3A_265 = arith.addf %add3A_258, %get3A_264 : vector<16xf32>
      %mul3A_266 = arith.constant 0.333333343 : f32
      %mul3A_267 = vector.broadcast %mul3A_266 : f32 to vector<16xf32>
      %mul3A_268 = arith.mulf %add3A_265, %mul3A_267 : vector<16xf32>
      %swap3A_269 = arith.index_cast %scan3A_70 : i32 to index
      %swap3A_270 = arith.constant 96 : index
      %swap3A_271 = tpu.vector_load %arg7[%swap3A_269, %swap3A_270] {strides = array<i32>} : memref<32x128xf32, #tpu.memory_space<vmem>>, vector<1x16xf32>,
      %swap3A_272 = vector.shape_cast %swap3A_271 : vector<1x16xf32> to vector<16xf32>
      %swap3A_273 = vector.shape_cast %mul3A_268 : vector<16xf32> to vector<1x16xf32>
      tpu.vector_store %arg7[%swap3A_269, %swap3A_270], %swap3A_273 {strides = array<i32>} : memref<32x128xf32, #tpu.memory_space<vmem>>, vector<1x16xf32>,
      %add3A_274 = arith.constant 22 : i32
      %add3A_275 = arith.addi %mul3A_72, %add3A_274 : i32
      %get3A_276 = arith.index_cast %add3A_275 : i32 to index
      %get3A_277 = arith.constant 0 : index
      %get3A_278 = tpu.vector_load %arg6[%get3A_276, %get3A_277] {strides = array<i32>} : memref<832x16xf32, #tpu.memory_space<vmem>>, vector<1x16xf32>,
      %get3A_279 = vector.shape_cast %get3A_278 : vector<1x16xf32> to vector<16xf32>
      %add3A_280 = arith.constant 9 : i32
      %add3A_281 = arith.addi %mul3A_72, %add3A_280 : i32
      %get3A_282 = arith.index_cast %add3A_281 : i32 to index
      %get3A_283 = arith.constant 0 : index
      %get3A_284 = tpu.vector_load %arg6[%get3A_282, %get3A_283] {strides = array<i32>} : memref<832x16xf32, #tpu.memory_space<vmem>>, vector<1x16xf32>,
      %get3A_285 = vector.shape_cast %get3A_284 : vector<1x16xf32> to vector<16xf32>
      %add3A_286 = arith.addf %get3A_279, %get3A_285 : vector<16xf32>
      %add3A_287 = arith.constant 1 : i32
      %add3A_288 = arith.addi %mul3A_72, %add3A_287 : i32
      %get3A_289 = arith.index_cast %add3A_288 : i32 to index
      %get3A_290 = arith.constant 0 : index
      %get3A_291 = tpu.vector_load %arg6[%get3A_289, %get3A_290] {strides = array<i32>} : memref<832x16xf32, #tpu.memory_space<vmem>>, vector<1x16xf32>,
      %get3A_292 = vector.shape_cast %get3A_291 : vector<1x16xf32> to vector<16xf32>
      %add3A_293 = arith.addf %add3A_286, %get3A_292 : vector<16xf32>
      %add3A_294 = arith.constant 15 : i32
      %add3A_295 = arith.addi %mul3A_72, %add3A_294 : i32
      %get3A_296 = arith.index_cast %add3A_295 : i32 to index
      %get3A_297 = arith.constant 0 : index
      %get3A_298 = tpu.vector_load %arg6[%get3A_296, %get3A_297] {strides = array<i32>} : memref<832x16xf32, #tpu.memory_space<vmem>>, vector<1x16xf32>,
      %get3A_299 = vector.shape_cast %get3A_298 : vector<1x16xf32> to vector<16xf32>
      %add3A_300 = arith.addf %add3A_293, %get3A_299 : vector<16xf32>
      %mul3A_301 = arith.constant 2.500000e-01 : f32
      %mul3A_302 = vector.broadcast %mul3A_301 : f32 to vector<16xf32>
      %mul3A_303 = arith.mulf %add3A_300, %mul3A_302 : vector<16xf32>
      %swap3A_304 = arith.index_cast %scan3A_70 : i32 to index
      %swap3A_305 = arith.constant 112 : index
      %swap3A_306 = tpu.vector_load %arg7[%swap3A_304, %swap3A_305] {strides = array<i32>} : memref<32x128xf32, #tpu.memory_space<vmem>>, vector<1x16xf32>,
      %swap3A_307 = vector.shape_cast %swap3A_306 : vector<1x16xf32> to vector<16xf32>
      %swap3A_308 = vector.shape_cast %mul3A_303 : vector<16xf32> to vector<1x16xf32>
      tpu.vector_store %arg7[%swap3A_304, %swap3A_305], %swap3A_308 {strides = array<i32>} : memref<32x128xf32, #tpu.memory_space<vmem>>, vector<1x16xf32>,
    }
    %scan3A_51 = arith.constant 32 : i32
    "tpu.region"() ({
      %run_scoped3A = tpu.sem_alloc : memref<!tpu.dma_semaphore, #tpu.memory_space<semaphore_mem>>
      %dma_start3A_70 = arith.constant 0 : i32
      %dma_start3A_71 = tpu.memref_slice %arg4[%add3A_37, %dma_start3A_70] : memref<4096x128xf32, #tpu.memory_space<hbm>> -> memref<32x128xf32, #tpu.memory_space<hbm>>
      %dma_start3A_72 = arith.constant 0 : i32
      %dma_start3A_73 = tpu.memref_slice %arg4[%add3A_37, %dma_start3A_72] : memref<4096x128xf32, #tpu.memory_space<hbm>> -> memref<32x128xf32, #tpu.memory_space<hbm>>
      tpu.enqueue_dma source(%arg7 : memref<32x128xf32, #tpu.memory_space<vmem>>) target(%dma_start3A_73 : memref<32x128xf32, #tpu.memory_space<hbm>>) target_semaphore(%run_scoped3A : memref<!tpu.dma_semaphore, #tpu.memory_space<semaphore_mem>>)
      %dma_wait3A_74 = arith.constant 0 : i32
      %dma_wait3A_75 = tpu.memref_slice %arg4[%add3A_37, %dma_wait3A_74] : memref<4096x128xf32, #tpu.memory_space<hbm>> -> memref<32x128xf32, #tpu.memory_space<hbm>>
      %dma_wait3A_76 = arith.constant 0 : i32
      %dma_wait3A_77 = tpu.memref_slice %arg4[%add3A_37, %dma_wait3A_76] : memref<4096x128xf32, #tpu.memory_space<hbm>> -> memref<32x128xf32, #tpu.memory_space<hbm>>
      tpu.wait_dma2 semaphore(%run_scoped3A : memref<!tpu.dma_semaphore, #tpu.memory_space<semaphore_mem>>) src(%arg7 : memref<32x128xf32, #tpu.memory_space<vmem>>) dst(%dma_wait3A_77 : memref<32x128xf32, #tpu.memory_space<hbm>>)
      tpu.yield
    }) : () -> ()
    %mul3A_52 = arith.constant 128 : i32
    %mul3A_53 = arith.muli %add3A, %mul3A_52 : i32
    %add3A_54 = arith.constant 96 : i32
    %add3A_55 = arith.addi %mul3A_53, %add3A_54 : i32
    %mul3A_56 = arith.constant 26 : i32
    %mul3A_57 = arith.muli %add3A_55, %mul3A_56 : i32
    "tpu.region"() ({
      %run_scoped3A = tpu.sem_alloc : memref<!tpu.dma_semaphore, #tpu.memory_space<semaphore_mem>>
      %dma_start3A_70 = tpu.memref_slice %arg2[%mul3A_57] : memref<106496xi32, #tpu.memory_space<hbm>> -> memref<832xi32, #tpu.memory_space<hbm>>
      %dma_start3A_71 = tpu.memref_slice %arg2[%mul3A_57] : memref<106496xi32, #tpu.memory_space<hbm>> -> memref<832xi32, #tpu.memory_space<hbm>>
      tpu.enqueue_dma source(%dma_start3A_71 : memref<832xi32, #tpu.memory_space<hbm>>) target(%arg5 : memref<832xi32, #tpu.memory_space<vmem>>) target_semaphore(%run_scoped3A : memref<!tpu.dma_semaphore, #tpu.memory_space<semaphore_mem>>)
      %dma_wait3A_72 = tpu.memref_slice %arg2[%mul3A_57] : memref<106496xi32, #tpu.memory_space<hbm>> -> memref<832xi32, #tpu.memory_space<hbm>>
      %dma_wait3A_73 = tpu.memref_slice %arg2[%mul3A_57] : memref<106496xi32, #tpu.memory_space<hbm>> -> memref<832xi32, #tpu.memory_space<hbm>>
      tpu.wait_dma2 semaphore(%run_scoped3A : memref<!tpu.dma_semaphore, #tpu.memory_space<semaphore_mem>>) src(%dma_wait3A_73 : memref<832xi32, #tpu.memory_space<hbm>>) dst(%arg5 : memref<832xi32, #tpu.memory_space<vmem>>)
      tpu.yield
    }) : () -> ()
    %dma_start3A_58 = arith.constant 0 : i32
    %dma_start3A_59 = arith.constant 0 : i32
    %dma_start3A_60 = tpu.memref_slice %arg3[%dma_start3A_58, %dma_start3A_59] : memref<2609152x16xf32, #tpu.memory_space<hbm>> -> memref<2609152x16xf32, #tpu.memory_space<hbm>>
    tpu.enqueue_indirect_dma source(%dma_start3A_60 : memref<2609152x16xf32, #tpu.memory_space<hbm>>) target(%arg6 : memref<832x16xf32, #tpu.memory_space<vmem>>) offsets(%arg5 : memref<832xi32, #tpu.memory_space<vmem>>) semaphore(%arg8 : memref<!tpu.dma_semaphore, #tpu.memory_space<semaphore_mem>>)
    %dma_wait3A_61 = arith.constant 0 : i32
    %dma_wait3A_62 = arith.constant 0 : i32
    %dma_wait3A_63 = tpu.memref_slice %arg3[%dma_wait3A_61, %dma_wait3A_62] : memref<2609152x16xf32, #tpu.memory_space<hbm>> -> memref<2609152x16xf32, #tpu.memory_space<hbm>>
    tpu.wait_indirect_dma semaphore(%arg8 : memref<!tpu.dma_semaphore, #tpu.memory_space<semaphore_mem>>) src(%dma_wait3A_63 : memref<2609152x16xf32, #tpu.memory_space<hbm>>) dst(%arg6 : memref<832x16xf32, #tpu.memory_space<vmem>>)
    %scan3A_64 = arith.constant 0 : i32
    %scan3A_65 = arith.constant 0 : i32
    %scan3A_66 = arith.constant 32 : i32
    %scan3A_67 = arith.addi %scan3A_65, %scan3A_66 : i32
    %scan3A_68 = arith.constant 1 : i32
    scf.for %scan3A_70 = %scan3A_65 to %scan3A_67 step %scan3A_68  : i32 {
      %mul3A_71 = arith.constant 26 : i32
      %mul3A_72 = arith.muli %scan3A_70, %mul3A_71 : i32
      %add3A_73 = arith.constant 19 : i32
      %add3A_74 = arith.addi %mul3A_72, %add3A_73 : i32
      %get3A = arith.index_cast %add3A_74 : i32 to index
      %get3A_75 = arith.constant 0 : index
      %get3A_76 = tpu.vector_load %arg6[%get3A, %get3A_75] {strides = array<i32>} : memref<832x16xf32, #tpu.memory_space<vmem>>, vector<1x16xf32>,
      %get3A_77 = vector.shape_cast %get3A_76 : vector<1x16xf32> to vector<16xf32>
      %add3A_78 = arith.constant 4 : i32
      %add3A_79 = arith.addi %mul3A_72, %add3A_78 : i32
      %get3A_80 = arith.index_cast %add3A_79 : i32 to index
      %get3A_81 = arith.constant 0 : index
      %get3A_82 = tpu.vector_load %arg6[%get3A_80, %get3A_81] {strides = array<i32>} : memref<832x16xf32, #tpu.memory_space<vmem>>, vector<1x16xf32>,
      %get3A_83 = vector.shape_cast %get3A_82 : vector<1x16xf32> to vector<16xf32>
      %add3A_84 = arith.addf %get3A_77, %get3A_83 : vector<16xf32>
      %add3A_85 = arith.constant 10 : i32
      %add3A_86 = arith.addi %mul3A_72, %add3A_85 : i32
      %get3A_87 = arith.index_cast %add3A_86 : i32 to index
      %get3A_88 = arith.constant 0 : index
      %get3A_89 = tpu.vector_load %arg6[%get3A_87, %get3A_88] {strides = array<i32>} : memref<832x16xf32, #tpu.memory_space<vmem>>, vector<1x16xf32>,
      %get3A_90 = vector.shape_cast %get3A_89 : vector<1x16xf32> to vector<16xf32>
      %add3A_91 = arith.addf %add3A_84, %get3A_90 : vector<16xf32>
      %mul3A_92 = arith.constant 0.333333343 : f32
      %mul3A_93 = vector.broadcast %mul3A_92 : f32 to vector<16xf32>
      %mul3A_94 = arith.mulf %add3A_91, %mul3A_93 : vector<16xf32>
      %swap3A = arith.index_cast %scan3A_70 : i32 to index
      %swap3A_95 = arith.constant 0 : index
      %swap3A_96 = tpu.vector_load %arg7[%swap3A, %swap3A_95] {strides = array<i32>} : memref<32x128xf32, #tpu.memory_space<vmem>>, vector<1x16xf32>,
      %swap3A_97 = vector.shape_cast %swap3A_96 : vector<1x16xf32> to vector<16xf32>
      %swap3A_98 = vector.shape_cast %mul3A_94 : vector<16xf32> to vector<1x16xf32>
      tpu.vector_store %arg7[%swap3A, %swap3A_95], %swap3A_98 {strides = array<i32>} : memref<32x128xf32, #tpu.memory_space<vmem>>, vector<1x16xf32>,
      %add3A_99 = arith.constant 11 : i32
      %add3A_100 = arith.addi %mul3A_72, %add3A_99 : i32
      %get3A_101 = arith.index_cast %add3A_100 : i32 to index
      %get3A_102 = arith.constant 0 : index
      %get3A_103 = tpu.vector_load %arg6[%get3A_101, %get3A_102] {strides = array<i32>} : memref<832x16xf32, #tpu.memory_space<vmem>>, vector<1x16xf32>,
      %get3A_104 = vector.shape_cast %get3A_103 : vector<1x16xf32> to vector<16xf32>
      %add3A_105 = arith.constant 25 : i32
      %add3A_106 = arith.addi %mul3A_72, %add3A_105 : i32
      %get3A_107 = arith.index_cast %add3A_106 : i32 to index
      %get3A_108 = arith.constant 0 : index
      %get3A_109 = tpu.vector_load %arg6[%get3A_107, %get3A_108] {strides = array<i32>} : memref<832x16xf32, #tpu.memory_space<vmem>>, vector<1x16xf32>,
      %get3A_110 = vector.shape_cast %get3A_109 : vector<1x16xf32> to vector<16xf32>
      %add3A_111 = arith.addf %get3A_104, %get3A_110 : vector<16xf32>
      %add3A_112 = arith.constant 2 : i32
      %add3A_113 = arith.addi %mul3A_72, %add3A_112 : i32
      %get3A_114 = arith.index_cast %add3A_113 : i32 to index
      %get3A_115 = arith.constant 0 : index
      %get3A_116 = tpu.vector_load %arg6[%get3A_114, %get3A_115] {strides = array<i32>} : memref<832x16xf32, #tpu.memory_space<vmem>>, vector<1x16xf32>,
      %get3A_117 = vector.shape_cast %get3A_116 : vector<1x16xf32> to vector<16xf32>
      %add3A_118 = arith.addf %add3A_111, %get3A_117 : vector<16xf32>
      %mul3A_119 = arith.constant 0.333333343 : f32
      %mul3A_120 = vector.broadcast %mul3A_119 : f32 to vector<16xf32>
      %mul3A_121 = arith.mulf %add3A_118, %mul3A_120 : vector<16xf32>
      %swap3A_122 = arith.index_cast %scan3A_70 : i32 to index
      %swap3A_123 = arith.constant 16 : index
      %swap3A_124 = tpu.vector_load %arg7[%swap3A_122, %swap3A_123] {strides = array<i32>} : memref<32x128xf32, #tpu.memory_space<vmem>>, vector<1x16xf32>,
      %swap3A_125 = vector.shape_cast %swap3A_124 : vector<1x16xf32> to vector<16xf32>
      %swap3A_126 = vector.shape_cast %mul3A_121 : vector<16xf32> to vector<1x16xf32>
      tpu.vector_store %arg7[%swap3A_122, %swap3A_123], %swap3A_126 {strides = array<i32>} : memref<32x128xf32, #tpu.memory_space<vmem>>, vector<1x16xf32>,
      %add3A_127 = arith.constant 24 : i32
      %add3A_128 = arith.addi %mul3A_72, %add3A_127 : i32
      %get3A_129 = arith.index_cast %add3A_128 : i32 to index
      %get3A_130 = arith.constant 0 : index
      %get3A_131 = tpu.vector_load %arg6[%get3A_129, %get3A_130] {strides = array<i32>} : memref<832x16xf32, #tpu.memory_space<vmem>>, vector<1x16xf32>,
      %get3A_132 = vector.shape_cast %get3A_131 : vector<1x16xf32> to vector<16xf32>
      %add3A_133 = arith.constant 6 : i32
      %add3A_134 = arith.addi %mul3A_72, %add3A_133 : i32
      %get3A_135 = arith.index_cast %add3A_134 : i32 to index
      %get3A_136 = arith.constant 0 : index
      %get3A_137 = tpu.vector_load %arg6[%get3A_135, %get3A_136] {strides = array<i32>} : memref<832x16xf32, #tpu.memory_space<vmem>>, vector<1x16xf32>,
      %get3A_138 = vector.shape_cast %get3A_137 : vector<1x16xf32> to vector<16xf32>
      %add3A_139 = arith.addf %get3A_132, %get3A_138 : vector<16xf32>
      %add3A_140 = arith.constant 16 : i32
      %add3A_141 = arith.addi %mul3A_72, %add3A_140 : i32
      %get3A_142 = arith.index_cast %add3A_141 : i32 to index
      %get3A_143 = arith.constant 0 : index
      %get3A_144 = tpu.vector_load %arg6[%get3A_142, %get3A_143] {strides = array<i32>} : memref<832x16xf32, #tpu.memory_space<vmem>>, vector<1x16xf32>,
      %get3A_145 = vector.shape_cast %get3A_144 : vector<1x16xf32> to vector<16xf32>
      %add3A_146 = arith.addf %add3A_139, %get3A_145 : vector<16xf32>
      %mul3A_147 = arith.constant 0.333333343 : f32
      %mul3A_148 = vector.broadcast %mul3A_147 : f32 to vector<16xf32>
      %mul3A_149 = arith.mulf %add3A_146, %mul3A_148 : vector<16xf32>
      %swap3A_150 = arith.index_cast %scan3A_70 : i32 to index
      %swap3A_151 = arith.constant 32 : index
      %swap3A_152 = tpu.vector_load %arg7[%swap3A_150, %swap3A_151] {strides = array<i32>} : memref<32x128xf32, #tpu.memory_space<vmem>>, vector<1x16xf32>,
      %swap3A_153 = vector.shape_cast %swap3A_152 : vector<1x16xf32> to vector<16xf32>
      %swap3A_154 = vector.shape_cast %mul3A_149 : vector<16xf32> to vector<1x16xf32>
      tpu.vector_store %arg7[%swap3A_150, %swap3A_151], %swap3A_154 {strides = array<i32>} : memref<32x128xf32, #tpu.memory_space<vmem>>, vector<1x16xf32>,
      %add3A_155 = arith.constant 23 : i32
      %add3A_156 = arith.addi %mul3A_72, %add3A_155 : i32
      %get3A_157 = arith.index_cast %add3A_156 : i32 to index
      %get3A_158 = arith.constant 0 : index
      %get3A_159 = tpu.vector_load %arg6[%get3A_157, %get3A_158] {strides = array<i32>} : memref<832x16xf32, #tpu.memory_space<vmem>>, vector<1x16xf32>,
      %get3A_160 = vector.shape_cast %get3A_159 : vector<1x16xf32> to vector<16xf32>
      %add3A_161 = arith.constant 3 : i32
      %add3A_162 = arith.addi %mul3A_72, %add3A_161 : i32
      %get3A_163 = arith.index_cast %add3A_162 : i32 to index
      %get3A_164 = arith.constant 0 : index
      %get3A_165 = tpu.vector_load %arg6[%get3A_163, %get3A_164] {strides = array<i32>} : memref<832x16xf32, #tpu.memory_space<vmem>>, vector<1x16xf32>,
      %get3A_166 = vector.shape_cast %get3A_165 : vector<1x16xf32> to vector<16xf32>
      %add3A_167 = arith.addf %get3A_160, %get3A_166 : vector<16xf32>
      %add3A_168 = arith.constant 21 : i32
      %add3A_169 = arith.addi %mul3A_72, %add3A_168 : i32
      %get3A_170 = arith.index_cast %add3A_169 : i32 to index
      %get3A_171 = arith.constant 0 : index
      %get3A_172 = tpu.vector_load %arg6[%get3A_170, %get3A_171] {strides = array<i32>} : memref<832x16xf32, #tpu.memory_space<vmem>>, vector<1x16xf32>,
      %get3A_173 = vector.shape_cast %get3A_172 : vector<1x16xf32> to vector<16xf32>
      %add3A_174 = arith.addf %add3A_167, %get3A_173 : vector<16xf32>
      %add3A_175 = arith.constant 8 : i32
      %add3A_176 = arith.addi %mul3A_72, %add3A_175 : i32
      %get3A_177 = arith.index_cast %add3A_176 : i32 to index
      %get3A_178 = arith.constant 0 : index
      %get3A_179 = tpu.vector_load %arg6[%get3A_177, %get3A_178] {strides = array<i32>} : memref<832x16xf32, #tpu.memory_space<vmem>>, vector<1x16xf32>,
      %get3A_180 = vector.shape_cast %get3A_179 : vector<1x16xf32> to vector<16xf32>
      %add3A_181 = arith.addf %add3A_174, %get3A_180 : vector<16xf32>
      %mul3A_182 = arith.constant 2.500000e-01 : f32
      %mul3A_183 = vector.broadcast %mul3A_182 : f32 to vector<16xf32>
      %mul3A_184 = arith.mulf %add3A_181, %mul3A_183 : vector<16xf32>
      %swap3A_185 = arith.index_cast %scan3A_70 : i32 to index
      %swap3A_186 = arith.constant 48 : index
      %swap3A_187 = tpu.vector_load %arg7[%swap3A_185, %swap3A_186] {strides = array<i32>} : memref<32x128xf32, #tpu.memory_space<vmem>>, vector<1x16xf32>,
      %swap3A_188 = vector.shape_cast %swap3A_187 : vector<1x16xf32> to vector<16xf32>
      %swap3A_189 = vector.shape_cast %mul3A_184 : vector<16xf32> to vector<1x16xf32>
      tpu.vector_store %arg7[%swap3A_185, %swap3A_186], %swap3A_189 {strides = array<i32>} : memref<32x128xf32, #tpu.memory_space<vmem>>, vector<1x16xf32>,
      %add3A_190 = arith.constant 0 : i32
      %add3A_191 = arith.addi %mul3A_72, %add3A_190 : i32
      %get3A_192 = arith.index_cast %add3A_191 : i32 to index
      %get3A_193 = arith.constant 0 : index
      %get3A_194 = tpu.vector_load %arg6[%get3A_192, %get3A_193] {strides = array<i32>} : memref<832x16xf32, #tpu.memory_space<vmem>>, vector<1x16xf32>,
      %get3A_195 = vector.shape_cast %get3A_194 : vector<1x16xf32> to vector<16xf32>
      %add3A_196 = arith.constant 20 : i32
      %add3A_197 = arith.addi %mul3A_72, %add3A_196 : i32
      %get3A_198 = arith.index_cast %add3A_197 : i32 to index
      %get3A_199 = arith.constant 0 : index
      %get3A_200 = tpu.vector_load %arg6[%get3A_198, %get3A_199] {strides = array<i32>} : memref<832x16xf32, #tpu.memory_space<vmem>>, vector<1x16xf32>,
      %get3A_201 = vector.shape_cast %get3A_200 : vector<1x16xf32> to vector<16xf32>
      %add3A_202 = arith.addf %get3A_195, %get3A_201 : vector<16xf32>
      %add3A_203 = arith.constant 12 : i32
      %add3A_204 = arith.addi %mul3A_72, %add3A_203 : i32
      %get3A_205 = arith.index_cast %add3A_204 : i32 to index
      %get3A_206 = arith.constant 0 : index
      %get3A_207 = tpu.vector_load %arg6[%get3A_205, %get3A_206] {strides = array<i32>} : memref<832x16xf32, #tpu.memory_space<vmem>>, vector<1x16xf32>,
      %get3A_208 = vector.shape_cast %get3A_207 : vector<1x16xf32> to vector<16xf32>
      %add3A_209 = arith.addf %add3A_202, %get3A_208 : vector<16xf32>
      %mul3A_210 = arith.constant 0.333333343 : f32
      %mul3A_211 = vector.broadcast %mul3A_210 : f32 to vector<16xf32>
      %mul3A_212 = arith.mulf %add3A_209, %mul3A_211 : vector<16xf32>
      %swap3A_213 = arith.index_cast %scan3A_70 : i32 to index
      %swap3A_214 = arith.constant 64 : index
      %swap3A_215 = tpu.vector_load %arg7[%swap3A_213, %swap3A_214] {strides = array<i32>} : memref<32x128xf32, #tpu.memory_space<vmem>>, vector<1x16xf32>,
      %swap3A_216 = vector.shape_cast %swap3A_215 : vector<1x16xf32> to vector<16xf32>
      %swap3A_217 = vector.shape_cast %mul3A_212 : vector<16xf32> to vector<1x16xf32>
      tpu.vector_store %arg7[%swap3A_213, %swap3A_214], %swap3A_217 {strides = array<i32>} : memref<32x128xf32, #tpu.memory_space<vmem>>, vector<1x16xf32>,
      %add3A_218 = arith.constant 18 : i32
      %add3A_219 = arith.addi %mul3A_72, %add3A_218 : i32
      %get3A_220 = arith.index_cast %add3A_219 : i32 to index
      %get3A_221 = arith.constant 0 : index
      %get3A_222 = tpu.vector_load %arg6[%get3A_220, %get3A_221] {strides = array<i32>} : memref<832x16xf32, #tpu.memory_space<vmem>>, vector<1x16xf32>,
      %get3A_223 = vector.shape_cast %get3A_222 : vector<1x16xf32> to vector<16xf32>
      %add3A_224 = arith.constant 13 : i32
      %add3A_225 = arith.addi %mul3A_72, %add3A_224 : i32
      %get3A_226 = arith.index_cast %add3A_225 : i32 to index
      %get3A_227 = arith.constant 0 : index
      %get3A_228 = tpu.vector_load %arg6[%get3A_226, %get3A_227] {strides = array<i32>} : memref<832x16xf32, #tpu.memory_space<vmem>>, vector<1x16xf32>,
      %get3A_229 = vector.shape_cast %get3A_228 : vector<1x16xf32> to vector<16xf32>
      %add3A_230 = arith.addf %get3A_223, %get3A_229 : vector<16xf32>
      %add3A_231 = arith.constant 7 : i32
      %add3A_232 = arith.addi %mul3A_72, %add3A_231 : i32
      %get3A_233 = arith.index_cast %add3A_232 : i32 to index
      %get3A_234 = arith.constant 0 : index
      %get3A_235 = tpu.vector_load %arg6[%get3A_233, %get3A_234] {strides = array<i32>} : memref<832x16xf32, #tpu.memory_space<vmem>>, vector<1x16xf32>,
      %get3A_236 = vector.shape_cast %get3A_235 : vector<1x16xf32> to vector<16xf32>
      %add3A_237 = arith.addf %add3A_230, %get3A_236 : vector<16xf32>
      %mul3A_238 = arith.constant 0.333333343 : f32
      %mul3A_239 = vector.broadcast %mul3A_238 : f32 to vector<16xf32>
      %mul3A_240 = arith.mulf %add3A_237, %mul3A_239 : vector<16xf32>
      %swap3A_241 = arith.index_cast %scan3A_70 : i32 to index
      %swap3A_242 = arith.constant 80 : index
      %swap3A_243 = tpu.vector_load %arg7[%swap3A_241, %swap3A_242] {strides = array<i32>} : memref<32x128xf32, #tpu.memory_space<vmem>>, vector<1x16xf32>,
      %swap3A_244 = vector.shape_cast %swap3A_243 : vector<1x16xf32> to vector<16xf32>
      %swap3A_245 = vector.shape_cast %mul3A_240 : vector<16xf32> to vector<1x16xf32>
      tpu.vector_store %arg7[%swap3A_241, %swap3A_242], %swap3A_245 {strides = array<i32>} : memref<32x128xf32, #tpu.memory_space<vmem>>, vector<1x16xf32>,
      %add3A_246 = arith.constant 5 : i32
      %add3A_247 = arith.addi %mul3A_72, %add3A_246 : i32
      %get3A_248 = arith.index_cast %add3A_247 : i32 to index
      %get3A_249 = arith.constant 0 : index
      %get3A_250 = tpu.vector_load %arg6[%get3A_248, %get3A_249] {strides = array<i32>} : memref<832x16xf32, #tpu.memory_space<vmem>>, vector<1x16xf32>,
      %get3A_251 = vector.shape_cast %get3A_250 : vector<1x16xf32> to vector<16xf32>
      %add3A_252 = arith.constant 17 : i32
      %add3A_253 = arith.addi %mul3A_72, %add3A_252 : i32
      %get3A_254 = arith.index_cast %add3A_253 : i32 to index
      %get3A_255 = arith.constant 0 : index
      %get3A_256 = tpu.vector_load %arg6[%get3A_254, %get3A_255] {strides = array<i32>} : memref<832x16xf32, #tpu.memory_space<vmem>>, vector<1x16xf32>,
      %get3A_257 = vector.shape_cast %get3A_256 : vector<1x16xf32> to vector<16xf32>
      %add3A_258 = arith.addf %get3A_251, %get3A_257 : vector<16xf32>
      %add3A_259 = arith.constant 14 : i32
      %add3A_260 = arith.addi %mul3A_72, %add3A_259 : i32
      %get3A_261 = arith.index_cast %add3A_260 : i32 to index
      %get3A_262 = arith.constant 0 : index
      %get3A_263 = tpu.vector_load %arg6[%get3A_261, %get3A_262] {strides = array<i32>} : memref<832x16xf32, #tpu.memory_space<vmem>>, vector<1x16xf32>,
      %get3A_264 = vector.shape_cast %get3A_263 : vector<1x16xf32> to vector<16xf32>
      %add3A_265 = arith.addf %add3A_258, %get3A_264 : vector<16xf32>
      %mul3A_266 = arith.constant 0.333333343 : f32
      %mul3A_267 = vector.broadcast %mul3A_266 : f32 to vector<16xf32>
      %mul3A_268 = arith.mulf %add3A_265, %mul3A_267 : vector<16xf32>
      %swap3A_269 = arith.index_cast %scan3A_70 : i32 to index
      %swap3A_270 = arith.constant 96 : index
      %swap3A_271 = tpu.vector_load %arg7[%swap3A_269, %swap3A_270] {strides = array<i32>} : memref<32x128xf32, #tpu.memory_space<vmem>>, vector<1x16xf32>,
      %swap3A_272 = vector.shape_cast %swap3A_271 : vector<1x16xf32> to vector<16xf32>
      %swap3A_273 = vector.shape_cast %mul3A_268 : vector<16xf32> to vector<1x16xf32>
      tpu.vector_store %arg7[%swap3A_269, %swap3A_270], %swap3A_273 {strides = array<i32>} : memref<32x128xf32, #tpu.memory_space<vmem>>, vector<1x16xf32>,
      %add3A_274 = arith.constant 22 : i32
      %add3A_275 = arith.addi %mul3A_72, %add3A_274 : i32
      %get3A_276 = arith.index_cast %add3A_275 : i32 to index
      %get3A_277 = arith.constant 0 : index
      %get3A_278 = tpu.vector_load %arg6[%get3A_276, %get3A_277] {strides = array<i32>} : memref<832x16xf32, #tpu.memory_space<vmem>>, vector<1x16xf32>,
      %get3A_279 = vector.shape_cast %get3A_278 : vector<1x16xf32> to vector<16xf32>
      %add3A_280 = arith.constant 9 : i32
      %add3A_281 = arith.addi %mul3A_72, %add3A_280 : i32
      %get3A_282 = arith.index_cast %add3A_281 : i32 to index
      %get3A_283 = arith.constant 0 : index
      %get3A_284 = tpu.vector_load %arg6[%get3A_282, %get3A_283] {strides = array<i32>} : memref<832x16xf32, #tpu.memory_space<vmem>>, vector<1x16xf32>,
      %get3A_285 = vector.shape_cast %get3A_284 : vector<1x16xf32> to vector<16xf32>
      %add3A_286 = arith.addf %get3A_279, %get3A_285 : vector<16xf32>
      %add3A_287 = arith.constant 1 : i32
      %add3A_288 = arith.addi %mul3A_72, %add3A_287 : i32
      %get3A_289 = arith.index_cast %add3A_288 : i32 to index
      %get3A_290 = arith.constant 0 : index
      %get3A_291 = tpu.vector_load %arg6[%get3A_289, %get3A_290] {strides = array<i32>} : memref<832x16xf32, #tpu.memory_space<vmem>>, vector<1x16xf32>,
      %get3A_292 = vector.shape_cast %get3A_291 : vector<1x16xf32> to vector<16xf32>
      %add3A_293 = arith.addf %add3A_286, %get3A_292 : vector<16xf32>
      %add3A_294 = arith.constant 15 : i32
      %add3A_295 = arith.addi %mul3A_72, %add3A_294 : i32
      %get3A_296 = arith.index_cast %add3A_295 : i32 to index
      %get3A_297 = arith.constant 0 : index
      %get3A_298 = tpu.vector_load %arg6[%get3A_296, %get3A_297] {strides = array<i32>} : memref<832x16xf32, #tpu.memory_space<vmem>>, vector<1x16xf32>,
      %get3A_299 = vector.shape_cast %get3A_298 : vector<1x16xf32> to vector<16xf32>
      %add3A_300 = arith.addf %add3A_293, %get3A_299 : vector<16xf32>
      %mul3A_301 = arith.constant 2.500000e-01 : f32
      %mul3A_302 = vector.broadcast %mul3A_301 : f32 to vector<16xf32>
      %mul3A_303 = arith.mulf %add3A_300, %mul3A_302 : vector<16xf32>
      %swap3A_304 = arith.index_cast %scan3A_70 : i32 to index
      %swap3A_305 = arith.constant 112 : index
      %swap3A_306 = tpu.vector_load %arg7[%swap3A_304, %swap3A_305] {strides = array<i32>} : memref<32x128xf32, #tpu.memory_space<vmem>>, vector<1x16xf32>,
      %swap3A_307 = vector.shape_cast %swap3A_306 : vector<1x16xf32> to vector<16xf32>
      %swap3A_308 = vector.shape_cast %mul3A_303 : vector<16xf32> to vector<1x16xf32>
      tpu.vector_store %arg7[%swap3A_304, %swap3A_305], %swap3A_308 {strides = array<i32>} : memref<32x128xf32, #tpu.memory_space<vmem>>, vector<1x16xf32>,
    }
    %scan3A_69 = arith.constant 32 : i32
    "tpu.region"() ({
      %run_scoped3A = tpu.sem_alloc : memref<!tpu.dma_semaphore, #tpu.memory_space<semaphore_mem>>
      %dma_start3A_70 = arith.constant 0 : i32
      %dma_start3A_71 = tpu.memref_slice %arg4[%add3A_55, %dma_start3A_70] : memref<4096x128xf32, #tpu.memory_space<hbm>> -> memref<32x128xf32, #tpu.memory_space<hbm>>
      %dma_start3A_72 = arith.constant 0 : i32
      %dma_start3A_73 = tpu.memref_slice %arg4[%add3A_55, %dma_start3A_72] : memref<4096x128xf32, #tpu.memory_space<hbm>> -> memref<32x128xf32, #tpu.memory_space<hbm>>
      tpu.enqueue_dma source(%arg7 : memref<32x128xf32, #tpu.memory_space<vmem>>) target(%dma_start3A_73 : memref<32x128xf32, #tpu.memory_space<hbm>>) target_semaphore(%run_scoped3A : memref<!tpu.dma_semaphore, #tpu.memory_space<semaphore_mem>>)
      %dma_wait3A_74 = arith.constant 0 : i32
      %dma_wait3A_75 = tpu.memref_slice %arg4[%add3A_55, %dma_wait3A_74] : memref<4096x128xf32, #tpu.memory_space<hbm>> -> memref<32x128xf32, #tpu.memory_space<hbm>>
      %dma_wait3A_76 = arith.constant 0 : i32
      %dma_wait3A_77 = tpu.memref_slice %arg4[%add3A_55, %dma_wait3A_76] : memref<4096x128xf32, #tpu.memory_space<hbm>> -> memref<32x128xf32, #tpu.memory_space<hbm>>
      tpu.wait_dma2 semaphore(%run_scoped3A : memref<!tpu.dma_semaphore, #tpu.memory_space<semaphore_mem>>) src(%arg7 : memref<32x128xf32, #tpu.memory_space<vmem>>) dst(%dma_wait3A_77 : memref<32x128xf32, #tpu.memory_space<hbm>>)
      tpu.yield
    }) : () -> ()
    return
  }
}

module attributes {stable_mosaic.version = 14 : i64} {
  func.func @_tr_body(%arg0: i32, %arg1: memref<1x16x100000xf32, #tpu.memory_space<vmem>>, %arg2: memref<1x12544x128xf32, #tpu.memory_space<vmem>>) attributes {dimension_semantics = [#tpu.dimension_semantics<arbitrary>], iteration_bounds = array<i64: 26>, scalar_prefetch = 0 : i64, scratch_operands = 0 : i64, tpu.core_type = #tpu.core_type<tc>, window_params = [{transform_indices = @transform_0, window_bounds = array<i64: 1, 16, 100000>}, {transform_indices = @transform_1, window_bounds = array<i64: 1, 12544, 128>}]} {
    %get3A = arith.constant 0 : index
    %get3A_0 = arith.constant 0 : index
    %get3A_1 = arith.constant 0 : index
    %get3A_2 = vector.load %arg1[%get3A, %get3A_0, %get3A_1] : memref<1x16x100000xf32, #tpu.memory_space<vmem>>, vector<1x16x100000xf32>
    %get3A_3 = vector.shape_cast %get3A_2 : vector<1x16x100000xf32> to vector<16x100000xf32>
    %slice3A = vector.extract_strided_slice %get3A_3 {offsets = [0, 0], sizes = [16, 12544], strides = [1, 1]} : vector<16x100000xf32> to vector<16x12544xf32>
    %slice3A_4 = vector.extract_strided_slice %get3A_3 {offsets = [0, 12544], sizes = [16, 12544], strides = [1, 1]} : vector<16x100000xf32> to vector<16x12544xf32>
    %slice3A_5 = vector.extract_strided_slice %get3A_3 {offsets = [0, 25088], sizes = [16, 12544], strides = [1, 1]} : vector<16x100000xf32> to vector<16x12544xf32>
    %slice3A_6 = vector.extract_strided_slice %get3A_3 {offsets = [0, 37632], sizes = [16, 12544], strides = [1, 1]} : vector<16x100000xf32> to vector<16x12544xf32>
    %slice3A_7 = vector.extract_strided_slice %get3A_3 {offsets = [0, 50176], sizes = [16, 12544], strides = [1, 1]} : vector<16x100000xf32> to vector<16x12544xf32>
    %slice3A_8 = vector.extract_strided_slice %get3A_3 {offsets = [0, 62720], sizes = [16, 12544], strides = [1, 1]} : vector<16x100000xf32> to vector<16x12544xf32>
    %slice3A_9 = vector.extract_strided_slice %get3A_3 {offsets = [0, 75264], sizes = [16, 12544], strides = [1, 1]} : vector<16x100000xf32> to vector<16x12544xf32>
    %slice3A_10 = vector.extract_strided_slice %get3A_3 {offsets = [0, 87808], sizes = [16, 12192], strides = [1, 1]} : vector<16x100000xf32> to vector<16x12192xf32>
    %broadcast_in_dim3A = arith.constant 0.000000e+00 : f32
    %broadcast_in_dim3A_11 = vector.broadcast %broadcast_in_dim3A : f32 to vector<16x352xf32>
    %concatenate3A = tpu.concatenate %slice3A_10, %broadcast_in_dim3A_11 in 1 : vector<16x12192xf32>, vector<16x352xf32> -> vector<16x12544xf32>
    %concatenate3A_12 = tpu.concatenate %slice3A, %slice3A_4, %slice3A_5, %slice3A_6, %slice3A_7, %slice3A_8, %slice3A_9, %concatenate3A in 0 : vector<16x12544xf32>, vector<16x12544xf32>, vector<16x12544xf32>, vector<16x12544xf32>, vector<16x12544xf32>, vector<16x12544xf32>, vector<16x12544xf32>, vector<16x12544xf32> -> vector<128x12544xf32>
    %transpose3A = tpu.transpose %concatenate3A_12, [1, 0] : vector<128x12544xf32> -> vector<12544x128xf32>
    %swap3A = arith.constant 0 : index
    %swap3A_13 = arith.constant 0 : index
    %swap3A_14 = arith.constant 0 : index
    %swap3A_15 = vector.load %arg2[%swap3A, %swap3A_13, %swap3A_14] : memref<1x12544x128xf32, #tpu.memory_space<vmem>>, vector<1x12544x128xf32>
    %swap3A_16 = vector.shape_cast %swap3A_15 : vector<1x12544x128xf32> to vector<12544x128xf32>
    %swap3A_17 = vector.shape_cast %transpose3A : vector<12544x128xf32> to vector<1x12544x128xf32>
    tpu.vector_store %arg2[%swap3A, %swap3A_13, %swap3A_14], %swap3A_17 {strides = array<i32>} : memref<1x12544x128xf32, #tpu.memory_space<vmem>>, vector<1x12544x128xf32>,
    return
  }
  func.func @transform_0(%arg0: i32) -> (i32, i32, i32) {
    %add3A = arith.constant 26 : i32
    %add3A_0 = arith.addi %arg0, %add3A : i32
    %c0_i32 = arith.constant 0 : i32
    %c0_i32_1 = arith.constant 0 : i32
    %c0_i32_2 = arith.constant 0 : i32
    return %add3A_0, %c0_i32, %c0_i32_1 : i32, i32, i32
  }
  func.func @transform_1(%arg0: i32) -> (i32, i32, i32) {
    %c0_i32 = arith.constant 0 : i32
    %c0_i32_0 = arith.constant 0 : i32
    %c0_i32_1 = arith.constant 0 : i32
    return %arg0, %c0_i32, %c0_i32_0 : i32, i32, i32
  }
}

module attributes {stable_mosaic.version = 14 : i64} {
  func.func @_tr_body(%arg0: i32, %arg1: memref<1x16x100000xf32, #tpu.memory_space<vmem>>, %arg2: memref<1x12544x128xf32, #tpu.memory_space<vmem>>) attributes {dimension_semantics = [#tpu.dimension_semantics<arbitrary>], iteration_bounds = array<i64: 26>, scalar_prefetch = 0 : i64, scratch_operands = 0 : i64, tpu.core_type = #tpu.core_type<tc>, window_params = [{transform_indices = @transform_0, window_bounds = array<i64: 1, 16, 100000>}, {transform_indices = @transform_1, window_bounds = array<i64: 1, 12544, 128>}]} {
    %get3A = arith.constant 0 : index
    %get3A_0 = arith.constant 0 : index
    %get3A_1 = arith.constant 0 : index
    %get3A_2 = vector.load %arg1[%get3A, %get3A_0, %get3A_1] : memref<1x16x100000xf32, #tpu.memory_space<vmem>>, vector<1x16x100000xf32>
    %get3A_3 = vector.shape_cast %get3A_2 : vector<1x16x100000xf32> to vector<16x100000xf32>
    %slice3A = vector.extract_strided_slice %get3A_3 {offsets = [0, 0], sizes = [16, 12544], strides = [1, 1]} : vector<16x100000xf32> to vector<16x12544xf32>
    %slice3A_4 = vector.extract_strided_slice %get3A_3 {offsets = [0, 12544], sizes = [16, 12544], strides = [1, 1]} : vector<16x100000xf32> to vector<16x12544xf32>
    %slice3A_5 = vector.extract_strided_slice %get3A_3 {offsets = [0, 25088], sizes = [16, 12544], strides = [1, 1]} : vector<16x100000xf32> to vector<16x12544xf32>
    %slice3A_6 = vector.extract_strided_slice %get3A_3 {offsets = [0, 37632], sizes = [16, 12544], strides = [1, 1]} : vector<16x100000xf32> to vector<16x12544xf32>
    %slice3A_7 = vector.extract_strided_slice %get3A_3 {offsets = [0, 50176], sizes = [16, 12544], strides = [1, 1]} : vector<16x100000xf32> to vector<16x12544xf32>
    %slice3A_8 = vector.extract_strided_slice %get3A_3 {offsets = [0, 62720], sizes = [16, 12544], strides = [1, 1]} : vector<16x100000xf32> to vector<16x12544xf32>
    %slice3A_9 = vector.extract_strided_slice %get3A_3 {offsets = [0, 75264], sizes = [16, 12544], strides = [1, 1]} : vector<16x100000xf32> to vector<16x12544xf32>
    %slice3A_10 = vector.extract_strided_slice %get3A_3 {offsets = [0, 87808], sizes = [16, 12192], strides = [1, 1]} : vector<16x100000xf32> to vector<16x12192xf32>
    %broadcast_in_dim3A = arith.constant 0.000000e+00 : f32
    %broadcast_in_dim3A_11 = vector.broadcast %broadcast_in_dim3A : f32 to vector<16x352xf32>
    %concatenate3A = tpu.concatenate %slice3A_10, %broadcast_in_dim3A_11 in 1 : vector<16x12192xf32>, vector<16x352xf32> -> vector<16x12544xf32>
    %concatenate3A_12 = tpu.concatenate %slice3A, %slice3A_4, %slice3A_5, %slice3A_6, %slice3A_7, %slice3A_8, %slice3A_9, %concatenate3A in 0 : vector<16x12544xf32>, vector<16x12544xf32>, vector<16x12544xf32>, vector<16x12544xf32>, vector<16x12544xf32>, vector<16x12544xf32>, vector<16x12544xf32>, vector<16x12544xf32> -> vector<128x12544xf32>
    %transpose3A = tpu.transpose %concatenate3A_12, [1, 0] : vector<128x12544xf32> -> vector<12544x128xf32>
    %swap3A = arith.constant 0 : index
    %swap3A_13 = arith.constant 0 : index
    %swap3A_14 = arith.constant 0 : index
    %swap3A_15 = vector.load %arg2[%swap3A, %swap3A_13, %swap3A_14] : memref<1x12544x128xf32, #tpu.memory_space<vmem>>, vector<1x12544x128xf32>
    %swap3A_16 = vector.shape_cast %swap3A_15 : vector<1x12544x128xf32> to vector<12544x128xf32>
    %swap3A_17 = vector.shape_cast %transpose3A : vector<12544x128xf32> to vector<1x12544x128xf32>
    tpu.vector_store %arg2[%swap3A, %swap3A_13, %swap3A_14], %swap3A_17 {strides = array<i32>} : memref<1x12544x128xf32, #tpu.memory_space<vmem>>, vector<1x12544x128xf32>,
    return
  }
  func.func @transform_0(%arg0: i32) -> (i32, i32, i32) {
    %add3A = arith.constant 0 : i32
    %add3A_0 = arith.addi %arg0, %add3A : i32
    %c0_i32 = arith.constant 0 : i32
    %c0_i32_1 = arith.constant 0 : i32
    %c0_i32_2 = arith.constant 0 : i32
    return %add3A_0, %c0_i32, %c0_i32_1 : i32, i32, i32
  }
  func.func @transform_1(%arg0: i32) -> (i32, i32, i32) {
    %c0_i32 = arith.constant 0 : i32
    %c0_i32_0 = arith.constant 0 : i32
    %c0_i32_1 = arith.constant 0 : i32
    return %arg0, %c0_i32, %c0_i32_0 : i32, i32, i32
  }
}

module attributes {stable_mosaic.version = 14 : i64} {
  func.func @_tc_body(%arg0: i32, %arg1: memref<2048x128xf32, #tpu.memory_space<vmem>>, %arg2: memref<2048x128xf32, #tpu.memory_space<vmem>>, %arg3: memref<2048x26xf32, #tpu.memory_space<vmem>>, %arg4: memref<26x256xf32, #tpu.memory_space<vmem>>, %arg5: memref<32x128xf32, #tpu.memory_space<vmem>>, %arg6: memref<1x128xf32, #tpu.memory_space<vmem>>, %arg7: memref<1x128xf32, #tpu.memory_space<vmem>>, %arg8: memref<1x128xf32, #tpu.memory_space<vmem>>, %arg9: memref<2048x8x128xf32, #tpu.memory_space<vmem>>) attributes {dimension_semantics = [#tpu.dimension_semantics<arbitrary>], iteration_bounds = array<i64: 2>, scalar_prefetch = 0 : i64, scratch_operands = 0 : i64, tpu.core_type = #tpu.core_type<tc>, window_params = [{transform_indices = @transform_0, window_bounds = array<i64: 2048, 128>}, {transform_indices = @transform_1, window_bounds = array<i64: 2048, 128>}, {transform_indices = @transform_2, window_bounds = array<i64: 2048, 26>}, {pipeline_mode = #tpu.pipeline_mode<synchronous>, transform_indices = @transform_3, window_bounds = array<i64: 26, 256>}, {pipeline_mode = #tpu.pipeline_mode<synchronous>, transform_indices = @transform_4, window_bounds = array<i64: 32, 128>}, {pipeline_mode = #tpu.pipeline_mode<synchronous>, transform_indices = @transform_5, window_bounds = array<i64: 1, 128>}, {pipeline_mode = #tpu.pipeline_mode<synchronous>, transform_indices = @transform_6, window_bounds = array<i64: 1, 128>}, {pipeline_mode = #tpu.pipeline_mode<synchronous>, transform_indices = @transform_7, window_bounds = array<i64: 1, 128>}, {transform_indices = @transform_8, window_bounds = array<i64: 2048, 8, 128>}]} {
    %get3A = arith.constant 0 : index
    %get3A_0 = arith.constant 0 : index
    %get3A_1 = vector.load %arg3[%get3A, %get3A_0] : memref<2048x26xf32, #tpu.memory_space<vmem>>, vector<2048x26xf32>
    %get3A_2 = arith.constant 0 : index
    %get3A_3 = arith.constant 0 : index
    %get3A_4 = vector.load %arg4[%get3A_2, %get3A_3] : memref<26x256xf32, #tpu.memory_space<vmem>>, vector<26x256xf32>
    %dot_general3A = arith.constant dense<0.000000e+00> : vector<2048x256xf32>
    %dot_general3A_5 = tpu.matmul %get3A_1, %get3A_4, %dot_general3A {dimension_numbers = #tpu.dot_dimension_numbers<[1], [0], [0], [1], [0, 0, 1, 1], [], []>, transpose_lhs_hint = false} : vector<2048x26xf32>, vector<26x256xf32>, vector<2048x256xf32> -> vector<2048x256xf32>
    %get3A_6 = arith.constant 0 : index
    %get3A_7 = arith.constant 0 : index
    %get3A_8 = vector.load %arg1[%get3A_6, %get3A_7] : memref<2048x128xf32, #tpu.memory_space<vmem>>, vector<2048x128xf32>
    %get3A_9 = arith.constant 0 : index
    %get3A_10 = arith.constant 0 : index
    %get3A_11 = vector.load %arg2[%get3A_9, %get3A_10] : memref<2048x128xf32, #tpu.memory_space<vmem>>, vector<2048x128xf32>
    %get3A_12 = arith.constant 0 : index
    %get3A_13 = arith.constant 0 : index
    %get3A_14 = vector.load %arg5[%get3A_12, %get3A_13] : memref<32x128xf32, #tpu.memory_space<vmem>>, vector<32x128xf32>
    %get3A_15 = arith.constant 0 : index
    %get3A_16 = arith.constant 0 : index
    %get3A_17 = vector.load %arg6[%get3A_15, %get3A_16] : memref<1x128xf32, #tpu.memory_space<vmem>>, vector<1x128xf32>
    %get3A_18 = arith.constant 0 : index
    %get3A_19 = arith.constant 0 : index
    %get3A_20 = vector.load %arg7[%get3A_18, %get3A_19] : memref<1x128xf32, #tpu.memory_space<vmem>>, vector<1x128xf32>
    %get3A_21 = arith.constant 0 : index
    %get3A_22 = arith.constant 0 : index
    %get3A_23 = vector.load %arg8[%get3A_21, %get3A_22] : memref<1x128xf32, #tpu.memory_space<vmem>>, vector<1x128xf32>
    %slice3A = vector.extract_strided_slice %get3A_8 {offsets = [0, 0], sizes = [2048, 16], strides = [1, 1]} : vector<2048x128xf32> to vector<2048x16xf32>
    %slice3A_24 = vector.extract_strided_slice %get3A_11 {offsets = [0, 0], sizes = [2048, 16], strides = [1, 1]} : vector<2048x128xf32> to vector<2048x16xf32>
    %concatenate3A = tpu.concatenate %slice3A, %slice3A_24 in 1 : vector<2048x16xf32>, vector<2048x16xf32> -> vector<2048x32xf32>
    %slice3A_25 = vector.extract_strided_slice %dot_general3A_5 {offsets = [0, 0], sizes = [2048, 32], strides = [1, 1]} : vector<2048x256xf32> to vector<2048x32xf32>
    %add3A = arith.addf %concatenate3A, %slice3A_25 : vector<2048x32xf32>
    %dot_general3A_26 = arith.constant dense<0.000000e+00> : vector<2048x128xf32>
    %dot_general3A_27 = tpu.matmul %add3A, %get3A_14, %dot_general3A_26 {dimension_numbers = #tpu.dot_dimension_numbers<[1], [0], [0], [1], [0, 0, 1, 1], [], []>, transpose_lhs_hint = false} : vector<2048x32xf32>, vector<32x128xf32>, vector<2048x128xf32> -> vector<2048x128xf32>
    %add3A_28 = vector.broadcast %get3A_17 : vector<1x128xf32> to vector<2048x128xf32>
    %add3A_29 = arith.addf %dot_general3A_27, %add3A_28 : vector<2048x128xf32>
    %logistic3A = arith.negf %add3A_29 : vector<2048x128xf32>
    %logistic3A_30 = math.exp %logistic3A : vector<2048x128xf32>
    %logistic3A_31 = arith.constant 1.000000e+00 : f32
    %logistic3A_32 = vector.broadcast %logistic3A_31 : f32 to vector<2048x128xf32>
    %logistic3A_33 = arith.addf %logistic3A_32, %logistic3A_30 : vector<2048x128xf32>
    %logistic3A_34 = arith.divf %logistic3A_32, %logistic3A_33 : vector<2048x128xf32>
    %mul3A = arith.mulf %add3A_29, %logistic3A_34 : vector<2048x128xf32>
    %reduce_sum3A = arith.constant dense<0.000000e+00> : vector<2048xf32>
    %reduce_sum3A_35 = vector.multi_reduction <add>, %mul3A, %reduce_sum3A [1] : vector<2048x128xf32> to vector<2048xf32>
    %broadcast_in_dim3A = vector.shape_cast %reduce_sum3A_35 : vector<2048xf32> to vector<2048x1xf32>
    %div3A = arith.constant 1.280000e+02 : f32
    %div3A_36 = vector.broadcast %div3A : f32 to vector<2048x1xf32>
    %div3A_37 = arith.divf %broadcast_in_dim3A, %div3A_36 : vector<2048x1xf32>
    %sub3A = vector.broadcast %div3A_37 : vector<2048x1xf32> to vector<2048x128xf32>
    %sub3A_38 = arith.subf %mul3A, %sub3A : vector<2048x128xf32>
    %mul3A_39 = arith.mulf %sub3A_38, %sub3A_38 : vector<2048x128xf32>
    %reduce_sum3A_40 = arith.constant dense<0.000000e+00> : vector<2048xf32>
    %reduce_sum3A_41 = vector.multi_reduction <add>, %mul3A_39, %reduce_sum3A_40 [1] : vector<2048x128xf32> to vector<2048xf32>
    %broadcast_in_dim3A_42 = vector.shape_cast %reduce_sum3A_41 : vector<2048xf32> to vector<2048x1xf32>
    %div3A_43 = arith.constant 1.280000e+02 : f32
    %div3A_44 = vector.broadcast %div3A_43 : f32 to vector<2048x1xf32>
    %div3A_45 = arith.divf %broadcast_in_dim3A_42, %div3A_44 : vector<2048x1xf32>
    %add3A_46 = arith.constant 9.99999974E-6 : f32
    %add3A_47 = vector.broadcast %add3A_46 : f32 to vector<2048x1xf32>
    %add3A_48 = arith.addf %div3A_45, %add3A_47 : vector<2048x1xf32>
    %rsqrt3A = math.rsqrt %add3A_48 : vector<2048x1xf32>
    %mul3A_49 = vector.broadcast %rsqrt3A : vector<2048x1xf32> to vector<2048x128xf32>
    %mul3A_50 = arith.mulf %sub3A_38, %mul3A_49 : vector<2048x128xf32>
    %mul3A_51 = vector.broadcast %get3A_20 : vector<1x128xf32> to vector<2048x128xf32>
    %mul3A_52 = arith.mulf %mul3A_50, %mul3A_51 : vector<2048x128xf32>
    %add3A_53 = vector.broadcast %get3A_23 : vector<1x128xf32> to vector<2048x128xf32>
    %add3A_54 = arith.addf %mul3A_52, %add3A_53 : vector<2048x128xf32>
    %swap3A = arith.constant 0 : index
    %swap3A_55 = arith.constant 0 : index
    %swap3A_56 = arith.constant 0 : index
    %swap3A_57 = vector.load %arg9[%swap3A, %swap3A_55, %swap3A_56] : memref<2048x8x128xf32, #tpu.memory_space<vmem>>, vector<2048x1x128xf32>
    %swap3A_58 = vector.shape_cast %swap3A_57 : vector<2048x1x128xf32> to vector<2048x128xf32>
    %swap3A_59 = vector.shape_cast %add3A_54 : vector<2048x128xf32> to vector<2048x1x128xf32>
    tpu.vector_store %arg9[%swap3A, %swap3A_55, %swap3A_56], %swap3A_59 {strides = array<i32>} : memref<2048x8x128xf32, #tpu.memory_space<vmem>>, vector<2048x1x128xf32>,
    %slice3A_60 = vector.extract_strided_slice %get3A_8 {offsets = [0, 16], sizes = [2048, 16], strides = [1, 1]} : vector<2048x128xf32> to vector<2048x16xf32>
    %slice3A_61 = vector.extract_strided_slice %get3A_11 {offsets = [0, 16], sizes = [2048, 16], strides = [1, 1]} : vector<2048x128xf32> to vector<2048x16xf32>
    %concatenate3A_62 = tpu.concatenate %slice3A_60, %slice3A_61 in 1 : vector<2048x16xf32>, vector<2048x16xf32> -> vector<2048x32xf32>
    %slice3A_63 = vector.extract_strided_slice %dot_general3A_5 {offsets = [0, 32], sizes = [2048, 32], strides = [1, 1]} : vector<2048x256xf32> to vector<2048x32xf32>
    %add3A_64 = arith.addf %concatenate3A_62, %slice3A_63 : vector<2048x32xf32>
    %dot_general3A_65 = arith.constant dense<0.000000e+00> : vector<2048x128xf32>
    %dot_general3A_66 = tpu.matmul %add3A_64, %get3A_14, %dot_general3A_65 {dimension_numbers = #tpu.dot_dimension_numbers<[1], [0], [0], [1], [0, 0, 1, 1], [], []>, transpose_lhs_hint = false} : vector<2048x32xf32>, vector<32x128xf32>, vector<2048x128xf32> -> vector<2048x128xf32>
    %add3A_67 = vector.broadcast %get3A_17 : vector<1x128xf32> to vector<2048x128xf32>
    %add3A_68 = arith.addf %dot_general3A_66, %add3A_67 : vector<2048x128xf32>
    %logistic3A_69 = arith.negf %add3A_68 : vector<2048x128xf32>
    %logistic3A_70 = math.exp %logistic3A_69 : vector<2048x128xf32>
    %logistic3A_71 = arith.constant 1.000000e+00 : f32
    %logistic3A_72 = vector.broadcast %logistic3A_71 : f32 to vector<2048x128xf32>
    %logistic3A_73 = arith.addf %logistic3A_72, %logistic3A_70 : vector<2048x128xf32>
    %logistic3A_74 = arith.divf %logistic3A_72, %logistic3A_73 : vector<2048x128xf32>
    %mul3A_75 = arith.mulf %add3A_68, %logistic3A_74 : vector<2048x128xf32>
    %reduce_sum3A_76 = arith.constant dense<0.000000e+00> : vector<2048xf32>
    %reduce_sum3A_77 = vector.multi_reduction <add>, %mul3A_75, %reduce_sum3A_76 [1] : vector<2048x128xf32> to vector<2048xf32>
    %broadcast_in_dim3A_78 = vector.shape_cast %reduce_sum3A_77 : vector<2048xf32> to vector<2048x1xf32>
    %div3A_79 = arith.constant 1.280000e+02 : f32
    %div3A_80 = vector.broadcast %div3A_79 : f32 to vector<2048x1xf32>
    %div3A_81 = arith.divf %broadcast_in_dim3A_78, %div3A_80 : vector<2048x1xf32>
    %sub3A_82 = vector.broadcast %div3A_81 : vector<2048x1xf32> to vector<2048x128xf32>
    %sub3A_83 = arith.subf %mul3A_75, %sub3A_82 : vector<2048x128xf32>
    %mul3A_84 = arith.mulf %sub3A_83, %sub3A_83 : vector<2048x128xf32>
    %reduce_sum3A_85 = arith.constant dense<0.000000e+00> : vector<2048xf32>
    %reduce_sum3A_86 = vector.multi_reduction <add>, %mul3A_84, %reduce_sum3A_85 [1] : vector<2048x128xf32> to vector<2048xf32>
    %broadcast_in_dim3A_87 = vector.shape_cast %reduce_sum3A_86 : vector<2048xf32> to vector<2048x1xf32>
    %div3A_88 = arith.constant 1.280000e+02 : f32
    %div3A_89 = vector.broadcast %div3A_88 : f32 to vector<2048x1xf32>
    %div3A_90 = arith.divf %broadcast_in_dim3A_87, %div3A_89 : vector<2048x1xf32>
    %add3A_91 = arith.constant 9.99999974E-6 : f32
    %add3A_92 = vector.broadcast %add3A_91 : f32 to vector<2048x1xf32>
    %add3A_93 = arith.addf %div3A_90, %add3A_92 : vector<2048x1xf32>
    %rsqrt3A_94 = math.rsqrt %add3A_93 : vector<2048x1xf32>
    %mul3A_95 = vector.broadcast %rsqrt3A_94 : vector<2048x1xf32> to vector<2048x128xf32>
    %mul3A_96 = arith.mulf %sub3A_83, %mul3A_95 : vector<2048x128xf32>
    %mul3A_97 = vector.broadcast %get3A_20 : vector<1x128xf32> to vector<2048x128xf32>
    %mul3A_98 = arith.mulf %mul3A_96, %mul3A_97 : vector<2048x128xf32>
    %add3A_99 = vector.broadcast %get3A_23 : vector<1x128xf32> to vector<2048x128xf32>
    %add3A_100 = arith.addf %mul3A_98, %add3A_99 : vector<2048x128xf32>
    %swap3A_101 = arith.constant 0 : index
    %swap3A_102 = arith.constant 1 : index
    %swap3A_103 = arith.constant 0 : index
    %swap3A_104 = vector.load %arg9[%swap3A_101, %swap3A_102, %swap3A_103] : memref<2048x8x128xf32, #tpu.memory_space<vmem>>, vector<2048x1x128xf32>
    %swap3A_105 = vector.shape_cast %swap3A_104 : vector<2048x1x128xf32> to vector<2048x128xf32>
    %swap3A_106 = vector.shape_cast %add3A_100 : vector<2048x128xf32> to vector<2048x1x128xf32>
    tpu.vector_store %arg9[%swap3A_101, %swap3A_102, %swap3A_103], %swap3A_106 {strides = array<i32>} : memref<2048x8x128xf32, #tpu.memory_space<vmem>>, vector<2048x1x128xf32>,
    %slice3A_107 = vector.extract_strided_slice %get3A_8 {offsets = [0, 32], sizes = [2048, 16], strides = [1, 1]} : vector<2048x128xf32> to vector<2048x16xf32>
    %slice3A_108 = vector.extract_strided_slice %get3A_11 {offsets = [0, 32], sizes = [2048, 16], strides = [1, 1]} : vector<2048x128xf32> to vector<2048x16xf32>
    %concatenate3A_109 = tpu.concatenate %slice3A_107, %slice3A_108 in 1 : vector<2048x16xf32>, vector<2048x16xf32> -> vector<2048x32xf32>
    %slice3A_110 = vector.extract_strided_slice %dot_general3A_5 {offsets = [0, 64], sizes = [2048, 32], strides = [1, 1]} : vector<2048x256xf32> to vector<2048x32xf32>
    %add3A_111 = arith.addf %concatenate3A_109, %slice3A_110 : vector<2048x32xf32>
    %dot_general3A_112 = arith.constant dense<0.000000e+00> : vector<2048x128xf32>
    %dot_general3A_113 = tpu.matmul %add3A_111, %get3A_14, %dot_general3A_112 {dimension_numbers = #tpu.dot_dimension_numbers<[1], [0], [0], [1], [0, 0, 1, 1], [], []>, transpose_lhs_hint = false} : vector<2048x32xf32>, vector<32x128xf32>, vector<2048x128xf32> -> vector<2048x128xf32>
    %add3A_114 = vector.broadcast %get3A_17 : vector<1x128xf32> to vector<2048x128xf32>
    %add3A_115 = arith.addf %dot_general3A_113, %add3A_114 : vector<2048x128xf32>
    %logistic3A_116 = arith.negf %add3A_115 : vector<2048x128xf32>
    %logistic3A_117 = math.exp %logistic3A_116 : vector<2048x128xf32>
    %logistic3A_118 = arith.constant 1.000000e+00 : f32
    %logistic3A_119 = vector.broadcast %logistic3A_118 : f32 to vector<2048x128xf32>
    %logistic3A_120 = arith.addf %logistic3A_119, %logistic3A_117 : vector<2048x128xf32>
    %logistic3A_121 = arith.divf %logistic3A_119, %logistic3A_120 : vector<2048x128xf32>
    %mul3A_122 = arith.mulf %add3A_115, %logistic3A_121 : vector<2048x128xf32>
    %reduce_sum3A_123 = arith.constant dense<0.000000e+00> : vector<2048xf32>
    %reduce_sum3A_124 = vector.multi_reduction <add>, %mul3A_122, %reduce_sum3A_123 [1] : vector<2048x128xf32> to vector<2048xf32>
    %broadcast_in_dim3A_125 = vector.shape_cast %reduce_sum3A_124 : vector<2048xf32> to vector<2048x1xf32>
    %div3A_126 = arith.constant 1.280000e+02 : f32
    %div3A_127 = vector.broadcast %div3A_126 : f32 to vector<2048x1xf32>
    %div3A_128 = arith.divf %broadcast_in_dim3A_125, %div3A_127 : vector<2048x1xf32>
    %sub3A_129 = vector.broadcast %div3A_128 : vector<2048x1xf32> to vector<2048x128xf32>
    %sub3A_130 = arith.subf %mul3A_122, %sub3A_129 : vector<2048x128xf32>
    %mul3A_131 = arith.mulf %sub3A_130, %sub3A_130 : vector<2048x128xf32>
    %reduce_sum3A_132 = arith.constant dense<0.000000e+00> : vector<2048xf32>
    %reduce_sum3A_133 = vector.multi_reduction <add>, %mul3A_131, %reduce_sum3A_132 [1] : vector<2048x128xf32> to vector<2048xf32>
    %broadcast_in_dim3A_134 = vector.shape_cast %reduce_sum3A_133 : vector<2048xf32> to vector<2048x1xf32>
    %div3A_135 = arith.constant 1.280000e+02 : f32
    %div3A_136 = vector.broadcast %div3A_135 : f32 to vector<2048x1xf32>
    %div3A_137 = arith.divf %broadcast_in_dim3A_134, %div3A_136 : vector<2048x1xf32>
    %add3A_138 = arith.constant 9.99999974E-6 : f32
    %add3A_139 = vector.broadcast %add3A_138 : f32 to vector<2048x1xf32>
    %add3A_140 = arith.addf %div3A_137, %add3A_139 : vector<2048x1xf32>
    %rsqrt3A_141 = math.rsqrt %add3A_140 : vector<2048x1xf32>
    %mul3A_142 = vector.broadcast %rsqrt3A_141 : vector<2048x1xf32> to vector<2048x128xf32>
    %mul3A_143 = arith.mulf %sub3A_130, %mul3A_142 : vector<2048x128xf32>
    %mul3A_144 = vector.broadcast %get3A_20 : vector<1x128xf32> to vector<2048x128xf32>
    %mul3A_145 = arith.mulf %mul3A_143, %mul3A_144 : vector<2048x128xf32>
    %add3A_146 = vector.broadcast %get3A_23 : vector<1x128xf32> to vector<2048x128xf32>
    %add3A_147 = arith.addf %mul3A_145, %add3A_146 : vector<2048x128xf32>
    %swap3A_148 = arith.constant 0 : index
    %swap3A_149 = arith.constant 2 : index
    %swap3A_150 = arith.constant 0 : index
    %swap3A_151 = vector.load %arg9[%swap3A_148, %swap3A_149, %swap3A_150] : memref<2048x8x128xf32, #tpu.memory_space<vmem>>, vector<2048x1x128xf32>
    %swap3A_152 = vector.shape_cast %swap3A_151 : vector<2048x1x128xf32> to vector<2048x128xf32>
    %swap3A_153 = vector.shape_cast %add3A_147 : vector<2048x128xf32> to vector<2048x1x128xf32>
    tpu.vector_store %arg9[%swap3A_148, %swap3A_149, %swap3A_150], %swap3A_153 {strides = array<i32>} : memref<2048x8x128xf32, #tpu.memory_space<vmem>>, vector<2048x1x128xf32>,
    %slice3A_154 = vector.extract_strided_slice %get3A_8 {offsets = [0, 48], sizes = [2048, 16], strides = [1, 1]} : vector<2048x128xf32> to vector<2048x16xf32>
    %slice3A_155 = vector.extract_strided_slice %get3A_11 {offsets = [0, 48], sizes = [2048, 16], strides = [1, 1]} : vector<2048x128xf32> to vector<2048x16xf32>
    %concatenate3A_156 = tpu.concatenate %slice3A_154, %slice3A_155 in 1 : vector<2048x16xf32>, vector<2048x16xf32> -> vector<2048x32xf32>
    %slice3A_157 = vector.extract_strided_slice %dot_general3A_5 {offsets = [0, 96], sizes = [2048, 32], strides = [1, 1]} : vector<2048x256xf32> to vector<2048x32xf32>
    %add3A_158 = arith.addf %concatenate3A_156, %slice3A_157 : vector<2048x32xf32>
    %dot_general3A_159 = arith.constant dense<0.000000e+00> : vector<2048x128xf32>
    %dot_general3A_160 = tpu.matmul %add3A_158, %get3A_14, %dot_general3A_159 {dimension_numbers = #tpu.dot_dimension_numbers<[1], [0], [0], [1], [0, 0, 1, 1], [], []>, transpose_lhs_hint = false} : vector<2048x32xf32>, vector<32x128xf32>, vector<2048x128xf32> -> vector<2048x128xf32>
    %add3A_161 = vector.broadcast %get3A_17 : vector<1x128xf32> to vector<2048x128xf32>
    %add3A_162 = arith.addf %dot_general3A_160, %add3A_161 : vector<2048x128xf32>
    %logistic3A_163 = arith.negf %add3A_162 : vector<2048x128xf32>
    %logistic3A_164 = math.exp %logistic3A_163 : vector<2048x128xf32>
    %logistic3A_165 = arith.constant 1.000000e+00 : f32
    %logistic3A_166 = vector.broadcast %logistic3A_165 : f32 to vector<2048x128xf32>
    %logistic3A_167 = arith.addf %logistic3A_166, %logistic3A_164 : vector<2048x128xf32>
    %logistic3A_168 = arith.divf %logistic3A_166, %logistic3A_167 : vector<2048x128xf32>
    %mul3A_169 = arith.mulf %add3A_162, %logistic3A_168 : vector<2048x128xf32>
    %reduce_sum3A_170 = arith.constant dense<0.000000e+00> : vector<2048xf32>
    %reduce_sum3A_171 = vector.multi_reduction <add>, %mul3A_169, %reduce_sum3A_170 [1] : vector<2048x128xf32> to vector<2048xf32>
    %broadcast_in_dim3A_172 = vector.shape_cast %reduce_sum3A_171 : vector<2048xf32> to vector<2048x1xf32>
    %div3A_173 = arith.constant 1.280000e+02 : f32
    %div3A_174 = vector.broadcast %div3A_173 : f32 to vector<2048x1xf32>
    %div3A_175 = arith.divf %broadcast_in_dim3A_172, %div3A_174 : vector<2048x1xf32>
    %sub3A_176 = vector.broadcast %div3A_175 : vector<2048x1xf32> to vector<2048x128xf32>
    %sub3A_177 = arith.subf %mul3A_169, %sub3A_176 : vector<2048x128xf32>
    %mul3A_178 = arith.mulf %sub3A_177, %sub3A_177 : vector<2048x128xf32>
    %reduce_sum3A_179 = arith.constant dense<0.000000e+00> : vector<2048xf32>
    %reduce_sum3A_180 = vector.multi_reduction <add>, %mul3A_178, %reduce_sum3A_179 [1] : vector<2048x128xf32> to vector<2048xf32>
    %broadcast_in_dim3A_181 = vector.shape_cast %reduce_sum3A_180 : vector<2048xf32> to vector<2048x1xf32>
    %div3A_182 = arith.constant 1.280000e+02 : f32
    %div3A_183 = vector.broadcast %div3A_182 : f32 to vector<2048x1xf32>
    %div3A_184 = arith.divf %broadcast_in_dim3A_181, %div3A_183 : vector<2048x1xf32>
    %add3A_185 = arith.constant 9.99999974E-6 : f32
    %add3A_186 = vector.broadcast %add3A_185 : f32 to vector<2048x1xf32>
    %add3A_187 = arith.addf %div3A_184, %add3A_186 : vector<2048x1xf32>
    %rsqrt3A_188 = math.rsqrt %add3A_187 : vector<2048x1xf32>
    %mul3A_189 = vector.broadcast %rsqrt3A_188 : vector<2048x1xf32> to vector<2048x128xf32>
    %mul3A_190 = arith.mulf %sub3A_177, %mul3A_189 : vector<2048x128xf32>
    %mul3A_191 = vector.broadcast %get3A_20 : vector<1x128xf32> to vector<2048x128xf32>
    %mul3A_192 = arith.mulf %mul3A_190, %mul3A_191 : vector<2048x128xf32>
    %add3A_193 = vector.broadcast %get3A_23 : vector<1x128xf32> to vector<2048x128xf32>
    %add3A_194 = arith.addf %mul3A_192, %add3A_193 : vector<2048x128xf32>
    %swap3A_195 = arith.constant 0 : index
    %swap3A_196 = arith.constant 3 : index
    %swap3A_197 = arith.constant 0 : index
    %swap3A_198 = vector.load %arg9[%swap3A_195, %swap3A_196, %swap3A_197] : memref<2048x8x128xf32, #tpu.memory_space<vmem>>, vector<2048x1x128xf32>
    %swap3A_199 = vector.shape_cast %swap3A_198 : vector<2048x1x128xf32> to vector<2048x128xf32>
    %swap3A_200 = vector.shape_cast %add3A_194 : vector<2048x128xf32> to vector<2048x1x128xf32>
    tpu.vector_store %arg9[%swap3A_195, %swap3A_196, %swap3A_197], %swap3A_200 {strides = array<i32>} : memref<2048x8x128xf32, #tpu.memory_space<vmem>>, vector<2048x1x128xf32>,
    %slice3A_201 = vector.extract_strided_slice %get3A_8 {offsets = [0, 64], sizes = [2048, 16], strides = [1, 1]} : vector<2048x128xf32> to vector<2048x16xf32>
    %slice3A_202 = vector.extract_strided_slice %get3A_11 {offsets = [0, 64], sizes = [2048, 16], strides = [1, 1]} : vector<2048x128xf32> to vector<2048x16xf32>
    %concatenate3A_203 = tpu.concatenate %slice3A_201, %slice3A_202 in 1 : vector<2048x16xf32>, vector<2048x16xf32> -> vector<2048x32xf32>
    %slice3A_204 = vector.extract_strided_slice %dot_general3A_5 {offsets = [0, 128], sizes = [2048, 32], strides = [1, 1]} : vector<2048x256xf32> to vector<2048x32xf32>
    %add3A_205 = arith.addf %concatenate3A_203, %slice3A_204 : vector<2048x32xf32>
    %dot_general3A_206 = arith.constant dense<0.000000e+00> : vector<2048x128xf32>
    %dot_general3A_207 = tpu.matmul %add3A_205, %get3A_14, %dot_general3A_206 {dimension_numbers = #tpu.dot_dimension_numbers<[1], [0], [0], [1], [0, 0, 1, 1], [], []>, transpose_lhs_hint = false} : vector<2048x32xf32>, vector<32x128xf32>, vector<2048x128xf32> -> vector<2048x128xf32>
    %add3A_208 = vector.broadcast %get3A_17 : vector<1x128xf32> to vector<2048x128xf32>
    %add3A_209 = arith.addf %dot_general3A_207, %add3A_208 : vector<2048x128xf32>
    %logistic3A_210 = arith.negf %add3A_209 : vector<2048x128xf32>
    %logistic3A_211 = math.exp %logistic3A_210 : vector<2048x128xf32>
    %logistic3A_212 = arith.constant 1.000000e+00 : f32
    %logistic3A_213 = vector.broadcast %logistic3A_212 : f32 to vector<2048x128xf32>
    %logistic3A_214 = arith.addf %logistic3A_213, %logistic3A_211 : vector<2048x128xf32>
    %logistic3A_215 = arith.divf %logistic3A_213, %logistic3A_214 : vector<2048x128xf32>
    %mul3A_216 = arith.mulf %add3A_209, %logistic3A_215 : vector<2048x128xf32>
    %reduce_sum3A_217 = arith.constant dense<0.000000e+00> : vector<2048xf32>
    %reduce_sum3A_218 = vector.multi_reduction <add>, %mul3A_216, %reduce_sum3A_217 [1] : vector<2048x128xf32> to vector<2048xf32>
    %broadcast_in_dim3A_219 = vector.shape_cast %reduce_sum3A_218 : vector<2048xf32> to vector<2048x1xf32>
    %div3A_220 = arith.constant 1.280000e+02 : f32
    %div3A_221 = vector.broadcast %div3A_220 : f32 to vector<2048x1xf32>
    %div3A_222 = arith.divf %broadcast_in_dim3A_219, %div3A_221 : vector<2048x1xf32>
    %sub3A_223 = vector.broadcast %div3A_222 : vector<2048x1xf32> to vector<2048x128xf32>
    %sub3A_224 = arith.subf %mul3A_216, %sub3A_223 : vector<2048x128xf32>
    %mul3A_225 = arith.mulf %sub3A_224, %sub3A_224 : vector<2048x128xf32>
    %reduce_sum3A_226 = arith.constant dense<0.000000e+00> : vector<2048xf32>
    %reduce_sum3A_227 = vector.multi_reduction <add>, %mul3A_225, %reduce_sum3A_226 [1] : vector<2048x128xf32> to vector<2048xf32>
    %broadcast_in_dim3A_228 = vector.shape_cast %reduce_sum3A_227 : vector<2048xf32> to vector<2048x1xf32>
    %div3A_229 = arith.constant 1.280000e+02 : f32
    %div3A_230 = vector.broadcast %div3A_229 : f32 to vector<2048x1xf32>
    %div3A_231 = arith.divf %broadcast_in_dim3A_228, %div3A_230 : vector<2048x1xf32>
    %add3A_232 = arith.constant 9.99999974E-6 : f32
    %add3A_233 = vector.broadcast %add3A_232 : f32 to vector<2048x1xf32>
    %add3A_234 = arith.addf %div3A_231, %add3A_233 : vector<2048x1xf32>
    %rsqrt3A_235 = math.rsqrt %add3A_234 : vector<2048x1xf32>
    %mul3A_236 = vector.broadcast %rsqrt3A_235 : vector<2048x1xf32> to vector<2048x128xf32>
    %mul3A_237 = arith.mulf %sub3A_224, %mul3A_236 : vector<2048x128xf32>
    %mul3A_238 = vector.broadcast %get3A_20 : vector<1x128xf32> to vector<2048x128xf32>
    %mul3A_239 = arith.mulf %mul3A_237, %mul3A_238 : vector<2048x128xf32>
    %add3A_240 = vector.broadcast %get3A_23 : vector<1x128xf32> to vector<2048x128xf32>
    %add3A_241 = arith.addf %mul3A_239, %add3A_240 : vector<2048x128xf32>
    %swap3A_242 = arith.constant 0 : index
    %swap3A_243 = arith.constant 4 : index
    %swap3A_244 = arith.constant 0 : index
    %swap3A_245 = vector.load %arg9[%swap3A_242, %swap3A_243, %swap3A_244] : memref<2048x8x128xf32, #tpu.memory_space<vmem>>, vector<2048x1x128xf32>
    %swap3A_246 = vector.shape_cast %swap3A_245 : vector<2048x1x128xf32> to vector<2048x128xf32>
    %swap3A_247 = vector.shape_cast %add3A_241 : vector<2048x128xf32> to vector<2048x1x128xf32>
    tpu.vector_store %arg9[%swap3A_242, %swap3A_243, %swap3A_244], %swap3A_247 {strides = array<i32>} : memref<2048x8x128xf32, #tpu.memory_space<vmem>>, vector<2048x1x128xf32>,
    %slice3A_248 = vector.extract_strided_slice %get3A_8 {offsets = [0, 80], sizes = [2048, 16], strides = [1, 1]} : vector<2048x128xf32> to vector<2048x16xf32>
    %slice3A_249 = vector.extract_strided_slice %get3A_11 {offsets = [0, 80], sizes = [2048, 16], strides = [1, 1]} : vector<2048x128xf32> to vector<2048x16xf32>
    %concatenate3A_250 = tpu.concatenate %slice3A_248, %slice3A_249 in 1 : vector<2048x16xf32>, vector<2048x16xf32> -> vector<2048x32xf32>
    %slice3A_251 = vector.extract_strided_slice %dot_general3A_5 {offsets = [0, 160], sizes = [2048, 32], strides = [1, 1]} : vector<2048x256xf32> to vector<2048x32xf32>
    %add3A_252 = arith.addf %concatenate3A_250, %slice3A_251 : vector<2048x32xf32>
    %dot_general3A_253 = arith.constant dense<0.000000e+00> : vector<2048x128xf32>
    %dot_general3A_254 = tpu.matmul %add3A_252, %get3A_14, %dot_general3A_253 {dimension_numbers = #tpu.dot_dimension_numbers<[1], [0], [0], [1], [0, 0, 1, 1], [], []>, transpose_lhs_hint = false} : vector<2048x32xf32>, vector<32x128xf32>, vector<2048x128xf32> -> vector<2048x128xf32>
    %add3A_255 = vector.broadcast %get3A_17 : vector<1x128xf32> to vector<2048x128xf32>
    %add3A_256 = arith.addf %dot_general3A_254, %add3A_255 : vector<2048x128xf32>
    %logistic3A_257 = arith.negf %add3A_256 : vector<2048x128xf32>
    %logistic3A_258 = math.exp %logistic3A_257 : vector<2048x128xf32>
    %logistic3A_259 = arith.constant 1.000000e+00 : f32
    %logistic3A_260 = vector.broadcast %logistic3A_259 : f32 to vector<2048x128xf32>
    %logistic3A_261 = arith.addf %logistic3A_260, %logistic3A_258 : vector<2048x128xf32>
    %logistic3A_262 = arith.divf %logistic3A_260, %logistic3A_261 : vector<2048x128xf32>
    %mul3A_263 = arith.mulf %add3A_256, %logistic3A_262 : vector<2048x128xf32>
    %reduce_sum3A_264 = arith.constant dense<0.000000e+00> : vector<2048xf32>
    %reduce_sum3A_265 = vector.multi_reduction <add>, %mul3A_263, %reduce_sum3A_264 [1] : vector<2048x128xf32> to vector<2048xf32>
    %broadcast_in_dim3A_266 = vector.shape_cast %reduce_sum3A_265 : vector<2048xf32> to vector<2048x1xf32>
    %div3A_267 = arith.constant 1.280000e+02 : f32
    %div3A_268 = vector.broadcast %div3A_267 : f32 to vector<2048x1xf32>
    %div3A_269 = arith.divf %broadcast_in_dim3A_266, %div3A_268 : vector<2048x1xf32>
    %sub3A_270 = vector.broadcast %div3A_269 : vector<2048x1xf32> to vector<2048x128xf32>
    %sub3A_271 = arith.subf %mul3A_263, %sub3A_270 : vector<2048x128xf32>
    %mul3A_272 = arith.mulf %sub3A_271, %sub3A_271 : vector<2048x128xf32>
    %reduce_sum3A_273 = arith.constant dense<0.000000e+00> : vector<2048xf32>
    %reduce_sum3A_274 = vector.multi_reduction <add>, %mul3A_272, %reduce_sum3A_273 [1] : vector<2048x128xf32> to vector<2048xf32>
    %broadcast_in_dim3A_275 = vector.shape_cast %reduce_sum3A_274 : vector<2048xf32> to vector<2048x1xf32>
    %div3A_276 = arith.constant 1.280000e+02 : f32
    %div3A_277 = vector.broadcast %div3A_276 : f32 to vector<2048x1xf32>
    %div3A_278 = arith.divf %broadcast_in_dim3A_275, %div3A_277 : vector<2048x1xf32>
    %add3A_279 = arith.constant 9.99999974E-6 : f32
    %add3A_280 = vector.broadcast %add3A_279 : f32 to vector<2048x1xf32>
    %add3A_281 = arith.addf %div3A_278, %add3A_280 : vector<2048x1xf32>
    %rsqrt3A_282 = math.rsqrt %add3A_281 : vector<2048x1xf32>
    %mul3A_283 = vector.broadcast %rsqrt3A_282 : vector<2048x1xf32> to vector<2048x128xf32>
    %mul3A_284 = arith.mulf %sub3A_271, %mul3A_283 : vector<2048x128xf32>
    %mul3A_285 = vector.broadcast %get3A_20 : vector<1x128xf32> to vector<2048x128xf32>
    %mul3A_286 = arith.mulf %mul3A_284, %mul3A_285 : vector<2048x128xf32>
    %add3A_287 = vector.broadcast %get3A_23 : vector<1x128xf32> to vector<2048x128xf32>
    %add3A_288 = arith.addf %mul3A_286, %add3A_287 : vector<2048x128xf32>
    %swap3A_289 = arith.constant 0 : index
    %swap3A_290 = arith.constant 5 : index
    %swap3A_291 = arith.constant 0 : index
    %swap3A_292 = vector.load %arg9[%swap3A_289, %swap3A_290, %swap3A_291] : memref<2048x8x128xf32, #tpu.memory_space<vmem>>, vector<2048x1x128xf32>
    %swap3A_293 = vector.shape_cast %swap3A_292 : vector<2048x1x128xf32> to vector<2048x128xf32>
    %swap3A_294 = vector.shape_cast %add3A_288 : vector<2048x128xf32> to vector<2048x1x128xf32>
    tpu.vector_store %arg9[%swap3A_289, %swap3A_290, %swap3A_291], %swap3A_294 {strides = array<i32>} : memref<2048x8x128xf32, #tpu.memory_space<vmem>>, vector<2048x1x128xf32>,
    %slice3A_295 = vector.extract_strided_slice %get3A_8 {offsets = [0, 96], sizes = [2048, 16], strides = [1, 1]} : vector<2048x128xf32> to vector<2048x16xf32>
    %slice3A_296 = vector.extract_strided_slice %get3A_11 {offsets = [0, 96], sizes = [2048, 16], strides = [1, 1]} : vector<2048x128xf32> to vector<2048x16xf32>
    %concatenate3A_297 = tpu.concatenate %slice3A_295, %slice3A_296 in 1 : vector<2048x16xf32>, vector<2048x16xf32> -> vector<2048x32xf32>
    %slice3A_298 = vector.extract_strided_slice %dot_general3A_5 {offsets = [0, 192], sizes = [2048, 32], strides = [1, 1]} : vector<2048x256xf32> to vector<2048x32xf32>
    %add3A_299 = arith.addf %concatenate3A_297, %slice3A_298 : vector<2048x32xf32>
    %dot_general3A_300 = arith.constant dense<0.000000e+00> : vector<2048x128xf32>
    %dot_general3A_301 = tpu.matmul %add3A_299, %get3A_14, %dot_general3A_300 {dimension_numbers = #tpu.dot_dimension_numbers<[1], [0], [0], [1], [0, 0, 1, 1], [], []>, transpose_lhs_hint = false} : vector<2048x32xf32>, vector<32x128xf32>, vector<2048x128xf32> -> vector<2048x128xf32>
    %add3A_302 = vector.broadcast %get3A_17 : vector<1x128xf32> to vector<2048x128xf32>
    %add3A_303 = arith.addf %dot_general3A_301, %add3A_302 : vector<2048x128xf32>
    %logistic3A_304 = arith.negf %add3A_303 : vector<2048x128xf32>
    %logistic3A_305 = math.exp %logistic3A_304 : vector<2048x128xf32>
    %logistic3A_306 = arith.constant 1.000000e+00 : f32
    %logistic3A_307 = vector.broadcast %logistic3A_306 : f32 to vector<2048x128xf32>
    %logistic3A_308 = arith.addf %logistic3A_307, %logistic3A_305 : vector<2048x128xf32>
    %logistic3A_309 = arith.divf %logistic3A_307, %logistic3A_308 : vector<2048x128xf32>
    %mul3A_310 = arith.mulf %add3A_303, %logistic3A_309 : vector<2048x128xf32>
    %reduce_sum3A_311 = arith.constant dense<0.000000e+00> : vector<2048xf32>
    %reduce_sum3A_312 = vector.multi_reduction <add>, %mul3A_310, %reduce_sum3A_311 [1] : vector<2048x128xf32> to vector<2048xf32>
    %broadcast_in_dim3A_313 = vector.shape_cast %reduce_sum3A_312 : vector<2048xf32> to vector<2048x1xf32>
    %div3A_314 = arith.constant 1.280000e+02 : f32
    %div3A_315 = vector.broadcast %div3A_314 : f32 to vector<2048x1xf32>
    %div3A_316 = arith.divf %broadcast_in_dim3A_313, %div3A_315 : vector<2048x1xf32>
    %sub3A_317 = vector.broadcast %div3A_316 : vector<2048x1xf32> to vector<2048x128xf32>
    %sub3A_318 = arith.subf %mul3A_310, %sub3A_317 : vector<2048x128xf32>
    %mul3A_319 = arith.mulf %sub3A_318, %sub3A_318 : vector<2048x128xf32>
    %reduce_sum3A_320 = arith.constant dense<0.000000e+00> : vector<2048xf32>
    %reduce_sum3A_321 = vector.multi_reduction <add>, %mul3A_319, %reduce_sum3A_320 [1] : vector<2048x128xf32> to vector<2048xf32>
    %broadcast_in_dim3A_322 = vector.shape_cast %reduce_sum3A_321 : vector<2048xf32> to vector<2048x1xf32>
    %div3A_323 = arith.constant 1.280000e+02 : f32
    %div3A_324 = vector.broadcast %div3A_323 : f32 to vector<2048x1xf32>
    %div3A_325 = arith.divf %broadcast_in_dim3A_322, %div3A_324 : vector<2048x1xf32>
    %add3A_326 = arith.constant 9.99999974E-6 : f32
    %add3A_327 = vector.broadcast %add3A_326 : f32 to vector<2048x1xf32>
    %add3A_328 = arith.addf %div3A_325, %add3A_327 : vector<2048x1xf32>
    %rsqrt3A_329 = math.rsqrt %add3A_328 : vector<2048x1xf32>
    %mul3A_330 = vector.broadcast %rsqrt3A_329 : vector<2048x1xf32> to vector<2048x128xf32>
    %mul3A_331 = arith.mulf %sub3A_318, %mul3A_330 : vector<2048x128xf32>
    %mul3A_332 = vector.broadcast %get3A_20 : vector<1x128xf32> to vector<2048x128xf32>
    %mul3A_333 = arith.mulf %mul3A_331, %mul3A_332 : vector<2048x128xf32>
    %add3A_334 = vector.broadcast %get3A_23 : vector<1x128xf32> to vector<2048x128xf32>
    %add3A_335 = arith.addf %mul3A_333, %add3A_334 : vector<2048x128xf32>
    %swap3A_336 = arith.constant 0 : index
    %swap3A_337 = arith.constant 6 : index
    %swap3A_338 = arith.constant 0 : index
    %swap3A_339 = vector.load %arg9[%swap3A_336, %swap3A_337, %swap3A_338] : memref<2048x8x128xf32, #tpu.memory_space<vmem>>, vector<2048x1x128xf32>
    %swap3A_340 = vector.shape_cast %swap3A_339 : vector<2048x1x128xf32> to vector<2048x128xf32>
    %swap3A_341 = vector.shape_cast %add3A_335 : vector<2048x128xf32> to vector<2048x1x128xf32>
    tpu.vector_store %arg9[%swap3A_336, %swap3A_337, %swap3A_338], %swap3A_341 {strides = array<i32>} : memref<2048x8x128xf32, #tpu.memory_space<vmem>>, vector<2048x1x128xf32>,
    %slice3A_342 = vector.extract_strided_slice %get3A_8 {offsets = [0, 112], sizes = [2048, 16], strides = [1, 1]} : vector<2048x128xf32> to vector<2048x16xf32>
    %slice3A_343 = vector.extract_strided_slice %get3A_11 {offsets = [0, 112], sizes = [2048, 16], strides = [1, 1]} : vector<2048x128xf32> to vector<2048x16xf32>
    %concatenate3A_344 = tpu.concatenate %slice3A_342, %slice3A_343 in 1 : vector<2048x16xf32>, vector<2048x16xf32> -> vector<2048x32xf32>
    %slice3A_345 = vector.extract_strided_slice %dot_general3A_5 {offsets = [0, 224], sizes = [2048, 32], strides = [1, 1]} : vector<2048x256xf32> to vector<2048x32xf32>
    %add3A_346 = arith.addf %concatenate3A_344, %slice3A_345 : vector<2048x32xf32>
    %dot_general3A_347 = arith.constant dense<0.000000e+00> : vector<2048x128xf32>
    %dot_general3A_348 = tpu.matmul %add3A_346, %get3A_14, %dot_general3A_347 {dimension_numbers = #tpu.dot_dimension_numbers<[1], [0], [0], [1], [0, 0, 1, 1], [], []>, transpose_lhs_hint = false} : vector<2048x32xf32>, vector<32x128xf32>, vector<2048x128xf32> -> vector<2048x128xf32>
    %add3A_349 = vector.broadcast %get3A_17 : vector<1x128xf32> to vector<2048x128xf32>
    %add3A_350 = arith.addf %dot_general3A_348, %add3A_349 : vector<2048x128xf32>
    %logistic3A_351 = arith.negf %add3A_350 : vector<2048x128xf32>
    %logistic3A_352 = math.exp %logistic3A_351 : vector<2048x128xf32>
    %logistic3A_353 = arith.constant 1.000000e+00 : f32
    %logistic3A_354 = vector.broadcast %logistic3A_353 : f32 to vector<2048x128xf32>
    %logistic3A_355 = arith.addf %logistic3A_354, %logistic3A_352 : vector<2048x128xf32>
    %logistic3A_356 = arith.divf %logistic3A_354, %logistic3A_355 : vector<2048x128xf32>
    %mul3A_357 = arith.mulf %add3A_350, %logistic3A_356 : vector<2048x128xf32>
    %reduce_sum3A_358 = arith.constant dense<0.000000e+00> : vector<2048xf32>
    %reduce_sum3A_359 = vector.multi_reduction <add>, %mul3A_357, %reduce_sum3A_358 [1] : vector<2048x128xf32> to vector<2048xf32>
    %broadcast_in_dim3A_360 = vector.shape_cast %reduce_sum3A_359 : vector<2048xf32> to vector<2048x1xf32>
    %div3A_361 = arith.constant 1.280000e+02 : f32
    %div3A_362 = vector.broadcast %div3A_361 : f32 to vector<2048x1xf32>
    %div3A_363 = arith.divf %broadcast_in_dim3A_360, %div3A_362 : vector<2048x1xf32>
    %sub3A_364 = vector.broadcast %div3A_363 : vector<2048x1xf32> to vector<2048x128xf32>
    %sub3A_365 = arith.subf %mul3A_357, %sub3A_364 : vector<2048x128xf32>
    %mul3A_366 = arith.mulf %sub3A_365, %sub3A_365 : vector<2048x128xf32>
    %reduce_sum3A_367 = arith.constant dense<0.000000e+00> : vector<2048xf32>
    %reduce_sum3A_368 = vector.multi_reduction <add>, %mul3A_366, %reduce_sum3A_367 [1] : vector<2048x128xf32> to vector<2048xf32>
    %broadcast_in_dim3A_369 = vector.shape_cast %reduce_sum3A_368 : vector<2048xf32> to vector<2048x1xf32>
    %div3A_370 = arith.constant 1.280000e+02 : f32
    %div3A_371 = vector.broadcast %div3A_370 : f32 to vector<2048x1xf32>
    %div3A_372 = arith.divf %broadcast_in_dim3A_369, %div3A_371 : vector<2048x1xf32>
    %add3A_373 = arith.constant 9.99999974E-6 : f32
    %add3A_374 = vector.broadcast %add3A_373 : f32 to vector<2048x1xf32>
    %add3A_375 = arith.addf %div3A_372, %add3A_374 : vector<2048x1xf32>
    %rsqrt3A_376 = math.rsqrt %add3A_375 : vector<2048x1xf32>
    %mul3A_377 = vector.broadcast %rsqrt3A_376 : vector<2048x1xf32> to vector<2048x128xf32>
    %mul3A_378 = arith.mulf %sub3A_365, %mul3A_377 : vector<2048x128xf32>
    %mul3A_379 = vector.broadcast %get3A_20 : vector<1x128xf32> to vector<2048x128xf32>
    %mul3A_380 = arith.mulf %mul3A_378, %mul3A_379 : vector<2048x128xf32>
    %add3A_381 = vector.broadcast %get3A_23 : vector<1x128xf32> to vector<2048x128xf32>
    %add3A_382 = arith.addf %mul3A_380, %add3A_381 : vector<2048x128xf32>
    %swap3A_383 = arith.constant 0 : index
    %swap3A_384 = arith.constant 7 : index
    %swap3A_385 = arith.constant 0 : index
    %swap3A_386 = vector.load %arg9[%swap3A_383, %swap3A_384, %swap3A_385] : memref<2048x8x128xf32, #tpu.memory_space<vmem>>, vector<2048x1x128xf32>
    %swap3A_387 = vector.shape_cast %swap3A_386 : vector<2048x1x128xf32> to vector<2048x128xf32>
    %swap3A_388 = vector.shape_cast %add3A_382 : vector<2048x128xf32> to vector<2048x1x128xf32>
    tpu.vector_store %arg9[%swap3A_383, %swap3A_384, %swap3A_385], %swap3A_388 {strides = array<i32>} : memref<2048x8x128xf32, #tpu.memory_space<vmem>>, vector<2048x1x128xf32>,
    return
  }
  func.func @transform_0(%arg0: i32) -> (i32, i32) {
    %c0_i32 = arith.constant 0 : i32
    %c0_i32_0 = arith.constant 0 : i32
    return %arg0, %c0_i32 : i32, i32
  }
  func.func @transform_1(%arg0: i32) -> (i32, i32) {
    %c0_i32 = arith.constant 0 : i32
    %c0_i32_0 = arith.constant 0 : i32
    return %arg0, %c0_i32 : i32, i32
  }
  func.func @transform_2(%arg0: i32) -> (i32, i32) {
    %c0_i32 = arith.constant 0 : i32
    %c0_i32_0 = arith.constant 0 : i32
    return %arg0, %c0_i32 : i32, i32
  }
  func.func @transform_3(%arg0: i32) -> (i32, i32) {
    %c0_i32 = arith.constant 0 : i32
    %c0_i32_0 = arith.constant 0 : i32
    %c0_i32_1 = arith.constant 0 : i32
    return %c0_i32, %c0_i32_0 : i32, i32
  }
  func.func @transform_4(%arg0: i32) -> (i32, i32) {
    %c0_i32 = arith.constant 0 : i32
    %c0_i32_0 = arith.constant 0 : i32
    %c0_i32_1 = arith.constant 0 : i32
    return %c0_i32, %c0_i32_0 : i32, i32
  }
  func.func @transform_5(%arg0: i32) -> (i32, i32) {
    %c0_i32 = arith.constant 0 : i32
    %c0_i32_0 = arith.constant 0 : i32
    %c0_i32_1 = arith.constant 0 : i32
    return %c0_i32, %c0_i32_0 : i32, i32
  }
  func.func @transform_6(%arg0: i32) -> (i32, i32) {
    %c0_i32 = arith.constant 0 : i32
    %c0_i32_0 = arith.constant 0 : i32
    %c0_i32_1 = arith.constant 0 : i32
    return %c0_i32, %c0_i32_0 : i32, i32
  }
  func.func @transform_7(%arg0: i32) -> (i32, i32) {
    %c0_i32 = arith.constant 0 : i32
    %c0_i32_0 = arith.constant 0 : i32
    %c0_i32_1 = arith.constant 0 : i32
    return %c0_i32, %c0_i32_0 : i32, i32
  }
  func.func @transform_8(%arg0: i32) -> (i32, i32, i32) {
    %c0_i32 = arith.constant 0 : i32
    %c0_i32_0 = arith.constant 0 : i32
    %c0_i32_1 = arith.constant 0 : i32
    return %arg0, %c0_i32, %c0_i32_0 : i32, i32, i32
  }
}

</mosaic_0001>

<sc_bundles>
// kernel: kernel.10.cloned.1.call-start
scs
__scs_entry_jumppad:
0x0: {  	(pc) =	sbr.rel $0x88, $3  }
0x1: {  	(tag) =	ssettag $0x0;
	lr =	simm.s32 $0x1  }
0x2: {  	[smem:$0x3F99] =	sst lr;
	_ =	strace $0xD0000000  }
0x3: {  	_ = 	snop  }
0x4: {  	_ = 	snop  }
0x5: {  	_ = 	snop  }
0x6: {  	_ = 	snop  }
0x7: {  	_ = 	snop  }
__scs_overlays_trampoline_lowered:
0x8: {  	[smem:$0x3FA8] =	sst s0  }
0x9: {  	[smem:$0x3FA9] =	sst s1  }
0xa: {  	[smem:$0x3FAA] =	sst s2  }
0xb: {  	[smem:$0x3FAB] =	sst s3  }
0xc: {  	[smem:$0x3FAC] =	sst s4  }
0xd: {  	[smem:$0x3FAD] =	sst s5  }
0xe: {  	[smem:$0x3FAE] =	sst s6  }
0xf: {  	[smem:$0x3FAF] =	sst s7  }
0x10: {  	[smem:$0x3FB0] =	sst s8  }
0x11: {  	[smem:$0x3FB1] =	sst s9;
	s0 =	simm.s32 @!p0 $0x0  }
0x12: {  	s1 =	sld [smem:$0x3F97];
	s0 =	simm.s32 @p0 $0x1  }
0x13: {  	[smem:$0x3FB2] =	sst s0;
	s0 =	simm.s32 @!p1 $0x0  }
0x14: {  	s2 =	sld [smem:$0x3F96];
	s0 =	simm.s32 @p1 $0x1  }
0x15: {  	[smem:$0x3FB3] =	sst s0;
	s0 =	simm.s32 @!p2 $0x0  }
0x16: {  	s3 =	sld [smem:$0x3FDB];
	s0 =	simm.s32 @p2 $0x1  }
0x17: {  	s4 =	simm.s32 $0x1BF5;
	[smem:$0x3FB5] =	sst s0  }
0x18: {  	s0 =	sld [smem:$0x3F98];
	_ =	swait.ge [sflag:s4], $0x0  }
0x19: {  	s7 =	sld [smem:$0x3F99]  }
0x1a: {  	s8 =	sadd.s32 $0xFFFFE003, lr  }
0x1b: {  	s9 =	sadd.s32 $0xFFFFFEF7, lr;
	s5 =	simm.s32 $0xFFFFFFFF;
	p2 =	slt.u32 s8, $0xFFFFF086  }
0x1c: {  	p1 =	slt.u32 s9, $0xF7A;
	s5 =	simm.s32 @!p2 $0x0  }
0x1d: {  	s5 =	simm.s32 @p1 $0x1;
	p0 =	seq.s32 s7, s2  }
0x1e: {  	s7 =	smul.u32 @!p0 $0xF7A, s2;
	p2 =	seq.s32 @!p0 s5, $0x0  }
0x1f: {  	s9 =	smul.u32 $0xF7A, s1;
	s8 =	simm.s32 @!p0 $0x1BF5;
	p2 =	por !p2, p0  }
0x20: {  	[sflag:s8] =	ssyncset.s32 @!p0 $0xFFFFF086;
	s6 =	sadd.s32 @!p0 s3, s7;
	s7 =	simm.s32 @!p0 $0x108  }
0x21: {  	s3 =	sadd.s32 s3, s9;
	s6 =	sadd.s32 @!p0 $0x88, s6;
	s7 =	simm.s32 @p2 $0x1082  }
0x22: {  	[simem:s7], [sflag:s8] =	dma.local @!p0 [hbm:s6], $0xF7A  }
0x23: {  	s9 =	sor.u32 $0xD0000000, s2;
	s6 =	simm.s32 $0x108;
	_ =	swait.ge @!p0 [sflag:s8], $0x0  }
0x24: {  	s3 =	sadd.s32 $0x88, s3;
	s6 =	simm.s32 @!p1 $0x1082;
	[sflag:s4] =	ssyncset.s32 $0xFFFFF086  }
0x25: {  	[simem:s6], [sflag:s4] =	dma.local [hbm:s3], $0xF7A  }
0x26: {  	[smem:$0x3F99] =	sst s1;
	(tag) =	ssettag s2;
	_ =	strace s9  }
0x27: {  	s1 =	sld [smem:$0x3FA9]  }
0x28: {  	s2 =	sld [smem:$0x3FAA]  }
0x29: {  	s4 =	sld [smem:$0x3FAC]  }
0x2a: {  	p0 =	seq.s32 s5, $0x0;
	s5 =	sld [smem:$0x3FAD]  }
0x2b: {  	s6 =	sld [smem:$0x3FAE]  }
0x2c: {  	s7 =	sld [smem:$0x3FAF]  }
0x2d: {  	s3 =	simm.s32 $0x108;
	s8 =	sld [smem:$0x3FB0]  }
0x2e: {  	s3 =	simm.s32 @!p0 $0x1082;
	s9 =	sld [smem:$0x3FB1]  }
0x2f: {  	lr =	sadd.s32 s0, s3;
	s0 =	sld [smem:$0x3FA8]  }
0x30: {  	s3 =	sld [smem:$0x3FAB]  }
0x31: {  	[smem:$0x3FB4] =	sst s10  }
0x32: {  	s10 =	sld [smem:$0x3FB2];
	_ =	sdelay $0x3  }
0x33: {  	p0 =	seq.s32 s10, $0x1;
	s10 =	sld [smem:$0x3FB4];
	_ =	sdelay $0x3  }
0x34: {  	[smem:$0x3FB4] =	sst s10  }
0x35: {  	s10 =	sld [smem:$0x3FB3];
	_ =	sdelay $0x3  }
0x36: {  	p1 =	seq.s32 s10, $0x1;
	s10 =	sld [smem:$0x3FB4];
	_ =	sdelay $0x3  }
0x37: {  	[smem:$0x3FB4] =	sst s10  }
0x38: {  	s10 =	sld [smem:$0x3FB5]  }
0x39: {  	_ = 	snop;
	(pc) =	sbr.ind lr, $3  }
0x3a: {  	_ = 	snop  }
0x3b: {  	_ = 	snop  }
0x3c: {  	p2 =	seq.s32 s10, $0x1;
	s10 =	sld [smem:$0x3FB4]  }
0x3d: {  	_ =	shalt  }
0x3e: {  	_ =	shalt  }
0x3f: {  	_ =	shalt  }
0x40: {  	_ =	shalt  }
0x41: {  	_ =	shalt  }
0x42: {  	_ =	shalt  }
0x43: {  	_ =	shalt  }
0x44: {  	_ =	shalt  }
0x45: {  	_ =	shalt  }
0x46: {  	_ =	shalt  }
0x47: {  	_ =	shalt  }
0x48: {  	_ =	shalt  }
0x49: {  	_ =	shalt  }
0x4a: {  	_ =	shalt  }
0x4b: {  	_ =	shalt  }
0x4c: {  	_ =	shalt  }
0x4d: {  	_ =	shalt  }
0x4e: {  	_ =	shalt  }
0x4f: {  	_ =	shalt  }
0x50: {  	_ =	shalt  }
0x51: {  	_ =	shalt  }
0x52: {  	_ =	shalt  }
0x53: {  	_ =	shalt  }
0x54: {  	_ =	shalt  }
0x55: {  	_ =	shalt  }
0x56: {  	_ =	shalt  }
0x57: {  	_ =	shalt  }
0x58: {  	_ =	shalt  }
0x59: {  	_ =	shalt  }
0x5a: {  	_ =	shalt  }
0x5b: {  	_ =	shalt  }
0x5c: {  	_ =	shalt  }
0x5d: {  	_ =	shalt  }
0x5e: {  	_ =	shalt  }
0x5f: {  	_ =	shalt  }
0x60: {  	_ =	shalt  }
0x61: {  	_ =	shalt  }
0x62: {  	_ =	shalt  }
0x63: {  	_ =	shalt  }
0x64: {  	_ =	shalt  }
0x65: {  	_ =	shalt  }
0x66: {  	_ =	shalt  }
0x67: {  	_ =	shalt  }
0x68: {  	_ =	shalt  }
0x69: {  	_ =	shalt  }
0x6a: {  	_ =	shalt  }
0x6b: {  	_ =	shalt  }
0x6c: {  	_ =	shalt  }
0x6d: {  	_ =	shalt  }
0x6e: {  	_ =	shalt  }
0x6f: {  	_ =	shalt  }
0x70: {  	_ =	shalt  }
0x71: {  	_ =	shalt  }
0x72: {  	_ =	shalt  }
0x73: {  	_ =	shalt  }
0x74: {  	_ =	shalt  }
0x75: {  	_ =	shalt  }
0x76: {  	_ =	shalt  }
0x77: {  	_ =	shalt  }
0x78: {  	_ =	shalt  }
0x79: {  	_ =	shalt  }
0x7a: {  	_ =	shalt  }
0x7b: {  	_ =	shalt  }
0x7c: {  	_ =	shalt  }
0x7d: {  	_ =	shalt  }
0x7e: {  	_ =	shalt  }
0x7f: {  	_ =	shalt  }
0x80: {  	_ =	shalt  }
0x81: {  	_ =	shalt  }
0x82: {  	_ =	shalt  }
0x83: {  	_ =	shalt  }
0x84: {  	_ =	shalt  }
0x85: {  	_ =	shalt  }
0x86: {  	_ =	shalt  }
0x87: {  	_ =	shalt  }
.Lfunc_end0:
.L_simem_size_0:
called_computation.1_lowered:
.L_overlay_start_0:
0x88: {  	s2 =	sld [smem:$0x3FD9]  }
0x89: {  	s3 =	sld [smem:$0x3FFE];
	_ =	sdelay $0x1  }
0x8a: {  	s1 =	srdreg.scid  }
0x8b: {  	s0 =	sand.u32 $0x1, s1  }
0x8c: {  	s16 =	sshll.u32 s0, $0xA;
	s2 =	sadd.s32 s3, s2  }
0x8d: {  	s2 =	sadd.s32 s2, s16  }
0x8e: {  	[smem:$0x3FC0] =	sst s2  }
0x8f: {  	_ = 	snop  }
0x90: {  	(tm) =	ssettm $0x1  }
0x91: {  	s17 =	sld [smem:$0x3FFB];
	_ =	sdelay $0x3  }
0x92: {  	_ =	strace s17  }
0x93: {  	s2 =	sld [smem:$0x3FFC];
	_ =	sdelay $0x3  }
0x94: {  	_ =	strace s2  }
0x95: {  	s2 =	sld [smem:$0x3FFD];
	_ =	sdelay $0x3  }
0x96: {  	_ =	strace s2  }
0x97: {  	_ =	strace $0x8FFFFFFF  }
0x98: {  	s18 =	sld [smem:$0x3FDB];
	_ =	sdelay $0x1  }
0x99: {  	s19 =	simm.s32 $_scs_section_size  }
0x9a: {  	s4 =	simm.s32 $_size__tile_overlayer_lowered;
	s5 =	simm.s32 $_tile_overlayer_lowered  }
0x9b: {  	s22 =	simm.s32 $0x1BFF;
	s21 =	sshll.u32 s5, $0x1;
	s2 =	sadd.s32 s19, s18  }
0x9c: {  	s6 =	simm.s32 $0x0;
	s20 =	sshll.u32 s4, $0x1;
	s4 =	sadd.s32 s21, s2  }
0x9d: {  	[timem:s6], [sflag:s22] =	dma.local [hbm:s4], s20  }
0x9e: {  	_ =	swait.ge [sflag:s22], s20  }
0x9f: {  	s3 =	ssub.s32 $0x0, s20;
	[sflag:s22] =	ssyncset.done $0x0  }
0xa0: {  	[sflag:s22] =	ssyncadd.s32 s3;
	_ =	sdelay $0x1  }
0xa1: {  	s23 =	simm.s32 $0x1B8B  }
0xa2: {  	_ =	swait.ge [sflag:s23], $0x1  }
0xa3: {  	[sflag:s23] =	ssyncset.done $0x0  }
0xa4: {  	s25 =	simm.s32 $0x1B8E;
	s24 =	sld [smem:$0x3FFE];
	[sflag:s23] =	ssyncadd.s32 $0xFFFFFFFF  }
0xa5: {  	s26 =	simm.s32 $execute0_lowered;
	[smem:$0x3FD2] =	sst s25  }
0xa6: {  	s4 =	sshll.u32 s26, $0x1;
	_ =	strace $0x80000046;
	[dreg:$0x1] =	wrdreg $0xFFFFFFFF  }
0xa7: {  	s28 =	simm.s32 $_size_execute0_lowered;
	s2 =	sadd.s32 s2, s4;
	[dreg:$0x0] =	wrdreg $0x0  }
0xa8: {  	s4 =	sshll.u32 s28, $0x1;
	[dreg:$0x2] =	wrdreg s2  }
0xa9: {  	[dreg:$0x3] =	wrdreg s4  }
0xaa: {  	[dreg:$0x4] =	wrdreg $0xC0  }
0xab: {  	_ =	task [dreg:s6], $0x5FFFF  }
0xac: {  	[dreg:$0x1] =	wrdreg $0xFFFFFFFF  }
0xad: {  	[dreg:$0x0] =	wrdreg $0x60  }
0xae: {  	[dreg:$0x2] =	wrdreg s24  }
0xaf: {  	[dreg:$0x3] =	wrdreg $0xA  }
0xb0: {  	_ =	task.clear_ibuf [dreg:s6], $0x4FFFF;
	_ =	strace $0x90000046  }
0xb1: {  	s29 =	simm.s32 $0xA;
	_ =	strace $0x80000048  }
0xb2: {  	_ =	swait.ge [sflag:s29], $0x1  }
0xb3: {  	[sflag:s29] =	ssyncadd.s32 $0xFFFFFFFF  }
0xb4: {  	_ =	strace $0x90000048  }
0xb5: {  	_ =	sfence  }
0xb6: {  	s30 =	sld [smem:$0x0];
	_ =	sdelay $0x2  }
0xb7: {  	s31 =	sshll.u32 s1, $0xD;
	s1 =	sshrl.u32 s1, $0x2  }
0xb8: {  	s3 =	sand.u32 $0x4000, s31;
	s1 =	sadd.s32 s1, s30  }
0xb9: {  	s0 =	sor.u32 s3, s0;
	s1 =	sshll.u32 s1, $0x11  }
0xba: {  	s0 =	sor.u32 s1, s0  }
0xbb: {  	s0 =	sadd.s32 $0x8F2B, s0  }
0xbc: {  	[sflag:s0] =	ssyncadd.remote.s32 $0x1  }
0xbd: {  	_ =	sfence.sel $0xFFFF  }
0xbe: {  	[dreg:$0x0] =	wrdreg $0xFFFFFFFF;
	(pc) =	sbr.abs _section_cstart, $3  }
0xbf: {  	[dreg:$0x1] =	wrdreg $0xFFFFFFFF  }
0xc0: {  	_ =	task.clear_ibuf [dreg:s6], $0x2FFFF;
	_ =	strace $0x9FFFFFFF  }
0xc1: {  	(tm) =	ssettm $0x7FFFFFFF  }
tec
execute0_lowered:
.L_overlay_start_1:
0x0: {  	(tag) =	ssettag $0x1  }
0x1: {  	s4 =	rddreg [dreg:$0x0]  }
0x2: {  	s0 =	rddreg [dreg:$0x1];
	s2 =	simm.s32 $0x0  }
0x3: {  	s3 =	srdreg.scid;
	s1 =	stileid.u32;
	s16 =	simm.s32 $0x3740  }
0x4: {  	s17 =	simm.s32 $0x0;
	[smem:$0x7FF] =	sst s2;
	s5 =	sand.u32 $0x1, s3  }
0x5: {  	s6 =	sshll.u32 s1, $0x1;
	s10 =	sadd.s32 $0x4FBC00, s4;
	s3 =	sadd.s32 $0x1C00, s4  }
0x6: {  	s11 =	sadd.s32 $0x4FF000, s4;
	s6 =	sor.u32 s5, s6;
	s22 =	ssub.s32 $0x2, s5  }
0x7: {  	_ =	strace $0x80000047;
	s7 =	sshll.u32 s6, $0x7;
	s5 =	sshrl.u32 s22, $0x1  }
0x8: {  	s8 =	smul.u32 $0x1A0, s6;
	s23 =	sshll.u32 s6, $0xB;
	s9 =	sor.u32 $0x20, s7  }
0x9: {  	s12 =	ssub.s32 s22, s5;
	s14 =	sor.u32 $0x40, s7;
	s13 =	smul.u32 $0x1A, s9  }
0xa: {  	s5 =	sadd.s32 s11, s23;
	s26 =	sor.u32 $0x60, s7;
	s24 =	smul.u32 $0x1A, s14  }
0xb: {  	s4 =	sadd.s32 s10, s8;
	s28 =	sshll.u32 s9, $0x4;
	s15 =	smul.u32 $0x1A, s26  }
0xc: {  	s30 =	sshll.u32 s14, $0x4;
	s12 =	smax.u32 s12, $0x1;
	s14 =	simm.s32 $0x340  }
0xd: {  	s7 =	sadd.s32 s11, s28;
	s9 =	sadd.s32 s11, s30;
	s25 =	sshrl.u32 s13, $0x3  }
0xe: {  	s29 =	sshrl.u32 s24, $0x3;
	s31 =	sshrl.u32 s15, $0x3;
	s13 =	sshll.u32 s26, $0x4  }
0xf: {  	s15 =	simm.s32 $0x1;
	s6 =	sadd.s32 s10, s25;
	s8 =	sadd.s32 s10, s29  }
0x10: {  	s10 =	sadd.s32 s10, s31;
	s11 =	sadd.s32 s11, s13;
	s13 =	simm.s32 $0x2  }
.LBB2_1:
0x11: {  	[tilespmem:s2], [sflag:$0x2] =	stream.linear.gather [hbm4b:s4+s2], $0x340, $0x38;
	[tilespmem:$0x4740] =	vst v63  }
0x12: {  	_ =	swait.ge [sflag:s13], $0x340  }
0x13: {  	[sflag:s13] =	ssyncset.done $0x0  }
0x14: {  	[sflag:s13] =	ssyncadd.s32 $0xFFFFFCC0  }
0x15: {  	[tilespmem:s14], [sflag:$0x1] =	stream.indirect.gather [hbm4b:s3+s14], $0x10, s2, s14, $0xb8;
	[tilespmem:$0x4740] =	vst v63  }
0x16: {  	_ =	swait.ge [sflag:s15], $0x3400  }
0x17: {  	[sflag:s15] =	ssyncset.done $0x0  }
0x18: {  	s18 =	simm.s32 $0x410;
	[sflag:s15] =	ssyncadd.s32 $0xFFFFCC00  }
0x19: {  	v0 =	vld [tilespmem:s18+$0xFFFFFF70]  }
0x1a: {  	v1 =	vld [tilespmem:s18+$0x60];
	_ =	sdelay $0x1  }
0x1b: {  	v2 =	vld [tilespmem:s18+$0xFFFFFFD0];
	_ =	sdelay $0x2  }
0x1c: {  	v0 =	vadd.f32 v0, v1;
	_ =	sdelay $0x1  }
0x1d: {  	v0 =	vadd.f32 v2, v0;
	_ =	sdelay $0x1  }
0x1e: {  	v0 =	vmul.f32 $3.333333430e-01, v0  }
0x1f: {  	s19 =	simm.s32 $0x0  }
0x20: {  	[tilespmem:s19+$0x3740] =	vst v0  }
0x21: {  	v0 =	vld [tilespmem:s18+$0xFFFFFFE0]  }
0x22: {  	v1 =	vld [tilespmem:s18+$0xC0];
	_ =	sdelay $0x1  }
0x23: {  	v2 =	vld [tilespmem:s18+$0xFFFFFF50];
	_ =	sdelay $0x2  }
0x24: {  	v0 =	vadd.f32 v1, v0;
	_ =	sdelay $0x1  }
0x25: {  	v0 =	vadd.f32 v2, v0;
	_ =	sdelay $0x1  }
0x26: {  	v0 =	vmul.f32 $3.333333430e-01, v0;
	_ =	sdelay $0x1  }
0x27: {  	[tilespmem:s19+$0x3750] =	vst v0  }
0x28: {  	v0 =	vld [tilespmem:s18+$0xB0]  }
0x29: {  	v1 =	vld [tilespmem:s18+$0xFFFFFF90];
	_ =	sdelay $0x1  }
0x2a: {  	v2 =	vld [tilespmem:s18+$0x30];
	_ =	sdelay $0x2  }
0x2b: {  	v0 =	vadd.f32 v1, v0;
	_ =	sdelay $0x1  }
0x2c: {  	v0 =	vadd.f32 v2, v0;
	_ =	sdelay $0x1  }
0x2d: {  	v0 =	vmul.f32 $3.333333430e-01, v0;
	_ =	sdelay $0x1  }
0x2e: {  	[tilespmem:s19+$0x3760] =	vst v0  }
0x2f: {  	v0 =	vld [tilespmem:s18+$0xA0]  }
0x30: {  	v1 =	vld [tilespmem:s18+$0xFFFFFF60];
	_ =	sdelay $0x1  }
0x31: {  	v2 =	vld [tilespmem:s18+$0x80];
	_ =	sdelay $0x1  }
0x32: {  	v3 =	vld [tilespmem:s18+$0xFFFFFFB0]  }
0x33: {  	v0 =	vadd.f32 v1, v0;
	_ =	sdelay $0x1  }
0x34: {  	v0 =	vadd.f32 v2, v0;
	_ =	sdelay $0x1  }
0x35: {  	v0 =	vadd.f32 v3, v0;
	_ =	sdelay $0x1  }
0x36: {  	v0 =	vmul.f32 $2.500000000e-01, v0;
	_ =	sdelay $0x1  }
0x37: {  	[tilespmem:s19+$0x3770] =	vst v0  }
0x38: {  	v0 =	vld [tilespmem:s18+$0xFFFFFF30]  }
0x39: {  	v1 =	vld [tilespmem:s18+$0x70];
	_ =	sdelay $0x1  }
0x3a: {  	v2 =	vld [tilespmem:s18+$0xFFFFFFF0];
	_ =	sdelay $0x2  }
0x3b: {  	v0 =	vadd.f32 v1, v0;
	_ =	sdelay $0x1  }
0x3c: {  	v0 =	vadd.f32 v2, v0;
	_ =	sdelay $0x1  }
0x3d: {  	v0 =	vmul.f32 $3.333333430e-01, v0;
	_ =	sdelay $0x1  }
0x3e: {  	[tilespmem:s19+$0x3780] =	vst v0  }
0x3f: {  	v0 =	vld [tilespmem:s18+$0x50]  }
0x40: {  	v1 =	vld [tilespmem:s18+$0x0];
	_ =	sdelay $0x1  }
0x41: {  	v2 =	vld [tilespmem:s18+$0xFFFFFFA0];
	_ =	sdelay $0x2  }
0x42: {  	v0 =	vadd.f32 v1, v0;
	_ =	sdelay $0x1  }
0x43: {  	v0 =	vadd.f32 v2, v0;
	_ =	sdelay $0x1  }
0x44: {  	v0 =	vmul.f32 $3.333333430e-01, v0;
	_ =	sdelay $0x1  }
0x45: {  	[tilespmem:s19+$0x3790] =	vst v0  }
0x46: {  	v0 =	vld [tilespmem:s18+$0xFFFFFF80]  }
0x47: {  	v1 =	vld [tilespmem:s18+$0x40];
	_ =	sdelay $0x1  }
0x48: {  	v2 =	vld [tilespmem:s18+$0x10];
	_ =	sdelay $0x2  }
0x49: {  	v0 =	vadd.f32 v1, v0;
	_ =	sdelay $0x1  }
0x4a: {  	v0 =	vadd.f32 v2, v0;
	_ =	sdelay $0x1  }
0x4b: {  	v0 =	vmul.f32 $3.333333430e-01, v0;
	_ =	sdelay $0x1  }
0x4c: {  	[tilespmem:s19+$0x37A0] =	vst v0  }
0x4d: {  	v2 =	vld [tilespmem:s18+$0x90]  }
0x4e: {  	v3 =	vld [tilespmem:s18+$0xFFFFFFC0]  }
0x4f: {  	v0 =	vld [tilespmem:s18+$0xFFFFFF40]  }
0x50: {  	s20 =	simm.s32 $0x200;
	v1 =	vld [tilespmem:s18+$0x20]  }
.LBB2_2:
0x51: {  	_ = 	snop  }
0x52: {  	p0 =	sne.s32 s20, $0x3E00  }
0x53: {  	s18 =	sadd.s32 $0x1A0, s18;
	s21 =	smov.u32 s20;
	s20 =	sadd.s32 $0x200, s20;
	v2 =	vadd.f32 v3, v2  }
0x54: {  	_ = 	snop  }
0x55: {  	v0 =	vadd.f32 v0, v2;
	_ =	sdelay $0x1  }
0x56: {  	v0 =	vadd.f32 v1, v0;
	_ =	sdelay $0x1  }
0x57: {  	v0 =	vmul.f32 $2.500000000e-01, v0;
	_ =	sdelay $0x1  }
0x58: {  	[tilespmem:s19+$0x37B0] =	vst v0  }
0x59: {  	v0 =	vld [tilespmem:s18+$0xFFFFFF70]  }
0x5a: {  	v1 =	vld [tilespmem:s18+$0x60]  }
0x5b: {  	v2 =	vld [tilespmem:s18+$0xFFFFFFD0];
	_ =	sdelay $0x3  }
0x5c: {  	v0 =	vadd.f32 v0, v1;
	_ =	sdelay $0x1  }
0x5d: {  	v0 =	vadd.f32 v2, v0;
	_ =	sdelay $0x1  }
0x5e: {  	v0 =	vmul.f32 $3.333333430e-01, v0  }
0x5f: {  	s19 =	sshra.s32 s21, $0x2  }
0x60: {  	[tilespmem:s19+$0x3740] =	vst v0  }
0x61: {  	v0 =	vld [tilespmem:s18+$0xFFFFFFE0]  }
0x62: {  	v1 =	vld [tilespmem:s18+$0xC0];
	_ =	sdelay $0x1  }
0x63: {  	v2 =	vld [tilespmem:s18+$0xFFFFFF50];
	_ =	sdelay $0x2  }
0x64: {  	v0 =	vadd.f32 v1, v0;
	_ =	sdelay $0x1  }
0x65: {  	v0 =	vadd.f32 v2, v0;
	_ =	sdelay $0x1  }
0x66: {  	v0 =	vmul.f32 $3.333333430e-01, v0;
	_ =	sdelay $0x1  }
0x67: {  	[tilespmem:s19+$0x3750] =	vst v0  }
0x68: {  	v0 =	vld [tilespmem:s18+$0xB0]  }
0x69: {  	v1 =	vld [tilespmem:s18+$0xFFFFFF90];
	_ =	sdelay $0x1  }
0x6a: {  	v2 =	vld [tilespmem:s18+$0x30];
	_ =	sdelay $0x2  }
0x6b: {  	v0 =	vadd.f32 v1, v0;
	_ =	sdelay $0x1  }
0x6c: {  	v0 =	vadd.f32 v2, v0;
	_ =	sdelay $0x1  }
0x6d: {  	v0 =	vmul.f32 $3.333333430e-01, v0;
	_ =	sdelay $0x1  }
0x6e: {  	[tilespmem:s19+$0x3760] =	vst v0  }
0x6f: {  	v0 =	vld [tilespmem:s18+$0xA0]  }
0x70: {  	v1 =	vld [tilespmem:s18+$0xFFFFFF60];
	_ =	sdelay $0x1  }
0x71: {  	v2 =	vld [tilespmem:s18+$0x80];
	_ =	sdelay $0x1  }
0x72: {  	v3 =	vld [tilespmem:s18+$0xFFFFFFB0]  }
0x73: {  	v0 =	vadd.f32 v1, v0;
	_ =	sdelay $0x1  }
0x74: {  	v0 =	vadd.f32 v2, v0;
	_ =	sdelay $0x1  }
0x75: {  	v0 =	vadd.f32 v3, v0;
	_ =	sdelay $0x1  }
0x76: {  	v0 =	vmul.f32 $2.500000000e-01, v0;
	_ =	sdelay $0x1  }
0x77: {  	[tilespmem:s19+$0x3770] =	vst v0  }
0x78: {  	v0 =	vld [tilespmem:s18+$0xFFFFFF30]  }
0x79: {  	v1 =	vld [tilespmem:s18+$0x70]  }
0x7a: {  	v2 =	vld [tilespmem:s18+$0xFFFFFFF0];
	_ =	sdelay $0x3  }
0x7b: {  	v0 =	vadd.f32 v1, v0;
	_ =	sdelay $0x1  }
0x7c: {  	v0 =	vadd.f32 v2, v0;
	_ =	sdelay $0x1  }
0x7d: {  	v0 =	vmul.f32 $3.333333430e-01, v0;
	_ =	sdelay $0x1  }
0x7e: {  	[tilespmem:s19+$0x3780] =	vst v0  }
0x7f: {  	v0 =	vld [tilespmem:s18+$0x50]  }
0x80: {  	v1 =	vld [tilespmem:s18+$0x0]  }
0x81: {  	v2 =	vld [tilespmem:s18+$0xFFFFFFA0];
	_ =	sdelay $0x3  }
0x82: {  	v0 =	vadd.f32 v1, v0;
	_ =	sdelay $0x1  }
0x83: {  	v0 =	vadd.f32 v2, v0;
	_ =	sdelay $0x1  }
0x84: {  	v0 =	vmul.f32 $3.333333430e-01, v0;
	_ =	sdelay $0x1  }
0x85: {  	[tilespmem:s19+$0x3790] =	vst v0  }
0x86: {  	v0 =	vld [tilespmem:s18+$0xFFFFFF80]  }
0x87: {  	v1 =	vld [tilespmem:s18+$0x40]  }
0x88: {  	v2 =	vld [tilespmem:s18+$0x10];
	_ =	sdelay $0x3  }
0x89: {  	v0 =	vadd.f32 v1, v0;
	_ =	sdelay $0x1  }
0x8a: {  	v0 =	vadd.f32 v2, v0;
	_ =	sdelay $0x1  }
0x8b: {  	v0 =	vmul.f32 $3.333333430e-01, v0;
	_ =	sdelay $0x1  }
.Ltmp0:
0x8c: {  	[tilespmem:s19+$0x37A0] =	vst v0;
	(pc) =	sbr.rel @p0 .LBB2_2-.Ltmp0, $4  }
0x8d: {  	v2 =	vld [tilespmem:s18+$0x90]  }
0x8e: {  	v3 =	vld [tilespmem:s18+$0xFFFFFFC0]  }
0x8f: {  	v0 =	vld [tilespmem:s18+$0xFFFFFF40]  }
0x90: {  	v1 =	vld [tilespmem:s18+$0x20]  }
0x91: {  	_ =	sdelay $0x1  }
0x92: {  	v2 =	vadd.f32 v3, v2;
	_ =	sdelay $0x1  }
0x93: {  	v0 =	vadd.f32 v0, v2;
	_ =	sdelay $0x1  }
0x94: {  	v0 =	vadd.f32 v1, v0;
	_ =	sdelay $0x1  }
0x95: {  	v0 =	vmul.f32 $2.500000000e-01, v0;
	_ =	sdelay $0x1  }
0x96: {  	s18 =	simm.s32 $0x0;
	[tilespmem:s19+$0x37B0] =	vst v0  }
0x97: {  	[hbm4b:s5+s18] =	stream.linear.scatter [tilespmem:s16], [sflag:$0x2], $0x1000, $0x38;
	[tilespmem:$0x4740] =	vst v63  }
0x98: {  	_ =	swait.ge [sflag:s13], $0x1000  }
0x99: {  	[sflag:s13] =	ssyncset.done $0x0  }
0x9a: {  	[sflag:s13] =	ssyncadd.s32 $0xFFFFF000  }
0x9b: {  	[tilespmem:s18], [sflag:$0x2] =	stream.linear.gather [hbm4b:s6+s18], $0x340, $0x38;
	[tilespmem:$0x4740] =	vst v63  }
0x9c: {  	_ =	swait.ge [sflag:s13], $0x340  }
0x9d: {  	[sflag:s13] =	ssyncset.done $0x0  }
0x9e: {  	[sflag:s13] =	ssyncadd.s32 $0xFFFFFCC0  }
0x9f: {  	[tilespmem:s14], [sflag:$0x1] =	stream.indirect.gather [hbm4b:s3+s14], $0x10, s18, s14, $0xb8;
	[tilespmem:$0x4740] =	vst v63  }
0xa0: {  	_ =	swait.ge [sflag:s15], $0x3400  }
0xa1: {  	[sflag:s15] =	ssyncset.done $0x0  }
0xa2: {  	s18 =	simm.s32 $0x410;
	[sflag:s15] =	ssyncadd.s32 $0xFFFFCC00  }
0xa3: {  	v0 =	vld [tilespmem:s18+$0xFFFFFF70]  }
0xa4: {  	v1 =	vld [tilespmem:s18+$0x60];
	_ =	sdelay $0x1  }
0xa5: {  	v2 =	vld [tilespmem:s18+$0xFFFFFFD0];
	_ =	sdelay $0x2  }
0xa6: {  	v0 =	vadd.f32 v0, v1;
	_ =	sdelay $0x1  }
0xa7: {  	v0 =	vadd.f32 v2, v0;
	_ =	sdelay $0x1  }
0xa8: {  	v0 =	vmul.f32 $3.333333430e-01, v0  }
0xa9: {  	s19 =	simm.s32 $0x0  }
0xaa: {  	[tilespmem:s19+$0x3740] =	vst v0  }
0xab: {  	v0 =	vld [tilespmem:s18+$0xFFFFFFE0]  }
0xac: {  	v1 =	vld [tilespmem:s18+$0xC0];
	_ =	sdelay $0x1  }
0xad: {  	v2 =	vld [tilespmem:s18+$0xFFFFFF50];
	_ =	sdelay $0x2  }
0xae: {  	v0 =	vadd.f32 v1, v0;
	_ =	sdelay $0x1  }
0xaf: {  	v0 =	vadd.f32 v2, v0;
	_ =	sdelay $0x1  }
0xb0: {  	v0 =	vmul.f32 $3.333333430e-01, v0;
	_ =	sdelay $0x1  }
0xb1: {  	[tilespmem:s19+$0x3750] =	vst v0  }
0xb2: {  	v0 =	vld [tilespmem:s18+$0xB0]  }
0xb3: {  	v1 =	vld [tilespmem:s18+$0xFFFFFF90];
	_ =	sdelay $0x1  }
0xb4: {  	v2 =	vld [tilespmem:s18+$0x30];
	_ =	sdelay $0x2  }
0xb5: {  	v0 =	vadd.f32 v1, v0;
	_ =	sdelay $0x1  }
0xb6: {  	v0 =	vadd.f32 v2, v0;
	_ =	sdelay $0x1  }
0xb7: {  	v0 =	vmul.f32 $3.333333430e-01, v0;
	_ =	sdelay $0x1  }
0xb8: {  	[tilespmem:s19+$0x3760] =	vst v0  }
0xb9: {  	v0 =	vld [tilespmem:s18+$0xA0]  }
0xba: {  	v1 =	vld [tilespmem:s18+$0xFFFFFF60];
	_ =	sdelay $0x1  }
0xbb: {  	v2 =	vld [tilespmem:s18+$0x80];
	_ =	sdelay $0x1  }
0xbc: {  	v3 =	vld [tilespmem:s18+$0xFFFFFFB0]  }
0xbd: {  	v0 =	vadd.f32 v1, v0;
	_ =	sdelay $0x1  }
0xbe: {  	v0 =	vadd.f32 v2, v0;
	_ =	sdelay $0x1  }
0xbf: {  	v0 =	vadd.f32 v3, v0;
	_ =	sdelay $0x1  }
0xc0: {  	v0 =	vmul.f32 $2.500000000e-01, v0;
	_ =	sdelay $0x1  }
0xc1: {  	[tilespmem:s19+$0x3770] =	vst v0  }
0xc2: {  	v0 =	vld [tilespmem:s18+$0xFFFFFF30]  }
0xc3: {  	v1 =	vld [tilespmem:s18+$0x70];
	_ =	sdelay $0x1  }
0xc4: {  	v2 =	vld [tilespmem:s18+$0xFFFFFFF0];
	_ =	sdelay $0x2  }
0xc5: {  	v0 =	vadd.f32 v1, v0;
	_ =	sdelay $0x1  }
0xc6: {  	v0 =	vadd.f32 v2, v0;
	_ =	sdelay $0x1  }
0xc7: {  	v0 =	vmul.f32 $3.333333430e-01, v0;
	_ =	sdelay $0x1  }
0xc8: {  	[tilespmem:s19+$0x3780] =	vst v0  }
0xc9: {  	v0 =	vld [tilespmem:s18+$0x50]  }
0xca: {  	v1 =	vld [tilespmem:s18+$0x0];
	_ =	sdelay $0x1  }
0xcb: {  	v2 =	vld [tilespmem:s18+$0xFFFFFFA0];
	_ =	sdelay $0x2  }
0xcc: {  	v0 =	vadd.f32 v1, v0;
	_ =	sdelay $0x1  }
0xcd: {  	v0 =	vadd.f32 v2, v0;
	_ =	sdelay $0x1  }
0xce: {  	v0 =	vmul.f32 $3.333333430e-01, v0;
	_ =	sdelay $0x1  }
0xcf: {  	[tilespmem:s19+$0x3790] =	vst v0  }
0xd0: {  	v0 =	vld [tilespmem:s18+$0xFFFFFF80]  }
0xd1: {  	v1 =	vld [tilespmem:s18+$0x40];
	_ =	sdelay $0x1  }
0xd2: {  	v2 =	vld [tilespmem:s18+$0x10];
	_ =	sdelay $0x2  }
0xd3: {  	v0 =	vadd.f32 v1, v0;
	_ =	sdelay $0x1  }
0xd4: {  	v0 =	vadd.f32 v2, v0;
	_ =	sdelay $0x1  }
0xd5: {  	v0 =	vmul.f32 $3.333333430e-01, v0;
	_ =	sdelay $0x1  }
0xd6: {  	[tilespmem:s19+$0x37A0] =	vst v0  }
0xd7: {  	v2 =	vld [tilespmem:s18+$0x90]  }
0xd8: {  	v3 =	vld [tilespmem:s18+$0xFFFFFFC0]  }
0xd9: {  	v0 =	vld [tilespmem:s18+$0xFFFFFF40]  }
0xda: {  	s20 =	simm.s32 $0x200;
	v1 =	vld [tilespmem:s18+$0x20]  }
.LBB2_4:
0xdb: {  	_ = 	snop  }
0xdc: {  	p0 =	sne.s32 s20, $0x3E00  }
0xdd: {  	s18 =	sadd.s32 $0x1A0, s18;
	s21 =	smov.u32 s20;
	s20 =	sadd.s32 $0x200, s20;
	v2 =	vadd.f32 v3, v2  }
0xde: {  	_ = 	snop  }
0xdf: {  	v0 =	vadd.f32 v0, v2;
	_ =	sdelay $0x1  }
0xe0: {  	v0 =	vadd.f32 v1, v0;
	_ =	sdelay $0x1  }
0xe1: {  	v0 =	vmul.f32 $2.500000000e-01, v0;
	_ =	sdelay $0x1  }
0xe2: {  	[tilespmem:s19+$0x37B0] =	vst v0  }
0xe3: {  	v0 =	vld [tilespmem:s18+$0xFFFFFF70]  }
0xe4: {  	v1 =	vld [tilespmem:s18+$0x60]  }
0xe5: {  	v2 =	vld [tilespmem:s18+$0xFFFFFFD0];
	_ =	sdelay $0x3  }
0xe6: {  	v0 =	vadd.f32 v0, v1;
	_ =	sdelay $0x1  }
0xe7: {  	v0 =	vadd.f32 v2, v0;
	_ =	sdelay $0x1  }
0xe8: {  	v0 =	vmul.f32 $3.333333430e-01, v0  }
0xe9: {  	s19 =	sshra.s32 s21, $0x2  }
0xea: {  	[tilespmem:s19+$0x3740] =	vst v0  }
0xeb: {  	v0 =	vld [tilespmem:s18+$0xFFFFFFE0]  }
0xec: {  	v1 =	vld [tilespmem:s18+$0xC0];
	_ =	sdelay $0x1  }
0xed: {  	v2 =	vld [tilespmem:s18+$0xFFFFFF50];
	_ =	sdelay $0x2  }
0xee: {  	v0 =	vadd.f32 v1, v0;
	_ =	sdelay $0x1  }
0xef: {  	v0 =	vadd.f32 v2, v0;
	_ =	sdelay $0x1  }
0xf0: {  	v0 =	vmul.f32 $3.333333430e-01, v0;
	_ =	sdelay $0x1  }
0xf1: {  	[tilespmem:s19+$0x3750] =	vst v0  }
0xf2: {  	v0 =	vld [tilespmem:s18+$0xB0]  }
0xf3: {  	v1 =	vld [tilespmem:s18+$0xFFFFFF90];
	_ =	sdelay $0x1  }
0xf4: {  	v2 =	vld [tilespmem:s18+$0x30];
	_ =	sdelay $0x2  }
0xf5: {  	v0 =	vadd.f32 v1, v0;
	_ =	sdelay $0x1  }
0xf6: {  	v0 =	vadd.f32 v2, v0;
	_ =	sdelay $0x1  }
0xf7: {  	v0 =	vmul.f32 $3.333333430e-01, v0;
	_ =	sdelay $0x1  }
0xf8: {  	[tilespmem:s19+$0x3760] =	vst v0  }
0xf9: {  	v0 =	vld [tilespmem:s18+$0xA0]  }
0xfa: {  	v1 =	vld [tilespmem:s18+$0xFFFFFF60];
	_ =	sdelay $0x1  }
0xfb: {  	v2 =	vld [tilespmem:s18+$0x80];
	_ =	sdelay $0x1  }
0xfc: {  	v3 =	vld [tilespmem:s18+$0xFFFFFFB0]  }
0xfd: {  	v0 =	vadd.f32 v1, v0;
	_ =	sdelay $0x1  }
0xfe: {  	v0 =	vadd.f32 v2, v0;
	_ =	sdelay $0x1  }
0xff: {  	v0 =	vadd.f32 v3, v0;
	_ =	sdelay $0x1  }
0x100: {  	v0 =	vmul.f32 $2.500000000e-01, v0;
	_ =	sdelay $0x1  }
0x101: {  	[tilespmem:s19+$0x3770] =	vst v0  }
0x102: {  	v0 =	vld [tilespmem:s18+$0xFFFFFF30]  }
0x103: {  	v1 =	vld [tilespmem:s18+$0x70]  }
0x104: {  	v2 =	vld [tilespmem:s18+$0xFFFFFFF0];
	_ =	sdelay $0x3  }
0x105: {  	v0 =	vadd.f32 v1, v0;
	_ =	sdelay $0x1  }
0x106: {  	v0 =	vadd.f32 v2, v0;
	_ =	sdelay $0x1  }
0x107: {  	v0 =	vmul.f32 $3.333333430e-01, v0;
	_ =	sdelay $0x1  }
0x108: {  	[tilespmem:s19+$0x3780] =	vst v0  }
0x109: {  	v0 =	vld [tilespmem:s18+$0x50]  }
0x10a: {  	v1 =	vld [tilespmem:s18+$0x0]  }
0x10b: {  	v2 =	vld [tilespmem:s18+$0xFFFFFFA0];
	_ =	sdelay $0x3  }
0x10c: {  	v0 =	vadd.f32 v1, v0;
	_ =	sdelay $0x1  }
0x10d: {  	v0 =	vadd.f32 v2, v0;
	_ =	sdelay $0x1  }
0x10e: {  	v0 =	vmul.f32 $3.333333430e-01, v0;
	_ =	sdelay $0x1  }
0x10f: {  	[tilespmem:s19+$0x3790] =	vst v0  }
0x110: {  	v0 =	vld [tilespmem:s18+$0xFFFFFF80]  }
0x111: {  	v1 =	vld [tilespmem:s18+$0x40]  }
0x112: {  	v2 =	vld [tilespmem:s18+$0x10];
	_ =	sdelay $0x3  }
0x113: {  	v0 =	vadd.f32 v1, v0;
	_ =	sdelay $0x1  }
0x114: {  	v0 =	vadd.f32 v2, v0;
	_ =	sdelay $0x1  }
0x115: {  	v0 =	vmul.f32 $3.333333430e-01, v0;
	_ =	sdelay $0x1  }
.Ltmp1:
0x116: {  	[tilespmem:s19+$0x37A0] =	vst v0;
	(pc) =	sbr.rel @p0 .LBB2_4-.Ltmp1, $4  }
0x117: {  	v2 =	vld [tilespmem:s18+$0x90]  }
0x118: {  	v3 =	vld [tilespmem:s18+$0xFFFFFFC0]  }
0x119: {  	v0 =	vld [tilespmem:s18+$0xFFFFFF40]  }
0x11a: {  	v1 =	vld [tilespmem:s18+$0x20]  }
0x11b: {  	_ =	sdelay $0x1  }
0x11c: {  	v2 =	vadd.f32 v3, v2;
	_ =	sdelay $0x1  }
0x11d: {  	v0 =	vadd.f32 v0, v2;
	_ =	sdelay $0x1  }
0x11e: {  	v0 =	vadd.f32 v1, v0;
	_ =	sdelay $0x1  }
0x11f: {  	v0 =	vmul.f32 $2.500000000e-01, v0;
	_ =	sdelay $0x1  }
0x120: {  	s18 =	simm.s32 $0x0;
	[tilespmem:s19+$0x37B0] =	vst v0  }
0x121: {  	[hbm4b:s7+s18] =	stream.linear.scatter [tilespmem:s16], [sflag:$0x2], $0x1000, $0x38;
	[tilespmem:$0x4740] =	vst v63  }
0x122: {  	_ =	swait.ge [sflag:s13], $0x1000  }
0x123: {  	[sflag:s13] =	ssyncset.done $0x0  }
0x124: {  	[sflag:s13] =	ssyncadd.s32 $0xFFFFF000  }
0x125: {  	[tilespmem:s18], [sflag:$0x2] =	stream.linear.gather [hbm4b:s8+s18], $0x340, $0x38;
	[tilespmem:$0x4740] =	vst v63  }
0x126: {  	_ =	swait.ge [sflag:s13], $0x340  }
0x127: {  	[sflag:s13] =	ssyncset.done $0x0  }
0x128: {  	[sflag:s13] =	ssyncadd.s32 $0xFFFFFCC0  }
0x129: {  	[tilespmem:s14], [sflag:$0x1] =	stream.indirect.gather [hbm4b:s3+s14], $0x10, s18, s14, $0xb8;
	[tilespmem:$0x4740] =	vst v63  }
0x12a: {  	_ =	swait.ge [sflag:s15], $0x3400  }
0x12b: {  	[sflag:s15] =	ssyncset.done $0x0  }
0x12c: {  	s18 =	simm.s32 $0x410;
	[sflag:s15] =	ssyncadd.s32 $0xFFFFCC00  }
0x12d: {  	v0 =	vld [tilespmem:s18+$0xFFFFFF70]  }
0x12e: {  	v1 =	vld [tilespmem:s18+$0x60];
	_ =	sdelay $0x1  }
0x12f: {  	v2 =	vld [tilespmem:s18+$0xFFFFFFD0];
	_ =	sdelay $0x2  }
0x130: {  	v0 =	vadd.f32 v0, v1;
	_ =	sdelay $0x1  }
0x131: {  	v0 =	vadd.f32 v2, v0;
	_ =	sdelay $0x1  }
0x132: {  	v0 =	vmul.f32 $3.333333430e-01, v0  }
0x133: {  	s19 =	simm.s32 $0x0  }
0x134: {  	[tilespmem:s19+$0x3740] =	vst v0  }
0x135: {  	v0 =	vld [tilespmem:s18+$0xFFFFFFE0]  }
0x136: {  	v1 =	vld [tilespmem:s18+$0xC0];
	_ =	sdelay $0x1  }
0x137: {  	v2 =	vld [tilespmem:s18+$0xFFFFFF50];
	_ =	sdelay $0x2  }
0x138: {  	v0 =	vadd.f32 v1, v0;
	_ =	sdelay $0x1  }
0x139: {  	v0 =	vadd.f32 v2, v0;
	_ =	sdelay $0x1  }
0x13a: {  	v0 =	vmul.f32 $3.333333430e-01, v0;
	_ =	sdelay $0x1  }
0x13b: {  	[tilespmem:s19+$0x3750] =	vst v0  }
0x13c: {  	v0 =	vld [tilespmem:s18+$0xB0]  }
0x13d: {  	v1 =	vld [tilespmem:s18+$0xFFFFFF90];
	_ =	sdelay $0x1  }
0x13e: {  	v2 =	vld [tilespmem:s18+$0x30];
	_ =	sdelay $0x2  }
0x13f: {  	v0 =	vadd.f32 v1, v0;
	_ =	sdelay $0x1  }
0x140: {  	v0 =	vadd.f32 v2, v0;
	_ =	sdelay $0x1  }
0x141: {  	v0 =	vmul.f32 $3.333333430e-01, v0;
	_ =	sdelay $0x1  }
0x142: {  	[tilespmem:s19+$0x3760] =	vst v0  }
0x143: {  	v0 =	vld [tilespmem:s18+$0xA0]  }
0x144: {  	v1 =	vld [tilespmem:s18+$0xFFFFFF60];
	_ =	sdelay $0x1  }
0x145: {  	v2 =	vld [tilespmem:s18+$0x80];
	_ =	sdelay $0x1  }
0x146: {  	v3 =	vld [tilespmem:s18+$0xFFFFFFB0]  }
0x147: {  	v0 =	vadd.f32 v1, v0;
	_ =	sdelay $0x1  }
0x148: {  	v0 =	vadd.f32 v2, v0;
	_ =	sdelay $0x1  }
0x149: {  	v0 =	vadd.f32 v3, v0;
	_ =	sdelay $0x1  }
0x14a: {  	v0 =	vmul.f32 $2.500000000e-01, v0;
	_ =	sdelay $0x1  }
0x14b: {  	[tilespmem:s19+$0x3770] =	vst v0  }
0x14c: {  	v0 =	vld [tilespmem:s18+$0xFFFFFF30]  }
0x14d: {  	v1 =	vld [tilespmem:s18+$0x70];
	_ =	sdelay $0x1  }
0x14e: {  	v2 =	vld [tilespmem:s18+$0xFFFFFFF0];
	_ =	sdelay $0x2  }
0x14f: {  	v0 =	vadd.f32 v1, v0;
	_ =	sdelay $0x1  }
0x150: {  	v0 =	vadd.f32 v2, v0;
	_ =	sdelay $0x1  }
0x151: {  	v0 =	vmul.f32 $3.333333430e-01, v0;
	_ =	sdelay $0x1  }
0x152: {  	[tilespmem:s19+$0x3780] =	vst v0  }
0x153: {  	v0 =	vld [tilespmem:s18+$0x50]  }
0x154: {  	v1 =	vld [tilespmem:s18+$0x0];
	_ =	sdelay $0x1  }
0x155: {  	v2 =	vld [tilespmem:s18+$0xFFFFFFA0];
	_ =	sdelay $0x2  }
0x156: {  	v0 =	vadd.f32 v1, v0;
	_ =	sdelay $0x1  }
0x157: {  	v0 =	vadd.f32 v2, v0;
	_ =	sdelay $0x1  }
0x158: {  	v0 =	vmul.f32 $3.333333430e-01, v0;
	_ =	sdelay $0x1  }
0x159: {  	[tilespmem:s19+$0x3790] =	vst v0  }
0x15a: {  	v0 =	vld [tilespmem:s18+$0xFFFFFF80]  }
0x15b: {  	v1 =	vld [tilespmem:s18+$0x40];
	_ =	sdelay $0x1  }
0x15c: {  	v2 =	vld [tilespmem:s18+$0x10];
	_ =	sdelay $0x2  }
0x15d: {  	v0 =	vadd.f32 v1, v0;
	_ =	sdelay $0x1  }
0x15e: {  	v0 =	vadd.f32 v2, v0;
	_ =	sdelay $0x1  }
0x15f: {  	v0 =	vmul.f32 $3.333333430e-01, v0;
	_ =	sdelay $0x1  }
0x160: {  	[tilespmem:s19+$0x37A0] =	vst v0  }
0x161: {  	v2 =	vld [tilespmem:s18+$0x90]  }
0x162: {  	v3 =	vld [tilespmem:s18+$0xFFFFFFC0]  }
0x163: {  	v0 =	vld [tilespmem:s18+$0xFFFFFF40]  }
0x164: {  	s20 =	simm.s32 $0x200;
	v1 =	vld [tilespmem:s18+$0x20]  }
.LBB2_6:
0x165: {  	_ = 	snop  }
0x166: {  	p0 =	sne.s32 s20, $0x3E00  }
0x167: {  	s18 =	sadd.s32 $0x1A0, s18;
	s21 =	smov.u32 s20;
	s20 =	sadd.s32 $0x200, s20;
	v2 =	vadd.f32 v3, v2  }
0x168: {  	_ = 	snop  }
0x169: {  	v0 =	vadd.f32 v0, v2;
	_ =	sdelay $0x1  }
0x16a: {  	v0 =	vadd.f32 v1, v0;
	_ =	sdelay $0x1  }
0x16b: {  	v0 =	vmul.f32 $2.500000000e-01, v0;
	_ =	sdelay $0x1  }
0x16c: {  	[tilespmem:s19+$0x37B0] =	vst v0  }
0x16d: {  	v0 =	vld [tilespmem:s18+$0xFFFFFF70]  }
0x16e: {  	v1 =	vld [tilespmem:s18+$0x60]  }
0x16f: {  	v2 =	vld [tilespmem:s18+$0xFFFFFFD0];
	_ =	sdelay $0x3  }
0x170: {  	v0 =	vadd.f32 v0, v1;
	_ =	sdelay $0x1  }
0x171: {  	v0 =	vadd.f32 v2, v0;
	_ =	sdelay $0x1  }
0x172: {  	v0 =	vmul.f32 $3.333333430e-01, v0  }
0x173: {  	s19 =	sshra.s32 s21, $0x2  }
0x174: {  	[tilespmem:s19+$0x3740] =	vst v0  }
0x175: {  	v0 =	vld [tilespmem:s18+$0xFFFFFFE0]  }
0x176: {  	v1 =	vld [tilespmem:s18+$0xC0];
	_ =	sdelay $0x1  }
0x177: {  	v2 =	vld [tilespmem:s18+$0xFFFFFF50];
	_ =	sdelay $0x2  }
0x178: {  	v0 =	vadd.f32 v1, v0;
	_ =	sdelay $0x1  }
0x179: {  	v0 =	vadd.f32 v2, v0;
	_ =	sdelay $0x1  }
0x17a: {  	v0 =	vmul.f32 $3.333333430e-01, v0;
	_ =	sdelay $0x1  }
0x17b: {  	[tilespmem:s19+$0x3750] =	vst v0  }
0x17c: {  	v0 =	vld [tilespmem:s18+$0xB0]  }
0x17d: {  	v1 =	vld [tilespmem:s18+$0xFFFFFF90];
	_ =	sdelay $0x1  }
0x17e: {  	v2 =	vld [tilespmem:s18+$0x30];
	_ =	sdelay $0x2  }
0x17f: {  	v0 =	vadd.f32 v1, v0;
	_ =	sdelay $0x1  }
0x180: {  	v0 =	vadd.f32 v2, v0;
	_ =	sdelay $0x1  }
0x181: {  	v0 =	vmul.f32 $3.333333430e-01, v0;
	_ =	sdelay $0x1  }
0x182: {  	[tilespmem:s19+$0x3760] =	vst v0  }
0x183: {  	v0 =	vld [tilespmem:s18+$0xA0]  }
0x184: {  	v1 =	vld [tilespmem:s18+$0xFFFFFF60];
	_ =	sdelay $0x1  }
0x185: {  	v2 =	vld [tilespmem:s18+$0x80];
	_ =	sdelay $0x1  }
0x186: {  	v3 =	vld [tilespmem:s18+$0xFFFFFFB0]  }
0x187: {  	v0 =	vadd.f32 v1, v0;
	_ =	sdelay $0x1  }
0x188: {  	v0 =	vadd.f32 v2, v0;
	_ =	sdelay $0x1  }
0x189: {  	v0 =	vadd.f32 v3, v0;
	_ =	sdelay $0x1  }
0x18a: {  	v0 =	vmul.f32 $2.500000000e-01, v0;
	_ =	sdelay $0x1  }
0x18b: {  	[tilespmem:s19+$0x3770] =	vst v0  }
0x18c: {  	v0 =	vld [tilespmem:s18+$0xFFFFFF30]  }
0x18d: {  	v1 =	vld [tilespmem:s18+$0x70]  }
0x18e: {  	v2 =	vld [tilespmem:s18+$0xFFFFFFF0];
	_ =	sdelay $0x3  }
0x18f: {  	v0 =	vadd.f32 v1, v0;
	_ =	sdelay $0x1  }
0x190: {  	v0 =	vadd.f32 v2, v0;
	_ =	sdelay $0x1  }
0x191: {  	v0 =	vmul.f32 $3.333333430e-01, v0;
	_ =	sdelay $0x1  }
0x192: {  	[tilespmem:s19+$0x3780] =	vst v0  }
0x193: {  	v0 =	vld [tilespmem:s18+$0x50]  }
0x194: {  	v1 =	vld [tilespmem:s18+$0x0]  }
0x195: {  	v2 =	vld [tilespmem:s18+$0xFFFFFFA0];
	_ =	sdelay $0x3  }
0x196: {  	v0 =	vadd.f32 v1, v0;
	_ =	sdelay $0x1  }
0x197: {  	v0 =	vadd.f32 v2, v0;
	_ =	sdelay $0x1  }
0x198: {  	v0 =	vmul.f32 $3.333333430e-01, v0;
	_ =	sdelay $0x1  }
0x199: {  	[tilespmem:s19+$0x3790] =	vst v0  }
0x19a: {  	v0 =	vld [tilespmem:s18+$0xFFFFFF80]  }
0x19b: {  	v1 =	vld [tilespmem:s18+$0x40]  }
0x19c: {  	v2 =	vld [tilespmem:s18+$0x10];
	_ =	sdelay $0x3  }
0x19d: {  	v0 =	vadd.f32 v1, v0;
	_ =	sdelay $0x1  }
0x19e: {  	v0 =	vadd.f32 v2, v0;
	_ =	sdelay $0x1  }
0x19f: {  	v0 =	vmul.f32 $3.333333430e-01, v0;
	_ =	sdelay $0x1  }
.Ltmp2:
0x1a0: {  	[tilespmem:s19+$0x37A0] =	vst v0;
	(pc) =	sbr.rel @p0 .LBB2_6-.Ltmp2, $4  }
0x1a1: {  	v2 =	vld [tilespmem:s18+$0x90]  }
0x1a2: {  	v3 =	vld [tilespmem:s18+$0xFFFFFFC0]  }
0x1a3: {  	v0 =	vld [tilespmem:s18+$0xFFFFFF40]  }
0x1a4: {  	v1 =	vld [tilespmem:s18+$0x20]  }
0x1a5: {  	_ =	sdelay $0x1  }
0x1a6: {  	v2 =	vadd.f32 v3, v2;
	_ =	sdelay $0x1  }
0x1a7: {  	v0 =	vadd.f32 v0, v2;
	_ =	sdelay $0x1  }
0x1a8: {  	v0 =	vadd.f32 v1, v0;
	_ =	sdelay $0x1  }
0x1a9: {  	v0 =	vmul.f32 $2.500000000e-01, v0;
	_ =	sdelay $0x1  }
0x1aa: {  	s18 =	simm.s32 $0x0;
	[tilespmem:s19+$0x37B0] =	vst v0  }
0x1ab: {  	[hbm4b:s9+s18] =	stream.linear.scatter [tilespmem:s16], [sflag:$0x2], $0x1000, $0x38;
	[tilespmem:$0x4740] =	vst v63  }
0x1ac: {  	_ =	swait.ge [sflag:s13], $0x1000  }
0x1ad: {  	[sflag:s13] =	ssyncset.done $0x0  }
0x1ae: {  	[sflag:s13] =	ssyncadd.s32 $0xFFFFF000  }
0x1af: {  	[tilespmem:s18], [sflag:$0x2] =	stream.linear.gather [hbm4b:s10+s18], $0x340, $0x38;
	[tilespmem:$0x4740] =	vst v63  }
0x1b0: {  	_ =	swait.ge [sflag:s13], $0x340  }
0x1b1: {  	[sflag:s13] =	ssyncset.done $0x0  }
0x1b2: {  	[sflag:s13] =	ssyncadd.s32 $0xFFFFFCC0  }
0x1b3: {  	[tilespmem:s14], [sflag:$0x1] =	stream.indirect.gather [hbm4b:s3+s14], $0x10, s18, s14, $0xb8;
	[tilespmem:$0x4740] =	vst v63  }
0x1b4: {  	_ =	swait.ge [sflag:s15], $0x3400  }
0x1b5: {  	[sflag:s15] =	ssyncset.done $0x0  }
0x1b6: {  	s18 =	simm.s32 $0x410;
	[sflag:s15] =	ssyncadd.s32 $0xFFFFCC00  }
0x1b7: {  	v0 =	vld [tilespmem:s18+$0xFFFFFF70]  }
0x1b8: {  	v1 =	vld [tilespmem:s18+$0x60];
	_ =	sdelay $0x1  }
0x1b9: {  	v2 =	vld [tilespmem:s18+$0xFFFFFFD0];
	_ =	sdelay $0x2  }
0x1ba: {  	v0 =	vadd.f32 v0, v1;
	_ =	sdelay $0x1  }
0x1bb: {  	v0 =	vadd.f32 v2, v0;
	_ =	sdelay $0x1  }
0x1bc: {  	v0 =	vmul.f32 $3.333333430e-01, v0  }
0x1bd: {  	s19 =	simm.s32 $0x0  }
0x1be: {  	[tilespmem:s19+$0x3740] =	vst v0  }
0x1bf: {  	v0 =	vld [tilespmem:s18+$0xFFFFFFE0]  }
0x1c0: {  	v1 =	vld [tilespmem:s18+$0xC0];
	_ =	sdelay $0x1  }
0x1c1: {  	v2 =	vld [tilespmem:s18+$0xFFFFFF50];
	_ =	sdelay $0x2  }
0x1c2: {  	v0 =	vadd.f32 v1, v0;
	_ =	sdelay $0x1  }
0x1c3: {  	v0 =	vadd.f32 v2, v0;
	_ =	sdelay $0x1  }
0x1c4: {  	v0 =	vmul.f32 $3.333333430e-01, v0;
	_ =	sdelay $0x1  }
0x1c5: {  	[tilespmem:s19+$0x3750] =	vst v0  }
0x1c6: {  	v0 =	vld [tilespmem:s18+$0xB0]  }
0x1c7: {  	v1 =	vld [tilespmem:s18+$0xFFFFFF90];
	_ =	sdelay $0x1  }
0x1c8: {  	v2 =	vld [tilespmem:s18+$0x30];
	_ =	sdelay $0x2  }
0x1c9: {  	v0 =	vadd.f32 v1, v0;
	_ =	sdelay $0x1  }
0x1ca: {  	v0 =	vadd.f32 v2, v0;
	_ =	sdelay $0x1  }
0x1cb: {  	v0 =	vmul.f32 $3.333333430e-01, v0;
	_ =	sdelay $0x1  }
0x1cc: {  	[tilespmem:s19+$0x3760] =	vst v0  }
0x1cd: {  	v0 =	vld [tilespmem:s18+$0xA0]  }
0x1ce: {  	v1 =	vld [tilespmem:s18+$0xFFFFFF60];
	_ =	sdelay $0x1  }
0x1cf: {  	v2 =	vld [tilespmem:s18+$0x80];
	_ =	sdelay $0x1  }
0x1d0: {  	v3 =	vld [tilespmem:s18+$0xFFFFFFB0]  }
0x1d1: {  	v0 =	vadd.f32 v1, v0;
	_ =	sdelay $0x1  }
0x1d2: {  	v0 =	vadd.f32 v2, v0;
	_ =	sdelay $0x1  }
0x1d3: {  	v0 =	vadd.f32 v3, v0;
	_ =	sdelay $0x1  }
0x1d4: {  	v0 =	vmul.f32 $2.500000000e-01, v0;
	_ =	sdelay $0x1  }
0x1d5: {  	[tilespmem:s19+$0x3770] =	vst v0  }
0x1d6: {  	v0 =	vld [tilespmem:s18+$0xFFFFFF30]  }
0x1d7: {  	v1 =	vld [tilespmem:s18+$0x70];
	_ =	sdelay $0x1  }
0x1d8: {  	v2 =	vld [tilespmem:s18+$0xFFFFFFF0];
	_ =	sdelay $0x2  }
0x1d9: {  	v0 =	vadd.f32 v1, v0;
	_ =	sdelay $0x1  }
0x1da: {  	v0 =	vadd.f32 v2, v0;
	_ =	sdelay $0x1  }
0x1db: {  	v0 =	vmul.f32 $3.333333430e-01, v0;
	_ =	sdelay $0x1  }
0x1dc: {  	[tilespmem:s19+$0x3780] =	vst v0  }
0x1dd: {  	v0 =	vld [tilespmem:s18+$0x50]  }
0x1de: {  	v1 =	vld [tilespmem:s18+$0x0];
	_ =	sdelay $0x1  }
0x1df: {  	v2 =	vld [tilespmem:s18+$0xFFFFFFA0];
	_ =	sdelay $0x2  }
0x1e0: {  	v0 =	vadd.f32 v1, v0;
	_ =	sdelay $0x1  }
0x1e1: {  	v0 =	vadd.f32 v2, v0;
	_ =	sdelay $0x1  }
0x1e2: {  	v0 =	vmul.f32 $3.333333430e-01, v0;
	_ =	sdelay $0x1  }
0x1e3: {  	[tilespmem:s19+$0x3790] =	vst v0  }
0x1e4: {  	v0 =	vld [tilespmem:s18+$0xFFFFFF80]  }
0x1e5: {  	v1 =	vld [tilespmem:s18+$0x40];
	_ =	sdelay $0x1  }
0x1e6: {  	v2 =	vld [tilespmem:s18+$0x10];
	_ =	sdelay $0x2  }
0x1e7: {  	v0 =	vadd.f32 v1, v0;
	_ =	sdelay $0x1  }
0x1e8: {  	v0 =	vadd.f32 v2, v0;
	_ =	sdelay $0x1  }
0x1e9: {  	v0 =	vmul.f32 $3.333333430e-01, v0;
	_ =	sdelay $0x1  }
0x1ea: {  	[tilespmem:s19+$0x37A0] =	vst v0  }
0x1eb: {  	v2 =	vld [tilespmem:s18+$0x90]  }
0x1ec: {  	v3 =	vld [tilespmem:s18+$0xFFFFFFC0]  }
0x1ed: {  	v0 =	vld [tilespmem:s18+$0xFFFFFF40]  }
0x1ee: {  	s20 =	simm.s32 $0x200;
	v1 =	vld [tilespmem:s18+$0x20]  }
.LBB2_8:
0x1ef: {  	_ = 	snop  }
0x1f0: {  	p0 =	sne.s32 s20, $0x3E00  }
0x1f1: {  	s18 =	sadd.s32 $0x1A0, s18;
	s21 =	smov.u32 s20;
	s20 =	sadd.s32 $0x200, s20;
	v2 =	vadd.f32 v3, v2  }
0x1f2: {  	_ = 	snop  }
0x1f3: {  	v0 =	vadd.f32 v0, v2;
	_ =	sdelay $0x1  }
0x1f4: {  	v0 =	vadd.f32 v1, v0;
	_ =	sdelay $0x1  }
0x1f5: {  	v0 =	vmul.f32 $2.500000000e-01, v0;
	_ =	sdelay $0x1  }
0x1f6: {  	[tilespmem:s19+$0x37B0] =	vst v0  }
0x1f7: {  	v0 =	vld [tilespmem:s18+$0xFFFFFF70]  }
0x1f8: {  	v1 =	vld [tilespmem:s18+$0x60]  }
0x1f9: {  	v2 =	vld [tilespmem:s18+$0xFFFFFFD0];
	_ =	sdelay $0x3  }
0x1fa: {  	v0 =	vadd.f32 v0, v1;
	_ =	sdelay $0x1  }
0x1fb: {  	v0 =	vadd.f32 v2, v0;
	_ =	sdelay $0x1  }
0x1fc: {  	v0 =	vmul.f32 $3.333333430e-01, v0  }
0x1fd: {  	s19 =	sshra.s32 s21, $0x2  }
0x1fe: {  	[tilespmem:s19+$0x3740] =	vst v0  }
0x1ff: {  	v0 =	vld [tilespmem:s18+$0xFFFFFFE0]  }
0x200: {  	v1 =	vld [tilespmem:s18+$0xC0];
	_ =	sdelay $0x1  }
0x201: {  	v2 =	vld [tilespmem:s18+$0xFFFFFF50];
	_ =	sdelay $0x2  }
0x202: {  	v0 =	vadd.f32 v1, v0;
	_ =	sdelay $0x1  }
0x203: {  	v0 =	vadd.f32 v2, v0;
	_ =	sdelay $0x1  }
0x204: {  	v0 =	vmul.f32 $3.333333430e-01, v0;
	_ =	sdelay $0x1  }
0x205: {  	[tilespmem:s19+$0x3750] =	vst v0  }
0x206: {  	v0 =	vld [tilespmem:s18+$0xB0]  }
0x207: {  	v1 =	vld [tilespmem:s18+$0xFFFFFF90];
	_ =	sdelay $0x1  }
0x208: {  	v2 =	vld [tilespmem:s18+$0x30];
	_ =	sdelay $0x2  }
0x209: {  	v0 =	vadd.f32 v1, v0;
	_ =	sdelay $0x1  }
0x20a: {  	v0 =	vadd.f32 v2, v0;
	_ =	sdelay $0x1  }
0x20b: {  	v0 =	vmul.f32 $3.333333430e-01, v0;
	_ =	sdelay $0x1  }
0x20c: {  	[tilespmem:s19+$0x3760] =	vst v0  }
0x20d: {  	v0 =	vld [tilespmem:s18+$0xA0]  }
0x20e: {  	v1 =	vld [tilespmem:s18+$0xFFFFFF60];
	_ =	sdelay $0x1  }
0x20f: {  	v2 =	vld [tilespmem:s18+$0x80];
	_ =	sdelay $0x1  }
0x210: {  	v3 =	vld [tilespmem:s18+$0xFFFFFFB0]  }
0x211: {  	v0 =	vadd.f32 v1, v0;
	_ =	sdelay $0x1  }
0x212: {  	v0 =	vadd.f32 v2, v0;
	_ =	sdelay $0x1  }
0x213: {  	v0 =	vadd.f32 v3, v0;
	_ =	sdelay $0x1  }
0x214: {  	v0 =	vmul.f32 $2.500000000e-01, v0;
	_ =	sdelay $0x1  }
0x215: {  	[tilespmem:s19+$0x3770] =	vst v0  }
0x216: {  	v0 =	vld [tilespmem:s18+$0xFFFFFF30]  }
0x217: {  	v1 =	vld [tilespmem:s18+$0x70]  }
0x218: {  	v2 =	vld [tilespmem:s18+$0xFFFFFFF0];
	_ =	sdelay $0x3  }
0x219: {  	v0 =	vadd.f32 v1, v0;
	_ =	sdelay $0x1  }
0x21a: {  	v0 =	vadd.f32 v2, v0;
	_ =	sdelay $0x1  }
0x21b: {  	v0 =	vmul.f32 $3.333333430e-01, v0;
	_ =	sdelay $0x1  }
0x21c: {  	[tilespmem:s19+$0x3780] =	vst v0  }
0x21d: {  	v0 =	vld [tilespmem:s18+$0x50]  }
0x21e: {  	v1 =	vld [tilespmem:s18+$0x0]  }
0x21f: {  	v2 =	vld [tilespmem:s18+$0xFFFFFFA0];
	_ =	sdelay $0x3  }
0x220: {  	v0 =	vadd.f32 v1, v0;
	_ =	sdelay $0x1  }
0x221: {  	v0 =	vadd.f32 v2, v0;
	_ =	sdelay $0x1  }
0x222: {  	v0 =	vmul.f32 $3.333333430e-01, v0;
	_ =	sdelay $0x1  }
0x223: {  	[tilespmem:s19+$0x3790] =	vst v0  }
0x224: {  	v0 =	vld [tilespmem:s18+$0xFFFFFF80]  }
0x225: {  	v1 =	vld [tilespmem:s18+$0x40]  }
0x226: {  	v2 =	vld [tilespmem:s18+$0x10];
	_ =	sdelay $0x3  }
0x227: {  	v0 =	vadd.f32 v1, v0;
	_ =	sdelay $0x1  }
0x228: {  	v0 =	vadd.f32 v2, v0;
	_ =	sdelay $0x1  }
0x229: {  	v0 =	vmul.f32 $3.333333430e-01, v0;
	_ =	sdelay $0x1  }
.Ltmp3:
0x22a: {  	[tilespmem:s19+$0x37A0] =	vst v0;
	(pc) =	sbr.rel @p0 .LBB2_8-.Ltmp3, $4  }
0x22b: {  	v2 =	vld [tilespmem:s18+$0x90]  }
0x22c: {  	v3 =	vld [tilespmem:s18+$0xFFFFFFC0]  }
0x22d: {  	v0 =	vld [tilespmem:s18+$0xFFFFFF40]  }
0x22e: {  	v1 =	vld [tilespmem:s18+$0x20]  }
0x22f: {  	_ =	sdelay $0x1  }
0x230: {  	v2 =	vadd.f32 v3, v2;
	_ =	sdelay $0x1  }
0x231: {  	v0 =	vadd.f32 v0, v2;
	_ =	sdelay $0x1  }
0x232: {  	v0 =	vadd.f32 v1, v0;
	_ =	sdelay $0x1  }
0x233: {  	s17 =	sadd.s32 $0x1, s17;
	v0 =	vmul.f32 $2.500000000e-01, v0  }
0x234: {  	p0 =	sne.s32 s17, s12  }
.Ltmp4:
0x235: {  	[tilespmem:s19+$0x37B0] =	vst v0;
	(pc) =	sbr.rel @p0 .LBB2_1-.Ltmp4, $4  }
0x236: {  	[hbm4b:s11+s2] =	stream.linear.scatter [tilespmem:s16], [sflag:$0x2], $0x1000, $0x38;
	[tilespmem:$0x4740] =	vst v63  }
0x237: {  	_ =	swait.ge [sflag:s13], $0x1000  }
0x238: {  	[sflag:s13] =	ssyncset.done $0x0  }
0x239: {  	[sflag:s13] =	ssyncadd.s32 $0xFFFFF000  }
0x23a: {  	_ =	sfence.sel $0x180000  }
0x23b: {  	[bflag:$0x0] =	sbarrier.arrive $0xFFFF  }
0x23c: {  	p0 =	sne.s32 s1, $0x0;
	_ =	strace $0x90000047  }
0x23d: {  	s0 =	sadd.s32 @!p0 $0x100000, s0;
	[bflag:$0x2] =	sbarrier.arrive $0xFFFF  }
0x23e: {  	[sflag:s0] =	ssyncadd.tile.s32 @!p0 $0x1;
	_ =	shalt  }
.Lfunc_end2:
_tile_overlayer_lowered:
.L_overlay_start_2:
0x23f: {  	(tag) =	ssettag $0x2  }
0x240: {  	s0 =	rddreg [dreg:$0x0];
	s2 =	stileid.u32  }
0x241: {  	s1 =	rddreg [dreg:$0x1];
	p0 =	sne.s32 s2, $0x0  }
0x242: {  	s3 =	rddreg [dreg:$0x2];
	[bflag:$0x3] =	sbarrier.arrive $0xFFFF;
	s2 =	simm.s32 @!p0 $0x1C02  }
0x243: {  	[timem:s3], [sflag:s2] =	dma.local @!p0 [hbm:s0], s1  }
0x244: {  	s0 =	simm.s32 @!p0 $0x2  }
0x245: {  	_ =	swait.ge @!p0 [sflag:s0], s1  }
0x246: {  	s1 =	ssub.s32 @!p0 $0x0, s1;
	[sflag:s0] =	ssyncset.done @!p0 $0x0  }
0x247: {  	[sflag:s0] =	ssyncadd.s32 @!p0 s1  }
0x248: {  	[bflag:$0x3] =	sbarrier.arrive $0xFFFF  }
0x249: {  	_ =	shalt  }

// kernel: kernel.7.cloned.1.call-start
scs
__scs_entry_jumppad:
0x0: {  	(pc) =	sbr.rel $0x88, $3  }
0x1: {  	(tag) =	ssettag $0x0;
	lr =	simm.s32 $0x1  }
0x2: {  	[smem:$0x3F99] =	sst lr;
	_ =	strace $0xD0000000  }
0x3: {  	_ = 	snop  }
0x4: {  	_ = 	snop  }
0x5: {  	_ = 	snop  }
0x6: {  	_ = 	snop  }
0x7: {  	_ = 	snop  }
__scs_overlays_trampoline_lowered:
0x8: {  	[smem:$0x3FA8] =	sst s0  }
0x9: {  	[smem:$0x3FA9] =	sst s1  }
0xa: {  	[smem:$0x3FAA] =	sst s2  }
0xb: {  	[smem:$0x3FAB] =	sst s3  }
0xc: {  	[smem:$0x3FAC] =	sst s4  }
0xd: {  	[smem:$0x3FAD] =	sst s5  }
0xe: {  	[smem:$0x3FAE] =	sst s6  }
0xf: {  	[smem:$0x3FAF] =	sst s7  }
0x10: {  	[smem:$0x3FB0] =	sst s8  }
0x11: {  	[smem:$0x3FB1] =	sst s9;
	s0 =	simm.s32 @!p0 $0x0  }
0x12: {  	s1 =	sld [smem:$0x3F97];
	s0 =	simm.s32 @p0 $0x1  }
0x13: {  	[smem:$0x3FB2] =	sst s0;
	s0 =	simm.s32 @!p1 $0x0  }
0x14: {  	s2 =	sld [smem:$0x3F96];
	s0 =	simm.s32 @p1 $0x1  }
0x15: {  	[smem:$0x3FB3] =	sst s0;
	s0 =	simm.s32 @!p2 $0x0  }
0x16: {  	s3 =	sld [smem:$0x3FDB];
	s0 =	simm.s32 @p2 $0x1  }
0x17: {  	s4 =	simm.s32 $0x1BF5;
	[smem:$0x3FB5] =	sst s0  }
0x18: {  	s0 =	sld [smem:$0x3F98];
	_ =	swait.ge [sflag:s4], $0x0  }
0x19: {  	s7 =	sld [smem:$0x3F99]  }
0x1a: {  	s8 =	sadd.s32 $0xFFFFE003, lr  }
0x1b: {  	s9 =	sadd.s32 $0xFFFFFEF7, lr;
	s5 =	simm.s32 $0xFFFFFFFF;
	p2 =	slt.u32 s8, $0xFFFFF086  }
0x1c: {  	p1 =	slt.u32 s9, $0xF7A;
	s5 =	simm.s32 @!p2 $0x0  }
0x1d: {  	s5 =	simm.s32 @p1 $0x1;
	p0 =	seq.s32 s7, s2  }
0x1e: {  	s7 =	smul.u32 @!p0 $0xF7A, s2;
	p2 =	seq.s32 @!p0 s5, $0x0  }
0x1f: {  	s9 =	smul.u32 $0xF7A, s1;
	s8 =	simm.s32 @!p0 $0x1BF5;
	p2 =	por !p2, p0  }
0x20: {  	[sflag:s8] =	ssyncset.s32 @!p0 $0xFFFFF086;
	s6 =	sadd.s32 @!p0 s3, s7;
	s7 =	simm.s32 @!p0 $0x108  }
0x21: {  	s3 =	sadd.s32 s3, s9;
	s6 =	sadd.s32 @!p0 $0x88, s6;
	s7 =	simm.s32 @p2 $0x1082  }
0x22: {  	[simem:s7], [sflag:s8] =	dma.local @!p0 [hbm:s6], $0xF7A  }
0x23: {  	s9 =	sor.u32 $0xD0000000, s2;
	s6 =	simm.s32 $0x108;
	_ =	swait.ge @!p0 [sflag:s8], $0x0  }
0x24: {  	s3 =	sadd.s32 $0x88, s3;
	s6 =	simm.s32 @!p1 $0x1082;
	[sflag:s4] =	ssyncset.s32 $0xFFFFF086  }
0x25: {  	[simem:s6], [sflag:s4] =	dma.local [hbm:s3], $0xF7A  }
0x26: {  	[smem:$0x3F99] =	sst s1;
	(tag) =	ssettag s2;
	_ =	strace s9  }
0x27: {  	s1 =	sld [smem:$0x3FA9]  }
0x28: {  	s2 =	sld [smem:$0x3FAA]  }
0x29: {  	s4 =	sld [smem:$0x3FAC]  }
0x2a: {  	p0 =	seq.s32 s5, $0x0;
	s5 =	sld [smem:$0x3FAD]  }
0x2b: {  	s6 =	sld [smem:$0x3FAE]  }
0x2c: {  	s7 =	sld [smem:$0x3FAF]  }
0x2d: {  	s3 =	simm.s32 $0x108;
	s8 =	sld [smem:$0x3FB0]  }
0x2e: {  	s3 =	simm.s32 @!p0 $0x1082;
	s9 =	sld [smem:$0x3FB1]  }
0x2f: {  	lr =	sadd.s32 s0, s3;
	s0 =	sld [smem:$0x3FA8]  }
0x30: {  	s3 =	sld [smem:$0x3FAB]  }
0x31: {  	[smem:$0x3FB4] =	sst s10  }
0x32: {  	s10 =	sld [smem:$0x3FB2];
	_ =	sdelay $0x3  }
0x33: {  	p0 =	seq.s32 s10, $0x1;
	s10 =	sld [smem:$0x3FB4];
	_ =	sdelay $0x3  }
0x34: {  	[smem:$0x3FB4] =	sst s10  }
0x35: {  	s10 =	sld [smem:$0x3FB3];
	_ =	sdelay $0x3  }
0x36: {  	p1 =	seq.s32 s10, $0x1;
	s10 =	sld [smem:$0x3FB4];
	_ =	sdelay $0x3  }
0x37: {  	[smem:$0x3FB4] =	sst s10  }
0x38: {  	s10 =	sld [smem:$0x3FB5]  }
0x39: {  	_ = 	snop;
	(pc) =	sbr.ind lr, $3  }
0x3a: {  	_ = 	snop  }
0x3b: {  	_ = 	snop  }
0x3c: {  	p2 =	seq.s32 s10, $0x1;
	s10 =	sld [smem:$0x3FB4]  }
0x3d: {  	_ =	shalt  }
0x3e: {  	_ =	shalt  }
0x3f: {  	_ =	shalt  }
0x40: {  	_ =	shalt  }
0x41: {  	_ =	shalt  }
0x42: {  	_ =	shalt  }
0x43: {  	_ =	shalt  }
0x44: {  	_ =	shalt  }
0x45: {  	_ =	shalt  }
0x46: {  	_ =	shalt  }
0x47: {  	_ =	shalt  }
0x48: {  	_ =	shalt  }
0x49: {  	_ =	shalt  }
0x4a: {  	_ =	shalt  }
0x4b: {  	_ =	shalt  }
0x4c: {  	_ =	shalt  }
0x4d: {  	_ =	shalt  }
0x4e: {  	_ =	shalt  }
0x4f: {  	_ =	shalt  }
0x50: {  	_ =	shalt  }
0x51: {  	_ =	shalt  }
0x52: {  	_ =	shalt  }
0x53: {  	_ =	shalt  }
0x54: {  	_ =	shalt  }
0x55: {  	_ =	shalt  }
0x56: {  	_ =	shalt  }
0x57: {  	_ =	shalt  }
0x58: {  	_ =	shalt  }
0x59: {  	_ =	shalt  }
0x5a: {  	_ =	shalt  }
0x5b: {  	_ =	shalt  }
0x5c: {  	_ =	shalt  }
0x5d: {  	_ =	shalt  }
0x5e: {  	_ =	shalt  }
0x5f: {  	_ =	shalt  }
0x60: {  	_ =	shalt  }
0x61: {  	_ =	shalt  }
0x62: {  	_ =	shalt  }
0x63: {  	_ =	shalt  }
0x64: {  	_ =	shalt  }
0x65: {  	_ =	shalt  }
0x66: {  	_ =	shalt  }
0x67: {  	_ =	shalt  }
0x68: {  	_ =	shalt  }
0x69: {  	_ =	shalt  }
0x6a: {  	_ =	shalt  }
0x6b: {  	_ =	shalt  }
0x6c: {  	_ =	shalt  }
0x6d: {  	_ =	shalt  }
0x6e: {  	_ =	shalt  }
0x6f: {  	_ =	shalt  }
0x70: {  	_ =	shalt  }
0x71: {  	_ =	shalt  }
0x72: {  	_ =	shalt  }
0x73: {  	_ =	shalt  }
0x74: {  	_ =	shalt  }
0x75: {  	_ =	shalt  }
0x76: {  	_ =	shalt  }
0x77: {  	_ =	shalt  }
0x78: {  	_ =	shalt  }
0x79: {  	_ =	shalt  }
0x7a: {  	_ =	shalt  }
0x7b: {  	_ =	shalt  }
0x7c: {  	_ =	shalt  }
0x7d: {  	_ =	shalt  }
0x7e: {  	_ =	shalt  }
0x7f: {  	_ =	shalt  }
0x80: {  	_ =	shalt  }
0x81: {  	_ =	shalt  }
0x82: {  	_ =	shalt  }
0x83: {  	_ =	shalt  }
0x84: {  	_ =	shalt  }
0x85: {  	_ =	shalt  }
0x86: {  	_ =	shalt  }
0x87: {  	_ =	shalt  }
.Lfunc_end0:
.L_simem_size_0:
called_computation_lowered:
.L_overlay_start_0:
0x88: {  	s2 =	sld [smem:$0x3FD9]  }
0x89: {  	s3 =	sld [smem:$0x3FFE];
	_ =	sdelay $0x1  }
0x8a: {  	s1 =	srdreg.scid  }
0x8b: {  	s0 =	sand.u32 $0x1, s1  }
0x8c: {  	s17 =	sshll.u32 s0, $0xA;
	s2 =	sadd.s32 s3, s2  }
0x8d: {  	s2 =	sadd.s32 s2, s17  }
0x8e: {  	[smem:$0x3FC0] =	sst s2  }
0x8f: {  	_ = 	snop  }
0x90: {  	s18 =	sld [smem:$0x3FD0];
	(tm) =	ssettm $0x1  }
0x91: {  	s19 =	sld [smem:$0x3FFB];
	_ =	sdelay $0x3  }
0x92: {  	_ =	strace s19  }
0x93: {  	s2 =	sld [smem:$0x3FFC];
	_ =	sdelay $0x3  }
0x94: {  	_ =	strace s2  }
0x95: {  	s2 =	sld [smem:$0x3FFD];
	_ =	sdelay $0x3  }
0x96: {  	_ =	strace s2  }
0x97: {  	_ =	strace $0x8FFFFFFF  }
0x98: {  	s20 =	sld [smem:$0x3FDB];
	_ =	sdelay $0x1  }
0x99: {  	s4 =	simm.s32 $_scs_section_size  }
0x9a: {  	s5 =	simm.s32 $_size__tile_overlayer_lowered;
	s6 =	simm.s32 $_tile_overlayer_lowered  }
0x9b: {  	s7 =	simm.s32 $0x1BFF;
	s21 =	sshll.u32 s6, $0x1;
	s4 =	sadd.s32 s4, s20  }
0x9c: {  	s22 =	simm.s32 $0x0;
	s5 =	sshll.u32 s5, $0x1;
	s6 =	sadd.s32 s21, s4  }
0x9d: {  	[timem:s22], [sflag:s7] =	dma.local [hbm:s6], s5  }
0x9e: {  	_ =	swait.ge [sflag:s7], s5  }
0x9f: {  	s5 =	ssub.s32 $0x0, s5;
	[sflag:s7] =	ssyncset.done $0x0  }
0xa0: {  	[sflag:s7] =	ssyncadd.s32 s5;
	_ =	sdelay $0x1  }
0xa1: {  	s23 =	simm.s32 $0x1B8B  }
0xa2: {  	_ =	swait.ge [sflag:s23], $0x1  }
0xa3: {  	[sflag:s23] =	ssyncset.done $0x0  }
0xa4: {  	[sflag:s23] =	ssyncadd.s32 $0xFFFFFFFF  }
0xa5: {  	s5 =	sld [smem:$0x0]  }
0xa6: {  	s6 =	sand.u32 $0xFFFFFFFE, s1  }
0xa7: {  	p0 =	sne.s32 s1, s6  }
0xa8: {  	s6 =	sshll.u32 @p0 s6, $0xE  }
0xa9: {  	s6 =	sadd.s32 @p0 $0x11B8D, s6;
	s7 =	sshll.u32 @p0 s5, $0x11  }
0xaa: {  	s6 =	sor.u32 @p0 s7, s6  }
0xab: {  	[sflag:s6] =	ssyncadd.remote.s32 @p0 $0x1;
	_ =	sdelay $0x1  }
0xac: {  	s6 =	simm.s32 @p0 $0x1B8D  }
0xad: {  	_ =	swait.eq @p0 [sflag:s6], $0x1  }
0xae: {  	[sflag:s6] =	ssyncadd.s32 @p0 $0xFFFFFFFF  }
0xaf: {  	s7 =	sshll.u32 @!p0 s1, $0xE  }
0xb0: {  	s7 =	sor.u32 @!p0 $0x4000, s7;
	s6 =	simm.s32 @!p0 $0x1B8D  }
0xb1: {  	s5 =	sshll.u32 @!p0 s5, $0x11;
	s7 =	sadd.s32 @!p0 $0x11B8D, s7;
	_ =	swait.eq @!p0 [sflag:s6], $0x1  }
0xb2: {  	s5 =	sor.u32 @!p0 s5, s7;
	[sflag:s6] =	ssyncadd.s32 @!p0 $0xFFFFFFFF  }
0xb3: {  	s25 =	simm.s32 $0x1B8E;
	s24 =	sld [smem:$0x3FFE];
	[sflag:s5] =	ssyncadd.remote.s32 @!p0 $0x1  }
0xb4: {  	s26 =	simm.s32 $execute0_lowered;
	[smem:$0x3FD2] =	sst s25  }
0xb5: {  	s6 =	sshll.u32 s26, $0x1;
	_ =	strace $0x80000049;
	[dreg:$0x1] =	wrdreg $0xFFFFFFFF  }
0xb6: {  	s28 =	simm.s32 $_size_execute0_lowered;
	s4 =	sadd.s32 s4, s6;
	[dreg:$0x0] =	wrdreg $0x0  }
0xb7: {  	s6 =	sshll.u32 s28, $0x1;
	[dreg:$0x2] =	wrdreg s4  }
0xb8: {  	[dreg:$0x3] =	wrdreg s6  }
0xb9: {  	[dreg:$0x4] =	wrdreg $0xC0  }
0xba: {  	_ =	task [dreg:s22], $0x5FFFF  }
0xbb: {  	[dreg:$0x1] =	wrdreg $0xFFFFFFFF  }
0xbc: {  	[dreg:$0x0] =	wrdreg $0x60  }
0xbd: {  	[dreg:$0x2] =	wrdreg s24  }
0xbe: {  	[dreg:$0x3] =	wrdreg s18  }
0xbf: {  	[dreg:$0x4] =	wrdreg $0x9  }
0xc0: {  	_ =	task.clear_ibuf [dreg:s22], $0x5FFFF;
	_ =	strace $0x90000049  }
0xc1: {  	s29 =	simm.s32 $0x9;
	_ =	strace $0x8000004B  }
0xc2: {  	_ =	swait.ge [sflag:s29], $0x1  }
0xc3: {  	[sflag:s29] =	ssyncadd.s32 $0xFFFFFFFF  }
0xc4: {  	_ =	strace $0x9000004B  }
0xc5: {  	_ =	sfence  }
0xc6: {  	s30 =	sld [smem:$0x0];
	_ =	sdelay $0x2  }
0xc7: {  	s31 =	sshll.u32 s1, $0xD;
	s1 =	sshrl.u32 s1, $0x2  }
0xc8: {  	s4 =	sand.u32 $0x4000, s31;
	s1 =	sadd.s32 s1, s30  }
0xc9: {  	s0 =	sor.u32 s4, s0;
	s1 =	sshll.u32 s1, $0x11  }
0xca: {  	s0 =	sor.u32 s1, s0  }
0xcb: {  	s0 =	sadd.s32 $0x8F2B, s0  }
0xcc: {  	[sflag:s0] =	ssyncadd.remote.s32 $0x1  }
0xcd: {  	_ =	sfence.sel $0xFFFF  }
0xce: {  	[dreg:$0x0] =	wrdreg $0xFFFFFFFF;
	(pc) =	sbr.abs _section_cstart, $3  }
0xcf: {  	[dreg:$0x1] =	wrdreg $0xFFFFFFFF  }
0xd0: {  	_ =	task.clear_ibuf [dreg:s22], $0x2FFFF;
	_ =	strace $0x9FFFFFFF  }
0xd1: {  	(tm) =	ssettm $0x7FFFFFFF  }
tec
execute0_lowered:
.L_overlay_start_1:
0x0: {  	(tag) =	ssettag $0x1  }
0x1: {  	s3 =	rddreg [dreg:$0x0]  }
0x2: {  	s11 =	rddreg [dreg:$0x1]  }
0x3: {  	s0 =	rddreg [dreg:$0x2]  }
0x4: {  	s2 =	simm.s32 $0x0;
	s4 =	srdreg.scid;
	s1 =	stileid.u32  }
0x5: {  	s16 =	simm.s32 $0x3740;
	s17 =	simm.s32 $0x0;
	[smem:$0x7FF] =	sst s2  }
0x6: {  	s4 =	sand.u32 $0x1, s4;
	s5 =	sshll.u32 s1, $0x1;
	s10 =	sadd.s32 $0x4FBC00, s3  }
0x7: {  	s3 =	sadd.s32 $0x50F000, s3;
	s5 =	sor.u32 s4, s5;
	s4 =	ssub.s32 $0x2, s4  }
0x8: {  	_ =	strace $0x8000004A;
	s6 =	sshll.u32 s5, $0x7;
	s7 =	sshrl.u32 s4, $0x1  }
0x9: {  	s8 =	smul.u32 $0x1A0, s5;
	s5 =	sshll.u32 s5, $0xB;
	s9 =	sor.u32 $0x20, s6  }
0xa: {  	s12 =	ssub.s32 s4, s7;
	s13 =	sor.u32 $0x40, s6;
	s28 =	smul.u32 $0x1A, s9  }
0xb: {  	s5 =	sadd.s32 s11, s5;
	s14 =	sor.u32 $0x60, s6;
	s29 =	smul.u32 $0x1A, s13  }
0xc: {  	s4 =	sadd.s32 s10, s8;
	s9 =	sshll.u32 s9, $0x4;
	s15 =	smul.u32 $0x1A, s14  }
0xd: {  	s30 =	sshll.u32 s13, $0x4;
	s14 =	sshll.u32 s14, $0x4;
	s12 =	smax.u32 s12, $0x1  }
0xe: {  	s13 =	simm.s32 $0x2;
	s7 =	sshrl.u32 s28, $0x3;
	s8 =	sshrl.u32 s29, $0x3  }
0xf: {  	s31 =	sshrl.u32 s15, $0x3;
	s15 =	simm.s32 $0x1;
	s6 =	sadd.s32 s10, s7  }
0x10: {  	s7 =	sadd.s32 s11, s9;
	s8 =	sadd.s32 s10, s8;
	s9 =	sadd.s32 s11, s30  }
0x11: {  	s10 =	sadd.s32 s10, s31;
	s11 =	sadd.s32 s11, s14;
	s14 =	simm.s32 $0x340  }
.LBB2_1:
0x12: {  	[tilespmem:s2], [sflag:$0x2] =	stream.linear.gather [hbm4b:s4+s2], $0x340, $0x38;
	[tilespmem:$0x4740] =	vst v63  }
0x13: {  	_ =	swait.ge [sflag:s13], $0x340  }
0x14: {  	[sflag:s13] =	ssyncset.done $0x0  }
0x15: {  	[sflag:s13] =	ssyncadd.s32 $0xFFFFFCC0  }
0x16: {  	[tilespmem:s14], [sflag:$0x1] =	stream.indirect.gather [hbm4b:s3+s14], $0x10, s2, s14, $0xb8;
	[tilespmem:$0x4740] =	vst v63  }
0x17: {  	_ =	swait.ge [sflag:s15], $0x3400  }
0x18: {  	[sflag:s15] =	ssyncset.done $0x0  }
0x19: {  	s18 =	simm.s32 $0x410;
	[sflag:s15] =	ssyncadd.s32 $0xFFFFCC00  }
0x1a: {  	v0 =	vld [tilespmem:s18+$0xFFFFFF70]  }
0x1b: {  	v1 =	vld [tilespmem:s18+$0x60];
	_ =	sdelay $0x1  }
0x1c: {  	v2 =	vld [tilespmem:s18+$0xFFFFFFD0];
	_ =	sdelay $0x2  }
0x1d: {  	v0 =	vadd.f32 v0, v1;
	_ =	sdelay $0x1  }
0x1e: {  	v0 =	vadd.f32 v2, v0;
	_ =	sdelay $0x1  }
0x1f: {  	v0 =	vmul.f32 $3.333333430e-01, v0  }
0x20: {  	s19 =	simm.s32 $0x0  }
0x21: {  	[tilespmem:s19+$0x3740] =	vst v0  }
0x22: {  	v0 =	vld [tilespmem:s18+$0xFFFFFFE0]  }
0x23: {  	v1 =	vld [tilespmem:s18+$0xC0];
	_ =	sdelay $0x1  }
0x24: {  	v2 =	vld [tilespmem:s18+$0xFFFFFF50];
	_ =	sdelay $0x2  }
0x25: {  	v0 =	vadd.f32 v1, v0;
	_ =	sdelay $0x1  }
0x26: {  	v0 =	vadd.f32 v2, v0;
	_ =	sdelay $0x1  }
0x27: {  	v0 =	vmul.f32 $3.333333430e-01, v0;
	_ =	sdelay $0x1  }
0x28: {  	[tilespmem:s19+$0x3750] =	vst v0  }
0x29: {  	v0 =	vld [tilespmem:s18+$0xB0]  }
0x2a: {  	v1 =	vld [tilespmem:s18+$0xFFFFFF90];
	_ =	sdelay $0x1  }
0x2b: {  	v2 =	vld [tilespmem:s18+$0x30];
	_ =	sdelay $0x2  }
0x2c: {  	v0 =	vadd.f32 v1, v0;
	_ =	sdelay $0x1  }
0x2d: {  	v0 =	vadd.f32 v2, v0;
	_ =	sdelay $0x1  }
0x2e: {  	v0 =	vmul.f32 $3.333333430e-01, v0;
	_ =	sdelay $0x1  }
0x2f: {  	[tilespmem:s19+$0x3760] =	vst v0  }
0x30: {  	v0 =	vld [tilespmem:s18+$0xA0]  }
0x31: {  	v1 =	vld [tilespmem:s18+$0xFFFFFF60];
	_ =	sdelay $0x1  }
0x32: {  	v2 =	vld [tilespmem:s18+$0x80];
	_ =	sdelay $0x1  }
0x33: {  	v3 =	vld [tilespmem:s18+$0xFFFFFFB0]  }
0x34: {  	v0 =	vadd.f32 v1, v0;
	_ =	sdelay $0x1  }
0x35: {  	v0 =	vadd.f32 v2, v0;
	_ =	sdelay $0x1  }
0x36: {  	v0 =	vadd.f32 v3, v0;
	_ =	sdelay $0x1  }
0x37: {  	v0 =	vmul.f32 $2.500000000e-01, v0;
	_ =	sdelay $0x1  }
0x38: {  	[tilespmem:s19+$0x3770] =	vst v0  }
0x39: {  	v0 =	vld [tilespmem:s18+$0xFFFFFF30]  }
0x3a: {  	v1 =	vld [tilespmem:s18+$0x70];
	_ =	sdelay $0x1  }
0x3b: {  	v2 =	vld [tilespmem:s18+$0xFFFFFFF0];
	_ =	sdelay $0x2  }
0x3c: {  	v0 =	vadd.f32 v1, v0;
	_ =	sdelay $0x1  }
0x3d: {  	v0 =	vadd.f32 v2, v0;
	_ =	sdelay $0x1  }
0x3e: {  	v0 =	vmul.f32 $3.333333430e-01, v0;
	_ =	sdelay $0x1  }
0x3f: {  	[tilespmem:s19+$0x3780] =	vst v0  }
0x40: {  	v0 =	vld [tilespmem:s18+$0x50]  }
0x41: {  	v1 =	vld [tilespmem:s18+$0x0];
	_ =	sdelay $0x1  }
0x42: {  	v2 =	vld [tilespmem:s18+$0xFFFFFFA0];
	_ =	sdelay $0x2  }
0x43: {  	v0 =	vadd.f32 v1, v0;
	_ =	sdelay $0x1  }
0x44: {  	v0 =	vadd.f32 v2, v0;
	_ =	sdelay $0x1  }
0x45: {  	v0 =	vmul.f32 $3.333333430e-01, v0;
	_ =	sdelay $0x1  }
0x46: {  	[tilespmem:s19+$0x3790] =	vst v0  }
0x47: {  	v0 =	vld [tilespmem:s18+$0xFFFFFF80]  }
0x48: {  	v1 =	vld [tilespmem:s18+$0x40];
	_ =	sdelay $0x1  }
0x49: {  	v2 =	vld [tilespmem:s18+$0x10];
	_ =	sdelay $0x2  }
0x4a: {  	v0 =	vadd.f32 v1, v0;
	_ =	sdelay $0x1  }
0x4b: {  	v0 =	vadd.f32 v2, v0;
	_ =	sdelay $0x1  }
0x4c: {  	v0 =	vmul.f32 $3.333333430e-01, v0;
	_ =	sdelay $0x1  }
0x4d: {  	[tilespmem:s19+$0x37A0] =	vst v0  }
0x4e: {  	v2 =	vld [tilespmem:s18+$0x90]  }
0x4f: {  	v3 =	vld [tilespmem:s18+$0xFFFFFFC0]  }
0x50: {  	v0 =	vld [tilespmem:s18+$0xFFFFFF40]  }
0x51: {  	s20 =	simm.s32 $0x200;
	v1 =	vld [tilespmem:s18+$0x20]  }
.LBB2_2:
0x52: {  	_ = 	snop  }
0x53: {  	p0 =	sne.s32 s20, $0x3E00  }
0x54: {  	s18 =	sadd.s32 $0x1A0, s18;
	s21 =	smov.u32 s20;
	s20 =	sadd.s32 $0x200, s20;
	v2 =	vadd.f32 v3, v2  }
0x55: {  	_ = 	snop  }
0x56: {  	v0 =	vadd.f32 v0, v2;
	_ =	sdelay $0x1  }
0x57: {  	v0 =	vadd.f32 v1, v0;
	_ =	sdelay $0x1  }
0x58: {  	v0 =	vmul.f32 $2.500000000e-01, v0;
	_ =	sdelay $0x1  }
0x59: {  	[tilespmem:s19+$0x37B0] =	vst v0  }
0x5a: {  	v0 =	vld [tilespmem:s18+$0xFFFFFF70]  }
0x5b: {  	v1 =	vld [tilespmem:s18+$0x60]  }
0x5c: {  	v2 =	vld [tilespmem:s18+$0xFFFFFFD0];
	_ =	sdelay $0x3  }
0x5d: {  	v0 =	vadd.f32 v0, v1;
	_ =	sdelay $0x1  }
0x5e: {  	v0 =	vadd.f32 v2, v0;
	_ =	sdelay $0x1  }
0x5f: {  	v0 =	vmul.f32 $3.333333430e-01, v0  }
0x60: {  	s19 =	sshra.s32 s21, $0x2  }
0x61: {  	[tilespmem:s19+$0x3740] =	vst v0  }
0x62: {  	v0 =	vld [tilespmem:s18+$0xFFFFFFE0]  }
0x63: {  	v1 =	vld [tilespmem:s18+$0xC0];
	_ =	sdelay $0x1  }
0x64: {  	v2 =	vld [tilespmem:s18+$0xFFFFFF50];
	_ =	sdelay $0x2  }
0x65: {  	v0 =	vadd.f32 v1, v0;
	_ =	sdelay $0x1  }
0x66: {  	v0 =	vadd.f32 v2, v0;
	_ =	sdelay $0x1  }
0x67: {  	v0 =	vmul.f32 $3.333333430e-01, v0;
	_ =	sdelay $0x1  }
0x68: {  	[tilespmem:s19+$0x3750] =	vst v0  }
0x69: {  	v0 =	vld [tilespmem:s18+$0xB0]  }
0x6a: {  	v1 =	vld [tilespmem:s18+$0xFFFFFF90];
	_ =	sdelay $0x1  }
0x6b: {  	v2 =	vld [tilespmem:s18+$0x30];
	_ =	sdelay $0x2  }
0x6c: {  	v0 =	vadd.f32 v1, v0;
	_ =	sdelay $0x1  }
0x6d: {  	v0 =	vadd.f32 v2, v0;
	_ =	sdelay $0x1  }
0x6e: {  	v0 =	vmul.f32 $3.333333430e-01, v0;
	_ =	sdelay $0x1  }
0x6f: {  	[tilespmem:s19+$0x3760] =	vst v0  }
0x70: {  	v0 =	vld [tilespmem:s18+$0xA0]  }
0x71: {  	v1 =	vld [tilespmem:s18+$0xFFFFFF60];
	_ =	sdelay $0x1  }
0x72: {  	v2 =	vld [tilespmem:s18+$0x80];
	_ =	sdelay $0x1  }
0x73: {  	v3 =	vld [tilespmem:s18+$0xFFFFFFB0]  }
0x74: {  	v0 =	vadd.f32 v1, v0;
	_ =	sdelay $0x1  }
0x75: {  	v0 =	vadd.f32 v2, v0;
	_ =	sdelay $0x1  }
0x76: {  	v0 =	vadd.f32 v3, v0;
	_ =	sdelay $0x1  }
0x77: {  	v0 =	vmul.f32 $2.500000000e-01, v0;
	_ =	sdelay $0x1  }
0x78: {  	[tilespmem:s19+$0x3770] =	vst v0  }
0x79: {  	v0 =	vld [tilespmem:s18+$0xFFFFFF30]  }
0x7a: {  	v1 =	vld [tilespmem:s18+$0x70]  }
0x7b: {  	v2 =	vld [tilespmem:s18+$0xFFFFFFF0];
	_ =	sdelay $0x3  }
0x7c: {  	v0 =	vadd.f32 v1, v0;
	_ =	sdelay $0x1  }
0x7d: {  	v0 =	vadd.f32 v2, v0;
	_ =	sdelay $0x1  }
0x7e: {  	v0 =	vmul.f32 $3.333333430e-01, v0;
	_ =	sdelay $0x1  }
0x7f: {  	[tilespmem:s19+$0x3780] =	vst v0  }
0x80: {  	v0 =	vld [tilespmem:s18+$0x50]  }
0x81: {  	v1 =	vld [tilespmem:s18+$0x0]  }
0x82: {  	v2 =	vld [tilespmem:s18+$0xFFFFFFA0];
	_ =	sdelay $0x3  }
0x83: {  	v0 =	vadd.f32 v1, v0;
	_ =	sdelay $0x1  }
0x84: {  	v0 =	vadd.f32 v2, v0;
	_ =	sdelay $0x1  }
0x85: {  	v0 =	vmul.f32 $3.333333430e-01, v0;
	_ =	sdelay $0x1  }
0x86: {  	[tilespmem:s19+$0x3790] =	vst v0  }
0x87: {  	v0 =	vld [tilespmem:s18+$0xFFFFFF80]  }
0x88: {  	v1 =	vld [tilespmem:s18+$0x40]  }
0x89: {  	v2 =	vld [tilespmem:s18+$0x10];
	_ =	sdelay $0x3  }
0x8a: {  	v0 =	vadd.f32 v1, v0;
	_ =	sdelay $0x1  }
0x8b: {  	v0 =	vadd.f32 v2, v0;
	_ =	sdelay $0x1  }
0x8c: {  	v0 =	vmul.f32 $3.333333430e-01, v0;
	_ =	sdelay $0x1  }
.Ltmp0:
0x8d: {  	[tilespmem:s19+$0x37A0] =	vst v0;
	(pc) =	sbr.rel @p0 .LBB2_2-.Ltmp0, $4  }
0x8e: {  	v2 =	vld [tilespmem:s18+$0x90]  }
0x8f: {  	v3 =	vld [tilespmem:s18+$0xFFFFFFC0]  }
0x90: {  	v0 =	vld [tilespmem:s18+$0xFFFFFF40]  }
0x91: {  	v1 =	vld [tilespmem:s18+$0x20]  }
0x92: {  	_ =	sdelay $0x1  }
0x93: {  	v2 =	vadd.f32 v3, v2;
	_ =	sdelay $0x1  }
0x94: {  	v0 =	vadd.f32 v0, v2;
	_ =	sdelay $0x1  }
0x95: {  	v0 =	vadd.f32 v1, v0;
	_ =	sdelay $0x1  }
0x96: {  	v0 =	vmul.f32 $2.500000000e-01, v0;
	_ =	sdelay $0x1  }
0x97: {  	s18 =	simm.s32 $0x0;
	[tilespmem:s19+$0x37B0] =	vst v0  }
0x98: {  	[hbm4b:s5+s18] =	stream.linear.scatter [tilespmem:s16], [sflag:$0x2], $0x1000, $0x38;
	[tilespmem:$0x4740] =	vst v63  }
0x99: {  	_ =	swait.ge [sflag:s13], $0x1000  }
0x9a: {  	[sflag:s13] =	ssyncset.done $0x0  }
0x9b: {  	[sflag:s13] =	ssyncadd.s32 $0xFFFFF000  }
0x9c: {  	[tilespmem:s18], [sflag:$0x2] =	stream.linear.gather [hbm4b:s6+s18], $0x340, $0x38;
	[tilespmem:$0x4740] =	vst v63  }
0x9d: {  	_ =	swait.ge [sflag:s13], $0x340  }
0x9e: {  	[sflag:s13] =	ssyncset.done $0x0  }
0x9f: {  	[sflag:s13] =	ssyncadd.s32 $0xFFFFFCC0  }
0xa0: {  	[tilespmem:s14], [sflag:$0x1] =	stream.indirect.gather [hbm4b:s3+s14], $0x10, s18, s14, $0xb8;
	[tilespmem:$0x4740] =	vst v63  }
0xa1: {  	_ =	swait.ge [sflag:s15], $0x3400  }
0xa2: {  	[sflag:s15] =	ssyncset.done $0x0  }
0xa3: {  	s18 =	simm.s32 $0x410;
	[sflag:s15] =	ssyncadd.s32 $0xFFFFCC00  }
0xa4: {  	v0 =	vld [tilespmem:s18+$0xFFFFFF70]  }
0xa5: {  	v1 =	vld [tilespmem:s18+$0x60];
	_ =	sdelay $0x1  }
0xa6: {  	v2 =	vld [tilespmem:s18+$0xFFFFFFD0];
	_ =	sdelay $0x2  }
0xa7: {  	v0 =	vadd.f32 v0, v1;
	_ =	sdelay $0x1  }
0xa8: {  	v0 =	vadd.f32 v2, v0;
	_ =	sdelay $0x1  }
0xa9: {  	v0 =	vmul.f32 $3.333333430e-01, v0  }
0xaa: {  	s19 =	simm.s32 $0x0  }
0xab: {  	[tilespmem:s19+$0x3740] =	vst v0  }
0xac: {  	v0 =	vld [tilespmem:s18+$0xFFFFFFE0]  }
0xad: {  	v1 =	vld [tilespmem:s18+$0xC0];
	_ =	sdelay $0x1  }
0xae: {  	v2 =	vld [tilespmem:s18+$0xFFFFFF50];
	_ =	sdelay $0x2  }
0xaf: {  	v0 =	vadd.f32 v1, v0;
	_ =	sdelay $0x1  }
0xb0: {  	v0 =	vadd.f32 v2, v0;
	_ =	sdelay $0x1  }
0xb1: {  	v0 =	vmul.f32 $3.333333430e-01, v0;
	_ =	sdelay $0x1  }
0xb2: {  	[tilespmem:s19+$0x3750] =	vst v0  }
0xb3: {  	v0 =	vld [tilespmem:s18+$0xB0]  }
0xb4: {  	v1 =	vld [tilespmem:s18+$0xFFFFFF90];
	_ =	sdelay $0x1  }
0xb5: {  	v2 =	vld [tilespmem:s18+$0x30];
	_ =	sdelay $0x2  }
0xb6: {  	v0 =	vadd.f32 v1, v0;
	_ =	sdelay $0x1  }
0xb7: {  	v0 =	vadd.f32 v2, v0;
	_ =	sdelay $0x1  }
0xb8: {  	v0 =	vmul.f32 $3.333333430e-01, v0;
	_ =	sdelay $0x1  }
0xb9: {  	[tilespmem:s19+$0x3760] =	vst v0  }
0xba: {  	v0 =	vld [tilespmem:s18+$0xA0]  }
0xbb: {  	v1 =	vld [tilespmem:s18+$0xFFFFFF60];
	_ =	sdelay $0x1  }
0xbc: {  	v2 =	vld [tilespmem:s18+$0x80];
	_ =	sdelay $0x1  }
0xbd: {  	v3 =	vld [tilespmem:s18+$0xFFFFFFB0]  }
0xbe: {  	v0 =	vadd.f32 v1, v0;
	_ =	sdelay $0x1  }
0xbf: {  	v0 =	vadd.f32 v2, v0;
	_ =	sdelay $0x1  }
0xc0: {  	v0 =	vadd.f32 v3, v0;
	_ =	sdelay $0x1  }
0xc1: {  	v0 =	vmul.f32 $2.500000000e-01, v0;
	_ =	sdelay $0x1  }
0xc2: {  	[tilespmem:s19+$0x3770] =	vst v0  }
0xc3: {  	v0 =	vld [tilespmem:s18+$0xFFFFFF30]  }
0xc4: {  	v1 =	vld [tilespmem:s18+$0x70];
	_ =	sdelay $0x1  }
0xc5: {  	v2 =	vld [tilespmem:s18+$0xFFFFFFF0];
	_ =	sdelay $0x2  }
0xc6: {  	v0 =	vadd.f32 v1, v0;
	_ =	sdelay $0x1  }
0xc7: {  	v0 =	vadd.f32 v2, v0;
	_ =	sdelay $0x1  }
0xc8: {  	v0 =	vmul.f32 $3.333333430e-01, v0;
	_ =	sdelay $0x1  }
0xc9: {  	[tilespmem:s19+$0x3780] =	vst v0  }
0xca: {  	v0 =	vld [tilespmem:s18+$0x50]  }
0xcb: {  	v1 =	vld [tilespmem:s18+$0x0];
	_ =	sdelay $0x1  }
0xcc: {  	v2 =	vld [tilespmem:s18+$0xFFFFFFA0];
	_ =	sdelay $0x2  }
0xcd: {  	v0 =	vadd.f32 v1, v0;
	_ =	sdelay $0x1  }
0xce: {  	v0 =	vadd.f32 v2, v0;
	_ =	sdelay $0x1  }
0xcf: {  	v0 =	vmul.f32 $3.333333430e-01, v0;
	_ =	sdelay $0x1  }
0xd0: {  	[tilespmem:s19+$0x3790] =	vst v0  }
0xd1: {  	v0 =	vld [tilespmem:s18+$0xFFFFFF80]  }
0xd2: {  	v1 =	vld [tilespmem:s18+$0x40];
	_ =	sdelay $0x1  }
0xd3: {  	v2 =	vld [tilespmem:s18+$0x10];
	_ =	sdelay $0x2  }
0xd4: {  	v0 =	vadd.f32 v1, v0;
	_ =	sdelay $0x1  }
0xd5: {  	v0 =	vadd.f32 v2, v0;
	_ =	sdelay $0x1  }
0xd6: {  	v0 =	vmul.f32 $3.333333430e-01, v0;
	_ =	sdelay $0x1  }
0xd7: {  	[tilespmem:s19+$0x37A0] =	vst v0  }
0xd8: {  	v2 =	vld [tilespmem:s18+$0x90]  }
0xd9: {  	v3 =	vld [tilespmem:s18+$0xFFFFFFC0]  }
0xda: {  	v0 =	vld [tilespmem:s18+$0xFFFFFF40]  }
0xdb: {  	s20 =	simm.s32 $0x200;
	v1 =	vld [tilespmem:s18+$0x20]  }
.LBB2_4:
0xdc: {  	_ = 	snop  }
0xdd: {  	p0 =	sne.s32 s20, $0x3E00  }
0xde: {  	s18 =	sadd.s32 $0x1A0, s18;
	s21 =	smov.u32 s20;
	s20 =	sadd.s32 $0x200, s20;
	v2 =	vadd.f32 v3, v2  }
0xdf: {  	_ = 	snop  }
0xe0: {  	v0 =	vadd.f32 v0, v2;
	_ =	sdelay $0x1  }
0xe1: {  	v0 =	vadd.f32 v1, v0;
	_ =	sdelay $0x1  }
0xe2: {  	v0 =	vmul.f32 $2.500000000e-01, v0;
	_ =	sdelay $0x1  }
0xe3: {  	[tilespmem:s19+$0x37B0] =	vst v0  }
0xe4: {  	v0 =	vld [tilespmem:s18+$0xFFFFFF70]  }
0xe5: {  	v1 =	vld [tilespmem:s18+$0x60]  }
0xe6: {  	v2 =	vld [tilespmem:s18+$0xFFFFFFD0];
	_ =	sdelay $0x3  }
0xe7: {  	v0 =	vadd.f32 v0, v1;
	_ =	sdelay $0x1  }
0xe8: {  	v0 =	vadd.f32 v2, v0;
	_ =	sdelay $0x1  }
0xe9: {  	v0 =	vmul.f32 $3.333333430e-01, v0  }
0xea: {  	s19 =	sshra.s32 s21, $0x2  }
0xeb: {  	[tilespmem:s19+$0x3740] =	vst v0  }
0xec: {  	v0 =	vld [tilespmem:s18+$0xFFFFFFE0]  }
0xed: {  	v1 =	vld [tilespmem:s18+$0xC0];
	_ =	sdelay $0x1  }
0xee: {  	v2 =	vld [tilespmem:s18+$0xFFFFFF50];
	_ =	sdelay $0x2  }
0xef: {  	v0 =	vadd.f32 v1, v0;
	_ =	sdelay $0x1  }
0xf0: {  	v0 =	vadd.f32 v2, v0;
	_ =	sdelay $0x1  }
0xf1: {  	v0 =	vmul.f32 $3.333333430e-01, v0;
	_ =	sdelay $0x1  }
0xf2: {  	[tilespmem:s19+$0x3750] =	vst v0  }
0xf3: {  	v0 =	vld [tilespmem:s18+$0xB0]  }
0xf4: {  	v1 =	vld [tilespmem:s18+$0xFFFFFF90];
	_ =	sdelay $0x1  }
0xf5: {  	v2 =	vld [tilespmem:s18+$0x30];
	_ =	sdelay $0x2  }
0xf6: {  	v0 =	vadd.f32 v1, v0;
	_ =	sdelay $0x1  }
0xf7: {  	v0 =	vadd.f32 v2, v0;
	_ =	sdelay $0x1  }
0xf8: {  	v0 =	vmul.f32 $3.333333430e-01, v0;
	_ =	sdelay $0x1  }
0xf9: {  	[tilespmem:s19+$0x3760] =	vst v0  }
0xfa: {  	v0 =	vld [tilespmem:s18+$0xA0]  }
0xfb: {  	v1 =	vld [tilespmem:s18+$0xFFFFFF60];
	_ =	sdelay $0x1  }
0xfc: {  	v2 =	vld [tilespmem:s18+$0x80];
	_ =	sdelay $0x1  }
0xfd: {  	v3 =	vld [tilespmem:s18+$0xFFFFFFB0]  }
0xfe: {  	v0 =	vadd.f32 v1, v0;
	_ =	sdelay $0x1  }
0xff: {  	v0 =	vadd.f32 v2, v0;
	_ =	sdelay $0x1  }
0x100: {  	v0 =	vadd.f32 v3, v0;
	_ =	sdelay $0x1  }
0x101: {  	v0 =	vmul.f32 $2.500000000e-01, v0;
	_ =	sdelay $0x1  }
0x102: {  	[tilespmem:s19+$0x3770] =	vst v0  }
0x103: {  	v0 =	vld [tilespmem:s18+$0xFFFFFF30]  }
0x104: {  	v1 =	vld [tilespmem:s18+$0x70]  }
0x105: {  	v2 =	vld [tilespmem:s18+$0xFFFFFFF0];
	_ =	sdelay $0x3  }
0x106: {  	v0 =	vadd.f32 v1, v0;
	_ =	sdelay $0x1  }
0x107: {  	v0 =	vadd.f32 v2, v0;
	_ =	sdelay $0x1  }
0x108: {  	v0 =	vmul.f32 $3.333333430e-01, v0;
	_ =	sdelay $0x1  }
0x109: {  	[tilespmem:s19+$0x3780] =	vst v0  }
0x10a: {  	v0 =	vld [tilespmem:s18+$0x50]  }
0x10b: {  	v1 =	vld [tilespmem:s18+$0x0]  }
0x10c: {  	v2 =	vld [tilespmem:s18+$0xFFFFFFA0];
	_ =	sdelay $0x3  }
0x10d: {  	v0 =	vadd.f32 v1, v0;
	_ =	sdelay $0x1  }
0x10e: {  	v0 =	vadd.f32 v2, v0;
	_ =	sdelay $0x1  }
0x10f: {  	v0 =	vmul.f32 $3.333333430e-01, v0;
	_ =	sdelay $0x1  }
0x110: {  	[tilespmem:s19+$0x3790] =	vst v0  }
0x111: {  	v0 =	vld [tilespmem:s18+$0xFFFFFF80]  }
0x112: {  	v1 =	vld [tilespmem:s18+$0x40]  }
0x113: {  	v2 =	vld [tilespmem:s18+$0x10];
	_ =	sdelay $0x3  }
0x114: {  	v0 =	vadd.f32 v1, v0;
	_ =	sdelay $0x1  }
0x115: {  	v0 =	vadd.f32 v2, v0;
	_ =	sdelay $0x1  }
0x116: {  	v0 =	vmul.f32 $3.333333430e-01, v0;
	_ =	sdelay $0x1  }
.Ltmp1:
0x117: {  	[tilespmem:s19+$0x37A0] =	vst v0;
	(pc) =	sbr.rel @p0 .LBB2_4-.Ltmp1, $4  }
0x118: {  	v2 =	vld [tilespmem:s18+$0x90]  }
0x119: {  	v3 =	vld [tilespmem:s18+$0xFFFFFFC0]  }
0x11a: {  	v0 =	vld [tilespmem:s18+$0xFFFFFF40]  }
0x11b: {  	v1 =	vld [tilespmem:s18+$0x20]  }
0x11c: {  	_ =	sdelay $0x1  }
0x11d: {  	v2 =	vadd.f32 v3, v2;
	_ =	sdelay $0x1  }
0x11e: {  	v0 =	vadd.f32 v0, v2;
	_ =	sdelay $0x1  }
0x11f: {  	v0 =	vadd.f32 v1, v0;
	_ =	sdelay $0x1  }
0x120: {  	v0 =	vmul.f32 $2.500000000e-01, v0;
	_ =	sdelay $0x1  }
0x121: {  	s18 =	simm.s32 $0x0;
	[tilespmem:s19+$0x37B0] =	vst v0  }
0x122: {  	[hbm4b:s7+s18] =	stream.linear.scatter [tilespmem:s16], [sflag:$0x2], $0x1000, $0x38;
	[tilespmem:$0x4740] =	vst v63  }
0x123: {  	_ =	swait.ge [sflag:s13], $0x1000  }
0x124: {  	[sflag:s13] =	ssyncset.done $0x0  }
0x125: {  	[sflag:s13] =	ssyncadd.s32 $0xFFFFF000  }
0x126: {  	[tilespmem:s18], [sflag:$0x2] =	stream.linear.gather [hbm4b:s8+s18], $0x340, $0x38;
	[tilespmem:$0x4740] =	vst v63  }
0x127: {  	_ =	swait.ge [sflag:s13], $0x340  }
0x128: {  	[sflag:s13] =	ssyncset.done $0x0  }
0x129: {  	[sflag:s13] =	ssyncadd.s32 $0xFFFFFCC0  }
0x12a: {  	[tilespmem:s14], [sflag:$0x1] =	stream.indirect.gather [hbm4b:s3+s14], $0x10, s18, s14, $0xb8;
	[tilespmem:$0x4740] =	vst v63  }
0x12b: {  	_ =	swait.ge [sflag:s15], $0x3400  }
0x12c: {  	[sflag:s15] =	ssyncset.done $0x0  }
0x12d: {  	s18 =	simm.s32 $0x410;
	[sflag:s15] =	ssyncadd.s32 $0xFFFFCC00  }
0x12e: {  	v0 =	vld [tilespmem:s18+$0xFFFFFF70]  }
0x12f: {  	v1 =	vld [tilespmem:s18+$0x60];
	_ =	sdelay $0x1  }
0x130: {  	v2 =	vld [tilespmem:s18+$0xFFFFFFD0];
	_ =	sdelay $0x2  }
0x131: {  	v0 =	vadd.f32 v0, v1;
	_ =	sdelay $0x1  }
0x132: {  	v0 =	vadd.f32 v2, v0;
	_ =	sdelay $0x1  }
0x133: {  	v0 =	vmul.f32 $3.333333430e-01, v0  }
0x134: {  	s19 =	simm.s32 $0x0  }
0x135: {  	[tilespmem:s19+$0x3740] =	vst v0  }
0x136: {  	v0 =	vld [tilespmem:s18+$0xFFFFFFE0]  }
0x137: {  	v1 =	vld [tilespmem:s18+$0xC0];
	_ =	sdelay $0x1  }
0x138: {  	v2 =	vld [tilespmem:s18+$0xFFFFFF50];
	_ =	sdelay $0x2  }
0x139: {  	v0 =	vadd.f32 v1, v0;
	_ =	sdelay $0x1  }
0x13a: {  	v0 =	vadd.f32 v2, v0;
	_ =	sdelay $0x1  }
0x13b: {  	v0 =	vmul.f32 $3.333333430e-01, v0;
	_ =	sdelay $0x1  }
0x13c: {  	[tilespmem:s19+$0x3750] =	vst v0  }
0x13d: {  	v0 =	vld [tilespmem:s18+$0xB0]  }
0x13e: {  	v1 =	vld [tilespmem:s18+$0xFFFFFF90];
	_ =	sdelay $0x1  }
0x13f: {  	v2 =	vld [tilespmem:s18+$0x30];
	_ =	sdelay $0x2  }
0x140: {  	v0 =	vadd.f32 v1, v0;
	_ =	sdelay $0x1  }
0x141: {  	v0 =	vadd.f32 v2, v0;
	_ =	sdelay $0x1  }
0x142: {  	v0 =	vmul.f32 $3.333333430e-01, v0;
	_ =	sdelay $0x1  }
0x143: {  	[tilespmem:s19+$0x3760] =	vst v0  }
0x144: {  	v0 =	vld [tilespmem:s18+$0xA0]  }
0x145: {  	v1 =	vld [tilespmem:s18+$0xFFFFFF60];
	_ =	sdelay $0x1  }
0x146: {  	v2 =	vld [tilespmem:s18+$0x80];
	_ =	sdelay $0x1  }
0x147: {  	v3 =	vld [tilespmem:s18+$0xFFFFFFB0]  }
0x148: {  	v0 =	vadd.f32 v1, v0;
	_ =	sdelay $0x1  }
0x149: {  	v0 =	vadd.f32 v2, v0;
	_ =	sdelay $0x1  }
0x14a: {  	v0 =	vadd.f32 v3, v0;
	_ =	sdelay $0x1  }
0x14b: {  	v0 =	vmul.f32 $2.500000000e-01, v0;
	_ =	sdelay $0x1  }
0x14c: {  	[tilespmem:s19+$0x3770] =	vst v0  }
0x14d: {  	v0 =	vld [tilespmem:s18+$0xFFFFFF30]  }
0x14e: {  	v1 =	vld [tilespmem:s18+$0x70];
	_ =	sdelay $0x1  }
0x14f: {  	v2 =	vld [tilespmem:s18+$0xFFFFFFF0];
	_ =	sdelay $0x2  }
0x150: {  	v0 =	vadd.f32 v1, v0;
	_ =	sdelay $0x1  }
0x151: {  	v0 =	vadd.f32 v2, v0;
	_ =	sdelay $0x1  }
0x152: {  	v0 =	vmul.f32 $3.333333430e-01, v0;
	_ =	sdelay $0x1  }
0x153: {  	[tilespmem:s19+$0x3780] =	vst v0  }
0x154: {  	v0 =	vld [tilespmem:s18+$0x50]  }
0x155: {  	v1 =	vld [tilespmem:s18+$0x0];
	_ =	sdelay $0x1  }
0x156: {  	v2 =	vld [tilespmem:s18+$0xFFFFFFA0];
	_ =	sdelay $0x2  }
0x157: {  	v0 =	vadd.f32 v1, v0;
	_ =	sdelay $0x1  }
0x158: {  	v0 =	vadd.f32 v2, v0;
	_ =	sdelay $0x1  }
0x159: {  	v0 =	vmul.f32 $3.333333430e-01, v0;
	_ =	sdelay $0x1  }
0x15a: {  	[tilespmem:s19+$0x3790] =	vst v0  }
0x15b: {  	v0 =	vld [tilespmem:s18+$0xFFFFFF80]  }
0x15c: {  	v1 =	vld [tilespmem:s18+$0x40];
	_ =	sdelay $0x1  }
0x15d: {  	v2 =	vld [tilespmem:s18+$0x10];
	_ =	sdelay $0x2  }
0x15e: {  	v0 =	vadd.f32 v1, v0;
	_ =	sdelay $0x1  }
0x15f: {  	v0 =	vadd.f32 v2, v0;
	_ =	sdelay $0x1  }
0x160: {  	v0 =	vmul.f32 $3.333333430e-01, v0;
	_ =	sdelay $0x1  }
0x161: {  	[tilespmem:s19+$0x37A0] =	vst v0  }
0x162: {  	v2 =	vld [tilespmem:s18+$0x90]  }
0x163: {  	v3 =	vld [tilespmem:s18+$0xFFFFFFC0]  }
0x164: {  	v0 =	vld [tilespmem:s18+$0xFFFFFF40]  }
0x165: {  	s20 =	simm.s32 $0x200;
	v1 =	vld [tilespmem:s18+$0x20]  }
.LBB2_6:
0x166: {  	_ = 	snop  }
0x167: {  	p0 =	sne.s32 s20, $0x3E00  }
0x168: {  	s18 =	sadd.s32 $0x1A0, s18;
	s21 =	smov.u32 s20;
	s20 =	sadd.s32 $0x200, s20;
	v2 =	vadd.f32 v3, v2  }
0x169: {  	_ = 	snop  }
0x16a: {  	v0 =	vadd.f32 v0, v2;
	_ =	sdelay $0x1  }
0x16b: {  	v0 =	vadd.f32 v1, v0;
	_ =	sdelay $0x1  }
0x16c: {  	v0 =	vmul.f32 $2.500000000e-01, v0;
	_ =	sdelay $0x1  }
0x16d: {  	[tilespmem:s19+$0x37B0] =	vst v0  }
0x16e: {  	v0 =	vld [tilespmem:s18+$0xFFFFFF70]  }
0x16f: {  	v1 =	vld [tilespmem:s18+$0x60]  }
0x170: {  	v2 =	vld [tilespmem:s18+$0xFFFFFFD0];
	_ =	sdelay $0x3  }
0x171: {  	v0 =	vadd.f32 v0, v1;
	_ =	sdelay $0x1  }
0x172: {  	v0 =	vadd.f32 v2, v0;
	_ =	sdelay $0x1  }
0x173: {  	v0 =	vmul.f32 $3.333333430e-01, v0  }
0x174: {  	s19 =	sshra.s32 s21, $0x2  }
0x175: {  	[tilespmem:s19+$0x3740] =	vst v0  }
0x176: {  	v0 =	vld [tilespmem:s18+$0xFFFFFFE0]  }
0x177: {  	v1 =	vld [tilespmem:s18+$0xC0];
	_ =	sdelay $0x1  }
0x178: {  	v2 =	vld [tilespmem:s18+$0xFFFFFF50];
	_ =	sdelay $0x2  }
0x179: {  	v0 =	vadd.f32 v1, v0;
	_ =	sdelay $0x1  }
0x17a: {  	v0 =	vadd.f32 v2, v0;
	_ =	sdelay $0x1  }
0x17b: {  	v0 =	vmul.f32 $3.333333430e-01, v0;
	_ =	sdelay $0x1  }
0x17c: {  	[tilespmem:s19+$0x3750] =	vst v0  }
0x17d: {  	v0 =	vld [tilespmem:s18+$0xB0]  }
0x17e: {  	v1 =	vld [tilespmem:s18+$0xFFFFFF90];
	_ =	sdelay $0x1  }
0x17f: {  	v2 =	vld [tilespmem:s18+$0x30];
	_ =	sdelay $0x2  }
0x180: {  	v0 =	vadd.f32 v1, v0;
	_ =	sdelay $0x1  }
0x181: {  	v0 =	vadd.f32 v2, v0;
	_ =	sdelay $0x1  }
0x182: {  	v0 =	vmul.f32 $3.333333430e-01, v0;
	_ =	sdelay $0x1  }
0x183: {  	[tilespmem:s19+$0x3760] =	vst v0  }
0x184: {  	v0 =	vld [tilespmem:s18+$0xA0]  }
0x185: {  	v1 =	vld [tilespmem:s18+$0xFFFFFF60];
	_ =	sdelay $0x1  }
0x186: {  	v2 =	vld [tilespmem:s18+$0x80];
	_ =	sdelay $0x1  }
0x187: {  	v3 =	vld [tilespmem:s18+$0xFFFFFFB0]  }
0x188: {  	v0 =	vadd.f32 v1, v0;
	_ =	sdelay $0x1  }
0x189: {  	v0 =	vadd.f32 v2, v0;
	_ =	sdelay $0x1  }
0x18a: {  	v0 =	vadd.f32 v3, v0;
	_ =	sdelay $0x1  }
0x18b: {  	v0 =	vmul.f32 $2.500000000e-01, v0;
	_ =	sdelay $0x1  }
0x18c: {  	[tilespmem:s19+$0x3770] =	vst v0  }
0x18d: {  	v0 =	vld [tilespmem:s18+$0xFFFFFF30]  }
0x18e: {  	v1 =	vld [tilespmem:s18+$0x70]  }
0x18f: {  	v2 =	vld [tilespmem:s18+$0xFFFFFFF0];
	_ =	sdelay $0x3  }
0x190: {  	v0 =	vadd.f32 v1, v0;
	_ =	sdelay $0x1  }
0x191: {  	v0 =	vadd.f32 v2, v0;
	_ =	sdelay $0x1  }
0x192: {  	v0 =	vmul.f32 $3.333333430e-01, v0;
	_ =	sdelay $0x1  }
0x193: {  	[tilespmem:s19+$0x3780] =	vst v0  }
0x194: {  	v0 =	vld [tilespmem:s18+$0x50]  }
0x195: {  	v1 =	vld [tilespmem:s18+$0x0]  }
0x196: {  	v2 =	vld [tilespmem:s18+$0xFFFFFFA0];
	_ =	sdelay $0x3  }
0x197: {  	v0 =	vadd.f32 v1, v0;
	_ =	sdelay $0x1  }
0x198: {  	v0 =	vadd.f32 v2, v0;
	_ =	sdelay $0x1  }
0x199: {  	v0 =	vmul.f32 $3.333333430e-01, v0;
	_ =	sdelay $0x1  }
0x19a: {  	[tilespmem:s19+$0x3790] =	vst v0  }
0x19b: {  	v0 =	vld [tilespmem:s18+$0xFFFFFF80]  }
0x19c: {  	v1 =	vld [tilespmem:s18+$0x40]  }
0x19d: {  	v2 =	vld [tilespmem:s18+$0x10];
	_ =	sdelay $0x3  }
0x19e: {  	v0 =	vadd.f32 v1, v0;
	_ =	sdelay $0x1  }
0x19f: {  	v0 =	vadd.f32 v2, v0;
	_ =	sdelay $0x1  }
0x1a0: {  	v0 =	vmul.f32 $3.333333430e-01, v0;
	_ =	sdelay $0x1  }
.Ltmp2:
0x1a1: {  	[tilespmem:s19+$0x37A0] =	vst v0;
	(pc) =	sbr.rel @p0 .LBB2_6-.Ltmp2, $4  }
0x1a2: {  	v2 =	vld [tilespmem:s18+$0x90]  }
0x1a3: {  	v3 =	vld [tilespmem:s18+$0xFFFFFFC0]  }
0x1a4: {  	v0 =	vld [tilespmem:s18+$0xFFFFFF40]  }
0x1a5: {  	v1 =	vld [tilespmem:s18+$0x20]  }
0x1a6: {  	_ =	sdelay $0x1  }
0x1a7: {  	v2 =	vadd.f32 v3, v2;
	_ =	sdelay $0x1  }
0x1a8: {  	v0 =	vadd.f32 v0, v2;
	_ =	sdelay $0x1  }
0x1a9: {  	v0 =	vadd.f32 v1, v0;
	_ =	sdelay $0x1  }
0x1aa: {  	v0 =	vmul.f32 $2.500000000e-01, v0;
	_ =	sdelay $0x1  }
0x1ab: {  	s18 =	simm.s32 $0x0;
	[tilespmem:s19+$0x37B0] =	vst v0  }
0x1ac: {  	[hbm4b:s9+s18] =	stream.linear.scatter [tilespmem:s16], [sflag:$0x2], $0x1000, $0x38;
	[tilespmem:$0x4740] =	vst v63  }
0x1ad: {  	_ =	swait.ge [sflag:s13], $0x1000  }
0x1ae: {  	[sflag:s13] =	ssyncset.done $0x0  }
0x1af: {  	[sflag:s13] =	ssyncadd.s32 $0xFFFFF000  }
0x1b0: {  	[tilespmem:s18], [sflag:$0x2] =	stream.linear.gather [hbm4b:s10+s18], $0x340, $0x38;
	[tilespmem:$0x4740] =	vst v63  }
0x1b1: {  	_ =	swait.ge [sflag:s13], $0x340  }
0x1b2: {  	[sflag:s13] =	ssyncset.done $0x0  }
0x1b3: {  	[sflag:s13] =	ssyncadd.s32 $0xFFFFFCC0  }
0x1b4: {  	[tilespmem:s14], [sflag:$0x1] =	stream.indirect.gather [hbm4b:s3+s14], $0x10, s18, s14, $0xb8;
	[tilespmem:$0x4740] =	vst v63  }
0x1b5: {  	_ =	swait.ge [sflag:s15], $0x3400  }
0x1b6: {  	[sflag:s15] =	ssyncset.done $0x0  }
0x1b7: {  	s18 =	simm.s32 $0x410;
	[sflag:s15] =	ssyncadd.s32 $0xFFFFCC00  }
0x1b8: {  	v0 =	vld [tilespmem:s18+$0xFFFFFF70]  }
0x1b9: {  	v1 =	vld [tilespmem:s18+$0x60];
	_ =	sdelay $0x1  }
0x1ba: {  	v2 =	vld [tilespmem:s18+$0xFFFFFFD0];
	_ =	sdelay $0x2  }
0x1bb: {  	v0 =	vadd.f32 v0, v1;
	_ =	sdelay $0x1  }
0x1bc: {  	v0 =	vadd.f32 v2, v0;
	_ =	sdelay $0x1  }
0x1bd: {  	v0 =	vmul.f32 $3.333333430e-01, v0  }
0x1be: {  	s19 =	simm.s32 $0x0  }
0x1bf: {  	[tilespmem:s19+$0x3740] =	vst v0  }
0x1c0: {  	v0 =	vld [tilespmem:s18+$0xFFFFFFE0]  }
0x1c1: {  	v1 =	vld [tilespmem:s18+$0xC0];
	_ =	sdelay $0x1  }
0x1c2: {  	v2 =	vld [tilespmem:s18+$0xFFFFFF50];
	_ =	sdelay $0x2  }
0x1c3: {  	v0 =	vadd.f32 v1, v0;
	_ =	sdelay $0x1  }
0x1c4: {  	v0 =	vadd.f32 v2, v0;
	_ =	sdelay $0x1  }
0x1c5: {  	v0 =	vmul.f32 $3.333333430e-01, v0;
	_ =	sdelay $0x1  }
0x1c6: {  	[tilespmem:s19+$0x3750] =	vst v0  }
0x1c7: {  	v0 =	vld [tilespmem:s18+$0xB0]  }
0x1c8: {  	v1 =	vld [tilespmem:s18+$0xFFFFFF90];
	_ =	sdelay $0x1  }
0x1c9: {  	v2 =	vld [tilespmem:s18+$0x30];
	_ =	sdelay $0x2  }
0x1ca: {  	v0 =	vadd.f32 v1, v0;
	_ =	sdelay $0x1  }
0x1cb: {  	v0 =	vadd.f32 v2, v0;
	_ =	sdelay $0x1  }
0x1cc: {  	v0 =	vmul.f32 $3.333333430e-01, v0;
	_ =	sdelay $0x1  }
0x1cd: {  	[tilespmem:s19+$0x3760] =	vst v0  }
0x1ce: {  	v0 =	vld [tilespmem:s18+$0xA0]  }
0x1cf: {  	v1 =	vld [tilespmem:s18+$0xFFFFFF60];
	_ =	sdelay $0x1  }
0x1d0: {  	v2 =	vld [tilespmem:s18+$0x80];
	_ =	sdelay $0x1  }
0x1d1: {  	v3 =	vld [tilespmem:s18+$0xFFFFFFB0]  }
0x1d2: {  	v0 =	vadd.f32 v1, v0;
	_ =	sdelay $0x1  }
0x1d3: {  	v0 =	vadd.f32 v2, v0;
	_ =	sdelay $0x1  }
0x1d4: {  	v0 =	vadd.f32 v3, v0;
	_ =	sdelay $0x1  }
0x1d5: {  	v0 =	vmul.f32 $2.500000000e-01, v0;
	_ =	sdelay $0x1  }
0x1d6: {  	[tilespmem:s19+$0x3770] =	vst v0  }
0x1d7: {  	v0 =	vld [tilespmem:s18+$0xFFFFFF30]  }
0x1d8: {  	v1 =	vld [tilespmem:s18+$0x70];
	_ =	sdelay $0x1  }
0x1d9: {  	v2 =	vld [tilespmem:s18+$0xFFFFFFF0];
	_ =	sdelay $0x2  }
0x1da: {  	v0 =	vadd.f32 v1, v0;
	_ =	sdelay $0x1  }
0x1db: {  	v0 =	vadd.f32 v2, v0;
	_ =	sdelay $0x1  }
0x1dc: {  	v0 =	vmul.f32 $3.333333430e-01, v0;
	_ =	sdelay $0x1  }
0x1dd: {  	[tilespmem:s19+$0x3780] =	vst v0  }
0x1de: {  	v0 =	vld [tilespmem:s18+$0x50]  }
0x1df: {  	v1 =	vld [tilespmem:s18+$0x0];
	_ =	sdelay $0x1  }
0x1e0: {  	v2 =	vld [tilespmem:s18+$0xFFFFFFA0];
	_ =	sdelay $0x2  }
0x1e1: {  	v0 =	vadd.f32 v1, v0;
	_ =	sdelay $0x1  }
0x1e2: {  	v0 =	vadd.f32 v2, v0;
	_ =	sdelay $0x1  }
0x1e3: {  	v0 =	vmul.f32 $3.333333430e-01, v0;
	_ =	sdelay $0x1  }
0x1e4: {  	[tilespmem:s19+$0x3790] =	vst v0  }
0x1e5: {  	v0 =	vld [tilespmem:s18+$0xFFFFFF80]  }
0x1e6: {  	v1 =	vld [tilespmem:s18+$0x40];
	_ =	sdelay $0x1  }
0x1e7: {  	v2 =	vld [tilespmem:s18+$0x10];
	_ =	sdelay $0x2  }
0x1e8: {  	v0 =	vadd.f32 v1, v0;
	_ =	sdelay $0x1  }
0x1e9: {  	v0 =	vadd.f32 v2, v0;
	_ =	sdelay $0x1  }
0x1ea: {  	v0 =	vmul.f32 $3.333333430e-01, v0;
	_ =	sdelay $0x1  }
0x1eb: {  	[tilespmem:s19+$0x37A0] =	vst v0  }
0x1ec: {  	v2 =	vld [tilespmem:s18+$0x90]  }
0x1ed: {  	v3 =	vld [tilespmem:s18+$0xFFFFFFC0]  }
0x1ee: {  	v0 =	vld [tilespmem:s18+$0xFFFFFF40]  }
0x1ef: {  	s20 =	simm.s32 $0x200;
	v1 =	vld [tilespmem:s18+$0x20]  }
.LBB2_8:
0x1f0: {  	_ = 	snop  }
0x1f1: {  	p0 =	sne.s32 s20, $0x3E00  }
0x1f2: {  	s18 =	sadd.s32 $0x1A0, s18;
	s21 =	smov.u32 s20;
	s20 =	sadd.s32 $0x200, s20;
	v2 =	vadd.f32 v3, v2  }
0x1f3: {  	_ = 	snop  }
0x1f4: {  	v0 =	vadd.f32 v0, v2;
	_ =	sdelay $0x1  }
0x1f5: {  	v0 =	vadd.f32 v1, v0;
	_ =	sdelay $0x1  }
0x1f6: {  	v0 =	vmul.f32 $2.500000000e-01, v0;
	_ =	sdelay $0x1  }
0x1f7: {  	[tilespmem:s19+$0x37B0] =	vst v0  }
0x1f8: {  	v0 =	vld [tilespmem:s18+$0xFFFFFF70]  }
0x1f9: {  	v1 =	vld [tilespmem:s18+$0x60]  }
0x1fa: {  	v2 =	vld [tilespmem:s18+$0xFFFFFFD0];
	_ =	sdelay $0x3  }
0x1fb: {  	v0 =	vadd.f32 v0, v1;
	_ =	sdelay $0x1  }
0x1fc: {  	v0 =	vadd.f32 v2, v0;
	_ =	sdelay $0x1  }
0x1fd: {  	v0 =	vmul.f32 $3.333333430e-01, v0  }
0x1fe: {  	s19 =	sshra.s32 s21, $0x2  }
0x1ff: {  	[tilespmem:s19+$0x3740] =	vst v0  }
0x200: {  	v0 =	vld [tilespmem:s18+$0xFFFFFFE0]  }
0x201: {  	v1 =	vld [tilespmem:s18+$0xC0];
	_ =	sdelay $0x1  }
0x202: {  	v2 =	vld [tilespmem:s18+$0xFFFFFF50];
	_ =	sdelay $0x2  }
0x203: {  	v0 =	vadd.f32 v1, v0;
	_ =	sdelay $0x1  }
0x204: {  	v0 =	vadd.f32 v2, v0;
	_ =	sdelay $0x1  }
0x205: {  	v0 =	vmul.f32 $3.333333430e-01, v0;
	_ =	sdelay $0x1  }
0x206: {  	[tilespmem:s19+$0x3750] =	vst v0  }
0x207: {  	v0 =	vld [tilespmem:s18+$0xB0]  }
0x208: {  	v1 =	vld [tilespmem:s18+$0xFFFFFF90];
	_ =	sdelay $0x1  }
0x209: {  	v2 =	vld [tilespmem:s18+$0x30];
	_ =	sdelay $0x2  }
0x20a: {  	v0 =	vadd.f32 v1, v0;
	_ =	sdelay $0x1  }
0x20b: {  	v0 =	vadd.f32 v2, v0;
	_ =	sdelay $0x1  }
0x20c: {  	v0 =	vmul.f32 $3.333333430e-01, v0;
	_ =	sdelay $0x1  }
0x20d: {  	[tilespmem:s19+$0x3760] =	vst v0  }
0x20e: {  	v0 =	vld [tilespmem:s18+$0xA0]  }
0x20f: {  	v1 =	vld [tilespmem:s18+$0xFFFFFF60];
	_ =	sdelay $0x1  }
0x210: {  	v2 =	vld [tilespmem:s18+$0x80];
	_ =	sdelay $0x1  }
0x211: {  	v3 =	vld [tilespmem:s18+$0xFFFFFFB0]  }
0x212: {  	v0 =	vadd.f32 v1, v0;
	_ =	sdelay $0x1  }
0x213: {  	v0 =	vadd.f32 v2, v0;
	_ =	sdelay $0x1  }
0x214: {  	v0 =	vadd.f32 v3, v0;
	_ =	sdelay $0x1  }
0x215: {  	v0 =	vmul.f32 $2.500000000e-01, v0;
	_ =	sdelay $0x1  }
0x216: {  	[tilespmem:s19+$0x3770] =	vst v0  }
0x217: {  	v0 =	vld [tilespmem:s18+$0xFFFFFF30]  }
0x218: {  	v1 =	vld [tilespmem:s18+$0x70]  }
0x219: {  	v2 =	vld [tilespmem:s18+$0xFFFFFFF0];
	_ =	sdelay $0x3  }
0x21a: {  	v0 =	vadd.f32 v1, v0;
	_ =	sdelay $0x1  }
0x21b: {  	v0 =	vadd.f32 v2, v0;
	_ =	sdelay $0x1  }
0x21c: {  	v0 =	vmul.f32 $3.333333430e-01, v0;
	_ =	sdelay $0x1  }
0x21d: {  	[tilespmem:s19+$0x3780] =	vst v0  }
0x21e: {  	v0 =	vld [tilespmem:s18+$0x50]  }
0x21f: {  	v1 =	vld [tilespmem:s18+$0x0]  }
0x220: {  	v2 =	vld [tilespmem:s18+$0xFFFFFFA0];
	_ =	sdelay $0x3  }
0x221: {  	v0 =	vadd.f32 v1, v0;
	_ =	sdelay $0x1  }
0x222: {  	v0 =	vadd.f32 v2, v0;
	_ =	sdelay $0x1  }
0x223: {  	v0 =	vmul.f32 $3.333333430e-01, v0;
	_ =	sdelay $0x1  }
0x224: {  	[tilespmem:s19+$0x3790] =	vst v0  }
0x225: {  	v0 =	vld [tilespmem:s18+$0xFFFFFF80]  }
0x226: {  	v1 =	vld [tilespmem:s18+$0x40]  }
0x227: {  	v2 =	vld [tilespmem:s18+$0x10];
	_ =	sdelay $0x3  }
0x228: {  	v0 =	vadd.f32 v1, v0;
	_ =	sdelay $0x1  }
0x229: {  	v0 =	vadd.f32 v2, v0;
	_ =	sdelay $0x1  }
0x22a: {  	v0 =	vmul.f32 $3.333333430e-01, v0;
	_ =	sdelay $0x1  }
.Ltmp3:
0x22b: {  	[tilespmem:s19+$0x37A0] =	vst v0;
	(pc) =	sbr.rel @p0 .LBB2_8-.Ltmp3, $4  }
0x22c: {  	v2 =	vld [tilespmem:s18+$0x90]  }
0x22d: {  	v3 =	vld [tilespmem:s18+$0xFFFFFFC0]  }
0x22e: {  	v0 =	vld [tilespmem:s18+$0xFFFFFF40]  }
0x22f: {  	v1 =	vld [tilespmem:s18+$0x20]  }
0x230: {  	_ =	sdelay $0x1  }
0x231: {  	v2 =	vadd.f32 v3, v2;
	_ =	sdelay $0x1  }
0x232: {  	v0 =	vadd.f32 v0, v2;
	_ =	sdelay $0x1  }
0x233: {  	v0 =	vadd.f32 v1, v0;
	_ =	sdelay $0x1  }
0x234: {  	s17 =	sadd.s32 $0x1, s17;
	v0 =	vmul.f32 $2.500000000e-01, v0  }
0x235: {  	p0 =	sne.s32 s17, s12  }
.Ltmp4:
0x236: {  	[tilespmem:s19+$0x37B0] =	vst v0;
	(pc) =	sbr.rel @p0 .LBB2_1-.Ltmp4, $4  }
0x237: {  	[hbm4b:s11+s2] =	stream.linear.scatter [tilespmem:s16], [sflag:$0x2], $0x1000, $0x38;
	[tilespmem:$0x4740] =	vst v63  }
0x238: {  	_ =	swait.ge [sflag:s13], $0x1000  }
0x239: {  	[sflag:s13] =	ssyncset.done $0x0  }
0x23a: {  	[sflag:s13] =	ssyncadd.s32 $0xFFFFF000  }
0x23b: {  	_ =	sfence.sel $0x180000  }
0x23c: {  	[bflag:$0x0] =	sbarrier.arrive $0xFFFF  }
0x23d: {  	p0 =	sne.s32 s1, $0x0;
	_ =	strace $0x9000004A  }
0x23e: {  	s0 =	sadd.s32 @!p0 $0x100000, s0;
	[bflag:$0x2] =	sbarrier.arrive $0xFFFF  }
0x23f: {  	[sflag:s0] =	ssyncadd.tile.s32 @!p0 $0x1;
	_ =	shalt  }
.Lfunc_end2:
_tile_overlayer_lowered:
.L_overlay_start_2:
0x240: {  	(tag) =	ssettag $0x2  }
0x241: {  	s0 =	rddreg [dreg:$0x0];
	s2 =	stileid.u32  }
0x242: {  	s1 =	rddreg [dreg:$0x1];
	p0 =	sne.s32 s2, $0x0  }
0x243: {  	s3 =	rddreg [dreg:$0x2];
	[bflag:$0x3] =	sbarrier.arrive $0xFFFF;
	s2 =	simm.s32 @!p0 $0x1C02  }
0x244: {  	[timem:s3], [sflag:s2] =	dma.local @!p0 [hbm:s0], s1  }
0x245: {  	s0 =	simm.s32 @!p0 $0x2  }
0x246: {  	_ =	swait.ge @!p0 [sflag:s0], s1  }
0x247: {  	s1 =	ssub.s32 @!p0 $0x0, s1;
	[sflag:s0] =	ssyncset.done @!p0 $0x0  }
0x248: {  	[sflag:s0] =	ssyncadd.s32 @!p0 s1  }
0x249: {  	[bflag:$0x3] =	sbarrier.arrive $0xFFFF  }
0x24a: {  	_ =	shalt  }

</sc_bundles>
